<compile_context>
chip_gen: v7x
topology: tpu7x:2x2x1
jax: 0.10.2.dev20260603
libtpu: 0.0.44.dev20260713+nightly
codegen_flags: <defaults>
</compile_context>

<pallas_src>
import dataclasses
import functools

import jax
import jax.numpy as jnp
from jax import lax
from jax.experimental import pallas as pl
from jax.experimental.pallas import tpu as pltpu
from jax.experimental.pallas import tpu_sc as plsc

_B, _ND, _NS, _V, _D = 16384, 13, 26, 1000000, 16
_BNS = _B * _NS
_NW = 32
_PER_W = _BNS // _NW
_C = 1664
_NCHUNK = _PER_W // _C


def _sc_gather(embed_tab, lin2d, idx, nidx):
    per_w = nidx // _NW
    nchunk = per_w // _C
    mesh = plsc.VectorSubcoreMesh(core_axis_name="c", subcore_axis_name="s")
    cp = pltpu.CompilerParams()
    for f, v in (("needs_layout_passes", False), ("use_tc_tiling_on_sc", False)):
        if f in pltpu.CompilerParams.__dataclass_fields__:
            cp = dataclasses.replace(cp, **{f: v})

    vmem_bufs = []
    for _ in range(2):
        vmem_bufs += [
            pltpu.VMEM((_C,), jnp.int32),
            pltpu.VMEM((_C, _D), jnp.float32),
            pltpu.VMEM((_C,), jnp.int32),
            pltpu.VMEM((_C,), jnp.int32),
            pltpu.VMEM((_C, 16), jnp.float32),
            pltpu.VMEM((_C,), jnp.float32),
        ]
    sems = [pltpu.SemaphoreType.DMA] * 8

    @functools.partial(
        pl.kernel,
        compiler_params=cp,
        out_type=[
            jax.ShapeDtypeStruct((nidx, _D), jnp.float32),
            jax.ShapeDtypeStruct((nidx,), jnp.float32),
        ],
        mesh=mesh,
        scratch_types=vmem_bufs + sems,
    )
    def k(tab_hbm, lin_hbm, idx_hbm, emb_out, lin_out, *scr):
        idx_v = (scr[0], scr[6])
        emb_v = (scr[1], scr[7])
        hi_v = (scr[2], scr[8])
        lo_v = (scr[3], scr[9])
        linrow_v = (scr[4], scr[10])
        linval_v = (scr[5], scr[11])
        gsem = (scr[12], scr[13])
        lsem = (scr[14], scr[15])
        oesem = (scr[16], scr[17])
        olsem = (scr[18], scr[19])
        wid = lax.axis_index("s") * 2 + lax.axis_index("c")

        def issue(b, c):
            base = wid * per_w + c * _C
            pltpu.sync_copy(idx_hbm.at[pl.ds(base, _C)], idx_v[b])

            @pl.loop(0, _C, step=16)
            def _(j):
                v = idx_v[b][pl.ds(j, 16)]
                hi_v[b][pl.ds(j, 16)] = v >> 4
                lo_v[b][pl.ds(j, 16)] = v & 15

            pltpu.async_copy(tab_hbm.at[idx_v[b]], emb_v[b], gsem[b])
            pltpu.async_copy(lin_hbm.at[hi_v[b]], linrow_v[b], lsem[b])

        def finish(b, c):
            base = wid * per_w + c * _C
            pltpu.make_async_copy(tab_hbm.at[idx_v[b]], emb_v[b], gsem[b]).wait()
            pltpu.make_async_copy(lin_hbm.at[hi_v[b]], linrow_v[b], lsem[b]).wait()

            @pl.loop(0, _C, step=16)
            def _(j):
                rows = lax.iota(jnp.int32, 16) + j
                lanes = lo_v[b][pl.ds(j, 16)]
                linval_v[b][pl.ds(j, 16)] = plsc.load_gather(linrow_v[b], [rows, lanes])

            pltpu.async_copy(emb_v[b], emb_out.at[pl.ds(base, _C)], oesem[b])
            pltpu.async_copy(linval_v[b], lin_out.at[pl.ds(base, _C)], olsem[b])

        def wait_out(b, c):
            base = wid * per_w + c * _C
            pltpu.make_async_copy(emb_v[b], emb_out.at[pl.ds(base, _C)], oesem[b]).wait()
            pltpu.make_async_copy(linval_v[b], lin_out.at[pl.ds(base, _C)], olsem[b]).wait()

        issue(0, 0)
        for c in range(1, nchunk):
            b = c & 1
            if c >= 2:
                wait_out(b, c - 2)
            issue(b, c)
            finish(1 - b, c - 1)
        finish((nchunk - 1) & 1, nchunk - 1)
        wait_out(nchunk & 1, nchunk - 2)
        wait_out((nchunk - 1) & 1, nchunk - 1)

    return k(embed_tab, lin2d, idx)


_GCOLS = 512
_NGB = 999936 // _GCOLS
_GPW = _NGB // 32


def _sc_relayout(tabT, tail):
    mesh = plsc.VectorSubcoreMesh(core_axis_name="c", subcore_axis_name="s")
    cp = pltpu.CompilerParams()
    for f, v in (("needs_layout_passes", False), ("use_tc_tiling_on_sc", True)):
        if f in pltpu.CompilerParams.__dataclass_fields__:
            cp = dataclasses.replace(cp, **{f: v})

    nrow = _V * _D // 128

    @functools.partial(
        pl.kernel,
        compiler_params=cp,
        out_type=jax.ShapeDtypeStruct((nrow, 128), jnp.float32),
        mesh=mesh,
        scratch_types=[
            pltpu.VMEM((_D, _GCOLS), jnp.float32),
            pltpu.VMEM((_D, _GCOLS), jnp.float32),
            pltpu.VMEM((_GCOLS // 8, 128), jnp.float32),
            pltpu.VMEM((_GCOLS // 8, 128), jnp.float32),
            pltpu.SemaphoreType.DMA,
            pltpu.SemaphoreType.DMA,
            pltpu.SemaphoreType.DMA,
            pltpu.SemaphoreType.DMA,
        ],
    )
    def k(tab_hbm, tail_hbm, out, ina, inb, outa, outb, isema, isemb, osema, osemb):
        wid = lax.axis_index("s") * 2 + lax.axis_index("c")

        @pl.when(wid == 0)
        def _():
            pltpu.async_copy(tail_hbm, outa.at[pl.ds(0, 8), :], isema).wait()
            pltpu.sync_copy(outa.at[pl.ds(0, 8), :], out.at[pl.ds(124992, 8), :])
        g0 = wid * _GPW
        nblk = _GPW + 1
        limit = _GPW + jnp.where(wid == 31, 1, 0)
        inbuf = (ina, inb)
        obuf = (outa, outb)
        isem = (isema, isemb)
        osem = (osema, osemb)

        def src(blk):
            return tab_hbm.at[:, pl.ds((g0 + blk) * _GCOLS, _GCOLS)]

        def dst(blk):
            return out.at[pl.ds((g0 + blk) * (_GCOLS // 8), _GCOLS // 8), :]

        def start_in(b, blk):
            @pl.when(blk < limit)
            def _():
                pltpu.async_copy(src(blk), inbuf[b], isem[b])

        def process(b, blk):
            @pl.when(blk < limit)
            def _():
                pltpu.make_async_copy(src(blk), inbuf[b], isem[b]).wait()

                iota = lax.iota(jnp.int32, 16)
                rows0 = iota >> 3
                lanevecs = [((iota & 7) << 4) + d for d in range(_D)]

                @pl.loop(0, _GCOLS, step=16)
                def _(c):
                    rows = rows0 + (c >> 3)
                    for d in range(_D):
                        val = inbuf[b][d, pl.ds(c, 16)]
                        plsc.store_scatter(obuf[b], [rows, lanevecs[d]], val)

                pltpu.async_copy(obuf[b], dst(blk), osem[b])

        def wait_out(b, blk):
            @pl.when(blk < limit)
            def _():
                pltpu.make_async_copy(obuf[b], dst(blk), osem[b]).wait()

        start_in(0, 0)
        start_in(1, 1)
        process(0, 0)

        @pl.loop(0, (nblk - 2) // 2)
        def _(m):
            blk = 2 * m
            wait_out(0, blk)
            start_in(0, blk + 2)
            process(1, blk + 1)
            wait_out(1, blk + 1)
            start_in(1, blk + 3)
            process(0, blk + 2)

        process(1, nblk - 1)
        wait_out(0, nblk - 2)
        wait_out(1, nblk - 1)

    return k(tabT, tail)


_BR = 1024


def _tc_body(dense_ref, emb_ref, lin_ref, w1d_ref, w1e_ref, b1_ref, w2_ref,
             b2_ref, woutr_ref, wlinr_ref, cbias_ref, s_ref, out_ref):
    hi = jax.lax.Precision.HIGHEST
    emb = emb_ref[...]
    dense = dense_ref[...]
    sum_v = jnp.dot(emb, s_ref[...], precision=hi)
    fm2 = 0.5 * (jnp.sum(sum_v * sum_v, axis=1) - jnp.sum(emb * emb, axis=1))
    ylin = jnp.sum(dense * wlinr_ref[...], axis=1) + jnp.sum(lin_ref[...], axis=1)
    h = jnp.dot(dense, w1d_ref[...], precision=hi)
    h += jnp.dot(emb, w1e_ref[...], precision=hi)
    h = jnp.maximum(h + b1_ref[...], 0.0)
    h = jnp.maximum(jnp.dot(h, w2_ref[...], precision=hi) + b2_ref[...], 0.0)
    ydeep = jnp.sum(h * woutr_ref[...], axis=1)
    out_ref[...] = fm2 + ylin + ydeep + cbias_ref[0, 0]


def _tc_forward(dense, emb_flat, lin_vals, W1d, W1e, b1, W2, b2, woutr, wlinr,
                cbias, sel, interpret=False):
    nrows = dense.shape[0]
    full = lambda shape: pl.BlockSpec(shape, lambda i: (0, 0))
    return pl.pallas_call(
        _tc_body,
        grid=(nrows // _BR,),
        in_specs=[
            pl.BlockSpec((_BR, _ND), lambda i: (i, 0)),
            pl.BlockSpec((_BR, _NS * _D), lambda i: (i, 0)),
            pl.BlockSpec((_BR, _NS), lambda i: (i, 0)),
            full((_ND, 256)),
            full((_NS * _D, 256)),
            full((1, 256)),
            full((256, 128)),
            full((1, 128)),
            full((1, 128)),
            full((1, _ND)),
            full((1, 1)),
            full((_NS * _D, _D)),
        ],
        out_specs=pl.BlockSpec((_BR,), lambda i: (i,)),
        out_shape=jax.ShapeDtypeStruct((nrows,), jnp.float32),
        interpret=interpret,
    )(dense, emb_flat, lin_vals, W1d, W1e, b1, W2, b2, woutr, wlinr, cbias, sel)


def kernel(dense, sparse, W_lin_dense, b_lin_dense, lin_sparse_tab, embed_tab,
           W1, b1, W2, b2, W_out, b_out, bias):
    idx = sparse.reshape(-1)
    lin2d = lin_sparse_tab.reshape(_V // 16, 16)
    tail = embed_tab[999936:, :].reshape(8, 128)
    tab_rm = _sc_relayout(embed_tab.T, tail).reshape(_V, _D)

    W1d = W1[:_ND]
    W1e = W1[_ND:]
    sel = jnp.tile(jnp.eye(_D, dtype=jnp.float32), (_NS, 1))
    cbias = (b_lin_dense + b_out + bias).reshape(1, 1)

    half = _BNS // 2
    hb = _B // 2
    outs = []
    for s in range(2):
        emb_rows, lin_vals = _sc_gather(tab_rm, lin2d,
                                        idx[s * half:(s + 1) * half], half)
        outs.append(_tc_forward(
            dense[s * hb:(s + 1) * hb],
            emb_rows.reshape(hb, _NS * _D), lin_vals.reshape(hb, _NS),
            W1d, W1e, b1.reshape(1, 256), W2, b2.reshape(1, 128),
            W_out.reshape(1, 128), W_lin_dense.reshape(1, _ND), cbias, sel))
    return jnp.concatenate(outs)

# --- scband reference (transcript-rebuilt; emitter-appended) ---
"""Pipeline reference for scband-deep-fm-50586124812744 (READ-ONLY COPY).

The authoritative reference and input builder live on the scoring server;
editing this copy changes nothing except your own understanding.
"""

import jax, jax.numpy as jnp
import numpy as np

B, ND, NS, V, D = 16384, 13, 26, 1000000, 16
DEEP_IN = ND + NS * D
H1, H2 = 256, 128

def setup_inputs(seed: int = 0) -> dict:
    key = jax.random.key(seed)
    ks = jax.random.split(key, 16)
    dense = jax.random.normal(ks[0], (B, ND), dtype=jnp.float32)
    sparse = jax.random.randint(ks[1], (B, NS), 0, V, dtype=jnp.int32)
    W_lin_dense = jax.random.normal(ks[2], (ND, 1), dtype=jnp.float32) * 0.1
    b_lin_dense = jnp.zeros((1,), dtype=jnp.float32)
    lin_sparse_tab = jax.random.normal(ks[3], (V, 1), dtype=jnp.float32) * 0.01
    embed_tab = jax.random.normal(ks[4], (V, D), dtype=jnp.float32) * 0.01
    W1 = jax.random.normal(ks[5], (DEEP_IN, H1), dtype=jnp.float32) * (1.0 / np.sqrt(DEEP_IN))
    b1 = jnp.zeros((H1,), dtype=jnp.float32)
    W2 = jax.random.normal(ks[6], (H1, H2), dtype=jnp.float32) * (1.0 / np.sqrt(H1))
    b2 = jnp.zeros((H2,), dtype=jnp.float32)
    W_out = jax.random.normal(ks[7], (H2, 1), dtype=jnp.float32) * (1.0 / np.sqrt(H2))
    b_out = jnp.zeros((1,), dtype=jnp.float32)
    bias = jnp.zeros((1,), dtype=jnp.float32)
    return {"dense": dense, "sparse": sparse, "W_lin_dense": W_lin_dense, "b_lin_dense": b_lin_dense, "lin_sparse_tab": lin_sparse_tab, "embed_tab": embed_tab, "W1": W1, "b1": b1, "W2": W2, "b2": b2, "W_out": W_out, "b_out": b_out, "bias": bias}

def reference(dense, sparse, W_lin_dense, b_lin_dense, lin_sparse_tab, embed_tab, W1, b1, W2, b2, W_out, b_out, bias):
    # first-order linear part
    y_linear = dense @ W_lin_dense + b_lin_dense + jnp.take(lin_sparse_tab, sparse, axis=0).sum(axis=1) + bias
    # embedding lookup: (B, NS, D)
    emb = jnp.take(embed_tab, sparse, axis=0)
    # FM second order: 0.5 * ((sum v)^2 - sum v^2)
    sum_v = emb.sum(axis=1)
    sum_v_sq = sum_v * sum_v
    sum_sq_v = (emb * emb).sum(axis=1)
    y_fm2 = 0.5 * (sum_v_sq - sum_sq_v).sum(axis=1, keepdims=True)
    # deep part
    deep_in = jnp.concatenate([dense, emb.reshape(emb.shape[0], -1)], axis=1)
    h = jax.nn.relu(deep_in @ W1 + b1)
    h = jax.nn.relu(h @ W2 + b2)
    y_deep = h @ W_out + b_out
    logits = (y_linear + y_fm2 + y_deep).squeeze(1)
    return logits

if __name__ == "__main__":
    import jax
    _d = setup_inputs()
    print(jax.jit(kernel)(*tuple(_d.values())))

</pallas_src>

<mosaic_0001>
#map = affine_map<(d0, d1) -> (0, 0)>
#map1 = affine_map<(d0, d1) -> (0)>
module attributes {stable_mosaic.version = 14 : i64} {
  func.func @k(%arg0: i32, %arg1: i32, %arg2: memref<1000000x16xf32, #tpu.memory_space<hbm>>, %arg3: memref<62500x16xf32, #tpu.memory_space<hbm>>, %arg4: memref<212992xi32, #tpu.memory_space<hbm>>, %arg5: memref<212992x16xf32, #tpu.memory_space<hbm>>, %arg6: memref<212992xf32, #tpu.memory_space<hbm>>, %arg7: memref<1664xi32, #tpu.memory_space<vmem>>, %arg8: memref<1664x16xf32, #tpu.memory_space<vmem>>, %arg9: memref<1664xi32, #tpu.memory_space<vmem>>, %arg10: memref<1664xi32, #tpu.memory_space<vmem>>, %arg11: memref<1664x16xf32, #tpu.memory_space<vmem>>, %arg12: memref<1664xf32, #tpu.memory_space<vmem>>, %arg13: memref<1664xi32, #tpu.memory_space<vmem>>, %arg14: memref<1664x16xf32, #tpu.memory_space<vmem>>, %arg15: memref<1664xi32, #tpu.memory_space<vmem>>, %arg16: memref<1664xi32, #tpu.memory_space<vmem>>, %arg17: memref<1664x16xf32, #tpu.memory_space<vmem>>, %arg18: memref<1664xf32, #tpu.memory_space<vmem>>, %arg19: memref<!tpu.dma_semaphore, #tpu.memory_space<semaphore_mem>>, %arg20: memref<!tpu.dma_semaphore, #tpu.memory_space<semaphore_mem>>, %arg21: memref<!tpu.dma_semaphore, #tpu.memory_space<semaphore_mem>>, %arg22: memref<!tpu.dma_semaphore, #tpu.memory_space<semaphore_mem>>, %arg23: memref<!tpu.dma_semaphore, #tpu.memory_space<semaphore_mem>>, %arg24: memref<!tpu.dma_semaphore, #tpu.memory_space<semaphore_mem>>, %arg25: memref<!tpu.dma_semaphore, #tpu.memory_space<semaphore_mem>>, %arg26: memref<!tpu.dma_semaphore, #tpu.memory_space<semaphore_mem>>) attributes {dimension_semantics = [#tpu.dimension_semantics<core_parallel>, #tpu.dimension_semantics<subcore_parallel>], iteration_bounds = array<i64: 2, 16>, scalar_prefetch = 0 : i64, scratch_operands = 20 : i64, tpu.core_type = #tpu.core_type<sc_vector_subcore>, window_params = [{transform_indices = #map}, {transform_indices = #map}, {transform_indices = #map1}, {transform_indices = #map}, {transform_indices = #map1}]} {
    %mul3A = arith.constant 2 : i32
    %mul3A_0 = arith.muli %arg1, %mul3A : i32
    %add3A = arith.addi %mul3A_0, %arg0 : i32
    %mul3A_1 = arith.constant 6656 : i32
    %mul3A_2 = arith.muli %add3A, %mul3A_1 : i32
    %add3A_3 = arith.constant 0 : i32
    %add3A_4 = arith.addi %mul3A_2, %add3A_3 : i32
    "tpu.region"() ({
      %run_scoped3A = tpu.sem_alloc : memref<!tpu.dma_semaphore, #tpu.memory_space<semaphore_mem>>
      %dma_start3A_182 = tpu.memref_slice %arg4[%add3A_4] : memref<212992xi32, #tpu.memory_space<hbm>> -> memref<1664xi32, #tpu.memory_space<hbm>>
      %dma_start3A_183 = tpu.memref_slice %arg4[%add3A_4] : memref<212992xi32, #tpu.memory_space<hbm>> -> memref<1664xi32, #tpu.memory_space<hbm>>
      tpu.enqueue_dma source(%dma_start3A_183 : memref<1664xi32, #tpu.memory_space<hbm>>) target(%arg7 : memref<1664xi32, #tpu.memory_space<vmem>>) target_semaphore(%run_scoped3A : memref<!tpu.dma_semaphore, #tpu.memory_space<semaphore_mem>>)
      %dma_wait3A_184 = tpu.memref_slice %arg4[%add3A_4] : memref<212992xi32, #tpu.memory_space<hbm>> -> memref<1664xi32, #tpu.memory_space<hbm>>
      %dma_wait3A_185 = tpu.memref_slice %arg4[%add3A_4] : memref<212992xi32, #tpu.memory_space<hbm>> -> memref<1664xi32, #tpu.memory_space<hbm>>
      tpu.wait_dma2 semaphore(%run_scoped3A : memref<!tpu.dma_semaphore, #tpu.memory_space<semaphore_mem>>) src(%dma_wait3A_185 : memref<1664xi32, #tpu.memory_space<hbm>>) dst(%arg7 : memref<1664xi32, #tpu.memory_space<vmem>>)
      tpu.yield
    }) : () -> ()
    %scan3A = arith.constant 0 : i32
    %scan3A_5 = arith.constant 104 : i32
    %scan3A_6 = arith.addi %scan3A, %scan3A_5 : i32
    %scan3A_7 = arith.constant 1 : i32
    scf.for %scan3A_182 = %scan3A to %scan3A_6 step %scan3A_7  : i32 {
      %mul3A_183 = arith.constant 16 : i32
      %mul3A_184 = arith.muli %scan3A_182, %mul3A_183 : i32
      %add3A_185 = arith.constant 0 : i32
      %add3A_186 = arith.addi %add3A_185, %mul3A_184 : i32
      %get3A = arith.index_cast %add3A_186 : i32 to index
      %get3A_187 = tpu.vector_load %arg7[%get3A] {strides = array<i32>} : memref<1664xi32, #tpu.memory_space<vmem>>, vector<16xi32>,
      %shift_right_arithmetic3A = arith.constant 4 : i32
      %shift_right_arithmetic3A_188 = vector.broadcast %shift_right_arithmetic3A : i32 to vector<16xi32>
      %shift_right_arithmetic3A_189 = arith.shrsi %get3A_187, %shift_right_arithmetic3A_188 : vector<16xi32>
      %swap3A = arith.index_cast %add3A_186 : i32 to index
      %swap3A_190 = tpu.vector_load %arg9[%swap3A] {strides = array<i32>} : memref<1664xi32, #tpu.memory_space<vmem>>, vector<16xi32>,
      tpu.vector_store %arg9[%swap3A], %shift_right_arithmetic3A_189 {strides = array<i32>} : memref<1664xi32, #tpu.memory_space<vmem>>, vector<16xi32>,
      %and3A = arith.constant 15 : i32
      %and3A_191 = vector.broadcast %and3A : i32 to vector<16xi32>
      %and3A_192 = arith.andi %get3A_187, %and3A_191 : vector<16xi32>
      %swap3A_193 = arith.index_cast %add3A_186 : i32 to index
      %swap3A_194 = tpu.vector_load %arg10[%swap3A_193] {strides = array<i32>} : memref<1664xi32, #tpu.memory_space<vmem>>, vector<16xi32>,
      tpu.vector_store %arg10[%swap3A_193], %and3A_192 {strides = array<i32>} : memref<1664xi32, #tpu.memory_space<vmem>>, vector<16xi32>,
    }
    %scan3A_8 = arith.constant 104 : i32
    %dma_start3A = arith.constant 0 : i32
    %dma_start3A_9 = arith.constant 0 : i32
    %dma_start3A_10 = tpu.memref_slice %arg2[%dma_start3A, %dma_start3A_9] : memref<1000000x16xf32, #tpu.memory_space<hbm>> -> memref<1000000x16xf32, #tpu.memory_space<hbm>>
    tpu.enqueue_indirect_dma source(%dma_start3A_10 : memref<1000000x16xf32, #tpu.memory_space<hbm>>) target(%arg8 : memref<1664x16xf32, #tpu.memory_space<vmem>>) offsets(%arg7 : memref<1664xi32, #tpu.memory_space<vmem>>) semaphore(%arg19 : memref<!tpu.dma_semaphore, #tpu.memory_space<semaphore_mem>>)
    %dma_start3A_11 = arith.constant 0 : i32
    %dma_start3A_12 = arith.constant 0 : i32
    %dma_start3A_13 = tpu.memref_slice %arg3[%dma_start3A_11, %dma_start3A_12] : memref<62500x16xf32, #tpu.memory_space<hbm>> -> memref<62500x16xf32, #tpu.memory_space<hbm>>
    tpu.enqueue_indirect_dma source(%dma_start3A_13 : memref<62500x16xf32, #tpu.memory_space<hbm>>) target(%arg11 : memref<1664x16xf32, #tpu.memory_space<vmem>>) offsets(%arg9 : memref<1664xi32, #tpu.memory_space<vmem>>) semaphore(%arg21 : memref<!tpu.dma_semaphore, #tpu.memory_space<semaphore_mem>>)
    %mul3A_14 = arith.constant 6656 : i32
    %mul3A_15 = arith.muli %add3A, %mul3A_14 : i32
    %add3A_16 = arith.constant 1664 : i32
    %add3A_17 = arith.addi %mul3A_15, %add3A_16 : i32
    "tpu.region"() ({
      %run_scoped3A = tpu.sem_alloc : memref<!tpu.dma_semaphore, #tpu.memory_space<semaphore_mem>>
      %dma_start3A_182 = tpu.memref_slice %arg4[%add3A_17] : memref<212992xi32, #tpu.memory_space<hbm>> -> memref<1664xi32, #tpu.memory_space<hbm>>
      %dma_start3A_183 = tpu.memref_slice %arg4[%add3A_17] : memref<212992xi32, #tpu.memory_space<hbm>> -> memref<1664xi32, #tpu.memory_space<hbm>>
      tpu.enqueue_dma source(%dma_start3A_183 : memref<1664xi32, #tpu.memory_space<hbm>>) target(%arg13 : memref<1664xi32, #tpu.memory_space<vmem>>) target_semaphore(%run_scoped3A : memref<!tpu.dma_semaphore, #tpu.memory_space<semaphore_mem>>)
      %dma_wait3A_184 = tpu.memref_slice %arg4[%add3A_17] : memref<212992xi32, #tpu.memory_space<hbm>> -> memref<1664xi32, #tpu.memory_space<hbm>>
      %dma_wait3A_185 = tpu.memref_slice %arg4[%add3A_17] : memref<212992xi32, #tpu.memory_space<hbm>> -> memref<1664xi32, #tpu.memory_space<hbm>>
      tpu.wait_dma2 semaphore(%run_scoped3A : memref<!tpu.dma_semaphore, #tpu.memory_space<semaphore_mem>>) src(%dma_wait3A_185 : memref<1664xi32, #tpu.memory_space<hbm>>) dst(%arg13 : memref<1664xi32, #tpu.memory_space<vmem>>)
      tpu.yield
    }) : () -> ()
    %scan3A_18 = arith.constant 0 : i32
    %scan3A_19 = arith.constant 104 : i32
    %scan3A_20 = arith.addi %scan3A_18, %scan3A_19 : i32
    %scan3A_21 = arith.constant 1 : i32
    scf.for %scan3A_182 = %scan3A_18 to %scan3A_20 step %scan3A_21  : i32 {
      %mul3A_183 = arith.constant 16 : i32
      %mul3A_184 = arith.muli %scan3A_182, %mul3A_183 : i32
      %add3A_185 = arith.constant 0 : i32
      %add3A_186 = arith.addi %add3A_185, %mul3A_184 : i32
      %get3A = arith.index_cast %add3A_186 : i32 to index
      %get3A_187 = tpu.vector_load %arg13[%get3A] {strides = array<i32>} : memref<1664xi32, #tpu.memory_space<vmem>>, vector<16xi32>,
      %shift_right_arithmetic3A = arith.constant 4 : i32
      %shift_right_arithmetic3A_188 = vector.broadcast %shift_right_arithmetic3A : i32 to vector<16xi32>
      %shift_right_arithmetic3A_189 = arith.shrsi %get3A_187, %shift_right_arithmetic3A_188 : vector<16xi32>
      %swap3A = arith.index_cast %add3A_186 : i32 to index
      %swap3A_190 = tpu.vector_load %arg15[%swap3A] {strides = array<i32>} : memref<1664xi32, #tpu.memory_space<vmem>>, vector<16xi32>,
      tpu.vector_store %arg15[%swap3A], %shift_right_arithmetic3A_189 {strides = array<i32>} : memref<1664xi32, #tpu.memory_space<vmem>>, vector<16xi32>,
      %and3A = arith.constant 15 : i32
      %and3A_191 = vector.broadcast %and3A : i32 to vector<16xi32>
      %and3A_192 = arith.andi %get3A_187, %and3A_191 : vector<16xi32>
      %swap3A_193 = arith.index_cast %add3A_186 : i32 to index
      %swap3A_194 = tpu.vector_load %arg16[%swap3A_193] {strides = array<i32>} : memref<1664xi32, #tpu.memory_space<vmem>>, vector<16xi32>,
      tpu.vector_store %arg16[%swap3A_193], %and3A_192 {strides = array<i32>} : memref<1664xi32, #tpu.memory_space<vmem>>, vector<16xi32>,
    }
    %scan3A_22 = arith.constant 104 : i32
    %dma_start3A_23 = arith.constant 0 : i32
    %dma_start3A_24 = arith.constant 0 : i32
    %dma_start3A_25 = tpu.memref_slice %arg2[%dma_start3A_23, %dma_start3A_24] : memref<1000000x16xf32, #tpu.memory_space<hbm>> -> memref<1000000x16xf32, #tpu.memory_space<hbm>>
    tpu.enqueue_indirect_dma source(%dma_start3A_25 : memref<1000000x16xf32, #tpu.memory_space<hbm>>) target(%arg14 : memref<1664x16xf32, #tpu.memory_space<vmem>>) offsets(%arg13 : memref<1664xi32, #tpu.memory_space<vmem>>) semaphore(%arg20 : memref<!tpu.dma_semaphore, #tpu.memory_space<semaphore_mem>>)
    %dma_start3A_26 = arith.constant 0 : i32
    %dma_start3A_27 = arith.constant 0 : i32
    %dma_start3A_28 = tpu.memref_slice %arg3[%dma_start3A_26, %dma_start3A_27] : memref<62500x16xf32, #tpu.memory_space<hbm>> -> memref<62500x16xf32, #tpu.memory_space<hbm>>
    tpu.enqueue_indirect_dma source(%dma_start3A_28 : memref<62500x16xf32, #tpu.memory_space<hbm>>) target(%arg17 : memref<1664x16xf32, #tpu.memory_space<vmem>>) offsets(%arg15 : memref<1664xi32, #tpu.memory_space<vmem>>) semaphore(%arg22 : memref<!tpu.dma_semaphore, #tpu.memory_space<semaphore_mem>>)
    %mul3A_29 = arith.constant 6656 : i32
    %mul3A_30 = arith.muli %add3A, %mul3A_29 : i32
    %add3A_31 = arith.constant 0 : i32
    %add3A_32 = arith.addi %mul3A_30, %add3A_31 : i32
    %dma_wait3A = arith.constant 0 : i32
    %dma_wait3A_33 = arith.constant 0 : i32
    %dma_wait3A_34 = tpu.memref_slice %arg2[%dma_wait3A, %dma_wait3A_33] : memref<1000000x16xf32, #tpu.memory_space<hbm>> -> memref<1000000x16xf32, #tpu.memory_space<hbm>>
    tpu.wait_indirect_dma semaphore(%arg19 : memref<!tpu.dma_semaphore, #tpu.memory_space<semaphore_mem>>) src(%dma_wait3A_34 : memref<1000000x16xf32, #tpu.memory_space<hbm>>) dst(%arg8 : memref<1664x16xf32, #tpu.memory_space<vmem>>)
    %dma_wait3A_35 = arith.constant 0 : i32
    %dma_wait3A_36 = arith.constant 0 : i32
    %dma_wait3A_37 = tpu.memref_slice %arg3[%dma_wait3A_35, %dma_wait3A_36] : memref<62500x16xf32, #tpu.memory_space<hbm>> -> memref<62500x16xf32, #tpu.memory_space<hbm>>
    tpu.wait_indirect_dma semaphore(%arg21 : memref<!tpu.dma_semaphore, #tpu.memory_space<semaphore_mem>>) src(%dma_wait3A_37 : memref<62500x16xf32, #tpu.memory_space<hbm>>) dst(%arg11 : memref<1664x16xf32, #tpu.memory_space<vmem>>)
    %scan3A_38 = arith.constant 0 : i32
    %scan3A_39 = arith.constant 104 : i32
    %scan3A_40 = arith.addi %scan3A_38, %scan3A_39 : i32
    %scan3A_41 = arith.constant 1 : i32
    scf.for %scan3A_182 = %scan3A_38 to %scan3A_40 step %scan3A_41  : i32 {
      %mul3A_183 = arith.constant 16 : i32
      %mul3A_184 = arith.muli %scan3A_182, %mul3A_183 : i32
      %add3A_185 = arith.constant 0 : i32
      %add3A_186 = arith.addi %add3A_185, %mul3A_184 : i32
      %iota3A = tpu.iota {dimensions = array<i32: 0>} : vector<16xi32>
      %add3A_187 = vector.broadcast %add3A_186 : i32 to vector<16xi32>
      %add3A_188 = arith.addi %iota3A, %add3A_187 : vector<16xi32>
      %get3A = arith.index_cast %add3A_186 : i32 to index
      %get3A_189 = tpu.vector_load %arg10[%get3A] {strides = array<i32>} : memref<1664xi32, #tpu.memory_space<vmem>>, vector<16xi32>,
      %gather3A = tpu.vector_load_idx %arg11[%add3A_188, %get3A_189] : memref<1664x16xf32, #tpu.memory_space<vmem>>[vector<16xi32>, vector<16xi32>], vector<16xf32>,
      %swap3A = arith.index_cast %add3A_186 : i32 to index
      %swap3A_190 = tpu.vector_load %arg12[%swap3A] {strides = array<i32>} : memref<1664xf32, #tpu.memory_space<vmem>>, vector<16xf32>,
      tpu.vector_store %arg12[%swap3A], %gather3A {strides = array<i32>} : memref<1664xf32, #tpu.memory_space<vmem>>, vector<16xf32>,
    }
    %scan3A_42 = arith.constant 104 : i32
    %dma_start3A_43 = arith.constant 0 : i32
    %dma_start3A_44 = tpu.memref_slice %arg5[%add3A_32, %dma_start3A_43] : memref<212992x16xf32, #tpu.memory_space<hbm>> -> memref<1664x16xf32, #tpu.memory_space<hbm>>
    %dma_start3A_45 = arith.constant 0 : i32
    %dma_start3A_46 = tpu.memref_slice %arg5[%add3A_32, %dma_start3A_45] : memref<212992x16xf32, #tpu.memory_space<hbm>> -> memref<1664x16xf32, #tpu.memory_space<hbm>>
    tpu.enqueue_dma source(%arg8 : memref<1664x16xf32, #tpu.memory_space<vmem>>) target(%dma_start3A_46 : memref<1664x16xf32, #tpu.memory_space<hbm>>) target_semaphore(%arg23 : memref<!tpu.dma_semaphore, #tpu.memory_space<semaphore_mem>>)
    %dma_start3A_47 = tpu.memref_slice %arg6[%add3A_32] : memref<212992xf32, #tpu.memory_space<hbm>> -> memref<1664xf32, #tpu.memory_space<hbm>>
    %dma_start3A_48 = tpu.memref_slice %arg6[%add3A_32] : memref<212992xf32, #tpu.memory_space<hbm>> -> memref<1664xf32, #tpu.memory_space<hbm>>
    tpu.enqueue_dma source(%arg12 : memref<1664xf32, #tpu.memory_space<vmem>>) target(%dma_start3A_48 : memref<1664xf32, #tpu.memory_space<hbm>>) target_semaphore(%arg25 : memref<!tpu.dma_semaphore, #tpu.memory_space<semaphore_mem>>)
    %mul3A_49 = arith.constant 6656 : i32
    %mul3A_50 = arith.muli %add3A, %mul3A_49 : i32
    %add3A_51 = arith.constant 0 : i32
    %add3A_52 = arith.addi %mul3A_50, %add3A_51 : i32
    %dma_wait3A_53 = arith.constant 0 : i32
    %dma_wait3A_54 = tpu.memref_slice %arg5[%add3A_52, %dma_wait3A_53] : memref<212992x16xf32, #tpu.memory_space<hbm>> -> memref<1664x16xf32, #tpu.memory_space<hbm>>
    %dma_wait3A_55 = arith.constant 0 : i32
    %dma_wait3A_56 = tpu.memref_slice %arg5[%add3A_52, %dma_wait3A_55] : memref<212992x16xf32, #tpu.memory_space<hbm>> -> memref<1664x16xf32, #tpu.memory_space<hbm>>
    tpu.wait_dma2 semaphore(%arg23 : memref<!tpu.dma_semaphore, #tpu.memory_space<semaphore_mem>>) src(%arg8 : memref<1664x16xf32, #tpu.memory_space<vmem>>) dst(%dma_wait3A_56 : memref<1664x16xf32, #tpu.memory_space<hbm>>)
    %dma_wait3A_57 = tpu.memref_slice %arg6[%add3A_52] : memref<212992xf32, #tpu.memory_space<hbm>> -> memref<1664xf32, #tpu.memory_space<hbm>>
    %dma_wait3A_58 = tpu.memref_slice %arg6[%add3A_52] : memref<212992xf32, #tpu.memory_space<hbm>> -> memref<1664xf32, #tpu.memory_space<hbm>>
    tpu.wait_dma2 semaphore(%arg25 : memref<!tpu.dma_semaphore, #tpu.memory_space<semaphore_mem>>) src(%arg12 : memref<1664xf32, #tpu.memory_space<vmem>>) dst(%dma_wait3A_58 : memref<1664xf32, #tpu.memory_space<hbm>>)
    %mul3A_59 = arith.constant 6656 : i32
    %mul3A_60 = arith.muli %add3A, %mul3A_59 : i32
    %add3A_61 = arith.constant 3328 : i32
    %add3A_62 = arith.addi %mul3A_60, %add3A_61 : i32
    "tpu.region"() ({
      %run_scoped3A = tpu.sem_alloc : memref<!tpu.dma_semaphore, #tpu.memory_space<semaphore_mem>>
      %dma_start3A_182 = tpu.memref_slice %arg4[%add3A_62] : memref<212992xi32, #tpu.memory_space<hbm>> -> memref<1664xi32, #tpu.memory_space<hbm>>
      %dma_start3A_183 = tpu.memref_slice %arg4[%add3A_62] : memref<212992xi32, #tpu.memory_space<hbm>> -> memref<1664xi32, #tpu.memory_space<hbm>>
      tpu.enqueue_dma source(%dma_start3A_183 : memref<1664xi32, #tpu.memory_space<hbm>>) target(%arg7 : memref<1664xi32, #tpu.memory_space<vmem>>) target_semaphore(%run_scoped3A : memref<!tpu.dma_semaphore, #tpu.memory_space<semaphore_mem>>)
      %dma_wait3A_184 = tpu.memref_slice %arg4[%add3A_62] : memref<212992xi32, #tpu.memory_space<hbm>> -> memref<1664xi32, #tpu.memory_space<hbm>>
      %dma_wait3A_185 = tpu.memref_slice %arg4[%add3A_62] : memref<212992xi32, #tpu.memory_space<hbm>> -> memref<1664xi32, #tpu.memory_space<hbm>>
      tpu.wait_dma2 semaphore(%run_scoped3A : memref<!tpu.dma_semaphore, #tpu.memory_space<semaphore_mem>>) src(%dma_wait3A_185 : memref<1664xi32, #tpu.memory_space<hbm>>) dst(%arg7 : memref<1664xi32, #tpu.memory_space<vmem>>)
      tpu.yield
    }) : () -> ()
    %scan3A_63 = arith.constant 0 : i32
    %scan3A_64 = arith.constant 104 : i32
    %scan3A_65 = arith.addi %scan3A_63, %scan3A_64 : i32
    %scan3A_66 = arith.constant 1 : i32
    scf.for %scan3A_182 = %scan3A_63 to %scan3A_65 step %scan3A_66  : i32 {
      %mul3A_183 = arith.constant 16 : i32
      %mul3A_184 = arith.muli %scan3A_182, %mul3A_183 : i32
      %add3A_185 = arith.constant 0 : i32
      %add3A_186 = arith.addi %add3A_185, %mul3A_184 : i32
      %get3A = arith.index_cast %add3A_186 : i32 to index
      %get3A_187 = tpu.vector_load %arg7[%get3A] {strides = array<i32>} : memref<1664xi32, #tpu.memory_space<vmem>>, vector<16xi32>,
      %shift_right_arithmetic3A = arith.constant 4 : i32
      %shift_right_arithmetic3A_188 = vector.broadcast %shift_right_arithmetic3A : i32 to vector<16xi32>
      %shift_right_arithmetic3A_189 = arith.shrsi %get3A_187, %shift_right_arithmetic3A_188 : vector<16xi32>
      %swap3A = arith.index_cast %add3A_186 : i32 to index
      %swap3A_190 = tpu.vector_load %arg9[%swap3A] {strides = array<i32>} : memref<1664xi32, #tpu.memory_space<vmem>>, vector<16xi32>,
      tpu.vector_store %arg9[%swap3A], %shift_right_arithmetic3A_189 {strides = array<i32>} : memref<1664xi32, #tpu.memory_space<vmem>>, vector<16xi32>,
      %and3A = arith.constant 15 : i32
      %and3A_191 = vector.broadcast %and3A : i32 to vector<16xi32>
      %and3A_192 = arith.andi %get3A_187, %and3A_191 : vector<16xi32>
      %swap3A_193 = arith.index_cast %add3A_186 : i32 to index
      %swap3A_194 = tpu.vector_load %arg10[%swap3A_193] {strides = array<i32>} : memref<1664xi32, #tpu.memory_space<vmem>>, vector<16xi32>,
      tpu.vector_store %arg10[%swap3A_193], %and3A_192 {strides = array<i32>} : memref<1664xi32, #tpu.memory_space<vmem>>, vector<16xi32>,
    }
    %scan3A_67 = arith.constant 104 : i32
    %dma_start3A_68 = arith.constant 0 : i32
    %dma_start3A_69 = arith.constant 0 : i32
    %dma_start3A_70 = tpu.memref_slice %arg2[%dma_start3A_68, %dma_start3A_69] : memref<1000000x16xf32, #tpu.memory_space<hbm>> -> memref<1000000x16xf32, #tpu.memory_space<hbm>>
    tpu.enqueue_indirect_dma source(%dma_start3A_70 : memref<1000000x16xf32, #tpu.memory_space<hbm>>) target(%arg8 : memref<1664x16xf32, #tpu.memory_space<vmem>>) offsets(%arg7 : memref<1664xi32, #tpu.memory_space<vmem>>) semaphore(%arg19 : memref<!tpu.dma_semaphore, #tpu.memory_space<semaphore_mem>>)
    %dma_start3A_71 = arith.constant 0 : i32
    %dma_start3A_72 = arith.constant 0 : i32
    %dma_start3A_73 = tpu.memref_slice %arg3[%dma_start3A_71, %dma_start3A_72] : memref<62500x16xf32, #tpu.memory_space<hbm>> -> memref<62500x16xf32, #tpu.memory_space<hbm>>
    tpu.enqueue_indirect_dma source(%dma_start3A_73 : memref<62500x16xf32, #tpu.memory_space<hbm>>) target(%arg11 : memref<1664x16xf32, #tpu.memory_space<vmem>>) offsets(%arg9 : memref<1664xi32, #tpu.memory_space<vmem>>) semaphore(%arg21 : memref<!tpu.dma_semaphore, #tpu.memory_space<semaphore_mem>>)
    %mul3A_74 = arith.constant 6656 : i32
    %mul3A_75 = arith.muli %add3A, %mul3A_74 : i32
    %add3A_76 = arith.constant 1664 : i32
    %add3A_77 = arith.addi %mul3A_75, %add3A_76 : i32
    %dma_wait3A_78 = arith.constant 0 : i32
    %dma_wait3A_79 = arith.constant 0 : i32
    %dma_wait3A_80 = tpu.memref_slice %arg2[%dma_wait3A_78, %dma_wait3A_79] : memref<1000000x16xf32, #tpu.memory_space<hbm>> -> memref<1000000x16xf32, #tpu.memory_space<hbm>>
    tpu.wait_indirect_dma semaphore(%arg20 : memref<!tpu.dma_semaphore, #tpu.memory_space<semaphore_mem>>) src(%dma_wait3A_80 : memref<1000000x16xf32, #tpu.memory_space<hbm>>) dst(%arg14 : memref<1664x16xf32, #tpu.memory_space<vmem>>)
    %dma_wait3A_81 = arith.constant 0 : i32
    %dma_wait3A_82 = arith.constant 0 : i32
    %dma_wait3A_83 = tpu.memref_slice %arg3[%dma_wait3A_81, %dma_wait3A_82] : memref<62500x16xf32, #tpu.memory_space<hbm>> -> memref<62500x16xf32, #tpu.memory_space<hbm>>
    tpu.wait_indirect_dma semaphore(%arg22 : memref<!tpu.dma_semaphore, #tpu.memory_space<semaphore_mem>>) src(%dma_wait3A_83 : memref<62500x16xf32, #tpu.memory_space<hbm>>) dst(%arg17 : memref<1664x16xf32, #tpu.memory_space<vmem>>)
    %scan3A_84 = arith.constant 0 : i32
    %scan3A_85 = arith.constant 104 : i32
    %scan3A_86 = arith.addi %scan3A_84, %scan3A_85 : i32
    %scan3A_87 = arith.constant 1 : i32
    scf.for %scan3A_182 = %scan3A_84 to %scan3A_86 step %scan3A_87  : i32 {
      %mul3A_183 = arith.constant 16 : i32
      %mul3A_184 = arith.muli %scan3A_182, %mul3A_183 : i32
      %add3A_185 = arith.constant 0 : i32
      %add3A_186 = arith.addi %add3A_185, %mul3A_184 : i32
      %iota3A = tpu.iota {dimensions = array<i32: 0>} : vector<16xi32>
      %add3A_187 = vector.broadcast %add3A_186 : i32 to vector<16xi32>
      %add3A_188 = arith.addi %iota3A, %add3A_187 : vector<16xi32>
      %get3A = arith.index_cast %add3A_186 : i32 to index
      %get3A_189 = tpu.vector_load %arg16[%get3A] {strides = array<i32>} : memref<1664xi32, #tpu.memory_space<vmem>>, vector<16xi32>,
      %gather3A = tpu.vector_load_idx %arg17[%add3A_188, %get3A_189] : memref<1664x16xf32, #tpu.memory_space<vmem>>[vector<16xi32>, vector<16xi32>], vector<16xf32>,
      %swap3A = arith.index_cast %add3A_186 : i32 to index
      %swap3A_190 = tpu.vector_load %arg18[%swap3A] {strides = array<i32>} : memref<1664xf32, #tpu.memory_space<vmem>>, vector<16xf32>,
      tpu.vector_store %arg18[%swap3A], %gather3A {strides = array<i32>} : memref<1664xf32, #tpu.memory_space<vmem>>, vector<16xf32>,
    }
    %scan3A_88 = arith.constant 104 : i32
    %dma_start3A_89 = arith.constant 0 : i32
    %dma_start3A_90 = tpu.memref_slice %arg5[%add3A_77, %dma_start3A_89] : memref<212992x16xf32, #tpu.memory_space<hbm>> -> memref<1664x16xf32, #tpu.memory_space<hbm>>
    %dma_start3A_91 = arith.constant 0 : i32
    %dma_start3A_92 = tpu.memref_slice %arg5[%add3A_77, %dma_start3A_91] : memref<212992x16xf32, #tpu.memory_space<hbm>> -> memref<1664x16xf32, #tpu.memory_space<hbm>>
    tpu.enqueue_dma source(%arg14 : memref<1664x16xf32, #tpu.memory_space<vmem>>) target(%dma_start3A_92 : memref<1664x16xf32, #tpu.memory_space<hbm>>) target_semaphore(%arg24 : memref<!tpu.dma_semaphore, #tpu.memory_space<semaphore_mem>>)
    %dma_start3A_93 = tpu.memref_slice %arg6[%add3A_77] : memref<212992xf32, #tpu.memory_space<hbm>> -> memref<1664xf32, #tpu.memory_space<hbm>>
    %dma_start3A_94 = tpu.memref_slice %arg6[%add3A_77] : memref<212992xf32, #tpu.memory_space<hbm>> -> memref<1664xf32, #tpu.memory_space<hbm>>
    tpu.enqueue_dma source(%arg18 : memref<1664xf32, #tpu.memory_space<vmem>>) target(%dma_start3A_94 : memref<1664xf32, #tpu.memory_space<hbm>>) target_semaphore(%arg26 : memref<!tpu.dma_semaphore, #tpu.memory_space<semaphore_mem>>)
    %mul3A_95 = arith.constant 6656 : i32
    %mul3A_96 = arith.muli %add3A, %mul3A_95 : i32
    %add3A_97 = arith.constant 1664 : i32
    %add3A_98 = arith.addi %mul3A_96, %add3A_97 : i32
    %dma_wait3A_99 = arith.constant 0 : i32
    %dma_wait3A_100 = tpu.memref_slice %arg5[%add3A_98, %dma_wait3A_99] : memref<212992x16xf32, #tpu.memory_space<hbm>> -> memref<1664x16xf32, #tpu.memory_space<hbm>>
    %dma_wait3A_101 = arith.constant 0 : i32
    %dma_wait3A_102 = tpu.memref_slice %arg5[%add3A_98, %dma_wait3A_101] : memref<212992x16xf32, #tpu.memory_space<hbm>> -> memref<1664x16xf32, #tpu.memory_space<hbm>>
    tpu.wait_dma2 semaphore(%arg24 : memref<!tpu.dma_semaphore, #tpu.memory_space<semaphore_mem>>) src(%arg14 : memref<1664x16xf32, #tpu.memory_space<vmem>>) dst(%dma_wait3A_102 : memref<1664x16xf32, #tpu.memory_space<hbm>>)
    %dma_wait3A_103 = tpu.memref_slice %arg6[%add3A_98] : memref<212992xf32, #tpu.memory_space<hbm>> -> memref<1664xf32, #tpu.memory_space<hbm>>
    %dma_wait3A_104 = tpu.memref_slice %arg6[%add3A_98] : memref<212992xf32, #tpu.memory_space<hbm>> -> memref<1664xf32, #tpu.memory_space<hbm>>
    tpu.wait_dma2 semaphore(%arg26 : memref<!tpu.dma_semaphore, #tpu.memory_space<semaphore_mem>>) src(%arg18 : memref<1664xf32, #tpu.memory_space<vmem>>) dst(%dma_wait3A_104 : memref<1664xf32, #tpu.memory_space<hbm>>)
    %mul3A_105 = arith.constant 6656 : i32
    %mul3A_106 = arith.muli %add3A, %mul3A_105 : i32
    %add3A_107 = arith.constant 4992 : i32
    %add3A_108 = arith.addi %mul3A_106, %add3A_107 : i32
    "tpu.region"() ({
      %run_scoped3A = tpu.sem_alloc : memref<!tpu.dma_semaphore, #tpu.memory_space<semaphore_mem>>
      %dma_start3A_182 = tpu.memref_slice %arg4[%add3A_108] : memref<212992xi32, #tpu.memory_space<hbm>> -> memref<1664xi32, #tpu.memory_space<hbm>>
      %dma_start3A_183 = tpu.memref_slice %arg4[%add3A_108] : memref<212992xi32, #tpu.memory_space<hbm>> -> memref<1664xi32, #tpu.memory_space<hbm>>
      tpu.enqueue_dma source(%dma_start3A_183 : memref<1664xi32, #tpu.memory_space<hbm>>) target(%arg13 : memref<1664xi32, #tpu.memory_space<vmem>>) target_semaphore(%run_scoped3A : memref<!tpu.dma_semaphore, #tpu.memory_space<semaphore_mem>>)
      %dma_wait3A_184 = tpu.memref_slice %arg4[%add3A_108] : memref<212992xi32, #tpu.memory_space<hbm>> -> memref<1664xi32, #tpu.memory_space<hbm>>
      %dma_wait3A_185 = tpu.memref_slice %arg4[%add3A_108] : memref<212992xi32, #tpu.memory_space<hbm>> -> memref<1664xi32, #tpu.memory_space<hbm>>
      tpu.wait_dma2 semaphore(%run_scoped3A : memref<!tpu.dma_semaphore, #tpu.memory_space<semaphore_mem>>) src(%dma_wait3A_185 : memref<1664xi32, #tpu.memory_space<hbm>>) dst(%arg13 : memref<1664xi32, #tpu.memory_space<vmem>>)
      tpu.yield
    }) : () -> ()
    %scan3A_109 = arith.constant 0 : i32
    %scan3A_110 = arith.constant 104 : i32
    %scan3A_111 = arith.addi %scan3A_109, %scan3A_110 : i32
    %scan3A_112 = arith.constant 1 : i32
    scf.for %scan3A_182 = %scan3A_109 to %scan3A_111 step %scan3A_112  : i32 {
      %mul3A_183 = arith.constant 16 : i32
      %mul3A_184 = arith.muli %scan3A_182, %mul3A_183 : i32
      %add3A_185 = arith.constant 0 : i32
      %add3A_186 = arith.addi %add3A_185, %mul3A_184 : i32
      %get3A = arith.index_cast %add3A_186 : i32 to index
      %get3A_187 = tpu.vector_load %arg13[%get3A] {strides = array<i32>} : memref<1664xi32, #tpu.memory_space<vmem>>, vector<16xi32>,
      %shift_right_arithmetic3A = arith.constant 4 : i32
      %shift_right_arithmetic3A_188 = vector.broadcast %shift_right_arithmetic3A : i32 to vector<16xi32>
      %shift_right_arithmetic3A_189 = arith.shrsi %get3A_187, %shift_right_arithmetic3A_188 : vector<16xi32>
      %swap3A = arith.index_cast %add3A_186 : i32 to index
      %swap3A_190 = tpu.vector_load %arg15[%swap3A] {strides = array<i32>} : memref<1664xi32, #tpu.memory_space<vmem>>, vector<16xi32>,
      tpu.vector_store %arg15[%swap3A], %shift_right_arithmetic3A_189 {strides = array<i32>} : memref<1664xi32, #tpu.memory_space<vmem>>, vector<16xi32>,
      %and3A = arith.constant 15 : i32
      %and3A_191 = vector.broadcast %and3A : i32 to vector<16xi32>
      %and3A_192 = arith.andi %get3A_187, %and3A_191 : vector<16xi32>
      %swap3A_193 = arith.index_cast %add3A_186 : i32 to index
      %swap3A_194 = tpu.vector_load %arg16[%swap3A_193] {strides = array<i32>} : memref<1664xi32, #tpu.memory_space<vmem>>, vector<16xi32>,
      tpu.vector_store %arg16[%swap3A_193], %and3A_192 {strides = array<i32>} : memref<1664xi32, #tpu.memory_space<vmem>>, vector<16xi32>,
    }
    %scan3A_113 = arith.constant 104 : i32
    %dma_start3A_114 = arith.constant 0 : i32
    %dma_start3A_115 = arith.constant 0 : i32
    %dma_start3A_116 = tpu.memref_slice %arg2[%dma_start3A_114, %dma_start3A_115] : memref<1000000x16xf32, #tpu.memory_space<hbm>> -> memref<1000000x16xf32, #tpu.memory_space<hbm>>
    tpu.enqueue_indirect_dma source(%dma_start3A_116 : memref<1000000x16xf32, #tpu.memory_space<hbm>>) target(%arg14 : memref<1664x16xf32, #tpu.memory_space<vmem>>) offsets(%arg13 : memref<1664xi32, #tpu.memory_space<vmem>>) semaphore(%arg20 : memref<!tpu.dma_semaphore, #tpu.memory_space<semaphore_mem>>)
    %dma_start3A_117 = arith.constant 0 : i32
    %dma_start3A_118 = arith.constant 0 : i32
    %dma_start3A_119 = tpu.memref_slice %arg3[%dma_start3A_117, %dma_start3A_118] : memref<62500x16xf32, #tpu.memory_space<hbm>> -> memref<62500x16xf32, #tpu.memory_space<hbm>>
    tpu.enqueue_indirect_dma source(%dma_start3A_119 : memref<62500x16xf32, #tpu.memory_space<hbm>>) target(%arg17 : memref<1664x16xf32, #tpu.memory_space<vmem>>) offsets(%arg15 : memref<1664xi32, #tpu.memory_space<vmem>>) semaphore(%arg22 : memref<!tpu.dma_semaphore, #tpu.memory_space<semaphore_mem>>)
    %mul3A_120 = arith.constant 6656 : i32
    %mul3A_121 = arith.muli %add3A, %mul3A_120 : i32
    %add3A_122 = arith.constant 3328 : i32
    %add3A_123 = arith.addi %mul3A_121, %add3A_122 : i32
    %dma_wait3A_124 = arith.constant 0 : i32
    %dma_wait3A_125 = arith.constant 0 : i32
    %dma_wait3A_126 = tpu.memref_slice %arg2[%dma_wait3A_124, %dma_wait3A_125] : memref<1000000x16xf32, #tpu.memory_space<hbm>> -> memref<1000000x16xf32, #tpu.memory_space<hbm>>
    tpu.wait_indirect_dma semaphore(%arg19 : memref<!tpu.dma_semaphore, #tpu.memory_space<semaphore_mem>>) src(%dma_wait3A_126 : memref<1000000x16xf32, #tpu.memory_space<hbm>>) dst(%arg8 : memref<1664x16xf32, #tpu.memory_space<vmem>>)
    %dma_wait3A_127 = arith.constant 0 : i32
    %dma_wait3A_128 = arith.constant 0 : i32
    %dma_wait3A_129 = tpu.memref_slice %arg3[%dma_wait3A_127, %dma_wait3A_128] : memref<62500x16xf32, #tpu.memory_space<hbm>> -> memref<62500x16xf32, #tpu.memory_space<hbm>>
    tpu.wait_indirect_dma semaphore(%arg21 : memref<!tpu.dma_semaphore, #tpu.memory_space<semaphore_mem>>) src(%dma_wait3A_129 : memref<62500x16xf32, #tpu.memory_space<hbm>>) dst(%arg11 : memref<1664x16xf32, #tpu.memory_space<vmem>>)
    %scan3A_130 = arith.constant 0 : i32
    %scan3A_131 = arith.constant 104 : i32
    %scan3A_132 = arith.addi %scan3A_130, %scan3A_131 : i32
    %scan3A_133 = arith.constant 1 : i32
    scf.for %scan3A_182 = %scan3A_130 to %scan3A_132 step %scan3A_133  : i32 {
      %mul3A_183 = arith.constant 16 : i32
      %mul3A_184 = arith.muli %scan3A_182, %mul3A_183 : i32
      %add3A_185 = arith.constant 0 : i32
      %add3A_186 = arith.addi %add3A_185, %mul3A_184 : i32
      %iota3A = tpu.iota {dimensions = array<i32: 0>} : vector<16xi32>
      %add3A_187 = vector.broadcast %add3A_186 : i32 to vector<16xi32>
      %add3A_188 = arith.addi %iota3A, %add3A_187 : vector<16xi32>
      %get3A = arith.index_cast %add3A_186 : i32 to index
      %get3A_189 = tpu.vector_load %arg10[%get3A] {strides = array<i32>} : memref<1664xi32, #tpu.memory_space<vmem>>, vector<16xi32>,
      %gather3A = tpu.vector_load_idx %arg11[%add3A_188, %get3A_189] : memref<1664x16xf32, #tpu.memory_space<vmem>>[vector<16xi32>, vector<16xi32>], vector<16xf32>,
      %swap3A = arith.index_cast %add3A_186 : i32 to index
      %swap3A_190 = tpu.vector_load %arg12[%swap3A] {strides = array<i32>} : memref<1664xf32, #tpu.memory_space<vmem>>, vector<16xf32>,
      tpu.vector_store %arg12[%swap3A], %gather3A {strides = array<i32>} : memref<1664xf32, #tpu.memory_space<vmem>>, vector<16xf32>,
    }
    %scan3A_134 = arith.constant 104 : i32
    %dma_start3A_135 = arith.constant 0 : i32
    %dma_start3A_136 = tpu.memref_slice %arg5[%add3A_123, %dma_start3A_135] : memref<212992x16xf32, #tpu.memory_space<hbm>> -> memref<1664x16xf32, #tpu.memory_space<hbm>>
    %dma_start3A_137 = arith.constant 0 : i32
    %dma_start3A_138 = tpu.memref_slice %arg5[%add3A_123, %dma_start3A_137] : memref<212992x16xf32, #tpu.memory_space<hbm>> -> memref<1664x16xf32, #tpu.memory_space<hbm>>
    tpu.enqueue_dma source(%arg8 : memref<1664x16xf32, #tpu.memory_space<vmem>>) target(%dma_start3A_138 : memref<1664x16xf32, #tpu.memory_space<hbm>>) target_semaphore(%arg23 : memref<!tpu.dma_semaphore, #tpu.memory_space<semaphore_mem>>)
    %dma_start3A_139 = tpu.memref_slice %arg6[%add3A_123] : memref<212992xf32, #tpu.memory_space<hbm>> -> memref<1664xf32, #tpu.memory_space<hbm>>
    %dma_start3A_140 = tpu.memref_slice %arg6[%add3A_123] : memref<212992xf32, #tpu.memory_space<hbm>> -> memref<1664xf32, #tpu.memory_space<hbm>>
    tpu.enqueue_dma source(%arg12 : memref<1664xf32, #tpu.memory_space<vmem>>) target(%dma_start3A_140 : memref<1664xf32, #tpu.memory_space<hbm>>) target_semaphore(%arg25 : memref<!tpu.dma_semaphore, #tpu.memory_space<semaphore_mem>>)
    %mul3A_141 = arith.constant 6656 : i32
    %mul3A_142 = arith.muli %add3A, %mul3A_141 : i32
    %add3A_143 = arith.constant 4992 : i32
    %add3A_144 = arith.addi %mul3A_142, %add3A_143 : i32
    %dma_wait3A_145 = arith.constant 0 : i32
    %dma_wait3A_146 = arith.constant 0 : i32
    %dma_wait3A_147 = tpu.memref_slice %arg2[%dma_wait3A_145, %dma_wait3A_146] : memref<1000000x16xf32, #tpu.memory_space<hbm>> -> memref<1000000x16xf32, #tpu.memory_space<hbm>>
    tpu.wait_indirect_dma semaphore(%arg20 : memref<!tpu.dma_semaphore, #tpu.memory_space<semaphore_mem>>) src(%dma_wait3A_147 : memref<1000000x16xf32, #tpu.memory_space<hbm>>) dst(%arg14 : memref<1664x16xf32, #tpu.memory_space<vmem>>)
    %dma_wait3A_148 = arith.constant 0 : i32
    %dma_wait3A_149 = arith.constant 0 : i32
    %dma_wait3A_150 = tpu.memref_slice %arg3[%dma_wait3A_148, %dma_wait3A_149] : memref<62500x16xf32, #tpu.memory_space<hbm>> -> memref<62500x16xf32, #tpu.memory_space<hbm>>
    tpu.wait_indirect_dma semaphore(%arg22 : memref<!tpu.dma_semaphore, #tpu.memory_space<semaphore_mem>>) src(%dma_wait3A_150 : memref<62500x16xf32, #tpu.memory_space<hbm>>) dst(%arg17 : memref<1664x16xf32, #tpu.memory_space<vmem>>)
    %scan3A_151 = arith.constant 0 : i32
    %scan3A_152 = arith.constant 104 : i32
    %scan3A_153 = arith.addi %scan3A_151, %scan3A_152 : i32
    %scan3A_154 = arith.constant 1 : i32
    scf.for %scan3A_182 = %scan3A_151 to %scan3A_153 step %scan3A_154  : i32 {
      %mul3A_183 = arith.constant 16 : i32
      %mul3A_184 = arith.muli %scan3A_182, %mul3A_183 : i32
      %add3A_185 = arith.constant 0 : i32
      %add3A_186 = arith.addi %add3A_185, %mul3A_184 : i32
      %iota3A = tpu.iota {dimensions = array<i32: 0>} : vector<16xi32>
      %add3A_187 = vector.broadcast %add3A_186 : i32 to vector<16xi32>
      %add3A_188 = arith.addi %iota3A, %add3A_187 : vector<16xi32>
      %get3A = arith.index_cast %add3A_186 : i32 to index
      %get3A_189 = tpu.vector_load %arg16[%get3A] {strides = array<i32>} : memref<1664xi32, #tpu.memory_space<vmem>>, vector<16xi32>,
      %gather3A = tpu.vector_load_idx %arg17[%add3A_188, %get3A_189] : memref<1664x16xf32, #tpu.memory_space<vmem>>[vector<16xi32>, vector<16xi32>], vector<16xf32>,
      %swap3A = arith.index_cast %add3A_186 : i32 to index
      %swap3A_190 = tpu.vector_load %arg18[%swap3A] {strides = array<i32>} : memref<1664xf32, #tpu.memory_space<vmem>>, vector<16xf32>,
      tpu.vector_store %arg18[%swap3A], %gather3A {strides = array<i32>} : memref<1664xf32, #tpu.memory_space<vmem>>, vector<16xf32>,
    }
    %scan3A_155 = arith.constant 104 : i32
    %dma_start3A_156 = arith.constant 0 : i32
    %dma_start3A_157 = tpu.memref_slice %arg5[%add3A_144, %dma_start3A_156] : memref<212992x16xf32, #tpu.memory_space<hbm>> -> memref<1664x16xf32, #tpu.memory_space<hbm>>
    %dma_start3A_158 = arith.constant 0 : i32
    %dma_start3A_159 = tpu.memref_slice %arg5[%add3A_144, %dma_start3A_158] : memref<212992x16xf32, #tpu.memory_space<hbm>> -> memref<1664x16xf32, #tpu.memory_space<hbm>>
    tpu.enqueue_dma source(%arg14 : memref<1664x16xf32, #tpu.memory_space<vmem>>) target(%dma_start3A_159 : memref<1664x16xf32, #tpu.memory_space<hbm>>) target_semaphore(%arg24 : memref<!tpu.dma_semaphore, #tpu.memory_space<semaphore_mem>>)
    %dma_start3A_160 = tpu.memref_slice %arg6[%add3A_144] : memref<212992xf32, #tpu.memory_space<hbm>> -> memref<1664xf32, #tpu.memory_space<hbm>>
    %dma_start3A_161 = tpu.memref_slice %arg6[%add3A_144] : memref<212992xf32, #tpu.memory_space<hbm>> -> memref<1664xf32, #tpu.memory_space<hbm>>
    tpu.enqueue_dma source(%arg18 : memref<1664xf32, #tpu.memory_space<vmem>>) target(%dma_start3A_161 : memref<1664xf32, #tpu.memory_space<hbm>>) target_semaphore(%arg26 : memref<!tpu.dma_semaphore, #tpu.memory_space<semaphore_mem>>)
    %mul3A_162 = arith.constant 6656 : i32
    %mul3A_163 = arith.muli %add3A, %mul3A_162 : i32
    %add3A_164 = arith.constant 3328 : i32
    %add3A_165 = arith.addi %mul3A_163, %add3A_164 : i32
    %dma_wait3A_166 = arith.constant 0 : i32
    %dma_wait3A_167 = tpu.memref_slice %arg5[%add3A_165, %dma_wait3A_166] : memref<212992x16xf32, #tpu.memory_space<hbm>> -> memref<1664x16xf32, #tpu.memory_space<hbm>>
    %dma_wait3A_168 = arith.constant 0 : i32
    %dma_wait3A_169 = tpu.memref_slice %arg5[%add3A_165, %dma_wait3A_168] : memref<212992x16xf32, #tpu.memory_space<hbm>> -> memref<1664x16xf32, #tpu.memory_space<hbm>>
    tpu.wait_dma2 semaphore(%arg23 : memref<!tpu.dma_semaphore, #tpu.memory_space<semaphore_mem>>) src(%arg8 : memref<1664x16xf32, #tpu.memory_space<vmem>>) dst(%dma_wait3A_169 : memref<1664x16xf32, #tpu.memory_space<hbm>>)
    %dma_wait3A_170 = tpu.memref_slice %arg6[%add3A_165] : memref<212992xf32, #tpu.memory_space<hbm>> -> memref<1664xf32, #tpu.memory_space<hbm>>
    %dma_wait3A_171 = tpu.memref_slice %arg6[%add3A_165] : memref<212992xf32, #tpu.memory_space<hbm>> -> memref<1664xf32, #tpu.memory_space<hbm>>
    tpu.wait_dma2 semaphore(%arg25 : memref<!tpu.dma_semaphore, #tpu.memory_space<semaphore_mem>>) src(%arg12 : memref<1664xf32, #tpu.memory_space<vmem>>) dst(%dma_wait3A_171 : memref<1664xf32, #tpu.memory_space<hbm>>)
    %mul3A_172 = arith.constant 6656 : i32
    %mul3A_173 = arith.muli %add3A, %mul3A_172 : i32
    %add3A_174 = arith.constant 4992 : i32
    %add3A_175 = arith.addi %mul3A_173, %add3A_174 : i32
    %dma_wait3A_176 = arith.constant 0 : i32
    %dma_wait3A_177 = tpu.memref_slice %arg5[%add3A_175, %dma_wait3A_176] : memref<212992x16xf32, #tpu.memory_space<hbm>> -> memref<1664x16xf32, #tpu.memory_space<hbm>>
    %dma_wait3A_178 = arith.constant 0 : i32
    %dma_wait3A_179 = tpu.memref_slice %arg5[%add3A_175, %dma_wait3A_178] : memref<212992x16xf32, #tpu.memory_space<hbm>> -> memref<1664x16xf32, #tpu.memory_space<hbm>>
    tpu.wait_dma2 semaphore(%arg24 : memref<!tpu.dma_semaphore, #tpu.memory_space<semaphore_mem>>) src(%arg14 : memref<1664x16xf32, #tpu.memory_space<vmem>>) dst(%dma_wait3A_179 : memref<1664x16xf32, #tpu.memory_space<hbm>>)
    %dma_wait3A_180 = tpu.memref_slice %arg6[%add3A_175] : memref<212992xf32, #tpu.memory_space<hbm>> -> memref<1664xf32, #tpu.memory_space<hbm>>
    %dma_wait3A_181 = tpu.memref_slice %arg6[%add3A_175] : memref<212992xf32, #tpu.memory_space<hbm>> -> memref<1664xf32, #tpu.memory_space<hbm>>
    tpu.wait_dma2 semaphore(%arg26 : memref<!tpu.dma_semaphore, #tpu.memory_space<semaphore_mem>>) src(%arg18 : memref<1664xf32, #tpu.memory_space<vmem>>) dst(%dma_wait3A_181 : memref<1664xf32, #tpu.memory_space<hbm>>)
    return
  }
}

#map = affine_map<(d0, d1) -> (0, 0)>
module attributes {stable_mosaic.version = 14 : i64} {
  func.func @k(%arg0: i32, %arg1: i32, %arg2: memref<16x1000000xf32, #tpu.memory_space<hbm>>, %arg3: memref<8x128xf32, #tpu.memory_space<hbm>>, %arg4: memref<125000x128xf32, #tpu.memory_space<hbm>>, %arg5: memref<16x512xf32, #tpu.memory_space<vmem>>, %arg6: memref<16x512xf32, #tpu.memory_space<vmem>>, %arg7: memref<64x128xf32, #tpu.memory_space<vmem>>, %arg8: memref<64x128xf32, #tpu.memory_space<vmem>>, %arg9: memref<!tpu.dma_semaphore, #tpu.memory_space<semaphore_mem>>, %arg10: memref<!tpu.dma_semaphore, #tpu.memory_space<semaphore_mem>>, %arg11: memref<!tpu.dma_semaphore, #tpu.memory_space<semaphore_mem>>, %arg12: memref<!tpu.dma_semaphore, #tpu.memory_space<semaphore_mem>>) attributes {dimension_semantics = [#tpu.dimension_semantics<core_parallel>, #tpu.dimension_semantics<subcore_parallel>], iteration_bounds = array<i64: 2, 16>, scalar_prefetch = 0 : i64, scratch_operands = 8 : i64, tpu.core_type = #tpu.core_type<sc_vector_subcore>, window_params = [{transform_indices = #map}, {transform_indices = #map}, {transform_indices = #map}]} {
    %mul3A = arith.constant 2 : i32
    %mul3A_0 = arith.muli %arg1, %mul3A : i32
    %add3A = arith.addi %mul3A_0, %arg0 : i32
    %eq3A = arith.constant 0 : i32
    %eq3A_1 = arith.cmpi eq, %add3A, %eq3A : i32
    %convert_element_type3A = arith.extui %eq3A_1 : i1 to i32
    %cond3A = arith.constant 0 : i32
    %cond3A_2 = arith.cmpi ne, %convert_element_type3A, %cond3A : i32
    scf.if %cond3A_2 {
      %dma_start3A = arith.constant 0 : i32
      %dma_start3A_43 = arith.constant 0 : i32
      %dma_start3A_44 = tpu.memref_slice %arg7[%dma_start3A, %dma_start3A_43] : memref<64x128xf32, #tpu.memory_space<vmem>> -> memref<8x128xf32, #tpu.memory_space<vmem>>
      %dma_start3A_45 = arith.constant 0 : i32
      %dma_start3A_46 = arith.constant 0 : i32
      %dma_start3A_47 = tpu.memref_slice %arg7[%dma_start3A_45, %dma_start3A_46] : memref<64x128xf32, #tpu.memory_space<vmem>> -> memref<8x128xf32, #tpu.memory_space<vmem>>
      tpu.enqueue_dma source(%arg3 : memref<8x128xf32, #tpu.memory_space<hbm>>) target(%dma_start3A_47 : memref<8x128xf32, #tpu.memory_space<vmem>>) target_semaphore(%arg9 : memref<!tpu.dma_semaphore, #tpu.memory_space<semaphore_mem>>)
      %dma_wait3A = arith.constant 0 : i32
      %dma_wait3A_48 = arith.constant 0 : i32
      %dma_wait3A_49 = tpu.memref_slice %arg7[%dma_wait3A, %dma_wait3A_48] : memref<64x128xf32, #tpu.memory_space<vmem>> -> memref<8x128xf32, #tpu.memory_space<vmem>>
      %dma_wait3A_50 = arith.constant 0 : i32
      %dma_wait3A_51 = arith.constant 0 : i32
      %dma_wait3A_52 = tpu.memref_slice %arg7[%dma_wait3A_50, %dma_wait3A_51] : memref<64x128xf32, #tpu.memory_space<vmem>> -> memref<8x128xf32, #tpu.memory_space<vmem>>
      tpu.wait_dma2 semaphore(%arg9 : memref<!tpu.dma_semaphore, #tpu.memory_space<semaphore_mem>>) src(%arg3 : memref<8x128xf32, #tpu.memory_space<hbm>>) dst(%dma_wait3A_52 : memref<8x128xf32, #tpu.memory_space<vmem>>)
      "tpu.region"() ({
        %run_scoped3A = tpu.sem_alloc : memref<!tpu.dma_semaphore, #tpu.memory_space<semaphore_mem>>
        %dma_start3A_53 = arith.constant 0 : i32
        %dma_start3A_54 = arith.constant 0 : i32
        %dma_start3A_55 = tpu.memref_slice %arg7[%dma_start3A_53, %dma_start3A_54] : memref<64x128xf32, #tpu.memory_space<vmem>> -> memref<8x128xf32, #tpu.memory_space<vmem>>
        %dma_start3A_56 = arith.constant 124992 : i32
        %dma_start3A_57 = arith.constant 0 : i32
        %dma_start3A_58 = tpu.memref_slice %arg4[%dma_start3A_56, %dma_start3A_57] : memref<125000x128xf32, #tpu.memory_space<hbm>> -> memref<8x128xf32, #tpu.memory_space<hbm>>
        %dma_start3A_59 = arith.constant 124992 : i32
        %dma_start3A_60 = arith.constant 0 : i32
        %dma_start3A_61 = tpu.memref_slice %arg4[%dma_start3A_59, %dma_start3A_60] : memref<125000x128xf32, #tpu.memory_space<hbm>> -> memref<8x128xf32, #tpu.memory_space<hbm>>
        %dma_start3A_62 = arith.constant 0 : i32
        %dma_start3A_63 = arith.constant 0 : i32
        %dma_start3A_64 = tpu.memref_slice %arg7[%dma_start3A_62, %dma_start3A_63] : memref<64x128xf32, #tpu.memory_space<vmem>> -> memref<8x128xf32, #tpu.memory_space<vmem>>
        tpu.enqueue_dma source(%dma_start3A_64 : memref<8x128xf32, #tpu.memory_space<vmem>>) target(%dma_start3A_61 : memref<8x128xf32, #tpu.memory_space<hbm>>) target_semaphore(%run_scoped3A : memref<!tpu.dma_semaphore, #tpu.memory_space<semaphore_mem>>)
        %dma_wait3A_65 = arith.constant 0 : i32
        %dma_wait3A_66 = arith.constant 0 : i32
        %dma_wait3A_67 = tpu.memref_slice %arg7[%dma_wait3A_65, %dma_wait3A_66] : memref<64x128xf32, #tpu.memory_space<vmem>> -> memref<8x128xf32, #tpu.memory_space<vmem>>
        %dma_wait3A_68 = arith.constant 124992 : i32
        %dma_wait3A_69 = arith.constant 0 : i32
        %dma_wait3A_70 = tpu.memref_slice %arg4[%dma_wait3A_68, %dma_wait3A_69] : memref<125000x128xf32, #tpu.memory_space<hbm>> -> memref<8x128xf32, #tpu.memory_space<hbm>>
        %dma_wait3A_71 = arith.constant 124992 : i32
        %dma_wait3A_72 = arith.constant 0 : i32
        %dma_wait3A_73 = tpu.memref_slice %arg4[%dma_wait3A_71, %dma_wait3A_72] : memref<125000x128xf32, #tpu.memory_space<hbm>> -> memref<8x128xf32, #tpu.memory_space<hbm>>
        %dma_wait3A_74 = arith.constant 0 : i32
        %dma_wait3A_75 = arith.constant 0 : i32
        %dma_wait3A_76 = tpu.memref_slice %arg7[%dma_wait3A_74, %dma_wait3A_75] : memref<64x128xf32, #tpu.memory_space<vmem>> -> memref<8x128xf32, #tpu.memory_space<vmem>>
        tpu.wait_dma2 semaphore(%run_scoped3A : memref<!tpu.dma_semaphore, #tpu.memory_space<semaphore_mem>>) src(%dma_wait3A_76 : memref<8x128xf32, #tpu.memory_space<vmem>>) dst(%dma_wait3A_73 : memref<8x128xf32, #tpu.memory_space<hbm>>)
        tpu.yield
      }) : () -> ()
    } else {
    }
    %mul3A_3 = arith.constant 61 : i32
    %mul3A_4 = arith.muli %add3A, %mul3A_3 : i32
    %eq3A_5 = arith.constant 31 : i32
    %eq3A_6 = arith.cmpi eq, %add3A, %eq3A_5 : i32
    %jit3A = arith.constant 1 : i32
    %jit3A_7 = arith.constant 0 : i32
    %select_n3A = arith.select %eq3A_6, %jit3A, %jit3A_7 : i32
    %add3A_8 = arith.constant 61 : i32
    %add3A_9 = arith.addi %add3A_8, %select_n3A : i32
    %gt3A = arith.constant 0 : i32
    %gt3A_10 = arith.cmpi sgt, %add3A_9, %gt3A : i32
    %convert_element_type3A_11 = arith.extui %gt3A_10 : i1 to i32
    %cond3A_12 = arith.constant 0 : i32
    %cond3A_13 = arith.cmpi ne, %convert_element_type3A_11, %cond3A_12 : i32
    scf.if %cond3A_13 {
      %add3A_43 = arith.constant 0 : i32
      %add3A_44 = arith.addi %mul3A_4, %add3A_43 : i32
      %mul3A_45 = arith.constant 512 : i32
      %mul3A_46 = arith.muli %add3A_44, %mul3A_45 : i32
      %dma_start3A = arith.constant 0 : i32
      %dma_start3A_47 = tpu.memref_slice %arg2[%dma_start3A, %mul3A_46] : memref<16x1000000xf32, #tpu.memory_space<hbm>> -> memref<16x512xf32, #tpu.memory_space<hbm>>
      %dma_start3A_48 = arith.constant 0 : i32
      %dma_start3A_49 = tpu.memref_slice %arg2[%dma_start3A_48, %mul3A_46] : memref<16x1000000xf32, #tpu.memory_space<hbm>> -> memref<16x512xf32, #tpu.memory_space<hbm>>
      tpu.enqueue_dma source(%dma_start3A_49 : memref<16x512xf32, #tpu.memory_space<hbm>>) target(%arg5 : memref<16x512xf32, #tpu.memory_space<vmem>>) target_semaphore(%arg9 : memref<!tpu.dma_semaphore, #tpu.memory_space<semaphore_mem>>)
    } else {
    }
    %gt3A_14 = arith.constant 1 : i32
    %gt3A_15 = arith.cmpi sgt, %add3A_9, %gt3A_14 : i32
    %convert_element_type3A_16 = arith.extui %gt3A_15 : i1 to i32
    %cond3A_17 = arith.constant 0 : i32
    %cond3A_18 = arith.cmpi ne, %convert_element_type3A_16, %cond3A_17 : i32
    scf.if %cond3A_18 {
      %add3A_43 = arith.constant 1 : i32
      %add3A_44 = arith.addi %mul3A_4, %add3A_43 : i32
      %mul3A_45 = arith.constant 512 : i32
      %mul3A_46 = arith.muli %add3A_44, %mul3A_45 : i32
      %dma_start3A = arith.constant 0 : i32
      %dma_start3A_47 = tpu.memref_slice %arg2[%dma_start3A, %mul3A_46] : memref<16x1000000xf32, #tpu.memory_space<hbm>> -> memref<16x512xf32, #tpu.memory_space<hbm>>
      %dma_start3A_48 = arith.constant 0 : i32
      %dma_start3A_49 = tpu.memref_slice %arg2[%dma_start3A_48, %mul3A_46] : memref<16x1000000xf32, #tpu.memory_space<hbm>> -> memref<16x512xf32, #tpu.memory_space<hbm>>
      tpu.enqueue_dma source(%dma_start3A_49 : memref<16x512xf32, #tpu.memory_space<hbm>>) target(%arg6 : memref<16x512xf32, #tpu.memory_space<vmem>>) target_semaphore(%arg10 : memref<!tpu.dma_semaphore, #tpu.memory_space<semaphore_mem>>)
    } else {
    }
    %gt3A_19 = arith.constant 0 : i32
    %gt3A_20 = arith.cmpi sgt, %add3A_9, %gt3A_19 : i32
    %convert_element_type3A_21 = arith.extui %gt3A_20 : i1 to i32
    %cond3A_22 = arith.constant 0 : i32
    %cond3A_23 = arith.cmpi ne, %convert_element_type3A_21, %cond3A_22 : i32
    scf.if %cond3A_23 {
      %add3A_43 = arith.constant 0 : i32
      %add3A_44 = arith.addi %mul3A_4, %add3A_43 : i32
      %mul3A_45 = arith.constant 512 : i32
      %mul3A_46 = arith.muli %add3A_44, %mul3A_45 : i32
      %dma_wait3A = arith.constant 0 : i32
      %dma_wait3A_47 = tpu.memref_slice %arg2[%dma_wait3A, %mul3A_46] : memref<16x1000000xf32, #tpu.memory_space<hbm>> -> memref<16x512xf32, #tpu.memory_space<hbm>>
      %dma_wait3A_48 = arith.constant 0 : i32
      %dma_wait3A_49 = tpu.memref_slice %arg2[%dma_wait3A_48, %mul3A_46] : memref<16x1000000xf32, #tpu.memory_space<hbm>> -> memref<16x512xf32, #tpu.memory_space<hbm>>
      tpu.wait_dma2 semaphore(%arg9 : memref<!tpu.dma_semaphore, #tpu.memory_space<semaphore_mem>>) src(%dma_wait3A_49 : memref<16x512xf32, #tpu.memory_space<hbm>>) dst(%arg5 : memref<16x512xf32, #tpu.memory_space<vmem>>)
      %iota3A = tpu.iota {dimensions = array<i32: 0>} : vector<16xi32>
      %shift_right_arithmetic3A = arith.constant 3 : i32
      %shift_right_arithmetic3A_50 = vector.broadcast %shift_right_arithmetic3A : i32 to vector<16xi32>
      %shift_right_arithmetic3A_51 = arith.shrsi %iota3A, %shift_right_arithmetic3A_50 : vector<16xi32>
      %and3A = arith.constant 7 : i32
      %and3A_52 = vector.broadcast %and3A : i32 to vector<16xi32>
      %and3A_53 = arith.andi %iota3A, %and3A_52 : vector<16xi32>
      %shift_left3A = arith.constant 4 : i32
      %shift_left3A_54 = vector.broadcast %shift_left3A : i32 to vector<16xi32>
      %shift_left3A_55 = arith.shli %and3A_53, %shift_left3A_54 : vector<16xi32>
      %add3A_56 = arith.constant 0 : i32
      %add3A_57 = vector.broadcast %add3A_56 : i32 to vector<16xi32>
      %add3A_58 = arith.addi %shift_left3A_55, %add3A_57 : vector<16xi32>
      %and3A_59 = arith.constant 7 : i32
      %and3A_60 = vector.broadcast %and3A_59 : i32 to vector<16xi32>
      %and3A_61 = arith.andi %iota3A, %and3A_60 : vector<16xi32>
      %shift_left3A_62 = arith.constant 4 : i32
      %shift_left3A_63 = vector.broadcast %shift_left3A_62 : i32 to vector<16xi32>
      %shift_left3A_64 = arith.shli %and3A_61, %shift_left3A_63 : vector<16xi32>
      %add3A_65 = arith.constant 1 : i32
      %add3A_66 = vector.broadcast %add3A_65 : i32 to vector<16xi32>
      %add3A_67 = arith.addi %shift_left3A_64, %add3A_66 : vector<16xi32>
      %and3A_68 = arith.constant 7 : i32
      %and3A_69 = vector.broadcast %and3A_68 : i32 to vector<16xi32>
      %and3A_70 = arith.andi %iota3A, %and3A_69 : vector<16xi32>
      %shift_left3A_71 = arith.constant 4 : i32
      %shift_left3A_72 = vector.broadcast %shift_left3A_71 : i32 to vector<16xi32>
      %shift_left3A_73 = arith.shli %and3A_70, %shift_left3A_72 : vector<16xi32>
      %add3A_74 = arith.constant 2 : i32
      %add3A_75 = vector.broadcast %add3A_74 : i32 to vector<16xi32>
      %add3A_76 = arith.addi %shift_left3A_73, %add3A_75 : vector<16xi32>
      %and3A_77 = arith.constant 7 : i32
      %and3A_78 = vector.broadcast %and3A_77 : i32 to vector<16xi32>
      %and3A_79 = arith.andi %iota3A, %and3A_78 : vector<16xi32>
      %shift_left3A_80 = arith.constant 4 : i32
      %shift_left3A_81 = vector.broadcast %shift_left3A_80 : i32 to vector<16xi32>
      %shift_left3A_82 = arith.shli %and3A_79, %shift_left3A_81 : vector<16xi32>
      %add3A_83 = arith.constant 3 : i32
      %add3A_84 = vector.broadcast %add3A_83 : i32 to vector<16xi32>
      %add3A_85 = arith.addi %shift_left3A_82, %add3A_84 : vector<16xi32>
      %and3A_86 = arith.constant 7 : i32
      %and3A_87 = vector.broadcast %and3A_86 : i32 to vector<16xi32>
      %and3A_88 = arith.andi %iota3A, %and3A_87 : vector<16xi32>
      %shift_left3A_89 = arith.constant 4 : i32
      %shift_left3A_90 = vector.broadcast %shift_left3A_89 : i32 to vector<16xi32>
      %shift_left3A_91 = arith.shli %and3A_88, %shift_left3A_90 : vector<16xi32>
      %add3A_92 = arith.constant 4 : i32
      %add3A_93 = vector.broadcast %add3A_92 : i32 to vector<16xi32>
      %add3A_94 = arith.addi %shift_left3A_91, %add3A_93 : vector<16xi32>
      %and3A_95 = arith.constant 7 : i32
      %and3A_96 = vector.broadcast %and3A_95 : i32 to vector<16xi32>
      %and3A_97 = arith.andi %iota3A, %and3A_96 : vector<16xi32>
      %shift_left3A_98 = arith.constant 4 : i32
      %shift_left3A_99 = vector.broadcast %shift_left3A_98 : i32 to vector<16xi32>
      %shift_left3A_100 = arith.shli %and3A_97, %shift_left3A_99 : vector<16xi32>
      %add3A_101 = arith.constant 5 : i32
      %add3A_102 = vector.broadcast %add3A_101 : i32 to vector<16xi32>
      %add3A_103 = arith.addi %shift_left3A_100, %add3A_102 : vector<16xi32>
      %and3A_104 = arith.constant 7 : i32
      %and3A_105 = vector.broadcast %and3A_104 : i32 to vector<16xi32>
      %and3A_106 = arith.andi %iota3A, %and3A_105 : vector<16xi32>
      %shift_left3A_107 = arith.constant 4 : i32
      %shift_left3A_108 = vector.broadcast %shift_left3A_107 : i32 to vector<16xi32>
      %shift_left3A_109 = arith.shli %and3A_106, %shift_left3A_108 : vector<16xi32>
      %add3A_110 = arith.constant 6 : i32
      %add3A_111 = vector.broadcast %add3A_110 : i32 to vector<16xi32>
      %add3A_112 = arith.addi %shift_left3A_109, %add3A_111 : vector<16xi32>
      %and3A_113 = arith.constant 7 : i32
      %and3A_114 = vector.broadcast %and3A_113 : i32 to vector<16xi32>
      %and3A_115 = arith.andi %iota3A, %and3A_114 : vector<16xi32>
      %shift_left3A_116 = arith.constant 4 : i32
      %shift_left3A_117 = vector.broadcast %shift_left3A_116 : i32 to vector<16xi32>
      %shift_left3A_118 = arith.shli %and3A_115, %shift_left3A_117 : vector<16xi32>
      %add3A_119 = arith.constant 7 : i32
      %add3A_120 = vector.broadcast %add3A_119 : i32 to vector<16xi32>
      %add3A_121 = arith.addi %shift_left3A_118, %add3A_120 : vector<16xi32>
      %and3A_122 = arith.constant 7 : i32
      %and3A_123 = vector.broadcast %and3A_122 : i32 to vector<16xi32>
      %and3A_124 = arith.andi %iota3A, %and3A_123 : vector<16xi32>
      %shift_left3A_125 = arith.constant 4 : i32
      %shift_left3A_126 = vector.broadcast %shift_left3A_125 : i32 to vector<16xi32>
      %shift_left3A_127 = arith.shli %and3A_124, %shift_left3A_126 : vector<16xi32>
      %add3A_128 = arith.constant 8 : i32
      %add3A_129 = vector.broadcast %add3A_128 : i32 to vector<16xi32>
      %add3A_130 = arith.addi %shift_left3A_127, %add3A_129 : vector<16xi32>
      %and3A_131 = arith.constant 7 : i32
      %and3A_132 = vector.broadcast %and3A_131 : i32 to vector<16xi32>
      %and3A_133 = arith.andi %iota3A, %and3A_132 : vector<16xi32>
      %shift_left3A_134 = arith.constant 4 : i32
      %shift_left3A_135 = vector.broadcast %shift_left3A_134 : i32 to vector<16xi32>
      %shift_left3A_136 = arith.shli %and3A_133, %shift_left3A_135 : vector<16xi32>
      %add3A_137 = arith.constant 9 : i32
      %add3A_138 = vector.broadcast %add3A_137 : i32 to vector<16xi32>
      %add3A_139 = arith.addi %shift_left3A_136, %add3A_138 : vector<16xi32>
      %and3A_140 = arith.constant 7 : i32
      %and3A_141 = vector.broadcast %and3A_140 : i32 to vector<16xi32>
      %and3A_142 = arith.andi %iota3A, %and3A_141 : vector<16xi32>
      %shift_left3A_143 = arith.constant 4 : i32
      %shift_left3A_144 = vector.broadcast %shift_left3A_143 : i32 to vector<16xi32>
      %shift_left3A_145 = arith.shli %and3A_142, %shift_left3A_144 : vector<16xi32>
      %add3A_146 = arith.constant 10 : i32
      %add3A_147 = vector.broadcast %add3A_146 : i32 to vector<16xi32>
      %add3A_148 = arith.addi %shift_left3A_145, %add3A_147 : vector<16xi32>
      %and3A_149 = arith.constant 7 : i32
      %and3A_150 = vector.broadcast %and3A_149 : i32 to vector<16xi32>
      %and3A_151 = arith.andi %iota3A, %and3A_150 : vector<16xi32>
      %shift_left3A_152 = arith.constant 4 : i32
      %shift_left3A_153 = vector.broadcast %shift_left3A_152 : i32 to vector<16xi32>
      %shift_left3A_154 = arith.shli %and3A_151, %shift_left3A_153 : vector<16xi32>
      %add3A_155 = arith.constant 11 : i32
      %add3A_156 = vector.broadcast %add3A_155 : i32 to vector<16xi32>
      %add3A_157 = arith.addi %shift_left3A_154, %add3A_156 : vector<16xi32>
      %and3A_158 = arith.constant 7 : i32
      %and3A_159 = vector.broadcast %and3A_158 : i32 to vector<16xi32>
      %and3A_160 = arith.andi %iota3A, %and3A_159 : vector<16xi32>
      %shift_left3A_161 = arith.constant 4 : i32
      %shift_left3A_162 = vector.broadcast %shift_left3A_161 : i32 to vector<16xi32>
      %shift_left3A_163 = arith.shli %and3A_160, %shift_left3A_162 : vector<16xi32>
      %add3A_164 = arith.constant 12 : i32
      %add3A_165 = vector.broadcast %add3A_164 : i32 to vector<16xi32>
      %add3A_166 = arith.addi %shift_left3A_163, %add3A_165 : vector<16xi32>
      %and3A_167 = arith.constant 7 : i32
      %and3A_168 = vector.broadcast %and3A_167 : i32 to vector<16xi32>
      %and3A_169 = arith.andi %iota3A, %and3A_168 : vector<16xi32>
      %shift_left3A_170 = arith.constant 4 : i32
      %shift_left3A_171 = vector.broadcast %shift_left3A_170 : i32 to vector<16xi32>
      %shift_left3A_172 = arith.shli %and3A_169, %shift_left3A_171 : vector<16xi32>
      %add3A_173 = arith.constant 13 : i32
      %add3A_174 = vector.broadcast %add3A_173 : i32 to vector<16xi32>
      %add3A_175 = arith.addi %shift_left3A_172, %add3A_174 : vector<16xi32>
      %and3A_176 = arith.constant 7 : i32
      %and3A_177 = vector.broadcast %and3A_176 : i32 to vector<16xi32>
      %and3A_178 = arith.andi %iota3A, %and3A_177 : vector<16xi32>
      %shift_left3A_179 = arith.constant 4 : i32
      %shift_left3A_180 = vector.broadcast %shift_left3A_179 : i32 to vector<16xi32>
      %shift_left3A_181 = arith.shli %and3A_178, %shift_left3A_180 : vector<16xi32>
      %add3A_182 = arith.constant 14 : i32
      %add3A_183 = vector.broadcast %add3A_182 : i32 to vector<16xi32>
      %add3A_184 = arith.addi %shift_left3A_181, %add3A_183 : vector<16xi32>
      %and3A_185 = arith.constant 7 : i32
      %and3A_186 = vector.broadcast %and3A_185 : i32 to vector<16xi32>
      %and3A_187 = arith.andi %iota3A, %and3A_186 : vector<16xi32>
      %shift_left3A_188 = arith.constant 4 : i32
      %shift_left3A_189 = vector.broadcast %shift_left3A_188 : i32 to vector<16xi32>
      %shift_left3A_190 = arith.shli %and3A_187, %shift_left3A_189 : vector<16xi32>
      %add3A_191 = arith.constant 15 : i32
      %add3A_192 = vector.broadcast %add3A_191 : i32 to vector<16xi32>
      %add3A_193 = arith.addi %shift_left3A_190, %add3A_192 : vector<16xi32>
      %scan3A_194 = arith.constant 0 : i32
      %scan3A_195 = arith.constant 32 : i32
      %scan3A_196 = arith.addi %scan3A_194, %scan3A_195 : i32
      %scan3A_197 = arith.constant 1 : i32
      scf.for %scan3A_206 = %scan3A_194 to %scan3A_196 step %scan3A_197  : i32 {
        %mul3A_207 = arith.constant 16 : i32
        %mul3A_208 = arith.muli %scan3A_206, %mul3A_207 : i32
        %add3A_209 = arith.constant 0 : i32
        %add3A_210 = arith.addi %add3A_209, %mul3A_208 : i32
        %shift_right_arithmetic3A_211 = arith.constant 3 : i32
        %shift_right_arithmetic3A_212 = arith.shrsi %add3A_210, %shift_right_arithmetic3A_211 : i32
        %add3A_213 = vector.broadcast %shift_right_arithmetic3A_212 : i32 to vector<16xi32>
        %add3A_214 = arith.addi %shift_right_arithmetic3A_51, %add3A_213 : vector<16xi32>
        %get3A = arith.constant 0 : i32
        %get3A_215 = arith.index_cast %get3A : i32 to index
        %get3A_216 = arith.index_cast %add3A_210 : i32 to index
        %get3A_217 = tpu.vector_load %arg5[%get3A_215, %get3A_216] {strides = array<i32>} : memref<16x512xf32, #tpu.memory_space<vmem>>, vector<16xf32>,
        tpu.vector_store_idx %arg7[%add3A_214, %add3A_58], %get3A_217 : memref<64x128xf32, #tpu.memory_space<vmem>>[vector<16xi32>, vector<16xi32>], vector<16xf32>,
        %get3A_218 = arith.constant 1 : i32
        %get3A_219 = arith.index_cast %get3A_218 : i32 to index
        %get3A_220 = arith.index_cast %add3A_210 : i32 to index
        %get3A_221 = tpu.vector_load %arg5[%get3A_219, %get3A_220] {strides = array<i32>} : memref<16x512xf32, #tpu.memory_space<vmem>>, vector<16xf32>,
        tpu.vector_store_idx %arg7[%add3A_214, %add3A_67], %get3A_221 : memref<64x128xf32, #tpu.memory_space<vmem>>[vector<16xi32>, vector<16xi32>], vector<16xf32>,
        %get3A_222 = arith.constant 2 : i32
        %get3A_223 = arith.index_cast %get3A_222 : i32 to index
        %get3A_224 = arith.index_cast %add3A_210 : i32 to index
        %get3A_225 = tpu.vector_load %arg5[%get3A_223, %get3A_224] {strides = array<i32>} : memref<16x512xf32, #tpu.memory_space<vmem>>, vector<16xf32>,
        tpu.vector_store_idx %arg7[%add3A_214, %add3A_76], %get3A_225 : memref<64x128xf32, #tpu.memory_space<vmem>>[vector<16xi32>, vector<16xi32>], vector<16xf32>,
        %get3A_226 = arith.constant 3 : i32
        %get3A_227 = arith.index_cast %get3A_226 : i32 to index
        %get3A_228 = arith.index_cast %add3A_210 : i32 to index
        %get3A_229 = tpu.vector_load %arg5[%get3A_227, %get3A_228] {strides = array<i32>} : memref<16x512xf32, #tpu.memory_space<vmem>>, vector<16xf32>,
        tpu.vector_store_idx %arg7[%add3A_214, %add3A_85], %get3A_229 : memref<64x128xf32, #tpu.memory_space<vmem>>[vector<16xi32>, vector<16xi32>], vector<16xf32>,
        %get3A_230 = arith.constant 4 : i32
        %get3A_231 = arith.index_cast %get3A_230 : i32 to index
        %get3A_232 = arith.index_cast %add3A_210 : i32 to index
        %get3A_233 = tpu.vector_load %arg5[%get3A_231, %get3A_232] {strides = array<i32>} : memref<16x512xf32, #tpu.memory_space<vmem>>, vector<16xf32>,
        tpu.vector_store_idx %arg7[%add3A_214, %add3A_94], %get3A_233 : memref<64x128xf32, #tpu.memory_space<vmem>>[vector<16xi32>, vector<16xi32>], vector<16xf32>,
        %get3A_234 = arith.constant 5 : i32
        %get3A_235 = arith.index_cast %get3A_234 : i32 to index
        %get3A_236 = arith.index_cast %add3A_210 : i32 to index
        %get3A_237 = tpu.vector_load %arg5[%get3A_235, %get3A_236] {strides = array<i32>} : memref<16x512xf32, #tpu.memory_space<vmem>>, vector<16xf32>,
        tpu.vector_store_idx %arg7[%add3A_214, %add3A_103], %get3A_237 : memref<64x128xf32, #tpu.memory_space<vmem>>[vector<16xi32>, vector<16xi32>], vector<16xf32>,
        %get3A_238 = arith.constant 6 : i32
        %get3A_239 = arith.index_cast %get3A_238 : i32 to index
        %get3A_240 = arith.index_cast %add3A_210 : i32 to index
        %get3A_241 = tpu.vector_load %arg5[%get3A_239, %get3A_240] {strides = array<i32>} : memref<16x512xf32, #tpu.memory_space<vmem>>, vector<16xf32>,
        tpu.vector_store_idx %arg7[%add3A_214, %add3A_112], %get3A_241 : memref<64x128xf32, #tpu.memory_space<vmem>>[vector<16xi32>, vector<16xi32>], vector<16xf32>,
        %get3A_242 = arith.constant 7 : i32
        %get3A_243 = arith.index_cast %get3A_242 : i32 to index
        %get3A_244 = arith.index_cast %add3A_210 : i32 to index
        %get3A_245 = tpu.vector_load %arg5[%get3A_243, %get3A_244] {strides = array<i32>} : memref<16x512xf32, #tpu.memory_space<vmem>>, vector<16xf32>,
        tpu.vector_store_idx %arg7[%add3A_214, %add3A_121], %get3A_245 : memref<64x128xf32, #tpu.memory_space<vmem>>[vector<16xi32>, vector<16xi32>], vector<16xf32>,
        %get3A_246 = arith.constant 8 : i32
        %get3A_247 = arith.index_cast %get3A_246 : i32 to index
        %get3A_248 = arith.index_cast %add3A_210 : i32 to index
        %get3A_249 = tpu.vector_load %arg5[%get3A_247, %get3A_248] {strides = array<i32>} : memref<16x512xf32, #tpu.memory_space<vmem>>, vector<16xf32>,
        tpu.vector_store_idx %arg7[%add3A_214, %add3A_130], %get3A_249 : memref<64x128xf32, #tpu.memory_space<vmem>>[vector<16xi32>, vector<16xi32>], vector<16xf32>,
        %get3A_250 = arith.constant 9 : i32
        %get3A_251 = arith.index_cast %get3A_250 : i32 to index
        %get3A_252 = arith.index_cast %add3A_210 : i32 to index
        %get3A_253 = tpu.vector_load %arg5[%get3A_251, %get3A_252] {strides = array<i32>} : memref<16x512xf32, #tpu.memory_space<vmem>>, vector<16xf32>,
        tpu.vector_store_idx %arg7[%add3A_214, %add3A_139], %get3A_253 : memref<64x128xf32, #tpu.memory_space<vmem>>[vector<16xi32>, vector<16xi32>], vector<16xf32>,
        %get3A_254 = arith.constant 10 : i32
        %get3A_255 = arith.index_cast %get3A_254 : i32 to index
        %get3A_256 = arith.index_cast %add3A_210 : i32 to index
        %get3A_257 = tpu.vector_load %arg5[%get3A_255, %get3A_256] {strides = array<i32>} : memref<16x512xf32, #tpu.memory_space<vmem>>, vector<16xf32>,
        tpu.vector_store_idx %arg7[%add3A_214, %add3A_148], %get3A_257 : memref<64x128xf32, #tpu.memory_space<vmem>>[vector<16xi32>, vector<16xi32>], vector<16xf32>,
        %get3A_258 = arith.constant 11 : i32
        %get3A_259 = arith.index_cast %get3A_258 : i32 to index
        %get3A_260 = arith.index_cast %add3A_210 : i32 to index
        %get3A_261 = tpu.vector_load %arg5[%get3A_259, %get3A_260] {strides = array<i32>} : memref<16x512xf32, #tpu.memory_space<vmem>>, vector<16xf32>,
        tpu.vector_store_idx %arg7[%add3A_214, %add3A_157], %get3A_261 : memref<64x128xf32, #tpu.memory_space<vmem>>[vector<16xi32>, vector<16xi32>], vector<16xf32>,
        %get3A_262 = arith.constant 12 : i32
        %get3A_263 = arith.index_cast %get3A_262 : i32 to index
        %get3A_264 = arith.index_cast %add3A_210 : i32 to index
        %get3A_265 = tpu.vector_load %arg5[%get3A_263, %get3A_264] {strides = array<i32>} : memref<16x512xf32, #tpu.memory_space<vmem>>, vector<16xf32>,
        tpu.vector_store_idx %arg7[%add3A_214, %add3A_166], %get3A_265 : memref<64x128xf32, #tpu.memory_space<vmem>>[vector<16xi32>, vector<16xi32>], vector<16xf32>,
        %get3A_266 = arith.constant 13 : i32
        %get3A_267 = arith.index_cast %get3A_266 : i32 to index
        %get3A_268 = arith.index_cast %add3A_210 : i32 to index
        %get3A_269 = tpu.vector_load %arg5[%get3A_267, %get3A_268] {strides = array<i32>} : memref<16x512xf32, #tpu.memory_space<vmem>>, vector<16xf32>,
        tpu.vector_store_idx %arg7[%add3A_214, %add3A_175], %get3A_269 : memref<64x128xf32, #tpu.memory_space<vmem>>[vector<16xi32>, vector<16xi32>], vector<16xf32>,
        %get3A_270 = arith.constant 14 : i32
        %get3A_271 = arith.index_cast %get3A_270 : i32 to index
        %get3A_272 = arith.index_cast %add3A_210 : i32 to index
        %get3A_273 = tpu.vector_load %arg5[%get3A_271, %get3A_272] {strides = array<i32>} : memref<16x512xf32, #tpu.memory_space<vmem>>, vector<16xf32>,
        tpu.vector_store_idx %arg7[%add3A_214, %add3A_184], %get3A_273 : memref<64x128xf32, #tpu.memory_space<vmem>>[vector<16xi32>, vector<16xi32>], vector<16xf32>,
        %get3A_274 = arith.constant 15 : i32
        %get3A_275 = arith.index_cast %get3A_274 : i32 to index
        %get3A_276 = arith.index_cast %add3A_210 : i32 to index
        %get3A_277 = tpu.vector_load %arg5[%get3A_275, %get3A_276] {strides = array<i32>} : memref<16x512xf32, #tpu.memory_space<vmem>>, vector<16xf32>,
        tpu.vector_store_idx %arg7[%add3A_214, %add3A_193], %get3A_277 : memref<64x128xf32, #tpu.memory_space<vmem>>[vector<16xi32>, vector<16xi32>], vector<16xf32>,
      }
      %scan3A_198 = arith.constant 32 : i32
      %add3A_199 = arith.constant 0 : i32
      %add3A_200 = arith.addi %mul3A_4, %add3A_199 : i32
      %mul3A_201 = arith.constant 64 : i32
      %mul3A_202 = arith.muli %add3A_200, %mul3A_201 : i32
      %dma_start3A = arith.constant 0 : i32
      %dma_start3A_203 = tpu.memref_slice %arg4[%mul3A_202, %dma_start3A] : memref<125000x128xf32, #tpu.memory_space<hbm>> -> memref<64x128xf32, #tpu.memory_space<hbm>>
      %dma_start3A_204 = arith.constant 0 : i32
      %dma_start3A_205 = tpu.memref_slice %arg4[%mul3A_202, %dma_start3A_204] : memref<125000x128xf32, #tpu.memory_space<hbm>> -> memref<64x128xf32, #tpu.memory_space<hbm>>
      tpu.enqueue_dma source(%arg7 : memref<64x128xf32, #tpu.memory_space<vmem>>) target(%dma_start3A_205 : memref<64x128xf32, #tpu.memory_space<hbm>>) target_semaphore(%arg11 : memref<!tpu.dma_semaphore, #tpu.memory_space<semaphore_mem>>)
    } else {
    }
    %scan3A = arith.constant 0 : i32
    %scan3A_24 = arith.constant 30 : i32
    %scan3A_25 = arith.addi %scan3A, %scan3A_24 : i32
    %scan3A_26 = arith.constant 1 : i32
    scf.for %scan3A_43 = %scan3A to %scan3A_25 step %scan3A_26  : i32 {
      %mul3A_44 = arith.constant 1 : i32
      %mul3A_45 = arith.muli %scan3A_43, %mul3A_44 : i32
      %add3A_46 = arith.constant 0 : i32
      %add3A_47 = arith.addi %add3A_46, %mul3A_45 : i32
      %mul3A_48 = arith.constant 2 : i32
      %mul3A_49 = arith.muli %mul3A_48, %add3A_47 : i32
      %lt3A = arith.cmpi slt, %mul3A_49, %add3A_9 : i32
      %convert_element_type3A_50 = arith.extui %lt3A : i1 to i32
      %cond3A_51 = arith.constant 0 : i32
      %cond3A_52 = arith.cmpi ne, %convert_element_type3A_50, %cond3A_51 : i32
      scf.if %cond3A_52 {
        %add3A_83 = arith.addi %mul3A_4, %mul3A_49 : i32
        %mul3A_84 = arith.constant 64 : i32
        %mul3A_85 = arith.muli %add3A_83, %mul3A_84 : i32
        %dma_wait3A = arith.constant 0 : i32
        %dma_wait3A_86 = tpu.memref_slice %arg4[%mul3A_85, %dma_wait3A] : memref<125000x128xf32, #tpu.memory_space<hbm>> -> memref<64x128xf32, #tpu.memory_space<hbm>>
        %dma_wait3A_87 = arith.constant 0 : i32
        %dma_wait3A_88 = tpu.memref_slice %arg4[%mul3A_85, %dma_wait3A_87] : memref<125000x128xf32, #tpu.memory_space<hbm>> -> memref<64x128xf32, #tpu.memory_space<hbm>>
        tpu.wait_dma2 semaphore(%arg11 : memref<!tpu.dma_semaphore, #tpu.memory_space<semaphore_mem>>) src(%arg7 : memref<64x128xf32, #tpu.memory_space<vmem>>) dst(%dma_wait3A_88 : memref<64x128xf32, #tpu.memory_space<hbm>>)
      } else {
      }
      %add3A_53 = arith.constant 2 : i32
      %add3A_54 = arith.addi %mul3A_49, %add3A_53 : i32
      %lt3A_55 = arith.cmpi slt, %add3A_54, %add3A_9 : i32
      %convert_element_type3A_56 = arith.extui %lt3A_55 : i1 to i32
      %cond3A_57 = arith.constant 0 : i32
      %cond3A_58 = arith.cmpi ne, %convert_element_type3A_56, %cond3A_57 : i32
      scf.if %cond3A_58 {
        %add3A_83 = arith.addi %mul3A_4, %add3A_54 : i32
        %mul3A_84 = arith.constant 512 : i32
        %mul3A_85 = arith.muli %add3A_83, %mul3A_84 : i32
        %dma_start3A = arith.constant 0 : i32
        %dma_start3A_86 = tpu.memref_slice %arg2[%dma_start3A, %mul3A_85] : memref<16x1000000xf32, #tpu.memory_space<hbm>> -> memref<16x512xf32, #tpu.memory_space<hbm>>
        %dma_start3A_87 = arith.constant 0 : i32
        %dma_start3A_88 = tpu.memref_slice %arg2[%dma_start3A_87, %mul3A_85] : memref<16x1000000xf32, #tpu.memory_space<hbm>> -> memref<16x512xf32, #tpu.memory_space<hbm>>
        tpu.enqueue_dma source(%dma_start3A_88 : memref<16x512xf32, #tpu.memory_space<hbm>>) target(%arg5 : memref<16x512xf32, #tpu.memory_space<vmem>>) target_semaphore(%arg9 : memref<!tpu.dma_semaphore, #tpu.memory_space<semaphore_mem>>)
      } else {
      }
      %add3A_59 = arith.constant 1 : i32
      %add3A_60 = arith.addi %mul3A_49, %add3A_59 : i32
      %lt3A_61 = arith.cmpi slt, %add3A_60, %add3A_9 : i32
      %convert_element_type3A_62 = arith.extui %lt3A_61 : i1 to i32
      %cond3A_63 = arith.constant 0 : i32
      %cond3A_64 = arith.cmpi ne, %convert_element_type3A_62, %cond3A_63 : i32
      scf.if %cond3A_64 {
        %add3A_83 = arith.addi %mul3A_4, %add3A_60 : i32
        %mul3A_84 = arith.constant 512 : i32
        %mul3A_85 = arith.muli %add3A_83, %mul3A_84 : i32
        %dma_wait3A = arith.constant 0 : i32
        %dma_wait3A_86 = tpu.memref_slice %arg2[%dma_wait3A, %mul3A_85] : memref<16x1000000xf32, #tpu.memory_space<hbm>> -> memref<16x512xf32, #tpu.memory_space<hbm>>
        %dma_wait3A_87 = arith.constant 0 : i32
        %dma_wait3A_88 = tpu.memref_slice %arg2[%dma_wait3A_87, %mul3A_85] : memref<16x1000000xf32, #tpu.memory_space<hbm>> -> memref<16x512xf32, #tpu.memory_space<hbm>>
        tpu.wait_dma2 semaphore(%arg10 : memref<!tpu.dma_semaphore, #tpu.memory_space<semaphore_mem>>) src(%dma_wait3A_88 : memref<16x512xf32, #tpu.memory_space<hbm>>) dst(%arg6 : memref<16x512xf32, #tpu.memory_space<vmem>>)
        %iota3A = tpu.iota {dimensions = array<i32: 0>} : vector<16xi32>
        %shift_right_arithmetic3A = arith.constant 3 : i32
        %shift_right_arithmetic3A_89 = vector.broadcast %shift_right_arithmetic3A : i32 to vector<16xi32>
        %shift_right_arithmetic3A_90 = arith.shrsi %iota3A, %shift_right_arithmetic3A_89 : vector<16xi32>
        %and3A = arith.constant 7 : i32
        %and3A_91 = vector.broadcast %and3A : i32 to vector<16xi32>
        %and3A_92 = arith.andi %iota3A, %and3A_91 : vector<16xi32>
        %shift_left3A = arith.constant 4 : i32
        %shift_left3A_93 = vector.broadcast %shift_left3A : i32 to vector<16xi32>
        %shift_left3A_94 = arith.shli %and3A_92, %shift_left3A_93 : vector<16xi32>
        %add3A_95 = arith.constant 0 : i32
        %add3A_96 = vector.broadcast %add3A_95 : i32 to vector<16xi32>
        %add3A_97 = arith.addi %shift_left3A_94, %add3A_96 : vector<16xi32>
        %and3A_98 = arith.constant 7 : i32
        %and3A_99 = vector.broadcast %and3A_98 : i32 to vector<16xi32>
        %and3A_100 = arith.andi %iota3A, %and3A_99 : vector<16xi32>
        %shift_left3A_101 = arith.constant 4 : i32
        %shift_left3A_102 = vector.broadcast %shift_left3A_101 : i32 to vector<16xi32>
        %shift_left3A_103 = arith.shli %and3A_100, %shift_left3A_102 : vector<16xi32>
        %add3A_104 = arith.constant 1 : i32
        %add3A_105 = vector.broadcast %add3A_104 : i32 to vector<16xi32>
        %add3A_106 = arith.addi %shift_left3A_103, %add3A_105 : vector<16xi32>
        %and3A_107 = arith.constant 7 : i32
        %and3A_108 = vector.broadcast %and3A_107 : i32 to vector<16xi32>
        %and3A_109 = arith.andi %iota3A, %and3A_108 : vector<16xi32>
        %shift_left3A_110 = arith.constant 4 : i32
        %shift_left3A_111 = vector.broadcast %shift_left3A_110 : i32 to vector<16xi32>
        %shift_left3A_112 = arith.shli %and3A_109, %shift_left3A_111 : vector<16xi32>
        %add3A_113 = arith.constant 2 : i32
        %add3A_114 = vector.broadcast %add3A_113 : i32 to vector<16xi32>
        %add3A_115 = arith.addi %shift_left3A_112, %add3A_114 : vector<16xi32>
        %and3A_116 = arith.constant 7 : i32
        %and3A_117 = vector.broadcast %and3A_116 : i32 to vector<16xi32>
        %and3A_118 = arith.andi %iota3A, %and3A_117 : vector<16xi32>
        %shift_left3A_119 = arith.constant 4 : i32
        %shift_left3A_120 = vector.broadcast %shift_left3A_119 : i32 to vector<16xi32>
        %shift_left3A_121 = arith.shli %and3A_118, %shift_left3A_120 : vector<16xi32>
        %add3A_122 = arith.constant 3 : i32
        %add3A_123 = vector.broadcast %add3A_122 : i32 to vector<16xi32>
        %add3A_124 = arith.addi %shift_left3A_121, %add3A_123 : vector<16xi32>
        %and3A_125 = arith.constant 7 : i32
        %and3A_126 = vector.broadcast %and3A_125 : i32 to vector<16xi32>
        %and3A_127 = arith.andi %iota3A, %and3A_126 : vector<16xi32>
        %shift_left3A_128 = arith.constant 4 : i32
        %shift_left3A_129 = vector.broadcast %shift_left3A_128 : i32 to vector<16xi32>
        %shift_left3A_130 = arith.shli %and3A_127, %shift_left3A_129 : vector<16xi32>
        %add3A_131 = arith.constant 4 : i32
        %add3A_132 = vector.broadcast %add3A_131 : i32 to vector<16xi32>
        %add3A_133 = arith.addi %shift_left3A_130, %add3A_132 : vector<16xi32>
        %and3A_134 = arith.constant 7 : i32
        %and3A_135 = vector.broadcast %and3A_134 : i32 to vector<16xi32>
        %and3A_136 = arith.andi %iota3A, %and3A_135 : vector<16xi32>
        %shift_left3A_137 = arith.constant 4 : i32
        %shift_left3A_138 = vector.broadcast %shift_left3A_137 : i32 to vector<16xi32>
        %shift_left3A_139 = arith.shli %and3A_136, %shift_left3A_138 : vector<16xi32>
        %add3A_140 = arith.constant 5 : i32
        %add3A_141 = vector.broadcast %add3A_140 : i32 to vector<16xi32>
        %add3A_142 = arith.addi %shift_left3A_139, %add3A_141 : vector<16xi32>
        %and3A_143 = arith.constant 7 : i32
        %and3A_144 = vector.broadcast %and3A_143 : i32 to vector<16xi32>
        %and3A_145 = arith.andi %iota3A, %and3A_144 : vector<16xi32>
        %shift_left3A_146 = arith.constant 4 : i32
        %shift_left3A_147 = vector.broadcast %shift_left3A_146 : i32 to vector<16xi32>
        %shift_left3A_148 = arith.shli %and3A_145, %shift_left3A_147 : vector<16xi32>
        %add3A_149 = arith.constant 6 : i32
        %add3A_150 = vector.broadcast %add3A_149 : i32 to vector<16xi32>
        %add3A_151 = arith.addi %shift_left3A_148, %add3A_150 : vector<16xi32>
        %and3A_152 = arith.constant 7 : i32
        %and3A_153 = vector.broadcast %and3A_152 : i32 to vector<16xi32>
        %and3A_154 = arith.andi %iota3A, %and3A_153 : vector<16xi32>
        %shift_left3A_155 = arith.constant 4 : i32
        %shift_left3A_156 = vector.broadcast %shift_left3A_155 : i32 to vector<16xi32>
        %shift_left3A_157 = arith.shli %and3A_154, %shift_left3A_156 : vector<16xi32>
        %add3A_158 = arith.constant 7 : i32
        %add3A_159 = vector.broadcast %add3A_158 : i32 to vector<16xi32>
        %add3A_160 = arith.addi %shift_left3A_157, %add3A_159 : vector<16xi32>
        %and3A_161 = arith.constant 7 : i32
        %and3A_162 = vector.broadcast %and3A_161 : i32 to vector<16xi32>
        %and3A_163 = arith.andi %iota3A, %and3A_162 : vector<16xi32>
        %shift_left3A_164 = arith.constant 4 : i32
        %shift_left3A_165 = vector.broadcast %shift_left3A_164 : i32 to vector<16xi32>
        %shift_left3A_166 = arith.shli %and3A_163, %shift_left3A_165 : vector<16xi32>
        %add3A_167 = arith.constant 8 : i32
        %add3A_168 = vector.broadcast %add3A_167 : i32 to vector<16xi32>
        %add3A_169 = arith.addi %shift_left3A_166, %add3A_168 : vector<16xi32>
        %and3A_170 = arith.constant 7 : i32
        %and3A_171 = vector.broadcast %and3A_170 : i32 to vector<16xi32>
        %and3A_172 = arith.andi %iota3A, %and3A_171 : vector<16xi32>
        %shift_left3A_173 = arith.constant 4 : i32
        %shift_left3A_174 = vector.broadcast %shift_left3A_173 : i32 to vector<16xi32>
        %shift_left3A_175 = arith.shli %and3A_172, %shift_left3A_174 : vector<16xi32>
        %add3A_176 = arith.constant 9 : i32
        %add3A_177 = vector.broadcast %add3A_176 : i32 to vector<16xi32>
        %add3A_178 = arith.addi %shift_left3A_175, %add3A_177 : vector<16xi32>
        %and3A_179 = arith.constant 7 : i32
        %and3A_180 = vector.broadcast %and3A_179 : i32 to vector<16xi32>
        %and3A_181 = arith.andi %iota3A, %and3A_180 : vector<16xi32>
        %shift_left3A_182 = arith.constant 4 : i32
        %shift_left3A_183 = vector.broadcast %shift_left3A_182 : i32 to vector<16xi32>
        %shift_left3A_184 = arith.shli %and3A_181, %shift_left3A_183 : vector<16xi32>
        %add3A_185 = arith.constant 10 : i32
        %add3A_186 = vector.broadcast %add3A_185 : i32 to vector<16xi32>
        %add3A_187 = arith.addi %shift_left3A_184, %add3A_186 : vector<16xi32>
        %and3A_188 = arith.constant 7 : i32
        %and3A_189 = vector.broadcast %and3A_188 : i32 to vector<16xi32>
        %and3A_190 = arith.andi %iota3A, %and3A_189 : vector<16xi32>
        %shift_left3A_191 = arith.constant 4 : i32
        %shift_left3A_192 = vector.broadcast %shift_left3A_191 : i32 to vector<16xi32>
        %shift_left3A_193 = arith.shli %and3A_190, %shift_left3A_192 : vector<16xi32>
        %add3A_194 = arith.constant 11 : i32
        %add3A_195 = vector.broadcast %add3A_194 : i32 to vector<16xi32>
        %add3A_196 = arith.addi %shift_left3A_193, %add3A_195 : vector<16xi32>
        %and3A_197 = arith.constant 7 : i32
        %and3A_198 = vector.broadcast %and3A_197 : i32 to vector<16xi32>
        %and3A_199 = arith.andi %iota3A, %and3A_198 : vector<16xi32>
        %shift_left3A_200 = arith.constant 4 : i32
        %shift_left3A_201 = vector.broadcast %shift_left3A_200 : i32 to vector<16xi32>
        %shift_left3A_202 = arith.shli %and3A_199, %shift_left3A_201 : vector<16xi32>
        %add3A_203 = arith.constant 12 : i32
        %add3A_204 = vector.broadcast %add3A_203 : i32 to vector<16xi32>
        %add3A_205 = arith.addi %shift_left3A_202, %add3A_204 : vector<16xi32>
        %and3A_206 = arith.constant 7 : i32
        %and3A_207 = vector.broadcast %and3A_206 : i32 to vector<16xi32>
        %and3A_208 = arith.andi %iota3A, %and3A_207 : vector<16xi32>
        %shift_left3A_209 = arith.constant 4 : i32
        %shift_left3A_210 = vector.broadcast %shift_left3A_209 : i32 to vector<16xi32>
        %shift_left3A_211 = arith.shli %and3A_208, %shift_left3A_210 : vector<16xi32>
        %add3A_212 = arith.constant 13 : i32
        %add3A_213 = vector.broadcast %add3A_212 : i32 to vector<16xi32>
        %add3A_214 = arith.addi %shift_left3A_211, %add3A_213 : vector<16xi32>
        %and3A_215 = arith.constant 7 : i32
        %and3A_216 = vector.broadcast %and3A_215 : i32 to vector<16xi32>
        %and3A_217 = arith.andi %iota3A, %and3A_216 : vector<16xi32>
        %shift_left3A_218 = arith.constant 4 : i32
        %shift_left3A_219 = vector.broadcast %shift_left3A_218 : i32 to vector<16xi32>
        %shift_left3A_220 = arith.shli %and3A_217, %shift_left3A_219 : vector<16xi32>
        %add3A_221 = arith.constant 14 : i32
        %add3A_222 = vector.broadcast %add3A_221 : i32 to vector<16xi32>
        %add3A_223 = arith.addi %shift_left3A_220, %add3A_222 : vector<16xi32>
        %and3A_224 = arith.constant 7 : i32
        %and3A_225 = vector.broadcast %and3A_224 : i32 to vector<16xi32>
        %and3A_226 = arith.andi %iota3A, %and3A_225 : vector<16xi32>
        %shift_left3A_227 = arith.constant 4 : i32
        %shift_left3A_228 = vector.broadcast %shift_left3A_227 : i32 to vector<16xi32>
        %shift_left3A_229 = arith.shli %and3A_226, %shift_left3A_228 : vector<16xi32>
        %add3A_230 = arith.constant 15 : i32
        %add3A_231 = vector.broadcast %add3A_230 : i32 to vector<16xi32>
        %add3A_232 = arith.addi %shift_left3A_229, %add3A_231 : vector<16xi32>
        %scan3A_233 = arith.constant 0 : i32
        %scan3A_234 = arith.constant 32 : i32
        %scan3A_235 = arith.addi %scan3A_233, %scan3A_234 : i32
        %scan3A_236 = arith.constant 1 : i32
        scf.for %scan3A_244 = %scan3A_233 to %scan3A_235 step %scan3A_236  : i32 {
          %mul3A_245 = arith.constant 16 : i32
          %mul3A_246 = arith.muli %scan3A_244, %mul3A_245 : i32
          %add3A_247 = arith.constant 0 : i32
          %add3A_248 = arith.addi %add3A_247, %mul3A_246 : i32
          %shift_right_arithmetic3A_249 = arith.constant 3 : i32
          %shift_right_arithmetic3A_250 = arith.shrsi %add3A_248, %shift_right_arithmetic3A_249 : i32
          %add3A_251 = vector.broadcast %shift_right_arithmetic3A_250 : i32 to vector<16xi32>
          %add3A_252 = arith.addi %shift_right_arithmetic3A_90, %add3A_251 : vector<16xi32>
          %get3A = arith.constant 0 : i32
          %get3A_253 = arith.index_cast %get3A : i32 to index
          %get3A_254 = arith.index_cast %add3A_248 : i32 to index
          %get3A_255 = tpu.vector_load %arg6[%get3A_253, %get3A_254] {strides = array<i32>} : memref<16x512xf32, #tpu.memory_space<vmem>>, vector<16xf32>,
          tpu.vector_store_idx %arg8[%add3A_252, %add3A_97], %get3A_255 : memref<64x128xf32, #tpu.memory_space<vmem>>[vector<16xi32>, vector<16xi32>], vector<16xf32>,
          %get3A_256 = arith.constant 1 : i32
          %get3A_257 = arith.index_cast %get3A_256 : i32 to index
          %get3A_258 = arith.index_cast %add3A_248 : i32 to index
          %get3A_259 = tpu.vector_load %arg6[%get3A_257, %get3A_258] {strides = array<i32>} : memref<16x512xf32, #tpu.memory_space<vmem>>, vector<16xf32>,
          tpu.vector_store_idx %arg8[%add3A_252, %add3A_106], %get3A_259 : memref<64x128xf32, #tpu.memory_space<vmem>>[vector<16xi32>, vector<16xi32>], vector<16xf32>,
          %get3A_260 = arith.constant 2 : i32
          %get3A_261 = arith.index_cast %get3A_260 : i32 to index
          %get3A_262 = arith.index_cast %add3A_248 : i32 to index
          %get3A_263 = tpu.vector_load %arg6[%get3A_261, %get3A_262] {strides = array<i32>} : memref<16x512xf32, #tpu.memory_space<vmem>>, vector<16xf32>,
          tpu.vector_store_idx %arg8[%add3A_252, %add3A_115], %get3A_263 : memref<64x128xf32, #tpu.memory_space<vmem>>[vector<16xi32>, vector<16xi32>], vector<16xf32>,
          %get3A_264 = arith.constant 3 : i32
          %get3A_265 = arith.index_cast %get3A_264 : i32 to index
          %get3A_266 = arith.index_cast %add3A_248 : i32 to index
          %get3A_267 = tpu.vector_load %arg6[%get3A_265, %get3A_266] {strides = array<i32>} : memref<16x512xf32, #tpu.memory_space<vmem>>, vector<16xf32>,
          tpu.vector_store_idx %arg8[%add3A_252, %add3A_124], %get3A_267 : memref<64x128xf32, #tpu.memory_space<vmem>>[vector<16xi32>, vector<16xi32>], vector<16xf32>,
          %get3A_268 = arith.constant 4 : i32
          %get3A_269 = arith.index_cast %get3A_268 : i32 to index
          %get3A_270 = arith.index_cast %add3A_248 : i32 to index
          %get3A_271 = tpu.vector_load %arg6[%get3A_269, %get3A_270] {strides = array<i32>} : memref<16x512xf32, #tpu.memory_space<vmem>>, vector<16xf32>,
          tpu.vector_store_idx %arg8[%add3A_252, %add3A_133], %get3A_271 : memref<64x128xf32, #tpu.memory_space<vmem>>[vector<16xi32>, vector<16xi32>], vector<16xf32>,
          %get3A_272 = arith.constant 5 : i32
          %get3A_273 = arith.index_cast %get3A_272 : i32 to index
          %get3A_274 = arith.index_cast %add3A_248 : i32 to index
          %get3A_275 = tpu.vector_load %arg6[%get3A_273, %get3A_274] {strides = array<i32>} : memref<16x512xf32, #tpu.memory_space<vmem>>, vector<16xf32>,
          tpu.vector_store_idx %arg8[%add3A_252, %add3A_142], %get3A_275 : memref<64x128xf32, #tpu.memory_space<vmem>>[vector<16xi32>, vector<16xi32>], vector<16xf32>,
          %get3A_276 = arith.constant 6 : i32
          %get3A_277 = arith.index_cast %get3A_276 : i32 to index
          %get3A_278 = arith.index_cast %add3A_248 : i32 to index
          %get3A_279 = tpu.vector_load %arg6[%get3A_277, %get3A_278] {strides = array<i32>} : memref<16x512xf32, #tpu.memory_space<vmem>>, vector<16xf32>,
          tpu.vector_store_idx %arg8[%add3A_252, %add3A_151], %get3A_279 : memref<64x128xf32, #tpu.memory_space<vmem>>[vector<16xi32>, vector<16xi32>], vector<16xf32>,
          %get3A_280 = arith.constant 7 : i32
          %get3A_281 = arith.index_cast %get3A_280 : i32 to index
          %get3A_282 = arith.index_cast %add3A_248 : i32 to index
          %get3A_283 = tpu.vector_load %arg6[%get3A_281, %get3A_282] {strides = array<i32>} : memref<16x512xf32, #tpu.memory_space<vmem>>, vector<16xf32>,
          tpu.vector_store_idx %arg8[%add3A_252, %add3A_160], %get3A_283 : memref<64x128xf32, #tpu.memory_space<vmem>>[vector<16xi32>, vector<16xi32>], vector<16xf32>,
          %get3A_284 = arith.constant 8 : i32
          %get3A_285 = arith.index_cast %get3A_284 : i32 to index
          %get3A_286 = arith.index_cast %add3A_248 : i32 to index
          %get3A_287 = tpu.vector_load %arg6[%get3A_285, %get3A_286] {strides = array<i32>} : memref<16x512xf32, #tpu.memory_space<vmem>>, vector<16xf32>,
          tpu.vector_store_idx %arg8[%add3A_252, %add3A_169], %get3A_287 : memref<64x128xf32, #tpu.memory_space<vmem>>[vector<16xi32>, vector<16xi32>], vector<16xf32>,
          %get3A_288 = arith.constant 9 : i32
          %get3A_289 = arith.index_cast %get3A_288 : i32 to index
          %get3A_290 = arith.index_cast %add3A_248 : i32 to index
          %get3A_291 = tpu.vector_load %arg6[%get3A_289, %get3A_290] {strides = array<i32>} : memref<16x512xf32, #tpu.memory_space<vmem>>, vector<16xf32>,
          tpu.vector_store_idx %arg8[%add3A_252, %add3A_178], %get3A_291 : memref<64x128xf32, #tpu.memory_space<vmem>>[vector<16xi32>, vector<16xi32>], vector<16xf32>,
          %get3A_292 = arith.constant 10 : i32
          %get3A_293 = arith.index_cast %get3A_292 : i32 to index
          %get3A_294 = arith.index_cast %add3A_248 : i32 to index
          %get3A_295 = tpu.vector_load %arg6[%get3A_293, %get3A_294] {strides = array<i32>} : memref<16x512xf32, #tpu.memory_space<vmem>>, vector<16xf32>,
          tpu.vector_store_idx %arg8[%add3A_252, %add3A_187], %get3A_295 : memref<64x128xf32, #tpu.memory_space<vmem>>[vector<16xi32>, vector<16xi32>], vector<16xf32>,
          %get3A_296 = arith.constant 11 : i32
          %get3A_297 = arith.index_cast %get3A_296 : i32 to index
          %get3A_298 = arith.index_cast %add3A_248 : i32 to index
          %get3A_299 = tpu.vector_load %arg6[%get3A_297, %get3A_298] {strides = array<i32>} : memref<16x512xf32, #tpu.memory_space<vmem>>, vector<16xf32>,
          tpu.vector_store_idx %arg8[%add3A_252, %add3A_196], %get3A_299 : memref<64x128xf32, #tpu.memory_space<vmem>>[vector<16xi32>, vector<16xi32>], vector<16xf32>,
          %get3A_300 = arith.constant 12 : i32
          %get3A_301 = arith.index_cast %get3A_300 : i32 to index
          %get3A_302 = arith.index_cast %add3A_248 : i32 to index
          %get3A_303 = tpu.vector_load %arg6[%get3A_301, %get3A_302] {strides = array<i32>} : memref<16x512xf32, #tpu.memory_space<vmem>>, vector<16xf32>,
          tpu.vector_store_idx %arg8[%add3A_252, %add3A_205], %get3A_303 : memref<64x128xf32, #tpu.memory_space<vmem>>[vector<16xi32>, vector<16xi32>], vector<16xf32>,
          %get3A_304 = arith.constant 13 : i32
          %get3A_305 = arith.index_cast %get3A_304 : i32 to index
          %get3A_306 = arith.index_cast %add3A_248 : i32 to index
          %get3A_307 = tpu.vector_load %arg6[%get3A_305, %get3A_306] {strides = array<i32>} : memref<16x512xf32, #tpu.memory_space<vmem>>, vector<16xf32>,
          tpu.vector_store_idx %arg8[%add3A_252, %add3A_214], %get3A_307 : memref<64x128xf32, #tpu.memory_space<vmem>>[vector<16xi32>, vector<16xi32>], vector<16xf32>,
          %get3A_308 = arith.constant 14 : i32
          %get3A_309 = arith.index_cast %get3A_308 : i32 to index
          %get3A_310 = arith.index_cast %add3A_248 : i32 to index
          %get3A_311 = tpu.vector_load %arg6[%get3A_309, %get3A_310] {strides = array<i32>} : memref<16x512xf32, #tpu.memory_space<vmem>>, vector<16xf32>,
          tpu.vector_store_idx %arg8[%add3A_252, %add3A_223], %get3A_311 : memref<64x128xf32, #tpu.memory_space<vmem>>[vector<16xi32>, vector<16xi32>], vector<16xf32>,
          %get3A_312 = arith.constant 15 : i32
          %get3A_313 = arith.index_cast %get3A_312 : i32 to index
          %get3A_314 = arith.index_cast %add3A_248 : i32 to index
          %get3A_315 = tpu.vector_load %arg6[%get3A_313, %get3A_314] {strides = array<i32>} : memref<16x512xf32, #tpu.memory_space<vmem>>, vector<16xf32>,
          tpu.vector_store_idx %arg8[%add3A_252, %add3A_232], %get3A_315 : memref<64x128xf32, #tpu.memory_space<vmem>>[vector<16xi32>, vector<16xi32>], vector<16xf32>,
        }
        %scan3A_237 = arith.constant 32 : i32
        %add3A_238 = arith.addi %mul3A_4, %add3A_60 : i32
        %mul3A_239 = arith.constant 64 : i32
        %mul3A_240 = arith.muli %add3A_238, %mul3A_239 : i32
        %dma_start3A = arith.constant 0 : i32
        %dma_start3A_241 = tpu.memref_slice %arg4[%mul3A_240, %dma_start3A] : memref<125000x128xf32, #tpu.memory_space<hbm>> -> memref<64x128xf32, #tpu.memory_space<hbm>>
        %dma_start3A_242 = arith.constant 0 : i32
        %dma_start3A_243 = tpu.memref_slice %arg4[%mul3A_240, %dma_start3A_242] : memref<125000x128xf32, #tpu.memory_space<hbm>> -> memref<64x128xf32, #tpu.memory_space<hbm>>
        tpu.enqueue_dma source(%arg8 : memref<64x128xf32, #tpu.memory_space<vmem>>) target(%dma_start3A_243 : memref<64x128xf32, #tpu.memory_space<hbm>>) target_semaphore(%arg12 : memref<!tpu.dma_semaphore, #tpu.memory_space<semaphore_mem>>)
      } else {
      }
      %add3A_65 = arith.constant 1 : i32
      %add3A_66 = arith.addi %mul3A_49, %add3A_65 : i32
      %lt3A_67 = arith.cmpi slt, %add3A_66, %add3A_9 : i32
      %convert_element_type3A_68 = arith.extui %lt3A_67 : i1 to i32
      %cond3A_69 = arith.constant 0 : i32
      %cond3A_70 = arith.cmpi ne, %convert_element_type3A_68, %cond3A_69 : i32
      scf.if %cond3A_70 {
        %add3A_83 = arith.addi %mul3A_4, %add3A_66 : i32
        %mul3A_84 = arith.constant 64 : i32
        %mul3A_85 = arith.muli %add3A_83, %mul3A_84 : i32
        %dma_wait3A = arith.constant 0 : i32
        %dma_wait3A_86 = tpu.memref_slice %arg4[%mul3A_85, %dma_wait3A] : memref<125000x128xf32, #tpu.memory_space<hbm>> -> memref<64x128xf32, #tpu.memory_space<hbm>>
        %dma_wait3A_87 = arith.constant 0 : i32
        %dma_wait3A_88 = tpu.memref_slice %arg4[%mul3A_85, %dma_wait3A_87] : memref<125000x128xf32, #tpu.memory_space<hbm>> -> memref<64x128xf32, #tpu.memory_space<hbm>>
        tpu.wait_dma2 semaphore(%arg12 : memref<!tpu.dma_semaphore, #tpu.memory_space<semaphore_mem>>) src(%arg8 : memref<64x128xf32, #tpu.memory_space<vmem>>) dst(%dma_wait3A_88 : memref<64x128xf32, #tpu.memory_space<hbm>>)
      } else {
      }
      %add3A_71 = arith.constant 3 : i32
      %add3A_72 = arith.addi %mul3A_49, %add3A_71 : i32
      %lt3A_73 = arith.cmpi slt, %add3A_72, %add3A_9 : i32
      %convert_element_type3A_74 = arith.extui %lt3A_73 : i1 to i32
      %cond3A_75 = arith.constant 0 : i32
      %cond3A_76 = arith.cmpi ne, %convert_element_type3A_74, %cond3A_75 : i32
      scf.if %cond3A_76 {
        %add3A_83 = arith.addi %mul3A_4, %add3A_72 : i32
        %mul3A_84 = arith.constant 512 : i32
        %mul3A_85 = arith.muli %add3A_83, %mul3A_84 : i32
        %dma_start3A = arith.constant 0 : i32
        %dma_start3A_86 = tpu.memref_slice %arg2[%dma_start3A, %mul3A_85] : memref<16x1000000xf32, #tpu.memory_space<hbm>> -> memref<16x512xf32, #tpu.memory_space<hbm>>
        %dma_start3A_87 = arith.constant 0 : i32
        %dma_start3A_88 = tpu.memref_slice %arg2[%dma_start3A_87, %mul3A_85] : memref<16x1000000xf32, #tpu.memory_space<hbm>> -> memref<16x512xf32, #tpu.memory_space<hbm>>
        tpu.enqueue_dma source(%dma_start3A_88 : memref<16x512xf32, #tpu.memory_space<hbm>>) target(%arg6 : memref<16x512xf32, #tpu.memory_space<vmem>>) target_semaphore(%arg10 : memref<!tpu.dma_semaphore, #tpu.memory_space<semaphore_mem>>)
      } else {
      }
      %add3A_77 = arith.constant 2 : i32
      %add3A_78 = arith.addi %mul3A_49, %add3A_77 : i32
      %lt3A_79 = arith.cmpi slt, %add3A_78, %add3A_9 : i32
      %convert_element_type3A_80 = arith.extui %lt3A_79 : i1 to i32
      %cond3A_81 = arith.constant 0 : i32
      %cond3A_82 = arith.cmpi ne, %convert_element_type3A_80, %cond3A_81 : i32
      scf.if %cond3A_82 {
        %add3A_83 = arith.addi %mul3A_4, %add3A_78 : i32
        %mul3A_84 = arith.constant 512 : i32
        %mul3A_85 = arith.muli %add3A_83, %mul3A_84 : i32
        %dma_wait3A = arith.constant 0 : i32
        %dma_wait3A_86 = tpu.memref_slice %arg2[%dma_wait3A, %mul3A_85] : memref<16x1000000xf32, #tpu.memory_space<hbm>> -> memref<16x512xf32, #tpu.memory_space<hbm>>
        %dma_wait3A_87 = arith.constant 0 : i32
        %dma_wait3A_88 = tpu.memref_slice %arg2[%dma_wait3A_87, %mul3A_85] : memref<16x1000000xf32, #tpu.memory_space<hbm>> -> memref<16x512xf32, #tpu.memory_space<hbm>>
        tpu.wait_dma2 semaphore(%arg9 : memref<!tpu.dma_semaphore, #tpu.memory_space<semaphore_mem>>) src(%dma_wait3A_88 : memref<16x512xf32, #tpu.memory_space<hbm>>) dst(%arg5 : memref<16x512xf32, #tpu.memory_space<vmem>>)
        %iota3A = tpu.iota {dimensions = array<i32: 0>} : vector<16xi32>
        %shift_right_arithmetic3A = arith.constant 3 : i32
        %shift_right_arithmetic3A_89 = vector.broadcast %shift_right_arithmetic3A : i32 to vector<16xi32>
        %shift_right_arithmetic3A_90 = arith.shrsi %iota3A, %shift_right_arithmetic3A_89 : vector<16xi32>
        %and3A = arith.constant 7 : i32
        %and3A_91 = vector.broadcast %and3A : i32 to vector<16xi32>
        %and3A_92 = arith.andi %iota3A, %and3A_91 : vector<16xi32>
        %shift_left3A = arith.constant 4 : i32
        %shift_left3A_93 = vector.broadcast %shift_left3A : i32 to vector<16xi32>
        %shift_left3A_94 = arith.shli %and3A_92, %shift_left3A_93 : vector<16xi32>
        %add3A_95 = arith.constant 0 : i32
        %add3A_96 = vector.broadcast %add3A_95 : i32 to vector<16xi32>
        %add3A_97 = arith.addi %shift_left3A_94, %add3A_96 : vector<16xi32>
        %and3A_98 = arith.constant 7 : i32
        %and3A_99 = vector.broadcast %and3A_98 : i32 to vector<16xi32>
        %and3A_100 = arith.andi %iota3A, %and3A_99 : vector<16xi32>
        %shift_left3A_101 = arith.constant 4 : i32
        %shift_left3A_102 = vector.broadcast %shift_left3A_101 : i32 to vector<16xi32>
        %shift_left3A_103 = arith.shli %and3A_100, %shift_left3A_102 : vector<16xi32>
        %add3A_104 = arith.constant 1 : i32
        %add3A_105 = vector.broadcast %add3A_104 : i32 to vector<16xi32>
        %add3A_106 = arith.addi %shift_left3A_103, %add3A_105 : vector<16xi32>
        %and3A_107 = arith.constant 7 : i32
        %and3A_108 = vector.broadcast %and3A_107 : i32 to vector<16xi32>
        %and3A_109 = arith.andi %iota3A, %and3A_108 : vector<16xi32>
        %shift_left3A_110 = arith.constant 4 : i32
        %shift_left3A_111 = vector.broadcast %shift_left3A_110 : i32 to vector<16xi32>
        %shift_left3A_112 = arith.shli %and3A_109, %shift_left3A_111 : vector<16xi32>
        %add3A_113 = arith.constant 2 : i32
        %add3A_114 = vector.broadcast %add3A_113 : i32 to vector<16xi32>
        %add3A_115 = arith.addi %shift_left3A_112, %add3A_114 : vector<16xi32>
        %and3A_116 = arith.constant 7 : i32
        %and3A_117 = vector.broadcast %and3A_116 : i32 to vector<16xi32>
        %and3A_118 = arith.andi %iota3A, %and3A_117 : vector<16xi32>
        %shift_left3A_119 = arith.constant 4 : i32
        %shift_left3A_120 = vector.broadcast %shift_left3A_119 : i32 to vector<16xi32>
        %shift_left3A_121 = arith.shli %and3A_118, %shift_left3A_120 : vector<16xi32>
        %add3A_122 = arith.constant 3 : i32
        %add3A_123 = vector.broadcast %add3A_122 : i32 to vector<16xi32>
        %add3A_124 = arith.addi %shift_left3A_121, %add3A_123 : vector<16xi32>
        %and3A_125 = arith.constant 7 : i32
        %and3A_126 = vector.broadcast %and3A_125 : i32 to vector<16xi32>
        %and3A_127 = arith.andi %iota3A, %and3A_126 : vector<16xi32>
        %shift_left3A_128 = arith.constant 4 : i32
        %shift_left3A_129 = vector.broadcast %shift_left3A_128 : i32 to vector<16xi32>
        %shift_left3A_130 = arith.shli %and3A_127, %shift_left3A_129 : vector<16xi32>
        %add3A_131 = arith.constant 4 : i32
        %add3A_132 = vector.broadcast %add3A_131 : i32 to vector<16xi32>
        %add3A_133 = arith.addi %shift_left3A_130, %add3A_132 : vector<16xi32>
        %and3A_134 = arith.constant 7 : i32
        %and3A_135 = vector.broadcast %and3A_134 : i32 to vector<16xi32>
        %and3A_136 = arith.andi %iota3A, %and3A_135 : vector<16xi32>
        %shift_left3A_137 = arith.constant 4 : i32
        %shift_left3A_138 = vector.broadcast %shift_left3A_137 : i32 to vector<16xi32>
        %shift_left3A_139 = arith.shli %and3A_136, %shift_left3A_138 : vector<16xi32>
        %add3A_140 = arith.constant 5 : i32
        %add3A_141 = vector.broadcast %add3A_140 : i32 to vector<16xi32>
        %add3A_142 = arith.addi %shift_left3A_139, %add3A_141 : vector<16xi32>
        %and3A_143 = arith.constant 7 : i32
        %and3A_144 = vector.broadcast %and3A_143 : i32 to vector<16xi32>
        %and3A_145 = arith.andi %iota3A, %and3A_144 : vector<16xi32>
        %shift_left3A_146 = arith.constant 4 : i32
        %shift_left3A_147 = vector.broadcast %shift_left3A_146 : i32 to vector<16xi32>
        %shift_left3A_148 = arith.shli %and3A_145, %shift_left3A_147 : vector<16xi32>
        %add3A_149 = arith.constant 6 : i32
        %add3A_150 = vector.broadcast %add3A_149 : i32 to vector<16xi32>
        %add3A_151 = arith.addi %shift_left3A_148, %add3A_150 : vector<16xi32>
        %and3A_152 = arith.constant 7 : i32
        %and3A_153 = vector.broadcast %and3A_152 : i32 to vector<16xi32>
        %and3A_154 = arith.andi %iota3A, %and3A_153 : vector<16xi32>
        %shift_left3A_155 = arith.constant 4 : i32
        %shift_left3A_156 = vector.broadcast %shift_left3A_155 : i32 to vector<16xi32>
        %shift_left3A_157 = arith.shli %and3A_154, %shift_left3A_156 : vector<16xi32>
        %add3A_158 = arith.constant 7 : i32
        %add3A_159 = vector.broadcast %add3A_158 : i32 to vector<16xi32>
        %add3A_160 = arith.addi %shift_left3A_157, %add3A_159 : vector<16xi32>
        %and3A_161 = arith.constant 7 : i32
        %and3A_162 = vector.broadcast %and3A_161 : i32 to vector<16xi32>
        %and3A_163 = arith.andi %iota3A, %and3A_162 : vector<16xi32>
        %shift_left3A_164 = arith.constant 4 : i32
        %shift_left3A_165 = vector.broadcast %shift_left3A_164 : i32 to vector<16xi32>
        %shift_left3A_166 = arith.shli %and3A_163, %shift_left3A_165 : vector<16xi32>
        %add3A_167 = arith.constant 8 : i32
        %add3A_168 = vector.broadcast %add3A_167 : i32 to vector<16xi32>
        %add3A_169 = arith.addi %shift_left3A_166, %add3A_168 : vector<16xi32>
        %and3A_170 = arith.constant 7 : i32
        %and3A_171 = vector.broadcast %and3A_170 : i32 to vector<16xi32>
        %and3A_172 = arith.andi %iota3A, %and3A_171 : vector<16xi32>
        %shift_left3A_173 = arith.constant 4 : i32
        %shift_left3A_174 = vector.broadcast %shift_left3A_173 : i32 to vector<16xi32>
        %shift_left3A_175 = arith.shli %and3A_172, %shift_left3A_174 : vector<16xi32>
        %add3A_176 = arith.constant 9 : i32
        %add3A_177 = vector.broadcast %add3A_176 : i32 to vector<16xi32>
        %add3A_178 = arith.addi %shift_left3A_175, %add3A_177 : vector<16xi32>
        %and3A_179 = arith.constant 7 : i32
        %and3A_180 = vector.broadcast %and3A_179 : i32 to vector<16xi32>
        %and3A_181 = arith.andi %iota3A, %and3A_180 : vector<16xi32>
        %shift_left3A_182 = arith.constant 4 : i32
        %shift_left3A_183 = vector.broadcast %shift_left3A_182 : i32 to vector<16xi32>
        %shift_left3A_184 = arith.shli %and3A_181, %shift_left3A_183 : vector<16xi32>
        %add3A_185 = arith.constant 10 : i32
        %add3A_186 = vector.broadcast %add3A_185 : i32 to vector<16xi32>
        %add3A_187 = arith.addi %shift_left3A_184, %add3A_186 : vector<16xi32>
        %and3A_188 = arith.constant 7 : i32
        %and3A_189 = vector.broadcast %and3A_188 : i32 to vector<16xi32>
        %and3A_190 = arith.andi %iota3A, %and3A_189 : vector<16xi32>
        %shift_left3A_191 = arith.constant 4 : i32
        %shift_left3A_192 = vector.broadcast %shift_left3A_191 : i32 to vector<16xi32>
        %shift_left3A_193 = arith.shli %and3A_190, %shift_left3A_192 : vector<16xi32>
        %add3A_194 = arith.constant 11 : i32
        %add3A_195 = vector.broadcast %add3A_194 : i32 to vector<16xi32>
        %add3A_196 = arith.addi %shift_left3A_193, %add3A_195 : vector<16xi32>
        %and3A_197 = arith.constant 7 : i32
        %and3A_198 = vector.broadcast %and3A_197 : i32 to vector<16xi32>
        %and3A_199 = arith.andi %iota3A, %and3A_198 : vector<16xi32>
        %shift_left3A_200 = arith.constant 4 : i32
        %shift_left3A_201 = vector.broadcast %shift_left3A_200 : i32 to vector<16xi32>
        %shift_left3A_202 = arith.shli %and3A_199, %shift_left3A_201 : vector<16xi32>
        %add3A_203 = arith.constant 12 : i32
        %add3A_204 = vector.broadcast %add3A_203 : i32 to vector<16xi32>
        %add3A_205 = arith.addi %shift_left3A_202, %add3A_204 : vector<16xi32>
        %and3A_206 = arith.constant 7 : i32
        %and3A_207 = vector.broadcast %and3A_206 : i32 to vector<16xi32>
        %and3A_208 = arith.andi %iota3A, %and3A_207 : vector<16xi32>
        %shift_left3A_209 = arith.constant 4 : i32
        %shift_left3A_210 = vector.broadcast %shift_left3A_209 : i32 to vector<16xi32>
        %shift_left3A_211 = arith.shli %and3A_208, %shift_left3A_210 : vector<16xi32>
        %add3A_212 = arith.constant 13 : i32
        %add3A_213 = vector.broadcast %add3A_212 : i32 to vector<16xi32>
        %add3A_214 = arith.addi %shift_left3A_211, %add3A_213 : vector<16xi32>
        %and3A_215 = arith.constant 7 : i32
        %and3A_216 = vector.broadcast %and3A_215 : i32 to vector<16xi32>
        %and3A_217 = arith.andi %iota3A, %and3A_216 : vector<16xi32>
        %shift_left3A_218 = arith.constant 4 : i32
        %shift_left3A_219 = vector.broadcast %shift_left3A_218 : i32 to vector<16xi32>
        %shift_left3A_220 = arith.shli %and3A_217, %shift_left3A_219 : vector<16xi32>
        %add3A_221 = arith.constant 14 : i32
        %add3A_222 = vector.broadcast %add3A_221 : i32 to vector<16xi32>
        %add3A_223 = arith.addi %shift_left3A_220, %add3A_222 : vector<16xi32>
        %and3A_224 = arith.constant 7 : i32
        %and3A_225 = vector.broadcast %and3A_224 : i32 to vector<16xi32>
        %and3A_226 = arith.andi %iota3A, %and3A_225 : vector<16xi32>
        %shift_left3A_227 = arith.constant 4 : i32
        %shift_left3A_228 = vector.broadcast %shift_left3A_227 : i32 to vector<16xi32>
        %shift_left3A_229 = arith.shli %and3A_226, %shift_left3A_228 : vector<16xi32>
        %add3A_230 = arith.constant 15 : i32
        %add3A_231 = vector.broadcast %add3A_230 : i32 to vector<16xi32>
        %add3A_232 = arith.addi %shift_left3A_229, %add3A_231 : vector<16xi32>
        %scan3A_233 = arith.constant 0 : i32
        %scan3A_234 = arith.constant 32 : i32
        %scan3A_235 = arith.addi %scan3A_233, %scan3A_234 : i32
        %scan3A_236 = arith.constant 1 : i32
        scf.for %scan3A_244 = %scan3A_233 to %scan3A_235 step %scan3A_236  : i32 {
          %mul3A_245 = arith.constant 16 : i32
          %mul3A_246 = arith.muli %scan3A_244, %mul3A_245 : i32
          %add3A_247 = arith.constant 0 : i32
          %add3A_248 = arith.addi %add3A_247, %mul3A_246 : i32
          %shift_right_arithmetic3A_249 = arith.constant 3 : i32
          %shift_right_arithmetic3A_250 = arith.shrsi %add3A_248, %shift_right_arithmetic3A_249 : i32
          %add3A_251 = vector.broadcast %shift_right_arithmetic3A_250 : i32 to vector<16xi32>
          %add3A_252 = arith.addi %shift_right_arithmetic3A_90, %add3A_251 : vector<16xi32>
          %get3A = arith.constant 0 : i32
          %get3A_253 = arith.index_cast %get3A : i32 to index
          %get3A_254 = arith.index_cast %add3A_248 : i32 to index
          %get3A_255 = tpu.vector_load %arg5[%get3A_253, %get3A_254] {strides = array<i32>} : memref<16x512xf32, #tpu.memory_space<vmem>>, vector<16xf32>,
          tpu.vector_store_idx %arg7[%add3A_252, %add3A_97], %get3A_255 : memref<64x128xf32, #tpu.memory_space<vmem>>[vector<16xi32>, vector<16xi32>], vector<16xf32>,
          %get3A_256 = arith.constant 1 : i32
          %get3A_257 = arith.index_cast %get3A_256 : i32 to index
          %get3A_258 = arith.index_cast %add3A_248 : i32 to index
          %get3A_259 = tpu.vector_load %arg5[%get3A_257, %get3A_258] {strides = array<i32>} : memref<16x512xf32, #tpu.memory_space<vmem>>, vector<16xf32>,
          tpu.vector_store_idx %arg7[%add3A_252, %add3A_106], %get3A_259 : memref<64x128xf32, #tpu.memory_space<vmem>>[vector<16xi32>, vector<16xi32>], vector<16xf32>,
          %get3A_260 = arith.constant 2 : i32
          %get3A_261 = arith.index_cast %get3A_260 : i32 to index
          %get3A_262 = arith.index_cast %add3A_248 : i32 to index
          %get3A_263 = tpu.vector_load %arg5[%get3A_261, %get3A_262] {strides = array<i32>} : memref<16x512xf32, #tpu.memory_space<vmem>>, vector<16xf32>,
          tpu.vector_store_idx %arg7[%add3A_252, %add3A_115], %get3A_263 : memref<64x128xf32, #tpu.memory_space<vmem>>[vector<16xi32>, vector<16xi32>], vector<16xf32>,
          %get3A_264 = arith.constant 3 : i32
          %get3A_265 = arith.index_cast %get3A_264 : i32 to index
          %get3A_266 = arith.index_cast %add3A_248 : i32 to index
          %get3A_267 = tpu.vector_load %arg5[%get3A_265, %get3A_266] {strides = array<i32>} : memref<16x512xf32, #tpu.memory_space<vmem>>, vector<16xf32>,
          tpu.vector_store_idx %arg7[%add3A_252, %add3A_124], %get3A_267 : memref<64x128xf32, #tpu.memory_space<vmem>>[vector<16xi32>, vector<16xi32>], vector<16xf32>,
          %get3A_268 = arith.constant 4 : i32
          %get3A_269 = arith.index_cast %get3A_268 : i32 to index
          %get3A_270 = arith.index_cast %add3A_248 : i32 to index
          %get3A_271 = tpu.vector_load %arg5[%get3A_269, %get3A_270] {strides = array<i32>} : memref<16x512xf32, #tpu.memory_space<vmem>>, vector<16xf32>,
          tpu.vector_store_idx %arg7[%add3A_252, %add3A_133], %get3A_271 : memref<64x128xf32, #tpu.memory_space<vmem>>[vector<16xi32>, vector<16xi32>], vector<16xf32>,
          %get3A_272 = arith.constant 5 : i32
          %get3A_273 = arith.index_cast %get3A_272 : i32 to index
          %get3A_274 = arith.index_cast %add3A_248 : i32 to index
          %get3A_275 = tpu.vector_load %arg5[%get3A_273, %get3A_274] {strides = array<i32>} : memref<16x512xf32, #tpu.memory_space<vmem>>, vector<16xf32>,
          tpu.vector_store_idx %arg7[%add3A_252, %add3A_142], %get3A_275 : memref<64x128xf32, #tpu.memory_space<vmem>>[vector<16xi32>, vector<16xi32>], vector<16xf32>,
          %get3A_276 = arith.constant 6 : i32
          %get3A_277 = arith.index_cast %get3A_276 : i32 to index
          %get3A_278 = arith.index_cast %add3A_248 : i32 to index
          %get3A_279 = tpu.vector_load %arg5[%get3A_277, %get3A_278] {strides = array<i32>} : memref<16x512xf32, #tpu.memory_space<vmem>>, vector<16xf32>,
          tpu.vector_store_idx %arg7[%add3A_252, %add3A_151], %get3A_279 : memref<64x128xf32, #tpu.memory_space<vmem>>[vector<16xi32>, vector<16xi32>], vector<16xf32>,
          %get3A_280 = arith.constant 7 : i32
          %get3A_281 = arith.index_cast %get3A_280 : i32 to index
          %get3A_282 = arith.index_cast %add3A_248 : i32 to index
          %get3A_283 = tpu.vector_load %arg5[%get3A_281, %get3A_282] {strides = array<i32>} : memref<16x512xf32, #tpu.memory_space<vmem>>, vector<16xf32>,
          tpu.vector_store_idx %arg7[%add3A_252, %add3A_160], %get3A_283 : memref<64x128xf32, #tpu.memory_space<vmem>>[vector<16xi32>, vector<16xi32>], vector<16xf32>,
          %get3A_284 = arith.constant 8 : i32
          %get3A_285 = arith.index_cast %get3A_284 : i32 to index
          %get3A_286 = arith.index_cast %add3A_248 : i32 to index
          %get3A_287 = tpu.vector_load %arg5[%get3A_285, %get3A_286] {strides = array<i32>} : memref<16x512xf32, #tpu.memory_space<vmem>>, vector<16xf32>,
          tpu.vector_store_idx %arg7[%add3A_252, %add3A_169], %get3A_287 : memref<64x128xf32, #tpu.memory_space<vmem>>[vector<16xi32>, vector<16xi32>], vector<16xf32>,
          %get3A_288 = arith.constant 9 : i32
          %get3A_289 = arith.index_cast %get3A_288 : i32 to index
          %get3A_290 = arith.index_cast %add3A_248 : i32 to index
          %get3A_291 = tpu.vector_load %arg5[%get3A_289, %get3A_290] {strides = array<i32>} : memref<16x512xf32, #tpu.memory_space<vmem>>, vector<16xf32>,
          tpu.vector_store_idx %arg7[%add3A_252, %add3A_178], %get3A_291 : memref<64x128xf32, #tpu.memory_space<vmem>>[vector<16xi32>, vector<16xi32>], vector<16xf32>,
          %get3A_292 = arith.constant 10 : i32
          %get3A_293 = arith.index_cast %get3A_292 : i32 to index
          %get3A_294 = arith.index_cast %add3A_248 : i32 to index
          %get3A_295 = tpu.vector_load %arg5[%get3A_293, %get3A_294] {strides = array<i32>} : memref<16x512xf32, #tpu.memory_space<vmem>>, vector<16xf32>,
          tpu.vector_store_idx %arg7[%add3A_252, %add3A_187], %get3A_295 : memref<64x128xf32, #tpu.memory_space<vmem>>[vector<16xi32>, vector<16xi32>], vector<16xf32>,
          %get3A_296 = arith.constant 11 : i32
          %get3A_297 = arith.index_cast %get3A_296 : i32 to index
          %get3A_298 = arith.index_cast %add3A_248 : i32 to index
          %get3A_299 = tpu.vector_load %arg5[%get3A_297, %get3A_298] {strides = array<i32>} : memref<16x512xf32, #tpu.memory_space<vmem>>, vector<16xf32>,
          tpu.vector_store_idx %arg7[%add3A_252, %add3A_196], %get3A_299 : memref<64x128xf32, #tpu.memory_space<vmem>>[vector<16xi32>, vector<16xi32>], vector<16xf32>,
          %get3A_300 = arith.constant 12 : i32
          %get3A_301 = arith.index_cast %get3A_300 : i32 to index
          %get3A_302 = arith.index_cast %add3A_248 : i32 to index
          %get3A_303 = tpu.vector_load %arg5[%get3A_301, %get3A_302] {strides = array<i32>} : memref<16x512xf32, #tpu.memory_space<vmem>>, vector<16xf32>,
          tpu.vector_store_idx %arg7[%add3A_252, %add3A_205], %get3A_303 : memref<64x128xf32, #tpu.memory_space<vmem>>[vector<16xi32>, vector<16xi32>], vector<16xf32>,
          %get3A_304 = arith.constant 13 : i32
          %get3A_305 = arith.index_cast %get3A_304 : i32 to index
          %get3A_306 = arith.index_cast %add3A_248 : i32 to index
          %get3A_307 = tpu.vector_load %arg5[%get3A_305, %get3A_306] {strides = array<i32>} : memref<16x512xf32, #tpu.memory_space<vmem>>, vector<16xf32>,
          tpu.vector_store_idx %arg7[%add3A_252, %add3A_214], %get3A_307 : memref<64x128xf32, #tpu.memory_space<vmem>>[vector<16xi32>, vector<16xi32>], vector<16xf32>,
          %get3A_308 = arith.constant 14 : i32
          %get3A_309 = arith.index_cast %get3A_308 : i32 to index
          %get3A_310 = arith.index_cast %add3A_248 : i32 to index
          %get3A_311 = tpu.vector_load %arg5[%get3A_309, %get3A_310] {strides = array<i32>} : memref<16x512xf32, #tpu.memory_space<vmem>>, vector<16xf32>,
          tpu.vector_store_idx %arg7[%add3A_252, %add3A_223], %get3A_311 : memref<64x128xf32, #tpu.memory_space<vmem>>[vector<16xi32>, vector<16xi32>], vector<16xf32>,
          %get3A_312 = arith.constant 15 : i32
          %get3A_313 = arith.index_cast %get3A_312 : i32 to index
          %get3A_314 = arith.index_cast %add3A_248 : i32 to index
          %get3A_315 = tpu.vector_load %arg5[%get3A_313, %get3A_314] {strides = array<i32>} : memref<16x512xf32, #tpu.memory_space<vmem>>, vector<16xf32>,
          tpu.vector_store_idx %arg7[%add3A_252, %add3A_232], %get3A_315 : memref<64x128xf32, #tpu.memory_space<vmem>>[vector<16xi32>, vector<16xi32>], vector<16xf32>,
        }
        %scan3A_237 = arith.constant 32 : i32
        %add3A_238 = arith.addi %mul3A_4, %add3A_78 : i32
        %mul3A_239 = arith.constant 64 : i32
        %mul3A_240 = arith.muli %add3A_238, %mul3A_239 : i32
        %dma_start3A = arith.constant 0 : i32
        %dma_start3A_241 = tpu.memref_slice %arg4[%mul3A_240, %dma_start3A] : memref<125000x128xf32, #tpu.memory_space<hbm>> -> memref<64x128xf32, #tpu.memory_space<hbm>>
        %dma_start3A_242 = arith.constant 0 : i32
        %dma_start3A_243 = tpu.memref_slice %arg4[%mul3A_240, %dma_start3A_242] : memref<125000x128xf32, #tpu.memory_space<hbm>> -> memref<64x128xf32, #tpu.memory_space<hbm>>
        tpu.enqueue_dma source(%arg7 : memref<64x128xf32, #tpu.memory_space<vmem>>) target(%dma_start3A_243 : memref<64x128xf32, #tpu.memory_space<hbm>>) target_semaphore(%arg11 : memref<!tpu.dma_semaphore, #tpu.memory_space<semaphore_mem>>)
      } else {
      }
    }
    %scan3A_27 = arith.constant 30 : i32
    %gt3A_28 = arith.constant 61 : i32
    %gt3A_29 = arith.cmpi sgt, %add3A_9, %gt3A_28 : i32
    %convert_element_type3A_30 = arith.extui %gt3A_29 : i1 to i32
    %cond3A_31 = arith.constant 0 : i32
    %cond3A_32 = arith.cmpi ne, %convert_element_type3A_30, %cond3A_31 : i32
    scf.if %cond3A_32 {
      %add3A_43 = arith.constant 61 : i32
      %add3A_44 = arith.addi %mul3A_4, %add3A_43 : i32
      %mul3A_45 = arith.constant 512 : i32
      %mul3A_46 = arith.muli %add3A_44, %mul3A_45 : i32
      %dma_wait3A = arith.constant 0 : i32
      %dma_wait3A_47 = tpu.memref_slice %arg2[%dma_wait3A, %mul3A_46] : memref<16x1000000xf32, #tpu.memory_space<hbm>> -> memref<16x512xf32, #tpu.memory_space<hbm>>
      %dma_wait3A_48 = arith.constant 0 : i32
      %dma_wait3A_49 = tpu.memref_slice %arg2[%dma_wait3A_48, %mul3A_46] : memref<16x1000000xf32, #tpu.memory_space<hbm>> -> memref<16x512xf32, #tpu.memory_space<hbm>>
      tpu.wait_dma2 semaphore(%arg10 : memref<!tpu.dma_semaphore, #tpu.memory_space<semaphore_mem>>) src(%dma_wait3A_49 : memref<16x512xf32, #tpu.memory_space<hbm>>) dst(%arg6 : memref<16x512xf32, #tpu.memory_space<vmem>>)
      %iota3A = tpu.iota {dimensions = array<i32: 0>} : vector<16xi32>
      %shift_right_arithmetic3A = arith.constant 3 : i32
      %shift_right_arithmetic3A_50 = vector.broadcast %shift_right_arithmetic3A : i32 to vector<16xi32>
      %shift_right_arithmetic3A_51 = arith.shrsi %iota3A, %shift_right_arithmetic3A_50 : vector<16xi32>
      %and3A = arith.constant 7 : i32
      %and3A_52 = vector.broadcast %and3A : i32 to vector<16xi32>
      %and3A_53 = arith.andi %iota3A, %and3A_52 : vector<16xi32>
      %shift_left3A = arith.constant 4 : i32
      %shift_left3A_54 = vector.broadcast %shift_left3A : i32 to vector<16xi32>
      %shift_left3A_55 = arith.shli %and3A_53, %shift_left3A_54 : vector<16xi32>
      %add3A_56 = arith.constant 0 : i32
      %add3A_57 = vector.broadcast %add3A_56 : i32 to vector<16xi32>
      %add3A_58 = arith.addi %shift_left3A_55, %add3A_57 : vector<16xi32>
      %and3A_59 = arith.constant 7 : i32
      %and3A_60 = vector.broadcast %and3A_59 : i32 to vector<16xi32>
      %and3A_61 = arith.andi %iota3A, %and3A_60 : vector<16xi32>
      %shift_left3A_62 = arith.constant 4 : i32
      %shift_left3A_63 = vector.broadcast %shift_left3A_62 : i32 to vector<16xi32>
      %shift_left3A_64 = arith.shli %and3A_61, %shift_left3A_63 : vector<16xi32>
      %add3A_65 = arith.constant 1 : i32
      %add3A_66 = vector.broadcast %add3A_65 : i32 to vector<16xi32>
      %add3A_67 = arith.addi %shift_left3A_64, %add3A_66 : vector<16xi32>
      %and3A_68 = arith.constant 7 : i32
      %and3A_69 = vector.broadcast %and3A_68 : i32 to vector<16xi32>
      %and3A_70 = arith.andi %iota3A, %and3A_69 : vector<16xi32>
      %shift_left3A_71 = arith.constant 4 : i32
      %shift_left3A_72 = vector.broadcast %shift_left3A_71 : i32 to vector<16xi32>
      %shift_left3A_73 = arith.shli %and3A_70, %shift_left3A_72 : vector<16xi32>
      %add3A_74 = arith.constant 2 : i32
      %add3A_75 = vector.broadcast %add3A_74 : i32 to vector<16xi32>
      %add3A_76 = arith.addi %shift_left3A_73, %add3A_75 : vector<16xi32>
      %and3A_77 = arith.constant 7 : i32
      %and3A_78 = vector.broadcast %and3A_77 : i32 to vector<16xi32>
      %and3A_79 = arith.andi %iota3A, %and3A_78 : vector<16xi32>
      %shift_left3A_80 = arith.constant 4 : i32
      %shift_left3A_81 = vector.broadcast %shift_left3A_80 : i32 to vector<16xi32>
      %shift_left3A_82 = arith.shli %and3A_79, %shift_left3A_81 : vector<16xi32>
      %add3A_83 = arith.constant 3 : i32
      %add3A_84 = vector.broadcast %add3A_83 : i32 to vector<16xi32>
      %add3A_85 = arith.addi %shift_left3A_82, %add3A_84 : vector<16xi32>
      %and3A_86 = arith.constant 7 : i32
      %and3A_87 = vector.broadcast %and3A_86 : i32 to vector<16xi32>
      %and3A_88 = arith.andi %iota3A, %and3A_87 : vector<16xi32>
      %shift_left3A_89 = arith.constant 4 : i32
      %shift_left3A_90 = vector.broadcast %shift_left3A_89 : i32 to vector<16xi32>
      %shift_left3A_91 = arith.shli %and3A_88, %shift_left3A_90 : vector<16xi32>
      %add3A_92 = arith.constant 4 : i32
      %add3A_93 = vector.broadcast %add3A_92 : i32 to vector<16xi32>
      %add3A_94 = arith.addi %shift_left3A_91, %add3A_93 : vector<16xi32>
      %and3A_95 = arith.constant 7 : i32
      %and3A_96 = vector.broadcast %and3A_95 : i32 to vector<16xi32>
      %and3A_97 = arith.andi %iota3A, %and3A_96 : vector<16xi32>
      %shift_left3A_98 = arith.constant 4 : i32
      %shift_left3A_99 = vector.broadcast %shift_left3A_98 : i32 to vector<16xi32>
      %shift_left3A_100 = arith.shli %and3A_97, %shift_left3A_99 : vector<16xi32>
      %add3A_101 = arith.constant 5 : i32
      %add3A_102 = vector.broadcast %add3A_101 : i32 to vector<16xi32>
      %add3A_103 = arith.addi %shift_left3A_100, %add3A_102 : vector<16xi32>
      %and3A_104 = arith.constant 7 : i32
      %and3A_105 = vector.broadcast %and3A_104 : i32 to vector<16xi32>
      %and3A_106 = arith.andi %iota3A, %and3A_105 : vector<16xi32>
      %shift_left3A_107 = arith.constant 4 : i32
      %shift_left3A_108 = vector.broadcast %shift_left3A_107 : i32 to vector<16xi32>
      %shift_left3A_109 = arith.shli %and3A_106, %shift_left3A_108 : vector<16xi32>
      %add3A_110 = arith.constant 6 : i32
      %add3A_111 = vector.broadcast %add3A_110 : i32 to vector<16xi32>
      %add3A_112 = arith.addi %shift_left3A_109, %add3A_111 : vector<16xi32>
      %and3A_113 = arith.constant 7 : i32
      %and3A_114 = vector.broadcast %and3A_113 : i32 to vector<16xi32>
      %and3A_115 = arith.andi %iota3A, %and3A_114 : vector<16xi32>
      %shift_left3A_116 = arith.constant 4 : i32
      %shift_left3A_117 = vector.broadcast %shift_left3A_116 : i32 to vector<16xi32>
      %shift_left3A_118 = arith.shli %and3A_115, %shift_left3A_117 : vector<16xi32>
      %add3A_119 = arith.constant 7 : i32
      %add3A_120 = vector.broadcast %add3A_119 : i32 to vector<16xi32>
      %add3A_121 = arith.addi %shift_left3A_118, %add3A_120 : vector<16xi32>
      %and3A_122 = arith.constant 7 : i32
      %and3A_123 = vector.broadcast %and3A_122 : i32 to vector<16xi32>
      %and3A_124 = arith.andi %iota3A, %and3A_123 : vector<16xi32>
      %shift_left3A_125 = arith.constant 4 : i32
      %shift_left3A_126 = vector.broadcast %shift_left3A_125 : i32 to vector<16xi32>
      %shift_left3A_127 = arith.shli %and3A_124, %shift_left3A_126 : vector<16xi32>
      %add3A_128 = arith.constant 8 : i32
      %add3A_129 = vector.broadcast %add3A_128 : i32 to vector<16xi32>
      %add3A_130 = arith.addi %shift_left3A_127, %add3A_129 : vector<16xi32>
      %and3A_131 = arith.constant 7 : i32
      %and3A_132 = vector.broadcast %and3A_131 : i32 to vector<16xi32>
      %and3A_133 = arith.andi %iota3A, %and3A_132 : vector<16xi32>
      %shift_left3A_134 = arith.constant 4 : i32
      %shift_left3A_135 = vector.broadcast %shift_left3A_134 : i32 to vector<16xi32>
      %shift_left3A_136 = arith.shli %and3A_133, %shift_left3A_135 : vector<16xi32>
      %add3A_137 = arith.constant 9 : i32
      %add3A_138 = vector.broadcast %add3A_137 : i32 to vector<16xi32>
      %add3A_139 = arith.addi %shift_left3A_136, %add3A_138 : vector<16xi32>
      %and3A_140 = arith.constant 7 : i32
      %and3A_141 = vector.broadcast %and3A_140 : i32 to vector<16xi32>
      %and3A_142 = arith.andi %iota3A, %and3A_141 : vector<16xi32>
      %shift_left3A_143 = arith.constant 4 : i32
      %shift_left3A_144 = vector.broadcast %shift_left3A_143 : i32 to vector<16xi32>
      %shift_left3A_145 = arith.shli %and3A_142, %shift_left3A_144 : vector<16xi32>
      %add3A_146 = arith.constant 10 : i32
      %add3A_147 = vector.broadcast %add3A_146 : i32 to vector<16xi32>
      %add3A_148 = arith.addi %shift_left3A_145, %add3A_147 : vector<16xi32>
      %and3A_149 = arith.constant 7 : i32
      %and3A_150 = vector.broadcast %and3A_149 : i32 to vector<16xi32>
      %and3A_151 = arith.andi %iota3A, %and3A_150 : vector<16xi32>
      %shift_left3A_152 = arith.constant 4 : i32
      %shift_left3A_153 = vector.broadcast %shift_left3A_152 : i32 to vector<16xi32>
      %shift_left3A_154 = arith.shli %and3A_151, %shift_left3A_153 : vector<16xi32>
      %add3A_155 = arith.constant 11 : i32
      %add3A_156 = vector.broadcast %add3A_155 : i32 to vector<16xi32>
      %add3A_157 = arith.addi %shift_left3A_154, %add3A_156 : vector<16xi32>
      %and3A_158 = arith.constant 7 : i32
      %and3A_159 = vector.broadcast %and3A_158 : i32 to vector<16xi32>
      %and3A_160 = arith.andi %iota3A, %and3A_159 : vector<16xi32>
      %shift_left3A_161 = arith.constant 4 : i32
      %shift_left3A_162 = vector.broadcast %shift_left3A_161 : i32 to vector<16xi32>
      %shift_left3A_163 = arith.shli %and3A_160, %shift_left3A_162 : vector<16xi32>
      %add3A_164 = arith.constant 12 : i32
      %add3A_165 = vector.broadcast %add3A_164 : i32 to vector<16xi32>
      %add3A_166 = arith.addi %shift_left3A_163, %add3A_165 : vector<16xi32>
      %and3A_167 = arith.constant 7 : i32
      %and3A_168 = vector.broadcast %and3A_167 : i32 to vector<16xi32>
      %and3A_169 = arith.andi %iota3A, %and3A_168 : vector<16xi32>
      %shift_left3A_170 = arith.constant 4 : i32
      %shift_left3A_171 = vector.broadcast %shift_left3A_170 : i32 to vector<16xi32>
      %shift_left3A_172 = arith.shli %and3A_169, %shift_left3A_171 : vector<16xi32>
      %add3A_173 = arith.constant 13 : i32
      %add3A_174 = vector.broadcast %add3A_173 : i32 to vector<16xi32>
      %add3A_175 = arith.addi %shift_left3A_172, %add3A_174 : vector<16xi32>
      %and3A_176 = arith.constant 7 : i32
      %and3A_177 = vector.broadcast %and3A_176 : i32 to vector<16xi32>
      %and3A_178 = arith.andi %iota3A, %and3A_177 : vector<16xi32>
      %shift_left3A_179 = arith.constant 4 : i32
      %shift_left3A_180 = vector.broadcast %shift_left3A_179 : i32 to vector<16xi32>
      %shift_left3A_181 = arith.shli %and3A_178, %shift_left3A_180 : vector<16xi32>
      %add3A_182 = arith.constant 14 : i32
      %add3A_183 = vector.broadcast %add3A_182 : i32 to vector<16xi32>
      %add3A_184 = arith.addi %shift_left3A_181, %add3A_183 : vector<16xi32>
      %and3A_185 = arith.constant 7 : i32
      %and3A_186 = vector.broadcast %and3A_185 : i32 to vector<16xi32>
      %and3A_187 = arith.andi %iota3A, %and3A_186 : vector<16xi32>
      %shift_left3A_188 = arith.constant 4 : i32
      %shift_left3A_189 = vector.broadcast %shift_left3A_188 : i32 to vector<16xi32>
      %shift_left3A_190 = arith.shli %and3A_187, %shift_left3A_189 : vector<16xi32>
      %add3A_191 = arith.constant 15 : i32
      %add3A_192 = vector.broadcast %add3A_191 : i32 to vector<16xi32>
      %add3A_193 = arith.addi %shift_left3A_190, %add3A_192 : vector<16xi32>
      %scan3A_194 = arith.constant 0 : i32
      %scan3A_195 = arith.constant 32 : i32
      %scan3A_196 = arith.addi %scan3A_194, %scan3A_195 : i32
      %scan3A_197 = arith.constant 1 : i32
      scf.for %scan3A_206 = %scan3A_194 to %scan3A_196 step %scan3A_197  : i32 {
        %mul3A_207 = arith.constant 16 : i32
        %mul3A_208 = arith.muli %scan3A_206, %mul3A_207 : i32
        %add3A_209 = arith.constant 0 : i32
        %add3A_210 = arith.addi %add3A_209, %mul3A_208 : i32
        %shift_right_arithmetic3A_211 = arith.constant 3 : i32
        %shift_right_arithmetic3A_212 = arith.shrsi %add3A_210, %shift_right_arithmetic3A_211 : i32
        %add3A_213 = vector.broadcast %shift_right_arithmetic3A_212 : i32 to vector<16xi32>
        %add3A_214 = arith.addi %shift_right_arithmetic3A_51, %add3A_213 : vector<16xi32>
        %get3A = arith.constant 0 : i32
        %get3A_215 = arith.index_cast %get3A : i32 to index
        %get3A_216 = arith.index_cast %add3A_210 : i32 to index
        %get3A_217 = tpu.vector_load %arg6[%get3A_215, %get3A_216] {strides = array<i32>} : memref<16x512xf32, #tpu.memory_space<vmem>>, vector<16xf32>,
        tpu.vector_store_idx %arg8[%add3A_214, %add3A_58], %get3A_217 : memref<64x128xf32, #tpu.memory_space<vmem>>[vector<16xi32>, vector<16xi32>], vector<16xf32>,
        %get3A_218 = arith.constant 1 : i32
        %get3A_219 = arith.index_cast %get3A_218 : i32 to index
        %get3A_220 = arith.index_cast %add3A_210 : i32 to index
        %get3A_221 = tpu.vector_load %arg6[%get3A_219, %get3A_220] {strides = array<i32>} : memref<16x512xf32, #tpu.memory_space<vmem>>, vector<16xf32>,
        tpu.vector_store_idx %arg8[%add3A_214, %add3A_67], %get3A_221 : memref<64x128xf32, #tpu.memory_space<vmem>>[vector<16xi32>, vector<16xi32>], vector<16xf32>,
        %get3A_222 = arith.constant 2 : i32
        %get3A_223 = arith.index_cast %get3A_222 : i32 to index
        %get3A_224 = arith.index_cast %add3A_210 : i32 to index
        %get3A_225 = tpu.vector_load %arg6[%get3A_223, %get3A_224] {strides = array<i32>} : memref<16x512xf32, #tpu.memory_space<vmem>>, vector<16xf32>,
        tpu.vector_store_idx %arg8[%add3A_214, %add3A_76], %get3A_225 : memref<64x128xf32, #tpu.memory_space<vmem>>[vector<16xi32>, vector<16xi32>], vector<16xf32>,
        %get3A_226 = arith.constant 3 : i32
        %get3A_227 = arith.index_cast %get3A_226 : i32 to index
        %get3A_228 = arith.index_cast %add3A_210 : i32 to index
        %get3A_229 = tpu.vector_load %arg6[%get3A_227, %get3A_228] {strides = array<i32>} : memref<16x512xf32, #tpu.memory_space<vmem>>, vector<16xf32>,
        tpu.vector_store_idx %arg8[%add3A_214, %add3A_85], %get3A_229 : memref<64x128xf32, #tpu.memory_space<vmem>>[vector<16xi32>, vector<16xi32>], vector<16xf32>,
        %get3A_230 = arith.constant 4 : i32
        %get3A_231 = arith.index_cast %get3A_230 : i32 to index
        %get3A_232 = arith.index_cast %add3A_210 : i32 to index
        %get3A_233 = tpu.vector_load %arg6[%get3A_231, %get3A_232] {strides = array<i32>} : memref<16x512xf32, #tpu.memory_space<vmem>>, vector<16xf32>,
        tpu.vector_store_idx %arg8[%add3A_214, %add3A_94], %get3A_233 : memref<64x128xf32, #tpu.memory_space<vmem>>[vector<16xi32>, vector<16xi32>], vector<16xf32>,
        %get3A_234 = arith.constant 5 : i32
        %get3A_235 = arith.index_cast %get3A_234 : i32 to index
        %get3A_236 = arith.index_cast %add3A_210 : i32 to index
        %get3A_237 = tpu.vector_load %arg6[%get3A_235, %get3A_236] {strides = array<i32>} : memref<16x512xf32, #tpu.memory_space<vmem>>, vector<16xf32>,
        tpu.vector_store_idx %arg8[%add3A_214, %add3A_103], %get3A_237 : memref<64x128xf32, #tpu.memory_space<vmem>>[vector<16xi32>, vector<16xi32>], vector<16xf32>,
        %get3A_238 = arith.constant 6 : i32
        %get3A_239 = arith.index_cast %get3A_238 : i32 to index
        %get3A_240 = arith.index_cast %add3A_210 : i32 to index
        %get3A_241 = tpu.vector_load %arg6[%get3A_239, %get3A_240] {strides = array<i32>} : memref<16x512xf32, #tpu.memory_space<vmem>>, vector<16xf32>,
        tpu.vector_store_idx %arg8[%add3A_214, %add3A_112], %get3A_241 : memref<64x128xf32, #tpu.memory_space<vmem>>[vector<16xi32>, vector<16xi32>], vector<16xf32>,
        %get3A_242 = arith.constant 7 : i32
        %get3A_243 = arith.index_cast %get3A_242 : i32 to index
        %get3A_244 = arith.index_cast %add3A_210 : i32 to index
        %get3A_245 = tpu.vector_load %arg6[%get3A_243, %get3A_244] {strides = array<i32>} : memref<16x512xf32, #tpu.memory_space<vmem>>, vector<16xf32>,
        tpu.vector_store_idx %arg8[%add3A_214, %add3A_121], %get3A_245 : memref<64x128xf32, #tpu.memory_space<vmem>>[vector<16xi32>, vector<16xi32>], vector<16xf32>,
        %get3A_246 = arith.constant 8 : i32
        %get3A_247 = arith.index_cast %get3A_246 : i32 to index
        %get3A_248 = arith.index_cast %add3A_210 : i32 to index
        %get3A_249 = tpu.vector_load %arg6[%get3A_247, %get3A_248] {strides = array<i32>} : memref<16x512xf32, #tpu.memory_space<vmem>>, vector<16xf32>,
        tpu.vector_store_idx %arg8[%add3A_214, %add3A_130], %get3A_249 : memref<64x128xf32, #tpu.memory_space<vmem>>[vector<16xi32>, vector<16xi32>], vector<16xf32>,
        %get3A_250 = arith.constant 9 : i32
        %get3A_251 = arith.index_cast %get3A_250 : i32 to index
        %get3A_252 = arith.index_cast %add3A_210 : i32 to index
        %get3A_253 = tpu.vector_load %arg6[%get3A_251, %get3A_252] {strides = array<i32>} : memref<16x512xf32, #tpu.memory_space<vmem>>, vector<16xf32>,
        tpu.vector_store_idx %arg8[%add3A_214, %add3A_139], %get3A_253 : memref<64x128xf32, #tpu.memory_space<vmem>>[vector<16xi32>, vector<16xi32>], vector<16xf32>,
        %get3A_254 = arith.constant 10 : i32
        %get3A_255 = arith.index_cast %get3A_254 : i32 to index
        %get3A_256 = arith.index_cast %add3A_210 : i32 to index
        %get3A_257 = tpu.vector_load %arg6[%get3A_255, %get3A_256] {strides = array<i32>} : memref<16x512xf32, #tpu.memory_space<vmem>>, vector<16xf32>,
        tpu.vector_store_idx %arg8[%add3A_214, %add3A_148], %get3A_257 : memref<64x128xf32, #tpu.memory_space<vmem>>[vector<16xi32>, vector<16xi32>], vector<16xf32>,
        %get3A_258 = arith.constant 11 : i32
        %get3A_259 = arith.index_cast %get3A_258 : i32 to index
        %get3A_260 = arith.index_cast %add3A_210 : i32 to index
        %get3A_261 = tpu.vector_load %arg6[%get3A_259, %get3A_260] {strides = array<i32>} : memref<16x512xf32, #tpu.memory_space<vmem>>, vector<16xf32>,
        tpu.vector_store_idx %arg8[%add3A_214, %add3A_157], %get3A_261 : memref<64x128xf32, #tpu.memory_space<vmem>>[vector<16xi32>, vector<16xi32>], vector<16xf32>,
        %get3A_262 = arith.constant 12 : i32
        %get3A_263 = arith.index_cast %get3A_262 : i32 to index
        %get3A_264 = arith.index_cast %add3A_210 : i32 to index
        %get3A_265 = tpu.vector_load %arg6[%get3A_263, %get3A_264] {strides = array<i32>} : memref<16x512xf32, #tpu.memory_space<vmem>>, vector<16xf32>,
        tpu.vector_store_idx %arg8[%add3A_214, %add3A_166], %get3A_265 : memref<64x128xf32, #tpu.memory_space<vmem>>[vector<16xi32>, vector<16xi32>], vector<16xf32>,
        %get3A_266 = arith.constant 13 : i32
        %get3A_267 = arith.index_cast %get3A_266 : i32 to index
        %get3A_268 = arith.index_cast %add3A_210 : i32 to index
        %get3A_269 = tpu.vector_load %arg6[%get3A_267, %get3A_268] {strides = array<i32>} : memref<16x512xf32, #tpu.memory_space<vmem>>, vector<16xf32>,
        tpu.vector_store_idx %arg8[%add3A_214, %add3A_175], %get3A_269 : memref<64x128xf32, #tpu.memory_space<vmem>>[vector<16xi32>, vector<16xi32>], vector<16xf32>,
        %get3A_270 = arith.constant 14 : i32
        %get3A_271 = arith.index_cast %get3A_270 : i32 to index
        %get3A_272 = arith.index_cast %add3A_210 : i32 to index
        %get3A_273 = tpu.vector_load %arg6[%get3A_271, %get3A_272] {strides = array<i32>} : memref<16x512xf32, #tpu.memory_space<vmem>>, vector<16xf32>,
        tpu.vector_store_idx %arg8[%add3A_214, %add3A_184], %get3A_273 : memref<64x128xf32, #tpu.memory_space<vmem>>[vector<16xi32>, vector<16xi32>], vector<16xf32>,
        %get3A_274 = arith.constant 15 : i32
        %get3A_275 = arith.index_cast %get3A_274 : i32 to index
        %get3A_276 = arith.index_cast %add3A_210 : i32 to index
        %get3A_277 = tpu.vector_load %arg6[%get3A_275, %get3A_276] {strides = array<i32>} : memref<16x512xf32, #tpu.memory_space<vmem>>, vector<16xf32>,
        tpu.vector_store_idx %arg8[%add3A_214, %add3A_193], %get3A_277 : memref<64x128xf32, #tpu.memory_space<vmem>>[vector<16xi32>, vector<16xi32>], vector<16xf32>,
      }
      %scan3A_198 = arith.constant 32 : i32
      %add3A_199 = arith.constant 61 : i32
      %add3A_200 = arith.addi %mul3A_4, %add3A_199 : i32
      %mul3A_201 = arith.constant 64 : i32
      %mul3A_202 = arith.muli %add3A_200, %mul3A_201 : i32
      %dma_start3A = arith.constant 0 : i32
      %dma_start3A_203 = tpu.memref_slice %arg4[%mul3A_202, %dma_start3A] : memref<125000x128xf32, #tpu.memory_space<hbm>> -> memref<64x128xf32, #tpu.memory_space<hbm>>
      %dma_start3A_204 = arith.constant 0 : i32
      %dma_start3A_205 = tpu.memref_slice %arg4[%mul3A_202, %dma_start3A_204] : memref<125000x128xf32, #tpu.memory_space<hbm>> -> memref<64x128xf32, #tpu.memory_space<hbm>>
      tpu.enqueue_dma source(%arg8 : memref<64x128xf32, #tpu.memory_space<vmem>>) target(%dma_start3A_205 : memref<64x128xf32, #tpu.memory_space<hbm>>) target_semaphore(%arg12 : memref<!tpu.dma_semaphore, #tpu.memory_space<semaphore_mem>>)
    } else {
    }
    %gt3A_33 = arith.constant 60 : i32
    %gt3A_34 = arith.cmpi sgt, %add3A_9, %gt3A_33 : i32
    %convert_element_type3A_35 = arith.extui %gt3A_34 : i1 to i32
    %cond3A_36 = arith.constant 0 : i32
    %cond3A_37 = arith.cmpi ne, %convert_element_type3A_35, %cond3A_36 : i32
    scf.if %cond3A_37 {
      %add3A_43 = arith.constant 60 : i32
      %add3A_44 = arith.addi %mul3A_4, %add3A_43 : i32
      %mul3A_45 = arith.constant 64 : i32
      %mul3A_46 = arith.muli %add3A_44, %mul3A_45 : i32
      %dma_wait3A = arith.constant 0 : i32
      %dma_wait3A_47 = tpu.memref_slice %arg4[%mul3A_46, %dma_wait3A] : memref<125000x128xf32, #tpu.memory_space<hbm>> -> memref<64x128xf32, #tpu.memory_space<hbm>>
      %dma_wait3A_48 = arith.constant 0 : i32
      %dma_wait3A_49 = tpu.memref_slice %arg4[%mul3A_46, %dma_wait3A_48] : memref<125000x128xf32, #tpu.memory_space<hbm>> -> memref<64x128xf32, #tpu.memory_space<hbm>>
      tpu.wait_dma2 semaphore(%arg11 : memref<!tpu.dma_semaphore, #tpu.memory_space<semaphore_mem>>) src(%arg7 : memref<64x128xf32, #tpu.memory_space<vmem>>) dst(%dma_wait3A_49 : memref<64x128xf32, #tpu.memory_space<hbm>>)
    } else {
    }
    %gt3A_38 = arith.constant 61 : i32
    %gt3A_39 = arith.cmpi sgt, %add3A_9, %gt3A_38 : i32
    %convert_element_type3A_40 = arith.extui %gt3A_39 : i1 to i32
    %cond3A_41 = arith.constant 0 : i32
    %cond3A_42 = arith.cmpi ne, %convert_element_type3A_40, %cond3A_41 : i32
    scf.if %cond3A_42 {
      %add3A_43 = arith.constant 61 : i32
      %add3A_44 = arith.addi %mul3A_4, %add3A_43 : i32
      %mul3A_45 = arith.constant 64 : i32
      %mul3A_46 = arith.muli %add3A_44, %mul3A_45 : i32
      %dma_wait3A = arith.constant 0 : i32
      %dma_wait3A_47 = tpu.memref_slice %arg4[%mul3A_46, %dma_wait3A] : memref<125000x128xf32, #tpu.memory_space<hbm>> -> memref<64x128xf32, #tpu.memory_space<hbm>>
      %dma_wait3A_48 = arith.constant 0 : i32
      %dma_wait3A_49 = tpu.memref_slice %arg4[%mul3A_46, %dma_wait3A_48] : memref<125000x128xf32, #tpu.memory_space<hbm>> -> memref<64x128xf32, #tpu.memory_space<hbm>>
      tpu.wait_dma2 semaphore(%arg12 : memref<!tpu.dma_semaphore, #tpu.memory_space<semaphore_mem>>) src(%arg8 : memref<64x128xf32, #tpu.memory_space<vmem>>) dst(%dma_wait3A_49 : memref<64x128xf32, #tpu.memory_space<hbm>>)
    } else {
    }
    return
  }
}

#map = affine_map<(d0, d1) -> (0, 0)>
#map1 = affine_map<(d0, d1) -> (0)>
module attributes {stable_mosaic.version = 14 : i64} {
  func.func @k(%arg0: i32, %arg1: i32, %arg2: memref<1000000x16xf32, #tpu.memory_space<hbm>>, %arg3: memref<62500x16xf32, #tpu.memory_space<hbm>>, %arg4: memref<212992xi32, #tpu.memory_space<hbm>>, %arg5: memref<212992x16xf32, #tpu.memory_space<hbm>>, %arg6: memref<212992xf32, #tpu.memory_space<hbm>>, %arg7: memref<1664xi32, #tpu.memory_space<vmem>>, %arg8: memref<1664x16xf32, #tpu.memory_space<vmem>>, %arg9: memref<1664xi32, #tpu.memory_space<vmem>>, %arg10: memref<1664xi32, #tpu.memory_space<vmem>>, %arg11: memref<1664x16xf32, #tpu.memory_space<vmem>>, %arg12: memref<1664xf32, #tpu.memory_space<vmem>>, %arg13: memref<1664xi32, #tpu.memory_space<vmem>>, %arg14: memref<1664x16xf32, #tpu.memory_space<vmem>>, %arg15: memref<1664xi32, #tpu.memory_space<vmem>>, %arg16: memref<1664xi32, #tpu.memory_space<vmem>>, %arg17: memref<1664x16xf32, #tpu.memory_space<vmem>>, %arg18: memref<1664xf32, #tpu.memory_space<vmem>>, %arg19: memref<!tpu.dma_semaphore, #tpu.memory_space<semaphore_mem>>, %arg20: memref<!tpu.dma_semaphore, #tpu.memory_space<semaphore_mem>>, %arg21: memref<!tpu.dma_semaphore, #tpu.memory_space<semaphore_mem>>, %arg22: memref<!tpu.dma_semaphore, #tpu.memory_space<semaphore_mem>>, %arg23: memref<!tpu.dma_semaphore, #tpu.memory_space<semaphore_mem>>, %arg24: memref<!tpu.dma_semaphore, #tpu.memory_space<semaphore_mem>>, %arg25: memref<!tpu.dma_semaphore, #tpu.memory_space<semaphore_mem>>, %arg26: memref<!tpu.dma_semaphore, #tpu.memory_space<semaphore_mem>>) attributes {dimension_semantics = [#tpu.dimension_semantics<core_parallel>, #tpu.dimension_semantics<subcore_parallel>], iteration_bounds = array<i64: 2, 16>, scalar_prefetch = 0 : i64, scratch_operands = 20 : i64, tpu.core_type = #tpu.core_type<sc_vector_subcore>, window_params = [{transform_indices = #map}, {transform_indices = #map}, {transform_indices = #map1}, {transform_indices = #map}, {transform_indices = #map1}]} {
    %mul3A = arith.constant 2 : i32
    %mul3A_0 = arith.muli %arg1, %mul3A : i32
    %add3A = arith.addi %mul3A_0, %arg0 : i32
    %mul3A_1 = arith.constant 6656 : i32
    %mul3A_2 = arith.muli %add3A, %mul3A_1 : i32
    %add3A_3 = arith.constant 0 : i32
    %add3A_4 = arith.addi %mul3A_2, %add3A_3 : i32
    "tpu.region"() ({
      %run_scoped3A = tpu.sem_alloc : memref<!tpu.dma_semaphore, #tpu.memory_space<semaphore_mem>>
      %dma_start3A_182 = tpu.memref_slice %arg4[%add3A_4] : memref<212992xi32, #tpu.memory_space<hbm>> -> memref<1664xi32, #tpu.memory_space<hbm>>
      %dma_start3A_183 = tpu.memref_slice %arg4[%add3A_4] : memref<212992xi32, #tpu.memory_space<hbm>> -> memref<1664xi32, #tpu.memory_space<hbm>>
      tpu.enqueue_dma source(%dma_start3A_183 : memref<1664xi32, #tpu.memory_space<hbm>>) target(%arg7 : memref<1664xi32, #tpu.memory_space<vmem>>) target_semaphore(%run_scoped3A : memref<!tpu.dma_semaphore, #tpu.memory_space<semaphore_mem>>)
      %dma_wait3A_184 = tpu.memref_slice %arg4[%add3A_4] : memref<212992xi32, #tpu.memory_space<hbm>> -> memref<1664xi32, #tpu.memory_space<hbm>>
      %dma_wait3A_185 = tpu.memref_slice %arg4[%add3A_4] : memref<212992xi32, #tpu.memory_space<hbm>> -> memref<1664xi32, #tpu.memory_space<hbm>>
      tpu.wait_dma2 semaphore(%run_scoped3A : memref<!tpu.dma_semaphore, #tpu.memory_space<semaphore_mem>>) src(%dma_wait3A_185 : memref<1664xi32, #tpu.memory_space<hbm>>) dst(%arg7 : memref<1664xi32, #tpu.memory_space<vmem>>)
      tpu.yield
    }) : () -> ()
    %scan3A = arith.constant 0 : i32
    %scan3A_5 = arith.constant 104 : i32
    %scan3A_6 = arith.addi %scan3A, %scan3A_5 : i32
    %scan3A_7 = arith.constant 1 : i32
    scf.for %scan3A_182 = %scan3A to %scan3A_6 step %scan3A_7  : i32 {
      %mul3A_183 = arith.constant 16 : i32
      %mul3A_184 = arith.muli %scan3A_182, %mul3A_183 : i32
      %add3A_185 = arith.constant 0 : i32
      %add3A_186 = arith.addi %add3A_185, %mul3A_184 : i32
      %get3A = arith.index_cast %add3A_186 : i32 to index
      %get3A_187 = tpu.vector_load %arg7[%get3A] {strides = array<i32>} : memref<1664xi32, #tpu.memory_space<vmem>>, vector<16xi32>,
      %shift_right_arithmetic3A = arith.constant 4 : i32
      %shift_right_arithmetic3A_188 = vector.broadcast %shift_right_arithmetic3A : i32 to vector<16xi32>
      %shift_right_arithmetic3A_189 = arith.shrsi %get3A_187, %shift_right_arithmetic3A_188 : vector<16xi32>
      %swap3A = arith.index_cast %add3A_186 : i32 to index
      %swap3A_190 = tpu.vector_load %arg9[%swap3A] {strides = array<i32>} : memref<1664xi32, #tpu.memory_space<vmem>>, vector<16xi32>,
      tpu.vector_store %arg9[%swap3A], %shift_right_arithmetic3A_189 {strides = array<i32>} : memref<1664xi32, #tpu.memory_space<vmem>>, vector<16xi32>,
      %and3A = arith.constant 15 : i32
      %and3A_191 = vector.broadcast %and3A : i32 to vector<16xi32>
      %and3A_192 = arith.andi %get3A_187, %and3A_191 : vector<16xi32>
      %swap3A_193 = arith.index_cast %add3A_186 : i32 to index
      %swap3A_194 = tpu.vector_load %arg10[%swap3A_193] {strides = array<i32>} : memref<1664xi32, #tpu.memory_space<vmem>>, vector<16xi32>,
      tpu.vector_store %arg10[%swap3A_193], %and3A_192 {strides = array<i32>} : memref<1664xi32, #tpu.memory_space<vmem>>, vector<16xi32>,
    }
    %scan3A_8 = arith.constant 104 : i32
    %dma_start3A = arith.constant 0 : i32
    %dma_start3A_9 = arith.constant 0 : i32
    %dma_start3A_10 = tpu.memref_slice %arg2[%dma_start3A, %dma_start3A_9] : memref<1000000x16xf32, #tpu.memory_space<hbm>> -> memref<1000000x16xf32, #tpu.memory_space<hbm>>
    tpu.enqueue_indirect_dma source(%dma_start3A_10 : memref<1000000x16xf32, #tpu.memory_space<hbm>>) target(%arg8 : memref<1664x16xf32, #tpu.memory_space<vmem>>) offsets(%arg7 : memref<1664xi32, #tpu.memory_space<vmem>>) semaphore(%arg19 : memref<!tpu.dma_semaphore, #tpu.memory_space<semaphore_mem>>)
    %dma_start3A_11 = arith.constant 0 : i32
    %dma_start3A_12 = arith.constant 0 : i32
    %dma_start3A_13 = tpu.memref_slice %arg3[%dma_start3A_11, %dma_start3A_12] : memref<62500x16xf32, #tpu.memory_space<hbm>> -> memref<62500x16xf32, #tpu.memory_space<hbm>>
    tpu.enqueue_indirect_dma source(%dma_start3A_13 : memref<62500x16xf32, #tpu.memory_space<hbm>>) target(%arg11 : memref<1664x16xf32, #tpu.memory_space<vmem>>) offsets(%arg9 : memref<1664xi32, #tpu.memory_space<vmem>>) semaphore(%arg21 : memref<!tpu.dma_semaphore, #tpu.memory_space<semaphore_mem>>)
    %mul3A_14 = arith.constant 6656 : i32
    %mul3A_15 = arith.muli %add3A, %mul3A_14 : i32
    %add3A_16 = arith.constant 1664 : i32
    %add3A_17 = arith.addi %mul3A_15, %add3A_16 : i32
    "tpu.region"() ({
      %run_scoped3A = tpu.sem_alloc : memref<!tpu.dma_semaphore, #tpu.memory_space<semaphore_mem>>
      %dma_start3A_182 = tpu.memref_slice %arg4[%add3A_17] : memref<212992xi32, #tpu.memory_space<hbm>> -> memref<1664xi32, #tpu.memory_space<hbm>>
      %dma_start3A_183 = tpu.memref_slice %arg4[%add3A_17] : memref<212992xi32, #tpu.memory_space<hbm>> -> memref<1664xi32, #tpu.memory_space<hbm>>
      tpu.enqueue_dma source(%dma_start3A_183 : memref<1664xi32, #tpu.memory_space<hbm>>) target(%arg13 : memref<1664xi32, #tpu.memory_space<vmem>>) target_semaphore(%run_scoped3A : memref<!tpu.dma_semaphore, #tpu.memory_space<semaphore_mem>>)
      %dma_wait3A_184 = tpu.memref_slice %arg4[%add3A_17] : memref<212992xi32, #tpu.memory_space<hbm>> -> memref<1664xi32, #tpu.memory_space<hbm>>
      %dma_wait3A_185 = tpu.memref_slice %arg4[%add3A_17] : memref<212992xi32, #tpu.memory_space<hbm>> -> memref<1664xi32, #tpu.memory_space<hbm>>
      tpu.wait_dma2 semaphore(%run_scoped3A : memref<!tpu.dma_semaphore, #tpu.memory_space<semaphore_mem>>) src(%dma_wait3A_185 : memref<1664xi32, #tpu.memory_space<hbm>>) dst(%arg13 : memref<1664xi32, #tpu.memory_space<vmem>>)
      tpu.yield
    }) : () -> ()
    %scan3A_18 = arith.constant 0 : i32
    %scan3A_19 = arith.constant 104 : i32
    %scan3A_20 = arith.addi %scan3A_18, %scan3A_19 : i32
    %scan3A_21 = arith.constant 1 : i32
    scf.for %scan3A_182 = %scan3A_18 to %scan3A_20 step %scan3A_21  : i32 {
      %mul3A_183 = arith.constant 16 : i32
      %mul3A_184 = arith.muli %scan3A_182, %mul3A_183 : i32
      %add3A_185 = arith.constant 0 : i32
      %add3A_186 = arith.addi %add3A_185, %mul3A_184 : i32
      %get3A = arith.index_cast %add3A_186 : i32 to index
      %get3A_187 = tpu.vector_load %arg13[%get3A] {strides = array<i32>} : memref<1664xi32, #tpu.memory_space<vmem>>, vector<16xi32>,
      %shift_right_arithmetic3A = arith.constant 4 : i32
      %shift_right_arithmetic3A_188 = vector.broadcast %shift_right_arithmetic3A : i32 to vector<16xi32>
      %shift_right_arithmetic3A_189 = arith.shrsi %get3A_187, %shift_right_arithmetic3A_188 : vector<16xi32>
      %swap3A = arith.index_cast %add3A_186 : i32 to index
      %swap3A_190 = tpu.vector_load %arg15[%swap3A] {strides = array<i32>} : memref<1664xi32, #tpu.memory_space<vmem>>, vector<16xi32>,
      tpu.vector_store %arg15[%swap3A], %shift_right_arithmetic3A_189 {strides = array<i32>} : memref<1664xi32, #tpu.memory_space<vmem>>, vector<16xi32>,
      %and3A = arith.constant 15 : i32
      %and3A_191 = vector.broadcast %and3A : i32 to vector<16xi32>
      %and3A_192 = arith.andi %get3A_187, %and3A_191 : vector<16xi32>
      %swap3A_193 = arith.index_cast %add3A_186 : i32 to index
      %swap3A_194 = tpu.vector_load %arg16[%swap3A_193] {strides = array<i32>} : memref<1664xi32, #tpu.memory_space<vmem>>, vector<16xi32>,
      tpu.vector_store %arg16[%swap3A_193], %and3A_192 {strides = array<i32>} : memref<1664xi32, #tpu.memory_space<vmem>>, vector<16xi32>,
    }
    %scan3A_22 = arith.constant 104 : i32
    %dma_start3A_23 = arith.constant 0 : i32
    %dma_start3A_24 = arith.constant 0 : i32
    %dma_start3A_25 = tpu.memref_slice %arg2[%dma_start3A_23, %dma_start3A_24] : memref<1000000x16xf32, #tpu.memory_space<hbm>> -> memref<1000000x16xf32, #tpu.memory_space<hbm>>
    tpu.enqueue_indirect_dma source(%dma_start3A_25 : memref<1000000x16xf32, #tpu.memory_space<hbm>>) target(%arg14 : memref<1664x16xf32, #tpu.memory_space<vmem>>) offsets(%arg13 : memref<1664xi32, #tpu.memory_space<vmem>>) semaphore(%arg20 : memref<!tpu.dma_semaphore, #tpu.memory_space<semaphore_mem>>)
    %dma_start3A_26 = arith.constant 0 : i32
    %dma_start3A_27 = arith.constant 0 : i32
    %dma_start3A_28 = tpu.memref_slice %arg3[%dma_start3A_26, %dma_start3A_27] : memref<62500x16xf32, #tpu.memory_space<hbm>> -> memref<62500x16xf32, #tpu.memory_space<hbm>>
    tpu.enqueue_indirect_dma source(%dma_start3A_28 : memref<62500x16xf32, #tpu.memory_space<hbm>>) target(%arg17 : memref<1664x16xf32, #tpu.memory_space<vmem>>) offsets(%arg15 : memref<1664xi32, #tpu.memory_space<vmem>>) semaphore(%arg22 : memref<!tpu.dma_semaphore, #tpu.memory_space<semaphore_mem>>)
    %mul3A_29 = arith.constant 6656 : i32
    %mul3A_30 = arith.muli %add3A, %mul3A_29 : i32
    %add3A_31 = arith.constant 0 : i32
    %add3A_32 = arith.addi %mul3A_30, %add3A_31 : i32
    %dma_wait3A = arith.constant 0 : i32
    %dma_wait3A_33 = arith.constant 0 : i32
    %dma_wait3A_34 = tpu.memref_slice %arg2[%dma_wait3A, %dma_wait3A_33] : memref<1000000x16xf32, #tpu.memory_space<hbm>> -> memref<1000000x16xf32, #tpu.memory_space<hbm>>
    tpu.wait_indirect_dma semaphore(%arg19 : memref<!tpu.dma_semaphore, #tpu.memory_space<semaphore_mem>>) src(%dma_wait3A_34 : memref<1000000x16xf32, #tpu.memory_space<hbm>>) dst(%arg8 : memref<1664x16xf32, #tpu.memory_space<vmem>>)
    %dma_wait3A_35 = arith.constant 0 : i32
    %dma_wait3A_36 = arith.constant 0 : i32
    %dma_wait3A_37 = tpu.memref_slice %arg3[%dma_wait3A_35, %dma_wait3A_36] : memref<62500x16xf32, #tpu.memory_space<hbm>> -> memref<62500x16xf32, #tpu.memory_space<hbm>>
    tpu.wait_indirect_dma semaphore(%arg21 : memref<!tpu.dma_semaphore, #tpu.memory_space<semaphore_mem>>) src(%dma_wait3A_37 : memref<62500x16xf32, #tpu.memory_space<hbm>>) dst(%arg11 : memref<1664x16xf32, #tpu.memory_space<vmem>>)
    %scan3A_38 = arith.constant 0 : i32
    %scan3A_39 = arith.constant 104 : i32
    %scan3A_40 = arith.addi %scan3A_38, %scan3A_39 : i32
    %scan3A_41 = arith.constant 1 : i32
    scf.for %scan3A_182 = %scan3A_38 to %scan3A_40 step %scan3A_41  : i32 {
      %mul3A_183 = arith.constant 16 : i32
      %mul3A_184 = arith.muli %scan3A_182, %mul3A_183 : i32
      %add3A_185 = arith.constant 0 : i32
      %add3A_186 = arith.addi %add3A_185, %mul3A_184 : i32
      %iota3A = tpu.iota {dimensions = array<i32: 0>} : vector<16xi32>
      %add3A_187 = vector.broadcast %add3A_186 : i32 to vector<16xi32>
      %add3A_188 = arith.addi %iota3A, %add3A_187 : vector<16xi32>
      %get3A = arith.index_cast %add3A_186 : i32 to index
      %get3A_189 = tpu.vector_load %arg10[%get3A] {strides = array<i32>} : memref<1664xi32, #tpu.memory_space<vmem>>, vector<16xi32>,
      %gather3A = tpu.vector_load_idx %arg11[%add3A_188, %get3A_189] : memref<1664x16xf32, #tpu.memory_space<vmem>>[vector<16xi32>, vector<16xi32>], vector<16xf32>,
      %swap3A = arith.index_cast %add3A_186 : i32 to index
      %swap3A_190 = tpu.vector_load %arg12[%swap3A] {strides = array<i32>} : memref<1664xf32, #tpu.memory_space<vmem>>, vector<16xf32>,
      tpu.vector_store %arg12[%swap3A], %gather3A {strides = array<i32>} : memref<1664xf32, #tpu.memory_space<vmem>>, vector<16xf32>,
    }
    %scan3A_42 = arith.constant 104 : i32
    %dma_start3A_43 = arith.constant 0 : i32
    %dma_start3A_44 = tpu.memref_slice %arg5[%add3A_32, %dma_start3A_43] : memref<212992x16xf32, #tpu.memory_space<hbm>> -> memref<1664x16xf32, #tpu.memory_space<hbm>>
    %dma_start3A_45 = arith.constant 0 : i32
    %dma_start3A_46 = tpu.memref_slice %arg5[%add3A_32, %dma_start3A_45] : memref<212992x16xf32, #tpu.memory_space<hbm>> -> memref<1664x16xf32, #tpu.memory_space<hbm>>
    tpu.enqueue_dma source(%arg8 : memref<1664x16xf32, #tpu.memory_space<vmem>>) target(%dma_start3A_46 : memref<1664x16xf32, #tpu.memory_space<hbm>>) target_semaphore(%arg23 : memref<!tpu.dma_semaphore, #tpu.memory_space<semaphore_mem>>)
    %dma_start3A_47 = tpu.memref_slice %arg6[%add3A_32] : memref<212992xf32, #tpu.memory_space<hbm>> -> memref<1664xf32, #tpu.memory_space<hbm>>
    %dma_start3A_48 = tpu.memref_slice %arg6[%add3A_32] : memref<212992xf32, #tpu.memory_space<hbm>> -> memref<1664xf32, #tpu.memory_space<hbm>>
    tpu.enqueue_dma source(%arg12 : memref<1664xf32, #tpu.memory_space<vmem>>) target(%dma_start3A_48 : memref<1664xf32, #tpu.memory_space<hbm>>) target_semaphore(%arg25 : memref<!tpu.dma_semaphore, #tpu.memory_space<semaphore_mem>>)
    %mul3A_49 = arith.constant 6656 : i32
    %mul3A_50 = arith.muli %add3A, %mul3A_49 : i32
    %add3A_51 = arith.constant 0 : i32
    %add3A_52 = arith.addi %mul3A_50, %add3A_51 : i32
    %dma_wait3A_53 = arith.constant 0 : i32
    %dma_wait3A_54 = tpu.memref_slice %arg5[%add3A_52, %dma_wait3A_53] : memref<212992x16xf32, #tpu.memory_space<hbm>> -> memref<1664x16xf32, #tpu.memory_space<hbm>>
    %dma_wait3A_55 = arith.constant 0 : i32
    %dma_wait3A_56 = tpu.memref_slice %arg5[%add3A_52, %dma_wait3A_55] : memref<212992x16xf32, #tpu.memory_space<hbm>> -> memref<1664x16xf32, #tpu.memory_space<hbm>>
    tpu.wait_dma2 semaphore(%arg23 : memref<!tpu.dma_semaphore, #tpu.memory_space<semaphore_mem>>) src(%arg8 : memref<1664x16xf32, #tpu.memory_space<vmem>>) dst(%dma_wait3A_56 : memref<1664x16xf32, #tpu.memory_space<hbm>>)
    %dma_wait3A_57 = tpu.memref_slice %arg6[%add3A_52] : memref<212992xf32, #tpu.memory_space<hbm>> -> memref<1664xf32, #tpu.memory_space<hbm>>
    %dma_wait3A_58 = tpu.memref_slice %arg6[%add3A_52] : memref<212992xf32, #tpu.memory_space<hbm>> -> memref<1664xf32, #tpu.memory_space<hbm>>
    tpu.wait_dma2 semaphore(%arg25 : memref<!tpu.dma_semaphore, #tpu.memory_space<semaphore_mem>>) src(%arg12 : memref<1664xf32, #tpu.memory_space<vmem>>) dst(%dma_wait3A_58 : memref<1664xf32, #tpu.memory_space<hbm>>)
    %mul3A_59 = arith.constant 6656 : i32
    %mul3A_60 = arith.muli %add3A, %mul3A_59 : i32
    %add3A_61 = arith.constant 3328 : i32
    %add3A_62 = arith.addi %mul3A_60, %add3A_61 : i32
    "tpu.region"() ({
      %run_scoped3A = tpu.sem_alloc : memref<!tpu.dma_semaphore, #tpu.memory_space<semaphore_mem>>
      %dma_start3A_182 = tpu.memref_slice %arg4[%add3A_62] : memref<212992xi32, #tpu.memory_space<hbm>> -> memref<1664xi32, #tpu.memory_space<hbm>>
      %dma_start3A_183 = tpu.memref_slice %arg4[%add3A_62] : memref<212992xi32, #tpu.memory_space<hbm>> -> memref<1664xi32, #tpu.memory_space<hbm>>
      tpu.enqueue_dma source(%dma_start3A_183 : memref<1664xi32, #tpu.memory_space<hbm>>) target(%arg7 : memref<1664xi32, #tpu.memory_space<vmem>>) target_semaphore(%run_scoped3A : memref<!tpu.dma_semaphore, #tpu.memory_space<semaphore_mem>>)
      %dma_wait3A_184 = tpu.memref_slice %arg4[%add3A_62] : memref<212992xi32, #tpu.memory_space<hbm>> -> memref<1664xi32, #tpu.memory_space<hbm>>
      %dma_wait3A_185 = tpu.memref_slice %arg4[%add3A_62] : memref<212992xi32, #tpu.memory_space<hbm>> -> memref<1664xi32, #tpu.memory_space<hbm>>
      tpu.wait_dma2 semaphore(%run_scoped3A : memref<!tpu.dma_semaphore, #tpu.memory_space<semaphore_mem>>) src(%dma_wait3A_185 : memref<1664xi32, #tpu.memory_space<hbm>>) dst(%arg7 : memref<1664xi32, #tpu.memory_space<vmem>>)
      tpu.yield
    }) : () -> ()
    %scan3A_63 = arith.constant 0 : i32
    %scan3A_64 = arith.constant 104 : i32
    %scan3A_65 = arith.addi %scan3A_63, %scan3A_64 : i32
    %scan3A_66 = arith.constant 1 : i32
    scf.for %scan3A_182 = %scan3A_63 to %scan3A_65 step %scan3A_66  : i32 {
      %mul3A_183 = arith.constant 16 : i32
      %mul3A_184 = arith.muli %scan3A_182, %mul3A_183 : i32
      %add3A_185 = arith.constant 0 : i32
      %add3A_186 = arith.addi %add3A_185, %mul3A_184 : i32
      %get3A = arith.index_cast %add3A_186 : i32 to index
      %get3A_187 = tpu.vector_load %arg7[%get3A] {strides = array<i32>} : memref<1664xi32, #tpu.memory_space<vmem>>, vector<16xi32>,
      %shift_right_arithmetic3A = arith.constant 4 : i32
      %shift_right_arithmetic3A_188 = vector.broadcast %shift_right_arithmetic3A : i32 to vector<16xi32>
      %shift_right_arithmetic3A_189 = arith.shrsi %get3A_187, %shift_right_arithmetic3A_188 : vector<16xi32>
      %swap3A = arith.index_cast %add3A_186 : i32 to index
      %swap3A_190 = tpu.vector_load %arg9[%swap3A] {strides = array<i32>} : memref<1664xi32, #tpu.memory_space<vmem>>, vector<16xi32>,
      tpu.vector_store %arg9[%swap3A], %shift_right_arithmetic3A_189 {strides = array<i32>} : memref<1664xi32, #tpu.memory_space<vmem>>, vector<16xi32>,
      %and3A = arith.constant 15 : i32
      %and3A_191 = vector.broadcast %and3A : i32 to vector<16xi32>
      %and3A_192 = arith.andi %get3A_187, %and3A_191 : vector<16xi32>
      %swap3A_193 = arith.index_cast %add3A_186 : i32 to index
      %swap3A_194 = tpu.vector_load %arg10[%swap3A_193] {strides = array<i32>} : memref<1664xi32, #tpu.memory_space<vmem>>, vector<16xi32>,
      tpu.vector_store %arg10[%swap3A_193], %and3A_192 {strides = array<i32>} : memref<1664xi32, #tpu.memory_space<vmem>>, vector<16xi32>,
    }
    %scan3A_67 = arith.constant 104 : i32
    %dma_start3A_68 = arith.constant 0 : i32
    %dma_start3A_69 = arith.constant 0 : i32
    %dma_start3A_70 = tpu.memref_slice %arg2[%dma_start3A_68, %dma_start3A_69] : memref<1000000x16xf32, #tpu.memory_space<hbm>> -> memref<1000000x16xf32, #tpu.memory_space<hbm>>
    tpu.enqueue_indirect_dma source(%dma_start3A_70 : memref<1000000x16xf32, #tpu.memory_space<hbm>>) target(%arg8 : memref<1664x16xf32, #tpu.memory_space<vmem>>) offsets(%arg7 : memref<1664xi32, #tpu.memory_space<vmem>>) semaphore(%arg19 : memref<!tpu.dma_semaphore, #tpu.memory_space<semaphore_mem>>)
    %dma_start3A_71 = arith.constant 0 : i32
    %dma_start3A_72 = arith.constant 0 : i32
    %dma_start3A_73 = tpu.memref_slice %arg3[%dma_start3A_71, %dma_start3A_72] : memref<62500x16xf32, #tpu.memory_space<hbm>> -> memref<62500x16xf32, #tpu.memory_space<hbm>>
    tpu.enqueue_indirect_dma source(%dma_start3A_73 : memref<62500x16xf32, #tpu.memory_space<hbm>>) target(%arg11 : memref<1664x16xf32, #tpu.memory_space<vmem>>) offsets(%arg9 : memref<1664xi32, #tpu.memory_space<vmem>>) semaphore(%arg21 : memref<!tpu.dma_semaphore, #tpu.memory_space<semaphore_mem>>)
    %mul3A_74 = arith.constant 6656 : i32
    %mul3A_75 = arith.muli %add3A, %mul3A_74 : i32
    %add3A_76 = arith.constant 1664 : i32
    %add3A_77 = arith.addi %mul3A_75, %add3A_76 : i32
    %dma_wait3A_78 = arith.constant 0 : i32
    %dma_wait3A_79 = arith.constant 0 : i32
    %dma_wait3A_80 = tpu.memref_slice %arg2[%dma_wait3A_78, %dma_wait3A_79] : memref<1000000x16xf32, #tpu.memory_space<hbm>> -> memref<1000000x16xf32, #tpu.memory_space<hbm>>
    tpu.wait_indirect_dma semaphore(%arg20 : memref<!tpu.dma_semaphore, #tpu.memory_space<semaphore_mem>>) src(%dma_wait3A_80 : memref<1000000x16xf32, #tpu.memory_space<hbm>>) dst(%arg14 : memref<1664x16xf32, #tpu.memory_space<vmem>>)
    %dma_wait3A_81 = arith.constant 0 : i32
    %dma_wait3A_82 = arith.constant 0 : i32
    %dma_wait3A_83 = tpu.memref_slice %arg3[%dma_wait3A_81, %dma_wait3A_82] : memref<62500x16xf32, #tpu.memory_space<hbm>> -> memref<62500x16xf32, #tpu.memory_space<hbm>>
    tpu.wait_indirect_dma semaphore(%arg22 : memref<!tpu.dma_semaphore, #tpu.memory_space<semaphore_mem>>) src(%dma_wait3A_83 : memref<62500x16xf32, #tpu.memory_space<hbm>>) dst(%arg17 : memref<1664x16xf32, #tpu.memory_space<vmem>>)
    %scan3A_84 = arith.constant 0 : i32
    %scan3A_85 = arith.constant 104 : i32
    %scan3A_86 = arith.addi %scan3A_84, %scan3A_85 : i32
    %scan3A_87 = arith.constant 1 : i32
    scf.for %scan3A_182 = %scan3A_84 to %scan3A_86 step %scan3A_87  : i32 {
      %mul3A_183 = arith.constant 16 : i32
      %mul3A_184 = arith.muli %scan3A_182, %mul3A_183 : i32
      %add3A_185 = arith.constant 0 : i32
      %add3A_186 = arith.addi %add3A_185, %mul3A_184 : i32
      %iota3A = tpu.iota {dimensions = array<i32: 0>} : vector<16xi32>
      %add3A_187 = vector.broadcast %add3A_186 : i32 to vector<16xi32>
      %add3A_188 = arith.addi %iota3A, %add3A_187 : vector<16xi32>
      %get3A = arith.index_cast %add3A_186 : i32 to index
      %get3A_189 = tpu.vector_load %arg16[%get3A] {strides = array<i32>} : memref<1664xi32, #tpu.memory_space<vmem>>, vector<16xi32>,
      %gather3A = tpu.vector_load_idx %arg17[%add3A_188, %get3A_189] : memref<1664x16xf32, #tpu.memory_space<vmem>>[vector<16xi32>, vector<16xi32>], vector<16xf32>,
      %swap3A = arith.index_cast %add3A_186 : i32 to index
      %swap3A_190 = tpu.vector_load %arg18[%swap3A] {strides = array<i32>} : memref<1664xf32, #tpu.memory_space<vmem>>, vector<16xf32>,
      tpu.vector_store %arg18[%swap3A], %gather3A {strides = array<i32>} : memref<1664xf32, #tpu.memory_space<vmem>>, vector<16xf32>,
    }
    %scan3A_88 = arith.constant 104 : i32
    %dma_start3A_89 = arith.constant 0 : i32
    %dma_start3A_90 = tpu.memref_slice %arg5[%add3A_77, %dma_start3A_89] : memref<212992x16xf32, #tpu.memory_space<hbm>> -> memref<1664x16xf32, #tpu.memory_space<hbm>>
    %dma_start3A_91 = arith.constant 0 : i32
    %dma_start3A_92 = tpu.memref_slice %arg5[%add3A_77, %dma_start3A_91] : memref<212992x16xf32, #tpu.memory_space<hbm>> -> memref<1664x16xf32, #tpu.memory_space<hbm>>
    tpu.enqueue_dma source(%arg14 : memref<1664x16xf32, #tpu.memory_space<vmem>>) target(%dma_start3A_92 : memref<1664x16xf32, #tpu.memory_space<hbm>>) target_semaphore(%arg24 : memref<!tpu.dma_semaphore, #tpu.memory_space<semaphore_mem>>)
    %dma_start3A_93 = tpu.memref_slice %arg6[%add3A_77] : memref<212992xf32, #tpu.memory_space<hbm>> -> memref<1664xf32, #tpu.memory_space<hbm>>
    %dma_start3A_94 = tpu.memref_slice %arg6[%add3A_77] : memref<212992xf32, #tpu.memory_space<hbm>> -> memref<1664xf32, #tpu.memory_space<hbm>>
    tpu.enqueue_dma source(%arg18 : memref<1664xf32, #tpu.memory_space<vmem>>) target(%dma_start3A_94 : memref<1664xf32, #tpu.memory_space<hbm>>) target_semaphore(%arg26 : memref<!tpu.dma_semaphore, #tpu.memory_space<semaphore_mem>>)
    %mul3A_95 = arith.constant 6656 : i32
    %mul3A_96 = arith.muli %add3A, %mul3A_95 : i32
    %add3A_97 = arith.constant 1664 : i32
    %add3A_98 = arith.addi %mul3A_96, %add3A_97 : i32
    %dma_wait3A_99 = arith.constant 0 : i32
    %dma_wait3A_100 = tpu.memref_slice %arg5[%add3A_98, %dma_wait3A_99] : memref<212992x16xf32, #tpu.memory_space<hbm>> -> memref<1664x16xf32, #tpu.memory_space<hbm>>
    %dma_wait3A_101 = arith.constant 0 : i32
    %dma_wait3A_102 = tpu.memref_slice %arg5[%add3A_98, %dma_wait3A_101] : memref<212992x16xf32, #tpu.memory_space<hbm>> -> memref<1664x16xf32, #tpu.memory_space<hbm>>
    tpu.wait_dma2 semaphore(%arg24 : memref<!tpu.dma_semaphore, #tpu.memory_space<semaphore_mem>>) src(%arg14 : memref<1664x16xf32, #tpu.memory_space<vmem>>) dst(%dma_wait3A_102 : memref<1664x16xf32, #tpu.memory_space<hbm>>)
    %dma_wait3A_103 = tpu.memref_slice %arg6[%add3A_98] : memref<212992xf32, #tpu.memory_space<hbm>> -> memref<1664xf32, #tpu.memory_space<hbm>>
    %dma_wait3A_104 = tpu.memref_slice %arg6[%add3A_98] : memref<212992xf32, #tpu.memory_space<hbm>> -> memref<1664xf32, #tpu.memory_space<hbm>>
    tpu.wait_dma2 semaphore(%arg26 : memref<!tpu.dma_semaphore, #tpu.memory_space<semaphore_mem>>) src(%arg18 : memref<1664xf32, #tpu.memory_space<vmem>>) dst(%dma_wait3A_104 : memref<1664xf32, #tpu.memory_space<hbm>>)
    %mul3A_105 = arith.constant 6656 : i32
    %mul3A_106 = arith.muli %add3A, %mul3A_105 : i32
    %add3A_107 = arith.constant 4992 : i32
    %add3A_108 = arith.addi %mul3A_106, %add3A_107 : i32
    "tpu.region"() ({
      %run_scoped3A = tpu.sem_alloc : memref<!tpu.dma_semaphore, #tpu.memory_space<semaphore_mem>>
      %dma_start3A_182 = tpu.memref_slice %arg4[%add3A_108] : memref<212992xi32, #tpu.memory_space<hbm>> -> memref<1664xi32, #tpu.memory_space<hbm>>
      %dma_start3A_183 = tpu.memref_slice %arg4[%add3A_108] : memref<212992xi32, #tpu.memory_space<hbm>> -> memref<1664xi32, #tpu.memory_space<hbm>>
      tpu.enqueue_dma source(%dma_start3A_183 : memref<1664xi32, #tpu.memory_space<hbm>>) target(%arg13 : memref<1664xi32, #tpu.memory_space<vmem>>) target_semaphore(%run_scoped3A : memref<!tpu.dma_semaphore, #tpu.memory_space<semaphore_mem>>)
      %dma_wait3A_184 = tpu.memref_slice %arg4[%add3A_108] : memref<212992xi32, #tpu.memory_space<hbm>> -> memref<1664xi32, #tpu.memory_space<hbm>>
      %dma_wait3A_185 = tpu.memref_slice %arg4[%add3A_108] : memref<212992xi32, #tpu.memory_space<hbm>> -> memref<1664xi32, #tpu.memory_space<hbm>>
      tpu.wait_dma2 semaphore(%run_scoped3A : memref<!tpu.dma_semaphore, #tpu.memory_space<semaphore_mem>>) src(%dma_wait3A_185 : memref<1664xi32, #tpu.memory_space<hbm>>) dst(%arg13 : memref<1664xi32, #tpu.memory_space<vmem>>)
      tpu.yield
    }) : () -> ()
    %scan3A_109 = arith.constant 0 : i32
    %scan3A_110 = arith.constant 104 : i32
    %scan3A_111 = arith.addi %scan3A_109, %scan3A_110 : i32
    %scan3A_112 = arith.constant 1 : i32
    scf.for %scan3A_182 = %scan3A_109 to %scan3A_111 step %scan3A_112  : i32 {
      %mul3A_183 = arith.constant 16 : i32
      %mul3A_184 = arith.muli %scan3A_182, %mul3A_183 : i32
      %add3A_185 = arith.constant 0 : i32
      %add3A_186 = arith.addi %add3A_185, %mul3A_184 : i32
      %get3A = arith.index_cast %add3A_186 : i32 to index
      %get3A_187 = tpu.vector_load %arg13[%get3A] {strides = array<i32>} : memref<1664xi32, #tpu.memory_space<vmem>>, vector<16xi32>,
      %shift_right_arithmetic3A = arith.constant 4 : i32
      %shift_right_arithmetic3A_188 = vector.broadcast %shift_right_arithmetic3A : i32 to vector<16xi32>
      %shift_right_arithmetic3A_189 = arith.shrsi %get3A_187, %shift_right_arithmetic3A_188 : vector<16xi32>
      %swap3A = arith.index_cast %add3A_186 : i32 to index
      %swap3A_190 = tpu.vector_load %arg15[%swap3A] {strides = array<i32>} : memref<1664xi32, #tpu.memory_space<vmem>>, vector<16xi32>,
      tpu.vector_store %arg15[%swap3A], %shift_right_arithmetic3A_189 {strides = array<i32>} : memref<1664xi32, #tpu.memory_space<vmem>>, vector<16xi32>,
      %and3A = arith.constant 15 : i32
      %and3A_191 = vector.broadcast %and3A : i32 to vector<16xi32>
      %and3A_192 = arith.andi %get3A_187, %and3A_191 : vector<16xi32>
      %swap3A_193 = arith.index_cast %add3A_186 : i32 to index
      %swap3A_194 = tpu.vector_load %arg16[%swap3A_193] {strides = array<i32>} : memref<1664xi32, #tpu.memory_space<vmem>>, vector<16xi32>,
      tpu.vector_store %arg16[%swap3A_193], %and3A_192 {strides = array<i32>} : memref<1664xi32, #tpu.memory_space<vmem>>, vector<16xi32>,
    }
    %scan3A_113 = arith.constant 104 : i32
    %dma_start3A_114 = arith.constant 0 : i32
    %dma_start3A_115 = arith.constant 0 : i32
    %dma_start3A_116 = tpu.memref_slice %arg2[%dma_start3A_114, %dma_start3A_115] : memref<1000000x16xf32, #tpu.memory_space<hbm>> -> memref<1000000x16xf32, #tpu.memory_space<hbm>>
    tpu.enqueue_indirect_dma source(%dma_start3A_116 : memref<1000000x16xf32, #tpu.memory_space<hbm>>) target(%arg14 : memref<1664x16xf32, #tpu.memory_space<vmem>>) offsets(%arg13 : memref<1664xi32, #tpu.memory_space<vmem>>) semaphore(%arg20 : memref<!tpu.dma_semaphore, #tpu.memory_space<semaphore_mem>>)
    %dma_start3A_117 = arith.constant 0 : i32
    %dma_start3A_118 = arith.constant 0 : i32
    %dma_start3A_119 = tpu.memref_slice %arg3[%dma_start3A_117, %dma_start3A_118] : memref<62500x16xf32, #tpu.memory_space<hbm>> -> memref<62500x16xf32, #tpu.memory_space<hbm>>
    tpu.enqueue_indirect_dma source(%dma_start3A_119 : memref<62500x16xf32, #tpu.memory_space<hbm>>) target(%arg17 : memref<1664x16xf32, #tpu.memory_space<vmem>>) offsets(%arg15 : memref<1664xi32, #tpu.memory_space<vmem>>) semaphore(%arg22 : memref<!tpu.dma_semaphore, #tpu.memory_space<semaphore_mem>>)
    %mul3A_120 = arith.constant 6656 : i32
    %mul3A_121 = arith.muli %add3A, %mul3A_120 : i32
    %add3A_122 = arith.constant 3328 : i32
    %add3A_123 = arith.addi %mul3A_121, %add3A_122 : i32
    %dma_wait3A_124 = arith.constant 0 : i32
    %dma_wait3A_125 = arith.constant 0 : i32
    %dma_wait3A_126 = tpu.memref_slice %arg2[%dma_wait3A_124, %dma_wait3A_125] : memref<1000000x16xf32, #tpu.memory_space<hbm>> -> memref<1000000x16xf32, #tpu.memory_space<hbm>>
    tpu.wait_indirect_dma semaphore(%arg19 : memref<!tpu.dma_semaphore, #tpu.memory_space<semaphore_mem>>) src(%dma_wait3A_126 : memref<1000000x16xf32, #tpu.memory_space<hbm>>) dst(%arg8 : memref<1664x16xf32, #tpu.memory_space<vmem>>)
    %dma_wait3A_127 = arith.constant 0 : i32
    %dma_wait3A_128 = arith.constant 0 : i32
    %dma_wait3A_129 = tpu.memref_slice %arg3[%dma_wait3A_127, %dma_wait3A_128] : memref<62500x16xf32, #tpu.memory_space<hbm>> -> memref<62500x16xf32, #tpu.memory_space<hbm>>
    tpu.wait_indirect_dma semaphore(%arg21 : memref<!tpu.dma_semaphore, #tpu.memory_space<semaphore_mem>>) src(%dma_wait3A_129 : memref<62500x16xf32, #tpu.memory_space<hbm>>) dst(%arg11 : memref<1664x16xf32, #tpu.memory_space<vmem>>)
    %scan3A_130 = arith.constant 0 : i32
    %scan3A_131 = arith.constant 104 : i32
    %scan3A_132 = arith.addi %scan3A_130, %scan3A_131 : i32
    %scan3A_133 = arith.constant 1 : i32
    scf.for %scan3A_182 = %scan3A_130 to %scan3A_132 step %scan3A_133  : i32 {
      %mul3A_183 = arith.constant 16 : i32
      %mul3A_184 = arith.muli %scan3A_182, %mul3A_183 : i32
      %add3A_185 = arith.constant 0 : i32
      %add3A_186 = arith.addi %add3A_185, %mul3A_184 : i32
      %iota3A = tpu.iota {dimensions = array<i32: 0>} : vector<16xi32>
      %add3A_187 = vector.broadcast %add3A_186 : i32 to vector<16xi32>
      %add3A_188 = arith.addi %iota3A, %add3A_187 : vector<16xi32>
      %get3A = arith.index_cast %add3A_186 : i32 to index
      %get3A_189 = tpu.vector_load %arg10[%get3A] {strides = array<i32>} : memref<1664xi32, #tpu.memory_space<vmem>>, vector<16xi32>,
      %gather3A = tpu.vector_load_idx %arg11[%add3A_188, %get3A_189] : memref<1664x16xf32, #tpu.memory_space<vmem>>[vector<16xi32>, vector<16xi32>], vector<16xf32>,
      %swap3A = arith.index_cast %add3A_186 : i32 to index
      %swap3A_190 = tpu.vector_load %arg12[%swap3A] {strides = array<i32>} : memref<1664xf32, #tpu.memory_space<vmem>>, vector<16xf32>,
      tpu.vector_store %arg12[%swap3A], %gather3A {strides = array<i32>} : memref<1664xf32, #tpu.memory_space<vmem>>, vector<16xf32>,
    }
    %scan3A_134 = arith.constant 104 : i32
    %dma_start3A_135 = arith.constant 0 : i32
    %dma_start3A_136 = tpu.memref_slice %arg5[%add3A_123, %dma_start3A_135] : memref<212992x16xf32, #tpu.memory_space<hbm>> -> memref<1664x16xf32, #tpu.memory_space<hbm>>
    %dma_start3A_137 = arith.constant 0 : i32
    %dma_start3A_138 = tpu.memref_slice %arg5[%add3A_123, %dma_start3A_137] : memref<212992x16xf32, #tpu.memory_space<hbm>> -> memref<1664x16xf32, #tpu.memory_space<hbm>>
    tpu.enqueue_dma source(%arg8 : memref<1664x16xf32, #tpu.memory_space<vmem>>) target(%dma_start3A_138 : memref<1664x16xf32, #tpu.memory_space<hbm>>) target_semaphore(%arg23 : memref<!tpu.dma_semaphore, #tpu.memory_space<semaphore_mem>>)
    %dma_start3A_139 = tpu.memref_slice %arg6[%add3A_123] : memref<212992xf32, #tpu.memory_space<hbm>> -> memref<1664xf32, #tpu.memory_space<hbm>>
    %dma_start3A_140 = tpu.memref_slice %arg6[%add3A_123] : memref<212992xf32, #tpu.memory_space<hbm>> -> memref<1664xf32, #tpu.memory_space<hbm>>
    tpu.enqueue_dma source(%arg12 : memref<1664xf32, #tpu.memory_space<vmem>>) target(%dma_start3A_140 : memref<1664xf32, #tpu.memory_space<hbm>>) target_semaphore(%arg25 : memref<!tpu.dma_semaphore, #tpu.memory_space<semaphore_mem>>)
    %mul3A_141 = arith.constant 6656 : i32
    %mul3A_142 = arith.muli %add3A, %mul3A_141 : i32
    %add3A_143 = arith.constant 4992 : i32
    %add3A_144 = arith.addi %mul3A_142, %add3A_143 : i32
    %dma_wait3A_145 = arith.constant 0 : i32
    %dma_wait3A_146 = arith.constant 0 : i32
    %dma_wait3A_147 = tpu.memref_slice %arg2[%dma_wait3A_145, %dma_wait3A_146] : memref<1000000x16xf32, #tpu.memory_space<hbm>> -> memref<1000000x16xf32, #tpu.memory_space<hbm>>
    tpu.wait_indirect_dma semaphore(%arg20 : memref<!tpu.dma_semaphore, #tpu.memory_space<semaphore_mem>>) src(%dma_wait3A_147 : memref<1000000x16xf32, #tpu.memory_space<hbm>>) dst(%arg14 : memref<1664x16xf32, #tpu.memory_space<vmem>>)
    %dma_wait3A_148 = arith.constant 0 : i32
    %dma_wait3A_149 = arith.constant 0 : i32
    %dma_wait3A_150 = tpu.memref_slice %arg3[%dma_wait3A_148, %dma_wait3A_149] : memref<62500x16xf32, #tpu.memory_space<hbm>> -> memref<62500x16xf32, #tpu.memory_space<hbm>>
    tpu.wait_indirect_dma semaphore(%arg22 : memref<!tpu.dma_semaphore, #tpu.memory_space<semaphore_mem>>) src(%dma_wait3A_150 : memref<62500x16xf32, #tpu.memory_space<hbm>>) dst(%arg17 : memref<1664x16xf32, #tpu.memory_space<vmem>>)
    %scan3A_151 = arith.constant 0 : i32
    %scan3A_152 = arith.constant 104 : i32
    %scan3A_153 = arith.addi %scan3A_151, %scan3A_152 : i32
    %scan3A_154 = arith.constant 1 : i32
    scf.for %scan3A_182 = %scan3A_151 to %scan3A_153 step %scan3A_154  : i32 {
      %mul3A_183 = arith.constant 16 : i32
      %mul3A_184 = arith.muli %scan3A_182, %mul3A_183 : i32
      %add3A_185 = arith.constant 0 : i32
      %add3A_186 = arith.addi %add3A_185, %mul3A_184 : i32
      %iota3A = tpu.iota {dimensions = array<i32: 0>} : vector<16xi32>
      %add3A_187 = vector.broadcast %add3A_186 : i32 to vector<16xi32>
      %add3A_188 = arith.addi %iota3A, %add3A_187 : vector<16xi32>
      %get3A = arith.index_cast %add3A_186 : i32 to index
      %get3A_189 = tpu.vector_load %arg16[%get3A] {strides = array<i32>} : memref<1664xi32, #tpu.memory_space<vmem>>, vector<16xi32>,
      %gather3A = tpu.vector_load_idx %arg17[%add3A_188, %get3A_189] : memref<1664x16xf32, #tpu.memory_space<vmem>>[vector<16xi32>, vector<16xi32>], vector<16xf32>,
      %swap3A = arith.index_cast %add3A_186 : i32 to index
      %swap3A_190 = tpu.vector_load %arg18[%swap3A] {strides = array<i32>} : memref<1664xf32, #tpu.memory_space<vmem>>, vector<16xf32>,
      tpu.vector_store %arg18[%swap3A], %gather3A {strides = array<i32>} : memref<1664xf32, #tpu.memory_space<vmem>>, vector<16xf32>,
    }
    %scan3A_155 = arith.constant 104 : i32
    %dma_start3A_156 = arith.constant 0 : i32
    %dma_start3A_157 = tpu.memref_slice %arg5[%add3A_144, %dma_start3A_156] : memref<212992x16xf32, #tpu.memory_space<hbm>> -> memref<1664x16xf32, #tpu.memory_space<hbm>>
    %dma_start3A_158 = arith.constant 0 : i32
    %dma_start3A_159 = tpu.memref_slice %arg5[%add3A_144, %dma_start3A_158] : memref<212992x16xf32, #tpu.memory_space<hbm>> -> memref<1664x16xf32, #tpu.memory_space<hbm>>
    tpu.enqueue_dma source(%arg14 : memref<1664x16xf32, #tpu.memory_space<vmem>>) target(%dma_start3A_159 : memref<1664x16xf32, #tpu.memory_space<hbm>>) target_semaphore(%arg24 : memref<!tpu.dma_semaphore, #tpu.memory_space<semaphore_mem>>)
    %dma_start3A_160 = tpu.memref_slice %arg6[%add3A_144] : memref<212992xf32, #tpu.memory_space<hbm>> -> memref<1664xf32, #tpu.memory_space<hbm>>
    %dma_start3A_161 = tpu.memref_slice %arg6[%add3A_144] : memref<212992xf32, #tpu.memory_space<hbm>> -> memref<1664xf32, #tpu.memory_space<hbm>>
    tpu.enqueue_dma source(%arg18 : memref<1664xf32, #tpu.memory_space<vmem>>) target(%dma_start3A_161 : memref<1664xf32, #tpu.memory_space<hbm>>) target_semaphore(%arg26 : memref<!tpu.dma_semaphore, #tpu.memory_space<semaphore_mem>>)
    %mul3A_162 = arith.constant 6656 : i32
    %mul3A_163 = arith.muli %add3A, %mul3A_162 : i32
    %add3A_164 = arith.constant 3328 : i32
    %add3A_165 = arith.addi %mul3A_163, %add3A_164 : i32
    %dma_wait3A_166 = arith.constant 0 : i32
    %dma_wait3A_167 = tpu.memref_slice %arg5[%add3A_165, %dma_wait3A_166] : memref<212992x16xf32, #tpu.memory_space<hbm>> -> memref<1664x16xf32, #tpu.memory_space<hbm>>
    %dma_wait3A_168 = arith.constant 0 : i32
    %dma_wait3A_169 = tpu.memref_slice %arg5[%add3A_165, %dma_wait3A_168] : memref<212992x16xf32, #tpu.memory_space<hbm>> -> memref<1664x16xf32, #tpu.memory_space<hbm>>
    tpu.wait_dma2 semaphore(%arg23 : memref<!tpu.dma_semaphore, #tpu.memory_space<semaphore_mem>>) src(%arg8 : memref<1664x16xf32, #tpu.memory_space<vmem>>) dst(%dma_wait3A_169 : memref<1664x16xf32, #tpu.memory_space<hbm>>)
    %dma_wait3A_170 = tpu.memref_slice %arg6[%add3A_165] : memref<212992xf32, #tpu.memory_space<hbm>> -> memref<1664xf32, #tpu.memory_space<hbm>>
    %dma_wait3A_171 = tpu.memref_slice %arg6[%add3A_165] : memref<212992xf32, #tpu.memory_space<hbm>> -> memref<1664xf32, #tpu.memory_space<hbm>>
    tpu.wait_dma2 semaphore(%arg25 : memref<!tpu.dma_semaphore, #tpu.memory_space<semaphore_mem>>) src(%arg12 : memref<1664xf32, #tpu.memory_space<vmem>>) dst(%dma_wait3A_171 : memref<1664xf32, #tpu.memory_space<hbm>>)
    %mul3A_172 = arith.constant 6656 : i32
    %mul3A_173 = arith.muli %add3A, %mul3A_172 : i32
    %add3A_174 = arith.constant 4992 : i32
    %add3A_175 = arith.addi %mul3A_173, %add3A_174 : i32
    %dma_wait3A_176 = arith.constant 0 : i32
    %dma_wait3A_177 = tpu.memref_slice %arg5[%add3A_175, %dma_wait3A_176] : memref<212992x16xf32, #tpu.memory_space<hbm>> -> memref<1664x16xf32, #tpu.memory_space<hbm>>
    %dma_wait3A_178 = arith.constant 0 : i32
    %dma_wait3A_179 = tpu.memref_slice %arg5[%add3A_175, %dma_wait3A_178] : memref<212992x16xf32, #tpu.memory_space<hbm>> -> memref<1664x16xf32, #tpu.memory_space<hbm>>
    tpu.wait_dma2 semaphore(%arg24 : memref<!tpu.dma_semaphore, #tpu.memory_space<semaphore_mem>>) src(%arg14 : memref<1664x16xf32, #tpu.memory_space<vmem>>) dst(%dma_wait3A_179 : memref<1664x16xf32, #tpu.memory_space<hbm>>)
    %dma_wait3A_180 = tpu.memref_slice %arg6[%add3A_175] : memref<212992xf32, #tpu.memory_space<hbm>> -> memref<1664xf32, #tpu.memory_space<hbm>>
    %dma_wait3A_181 = tpu.memref_slice %arg6[%add3A_175] : memref<212992xf32, #tpu.memory_space<hbm>> -> memref<1664xf32, #tpu.memory_space<hbm>>
    tpu.wait_dma2 semaphore(%arg26 : memref<!tpu.dma_semaphore, #tpu.memory_space<semaphore_mem>>) src(%arg18 : memref<1664xf32, #tpu.memory_space<vmem>>) dst(%dma_wait3A_181 : memref<1664xf32, #tpu.memory_space<hbm>>)
    return
  }
}

module attributes {stable_mosaic.version = 14 : i64} {
  func.func @_tc_body(%arg0: i32, %arg1: memref<1024x13xf32, #tpu.memory_space<vmem>>, %arg2: memref<1024x416xf32, #tpu.memory_space<vmem>>, %arg3: memref<1024x26xf32, #tpu.memory_space<vmem>>, %arg4: memref<13x256xf32, #tpu.memory_space<vmem>>, %arg5: memref<416x256xf32, #tpu.memory_space<vmem>>, %arg6: memref<1x256xf32, #tpu.memory_space<vmem>>, %arg7: memref<256x128xf32, #tpu.memory_space<vmem>>, %arg8: memref<1x128xf32, #tpu.memory_space<vmem>>, %arg9: memref<1x128xf32, #tpu.memory_space<vmem>>, %arg10: memref<1x13xf32, #tpu.memory_space<vmem>>, %arg11: memref<1x1xf32, #tpu.memory_space<vmem>>, %arg12: memref<416x16xf32, #tpu.memory_space<vmem>>, %arg13: memref<1024xf32, #tpu.memory_space<vmem>>) attributes {dimension_semantics = [#tpu.dimension_semantics<arbitrary>], iteration_bounds = array<i64: 8>, scalar_prefetch = 0 : i64, scratch_operands = 0 : i64, tpu.core_type = #tpu.core_type<tc>, window_params = [{transform_indices = @transform_0, window_bounds = array<i64: 1024, 13>}, {transform_indices = @transform_1, window_bounds = array<i64: 1024, 416>}, {transform_indices = @transform_2, window_bounds = array<i64: 1024, 26>}, {pipeline_mode = #tpu.pipeline_mode<synchronous>, transform_indices = @transform_3, window_bounds = array<i64: 13, 256>}, {pipeline_mode = #tpu.pipeline_mode<synchronous>, transform_indices = @transform_4, window_bounds = array<i64: 416, 256>}, {pipeline_mode = #tpu.pipeline_mode<synchronous>, transform_indices = @transform_5, window_bounds = array<i64: 1, 256>}, {pipeline_mode = #tpu.pipeline_mode<synchronous>, transform_indices = @transform_6, window_bounds = array<i64: 256, 128>}, {pipeline_mode = #tpu.pipeline_mode<synchronous>, transform_indices = @transform_7, window_bounds = array<i64: 1, 128>}, {pipeline_mode = #tpu.pipeline_mode<synchronous>, transform_indices = @transform_8, window_bounds = array<i64: 1, 128>}, {pipeline_mode = #tpu.pipeline_mode<synchronous>, transform_indices = @transform_9, window_bounds = array<i64: 1, 13>}, {pipeline_mode = #tpu.pipeline_mode<synchronous>, transform_indices = @transform_10, window_bounds = array<i64: 1, 1>}, {pipeline_mode = #tpu.pipeline_mode<synchronous>, transform_indices = @transform_11, window_bounds = array<i64: 416, 16>}, {transform_indices = @transform_12, window_bounds = array<i64: 1024>}]} {
    %get3A = arith.constant 0 : index
    %get3A_0 = arith.constant 0 : index
    %get3A_1 = vector.load %arg2[%get3A, %get3A_0] : memref<1024x416xf32, #tpu.memory_space<vmem>>, vector<1024x416xf32>
    %get3A_2 = arith.constant 0 : index
    %get3A_3 = arith.constant 0 : index
    %get3A_4 = vector.load %arg1[%get3A_2, %get3A_3] : memref<1024x13xf32, #tpu.memory_space<vmem>>, vector<1024x13xf32>
    %get3A_5 = arith.constant 0 : index
    %get3A_6 = arith.constant 0 : index
    %get3A_7 = vector.load %arg12[%get3A_5, %get3A_6] : memref<416x16xf32, #tpu.memory_space<vmem>>, vector<416x16xf32>
    %dot_general3A = arith.constant dense<0.000000e+00> : vector<1024x16xf32>
    %dot_general3A_8 = tpu.matmul %get3A_1, %get3A_7, %dot_general3A {dimension_numbers = #tpu.dot_dimension_numbers<[1], [0], [0], [1], [0, 0, 1, 1], [], []>, precision = #tpu.contract_precision<fp32>, transpose_lhs_hint = false} : vector<1024x416xf32>, vector<416x16xf32>, vector<1024x16xf32> -> vector<1024x16xf32>
    %mul3A = arith.mulf %dot_general3A_8, %dot_general3A_8 : vector<1024x16xf32>
    %reduce_sum3A = arith.constant dense<0.000000e+00> : vector<1024xf32>
    %reduce_sum3A_9 = vector.multi_reduction <add>, %mul3A, %reduce_sum3A [1] : vector<1024x16xf32> to vector<1024xf32>
    %mul3A_10 = arith.mulf %get3A_1, %get3A_1 : vector<1024x416xf32>
    %reduce_sum3A_11 = arith.constant dense<0.000000e+00> : vector<1024xf32>
    %reduce_sum3A_12 = vector.multi_reduction <add>, %mul3A_10, %reduce_sum3A_11 [1] : vector<1024x416xf32> to vector<1024xf32>
    %sub3A = arith.subf %reduce_sum3A_9, %reduce_sum3A_12 : vector<1024xf32>
    %mul3A_13 = arith.constant 5.000000e-01 : f32
    %mul3A_14 = vector.broadcast %mul3A_13 : f32 to vector<1024xf32>
    %mul3A_15 = arith.mulf %mul3A_14, %sub3A : vector<1024xf32>
    %get3A_16 = arith.constant 0 : index
    %get3A_17 = arith.constant 0 : index
    %get3A_18 = vector.load %arg10[%get3A_16, %get3A_17] : memref<1x13xf32, #tpu.memory_space<vmem>>, vector<1x13xf32>
    %mul3A_19 = vector.broadcast %get3A_18 : vector<1x13xf32> to vector<1024x13xf32>
    %mul3A_20 = arith.mulf %get3A_4, %mul3A_19 : vector<1024x13xf32>
    %reduce_sum3A_21 = arith.constant dense<0.000000e+00> : vector<1024xf32>
    %reduce_sum3A_22 = vector.multi_reduction <add>, %mul3A_20, %reduce_sum3A_21 [1] : vector<1024x13xf32> to vector<1024xf32>
    %get3A_23 = arith.constant 0 : index
    %get3A_24 = arith.constant 0 : index
    %get3A_25 = vector.load %arg3[%get3A_23, %get3A_24] : memref<1024x26xf32, #tpu.memory_space<vmem>>, vector<1024x26xf32>
    %reduce_sum3A_26 = arith.constant dense<0.000000e+00> : vector<1024xf32>
    %reduce_sum3A_27 = vector.multi_reduction <add>, %get3A_25, %reduce_sum3A_26 [1] : vector<1024x26xf32> to vector<1024xf32>
    %add3A = arith.addf %reduce_sum3A_22, %reduce_sum3A_27 : vector<1024xf32>
    %get3A_28 = arith.constant 0 : index
    %get3A_29 = arith.constant 0 : index
    %get3A_30 = vector.load %arg4[%get3A_28, %get3A_29] : memref<13x256xf32, #tpu.memory_space<vmem>>, vector<13x256xf32>
    %dot_general3A_31 = arith.constant dense<0.000000e+00> : vector<1024x256xf32>
    %dot_general3A_32 = tpu.matmul %get3A_4, %get3A_30, %dot_general3A_31 {dimension_numbers = #tpu.dot_dimension_numbers<[1], [0], [0], [1], [0, 0, 1, 1], [], []>, precision = #tpu.contract_precision<fp32>, transpose_lhs_hint = false} : vector<1024x13xf32>, vector<13x256xf32>, vector<1024x256xf32> -> vector<1024x256xf32>
    %get3A_33 = arith.constant 0 : index
    %get3A_34 = arith.constant 0 : index
    %get3A_35 = vector.load %arg5[%get3A_33, %get3A_34] : memref<416x256xf32, #tpu.memory_space<vmem>>, vector<416x256xf32>
    %dot_general3A_36 = arith.constant dense<0.000000e+00> : vector<1024x256xf32>
    %dot_general3A_37 = tpu.matmul %get3A_1, %get3A_35, %dot_general3A_36 {dimension_numbers = #tpu.dot_dimension_numbers<[1], [0], [0], [1], [0, 0, 1, 1], [], []>, precision = #tpu.contract_precision<fp32>, transpose_lhs_hint = false} : vector<1024x416xf32>, vector<416x256xf32>, vector<1024x256xf32> -> vector<1024x256xf32>
    %add3A_38 = arith.addf %dot_general3A_32, %dot_general3A_37 : vector<1024x256xf32>
    %get3A_39 = arith.constant 0 : index
    %get3A_40 = arith.constant 0 : index
    %get3A_41 = vector.load %arg6[%get3A_39, %get3A_40] : memref<1x256xf32, #tpu.memory_space<vmem>>, vector<1x256xf32>
    %add3A_42 = vector.broadcast %get3A_41 : vector<1x256xf32> to vector<1024x256xf32>
    %add3A_43 = arith.addf %add3A_38, %add3A_42 : vector<1024x256xf32>
    %max3A = arith.constant 0.000000e+00 : f32
    %max3A_44 = vector.broadcast %max3A : f32 to vector<1024x256xf32>
    %max3A_45 = arith.maximumf %add3A_43, %max3A_44 : vector<1024x256xf32>
    %get3A_46 = arith.constant 0 : index
    %get3A_47 = arith.constant 0 : index
    %get3A_48 = vector.load %arg7[%get3A_46, %get3A_47] : memref<256x128xf32, #tpu.memory_space<vmem>>, vector<256x128xf32>
    %dot_general3A_49 = arith.constant dense<0.000000e+00> : vector<1024x128xf32>
    %dot_general3A_50 = tpu.matmul %max3A_45, %get3A_48, %dot_general3A_49 {dimension_numbers = #tpu.dot_dimension_numbers<[1], [0], [0], [1], [0, 0, 1, 1], [], []>, precision = #tpu.contract_precision<fp32>, transpose_lhs_hint = false} : vector<1024x256xf32>, vector<256x128xf32>, vector<1024x128xf32> -> vector<1024x128xf32>
    %get3A_51 = arith.constant 0 : index
    %get3A_52 = arith.constant 0 : index
    %get3A_53 = vector.load %arg8[%get3A_51, %get3A_52] : memref<1x128xf32, #tpu.memory_space<vmem>>, vector<1x128xf32>
    %add3A_54 = vector.broadcast %get3A_53 : vector<1x128xf32> to vector<1024x128xf32>
    %add3A_55 = arith.addf %dot_general3A_50, %add3A_54 : vector<1024x128xf32>
    %max3A_56 = arith.constant 0.000000e+00 : f32
    %max3A_57 = vector.broadcast %max3A_56 : f32 to vector<1024x128xf32>
    %max3A_58 = arith.maximumf %add3A_55, %max3A_57 : vector<1024x128xf32>
    %get3A_59 = arith.constant 0 : index
    %get3A_60 = arith.constant 0 : index
    %get3A_61 = vector.load %arg9[%get3A_59, %get3A_60] : memref<1x128xf32, #tpu.memory_space<vmem>>, vector<1x128xf32>
    %mul3A_62 = vector.broadcast %get3A_61 : vector<1x128xf32> to vector<1024x128xf32>
    %mul3A_63 = arith.mulf %max3A_58, %mul3A_62 : vector<1024x128xf32>
    %reduce_sum3A_64 = arith.constant dense<0.000000e+00> : vector<1024xf32>
    %reduce_sum3A_65 = vector.multi_reduction <add>, %mul3A_63, %reduce_sum3A_64 [1] : vector<1024x128xf32> to vector<1024xf32>
    %add3A_66 = arith.addf %mul3A_15, %add3A : vector<1024xf32>
    %add3A_67 = arith.addf %add3A_66, %reduce_sum3A_65 : vector<1024xf32>
    %get3A_68 = arith.constant 0 : index
    %get3A_69 = arith.constant 0 : index
    %get3A_70 = vector.load %arg11[%get3A_68, %get3A_69] : memref<1x1xf32, #tpu.memory_space<vmem>>, vector<1x1xf32>
    %get3A_71 = vector.extract %get3A_70[0, 0] : f32 from vector<1x1xf32>
    %add3A_72 = vector.broadcast %get3A_71 : f32 to vector<1024xf32>
    %add3A_73 = arith.addf %add3A_67, %add3A_72 : vector<1024xf32>
    %swap3A = arith.constant 0 : index
    %swap3A_74 = vector.load %arg13[%swap3A] : memref<1024xf32, #tpu.memory_space<vmem>>, vector<1024xf32>
    tpu.vector_store %arg13[%swap3A], %add3A_73 {strides = array<i32>} : memref<1024xf32, #tpu.memory_space<vmem>>, vector<1024xf32>,
    return
  }
  func.func @transform_0(%arg0: i32) -> (i32, i32) {
    %c0_i32 = arith.constant 0 : i32
    %c0_i32_0 = arith.constant 0 : i32
    return %arg0, %c0_i32 : i32, i32
  }
  func.func @transform_1(%arg0: i32) -> (i32, i32) {
    %c0_i32 = arith.constant 0 : i32
    %c0_i32_0 = arith.constant 0 : i32
    return %arg0, %c0_i32 : i32, i32
  }
  func.func @transform_2(%arg0: i32) -> (i32, i32) {
    %c0_i32 = arith.constant 0 : i32
    %c0_i32_0 = arith.constant 0 : i32
    return %arg0, %c0_i32 : i32, i32
  }
  func.func @transform_3(%arg0: i32) -> (i32, i32) {
    %c0_i32 = arith.constant 0 : i32
    %c0_i32_0 = arith.constant 0 : i32
    %c0_i32_1 = arith.constant 0 : i32
    return %c0_i32, %c0_i32_0 : i32, i32
  }
  func.func @transform_4(%arg0: i32) -> (i32, i32) {
    %c0_i32 = arith.constant 0 : i32
    %c0_i32_0 = arith.constant 0 : i32
    %c0_i32_1 = arith.constant 0 : i32
    return %c0_i32, %c0_i32_0 : i32, i32
  }
  func.func @transform_5(%arg0: i32) -> (i32, i32) {
    %c0_i32 = arith.constant 0 : i32
    %c0_i32_0 = arith.constant 0 : i32
    %c0_i32_1 = arith.constant 0 : i32
    return %c0_i32, %c0_i32_0 : i32, i32
  }
  func.func @transform_6(%arg0: i32) -> (i32, i32) {
    %c0_i32 = arith.constant 0 : i32
    %c0_i32_0 = arith.constant 0 : i32
    %c0_i32_1 = arith.constant 0 : i32
    return %c0_i32, %c0_i32_0 : i32, i32
  }
  func.func @transform_7(%arg0: i32) -> (i32, i32) {
    %c0_i32 = arith.constant 0 : i32
    %c0_i32_0 = arith.constant 0 : i32
    %c0_i32_1 = arith.constant 0 : i32
    return %c0_i32, %c0_i32_0 : i32, i32
  }
  func.func @transform_8(%arg0: i32) -> (i32, i32) {
    %c0_i32 = arith.constant 0 : i32
    %c0_i32_0 = arith.constant 0 : i32
    %c0_i32_1 = arith.constant 0 : i32
    return %c0_i32, %c0_i32_0 : i32, i32
  }
  func.func @transform_9(%arg0: i32) -> (i32, i32) {
    %c0_i32 = arith.constant 0 : i32
    %c0_i32_0 = arith.constant 0 : i32
    %c0_i32_1 = arith.constant 0 : i32
    return %c0_i32, %c0_i32_0 : i32, i32
  }
  func.func @transform_10(%arg0: i32) -> (i32, i32) {
    %c0_i32 = arith.constant 0 : i32
    %c0_i32_0 = arith.constant 0 : i32
    %c0_i32_1 = arith.constant 0 : i32
    return %c0_i32, %c0_i32_0 : i32, i32
  }
  func.func @transform_11(%arg0: i32) -> (i32, i32) {
    %c0_i32 = arith.constant 0 : i32
    %c0_i32_0 = arith.constant 0 : i32
    %c0_i32_1 = arith.constant 0 : i32
    return %c0_i32, %c0_i32_0 : i32, i32
  }
  func.func @transform_12(%arg0: i32) -> i32 {
    %c0_i32 = arith.constant 0 : i32
    return %arg0 : i32
  }
}

</mosaic_0001>

<sc_bundles>
// kernel: kernel.10.cloned.1.call-start
scs
__scs_entry_jumppad:
0x0: {  	(pc) =	sbr.rel $0x88, $3  }
0x1: {  	(tag) =	ssettag $0x0;
	lr =	simm.s32 $0x1  }
0x2: {  	[smem:$0x3F94] =	sst lr;
	_ =	strace $0xD0000000  }
0x3: {  	_ = 	snop  }
0x4: {  	_ = 	snop  }
0x5: {  	_ = 	snop  }
0x6: {  	_ = 	snop  }
0x7: {  	_ = 	snop  }
__scs_overlays_trampoline_lowered:
0x8: {  	[smem:$0x3FA3] =	sst s0  }
0x9: {  	[smem:$0x3FA4] =	sst s1  }
0xa: {  	[smem:$0x3FA5] =	sst s2  }
0xb: {  	[smem:$0x3FA6] =	sst s3  }
0xc: {  	[smem:$0x3FA7] =	sst s4  }
0xd: {  	[smem:$0x3FA8] =	sst s5  }
0xe: {  	[smem:$0x3FA9] =	sst s6  }
0xf: {  	[smem:$0x3FAA] =	sst s7  }
0x10: {  	[smem:$0x3FAB] =	sst s8  }
0x11: {  	[smem:$0x3FAC] =	sst s9;
	s0 =	simm.s32 @!p0 $0x0  }
0x12: {  	s1 =	sld [smem:$0x3F92];
	s0 =	simm.s32 @p0 $0x1  }
0x13: {  	[smem:$0x3FAD] =	sst s0;
	s0 =	simm.s32 @!p1 $0x0  }
0x14: {  	s2 =	sld [smem:$0x3F91];
	s0 =	simm.s32 @p1 $0x1  }
0x15: {  	[smem:$0x3FAE] =	sst s0;
	s0 =	simm.s32 @!p2 $0x0  }
0x16: {  	s3 =	sld [smem:$0x3FDB];
	s0 =	simm.s32 @p2 $0x1  }
0x17: {  	s4 =	simm.s32 $0x1BF5;
	[smem:$0x3FB0] =	sst s0  }
0x18: {  	s0 =	sld [smem:$0x3F93];
	_ =	swait.ge [sflag:s4], $0x0  }
0x19: {  	s7 =	sld [smem:$0x3F94]  }
0x1a: {  	s8 =	sadd.s32 $0xFFFFE003, lr  }
0x1b: {  	s9 =	sadd.s32 $0xFFFFFEF7, lr;
	s5 =	simm.s32 $0xFFFFFFFF;
	p2 =	slt.u32 s8, $0xFFFFF086  }
0x1c: {  	p1 =	slt.u32 s9, $0xF7A;
	s5 =	simm.s32 @!p2 $0x0  }
0x1d: {  	s5 =	simm.s32 @p1 $0x1;
	p0 =	seq.s32 s7, s2  }
0x1e: {  	s7 =	smul.u32 @!p0 $0xF7A, s2;
	p2 =	seq.s32 @!p0 s5, $0x0  }
0x1f: {  	s9 =	smul.u32 $0xF7A, s1;
	s8 =	simm.s32 @!p0 $0x1BF5;
	p2 =	por !p2, p0  }
0x20: {  	[sflag:s8] =	ssyncset.s32 @!p0 $0xFFFFF086;
	s6 =	sadd.s32 @!p0 s3, s7;
	s7 =	simm.s32 @!p0 $0x108  }
0x21: {  	s3 =	sadd.s32 s3, s9;
	s6 =	sadd.s32 @!p0 $0x88, s6;
	s7 =	simm.s32 @p2 $0x1082  }
0x22: {  	[simem:s7], [sflag:s8] =	dma.local @!p0 [hbm:s6], $0xF7A  }
0x23: {  	s9 =	sor.u32 $0xD0000000, s2;
	s6 =	simm.s32 $0x108;
	_ =	swait.ge @!p0 [sflag:s8], $0x0  }
0x24: {  	s3 =	sadd.s32 $0x88, s3;
	s6 =	simm.s32 @!p1 $0x1082;
	[sflag:s4] =	ssyncset.s32 $0xFFFFF086  }
0x25: {  	[simem:s6], [sflag:s4] =	dma.local [hbm:s3], $0xF7A  }
0x26: {  	[smem:$0x3F94] =	sst s1;
	(tag) =	ssettag s2;
	_ =	strace s9  }
0x27: {  	s1 =	sld [smem:$0x3FA4]  }
0x28: {  	s2 =	sld [smem:$0x3FA5]  }
0x29: {  	s4 =	sld [smem:$0x3FA7]  }
0x2a: {  	p0 =	seq.s32 s5, $0x0;
	s5 =	sld [smem:$0x3FA8]  }
0x2b: {  	s6 =	sld [smem:$0x3FA9]  }
0x2c: {  	s7 =	sld [smem:$0x3FAA]  }
0x2d: {  	s3 =	simm.s32 $0x108;
	s8 =	sld [smem:$0x3FAB]  }
0x2e: {  	s3 =	simm.s32 @!p0 $0x1082;
	s9 =	sld [smem:$0x3FAC]  }
0x2f: {  	lr =	sadd.s32 s0, s3;
	s0 =	sld [smem:$0x3FA3]  }
0x30: {  	s3 =	sld [smem:$0x3FA6]  }
0x31: {  	[smem:$0x3FAF] =	sst s10  }
0x32: {  	s10 =	sld [smem:$0x3FAD];
	_ =	sdelay $0x3  }
0x33: {  	p0 =	seq.s32 s10, $0x1;
	s10 =	sld [smem:$0x3FAF];
	_ =	sdelay $0x3  }
0x34: {  	[smem:$0x3FAF] =	sst s10  }
0x35: {  	s10 =	sld [smem:$0x3FAE];
	_ =	sdelay $0x3  }
0x36: {  	p1 =	seq.s32 s10, $0x1;
	s10 =	sld [smem:$0x3FAF];
	_ =	sdelay $0x3  }
0x37: {  	[smem:$0x3FAF] =	sst s10  }
0x38: {  	s10 =	sld [smem:$0x3FB0]  }
0x39: {  	_ = 	snop;
	(pc) =	sbr.ind lr, $3  }
0x3a: {  	_ = 	snop  }
0x3b: {  	_ = 	snop  }
0x3c: {  	p2 =	seq.s32 s10, $0x1;
	s10 =	sld [smem:$0x3FAF]  }
0x3d: {  	_ =	shalt  }
0x3e: {  	_ =	shalt  }
0x3f: {  	_ =	shalt  }
0x40: {  	_ =	shalt  }
0x41: {  	_ =	shalt  }
0x42: {  	_ =	shalt  }
0x43: {  	_ =	shalt  }
0x44: {  	_ =	shalt  }
0x45: {  	_ =	shalt  }
0x46: {  	_ =	shalt  }
0x47: {  	_ =	shalt  }
0x48: {  	_ =	shalt  }
0x49: {  	_ =	shalt  }
0x4a: {  	_ =	shalt  }
0x4b: {  	_ =	shalt  }
0x4c: {  	_ =	shalt  }
0x4d: {  	_ =	shalt  }
0x4e: {  	_ =	shalt  }
0x4f: {  	_ =	shalt  }
0x50: {  	_ =	shalt  }
0x51: {  	_ =	shalt  }
0x52: {  	_ =	shalt  }
0x53: {  	_ =	shalt  }
0x54: {  	_ =	shalt  }
0x55: {  	_ =	shalt  }
0x56: {  	_ =	shalt  }
0x57: {  	_ =	shalt  }
0x58: {  	_ =	shalt  }
0x59: {  	_ =	shalt  }
0x5a: {  	_ =	shalt  }
0x5b: {  	_ =	shalt  }
0x5c: {  	_ =	shalt  }
0x5d: {  	_ =	shalt  }
0x5e: {  	_ =	shalt  }
0x5f: {  	_ =	shalt  }
0x60: {  	_ =	shalt  }
0x61: {  	_ =	shalt  }
0x62: {  	_ =	shalt  }
0x63: {  	_ =	shalt  }
0x64: {  	_ =	shalt  }
0x65: {  	_ =	shalt  }
0x66: {  	_ =	shalt  }
0x67: {  	_ =	shalt  }
0x68: {  	_ =	shalt  }
0x69: {  	_ =	shalt  }
0x6a: {  	_ =	shalt  }
0x6b: {  	_ =	shalt  }
0x6c: {  	_ =	shalt  }
0x6d: {  	_ =	shalt  }
0x6e: {  	_ =	shalt  }
0x6f: {  	_ =	shalt  }
0x70: {  	_ =	shalt  }
0x71: {  	_ =	shalt  }
0x72: {  	_ =	shalt  }
0x73: {  	_ =	shalt  }
0x74: {  	_ =	shalt  }
0x75: {  	_ =	shalt  }
0x76: {  	_ =	shalt  }
0x77: {  	_ =	shalt  }
0x78: {  	_ =	shalt  }
0x79: {  	_ =	shalt  }
0x7a: {  	_ =	shalt  }
0x7b: {  	_ =	shalt  }
0x7c: {  	_ =	shalt  }
0x7d: {  	_ =	shalt  }
0x7e: {  	_ =	shalt  }
0x7f: {  	_ =	shalt  }
0x80: {  	_ =	shalt  }
0x81: {  	_ =	shalt  }
0x82: {  	_ =	shalt  }
0x83: {  	_ =	shalt  }
0x84: {  	_ =	shalt  }
0x85: {  	_ =	shalt  }
0x86: {  	_ =	shalt  }
0x87: {  	_ =	shalt  }
.Lfunc_end0:
.L_simem_size_0:
called_computation.1_lowered:
.L_overlay_start_0:
0x88: {  	s2 =	sld [smem:$0x3FD9]  }
0x89: {  	s3 =	sld [smem:$0x3FFE];
	_ =	sdelay $0x1  }
0x8a: {  	s1 =	srdreg.scid  }
0x8b: {  	s0 =	sand.u32 $0x1, s1  }
0x8c: {  	s16 =	sshll.u32 s0, $0xA;
	s2 =	sadd.s32 s3, s2  }
0x8d: {  	s2 =	sadd.s32 s2, s16  }
0x8e: {  	[smem:$0x3FBB] =	sst s2  }
0x8f: {  	_ = 	snop  }
0x90: {  	(tm) =	ssettm $0x1  }
0x91: {  	s17 =	sld [smem:$0x3FFB];
	_ =	sdelay $0x3  }
0x92: {  	_ =	strace s17  }
0x93: {  	s2 =	sld [smem:$0x3FFC];
	_ =	sdelay $0x3  }
0x94: {  	_ =	strace s2  }
0x95: {  	s2 =	sld [smem:$0x3FFD];
	_ =	sdelay $0x3  }
0x96: {  	_ =	strace s2  }
0x97: {  	_ =	strace $0x8FFFFFFF  }
0x98: {  	s18 =	sld [smem:$0x3FDB];
	_ =	sdelay $0x1  }
0x99: {  	s19 =	simm.s32 $_scs_section_size  }
0x9a: {  	s4 =	simm.s32 $_size__tile_overlayer_lowered;
	s5 =	simm.s32 $_tile_overlayer_lowered  }
0x9b: {  	s22 =	simm.s32 $0x1BFF;
	s21 =	sshll.u32 s5, $0x1;
	s2 =	sadd.s32 s19, s18  }
0x9c: {  	s6 =	simm.s32 $0x0;
	s20 =	sshll.u32 s4, $0x1;
	s4 =	sadd.s32 s21, s2  }
0x9d: {  	[timem:s6], [sflag:s22] =	dma.local [hbm:s4], s20  }
0x9e: {  	_ =	swait.ge [sflag:s22], s20  }
0x9f: {  	s3 =	ssub.s32 $0x0, s20;
	[sflag:s22] =	ssyncset.done $0x0  }
0xa0: {  	[sflag:s22] =	ssyncadd.s32 s3;
	_ =	sdelay $0x1  }
0xa1: {  	s23 =	simm.s32 $0x1B8B  }
0xa2: {  	_ =	swait.ge [sflag:s23], $0x1  }
0xa3: {  	[sflag:s23] =	ssyncset.done $0x0  }
0xa4: {  	s25 =	simm.s32 $0x1B8E;
	s24 =	sld [smem:$0x3FFE];
	[sflag:s23] =	ssyncadd.s32 $0xFFFFFFFF  }
0xa5: {  	s26 =	simm.s32 $execute0_lowered;
	[smem:$0x3FD2] =	sst s25  }
0xa6: {  	s4 =	sshll.u32 s26, $0x1;
	_ =	strace $0x80000049;
	[dreg:$0x1] =	wrdreg $0xFFFFFFFF  }
0xa7: {  	s28 =	simm.s32 $_size_execute0_lowered;
	s2 =	sadd.s32 s2, s4;
	[dreg:$0x0] =	wrdreg $0x0  }
0xa8: {  	s4 =	sshll.u32 s28, $0x1;
	[dreg:$0x2] =	wrdreg s2  }
0xa9: {  	[dreg:$0x3] =	wrdreg s4  }
0xaa: {  	[dreg:$0x4] =	wrdreg $0xC0  }
0xab: {  	_ =	task [dreg:s6], $0x5FFFF  }
0xac: {  	[dreg:$0x1] =	wrdreg $0xFFFFFFFF  }
0xad: {  	[dreg:$0x0] =	wrdreg $0x60  }
0xae: {  	[dreg:$0x2] =	wrdreg s24  }
0xaf: {  	[dreg:$0x3] =	wrdreg $0x9  }
0xb0: {  	_ =	task.clear_ibuf [dreg:s6], $0x4FFFF;
	_ =	strace $0x90000049  }
0xb1: {  	s29 =	simm.s32 $0x9;
	_ =	strace $0x8000004B  }
0xb2: {  	_ =	swait.ge [sflag:s29], $0x1  }
0xb3: {  	[sflag:s29] =	ssyncadd.s32 $0xFFFFFFFF  }
0xb4: {  	_ =	strace $0x9000004B  }
0xb5: {  	_ =	sfence  }
0xb6: {  	s30 =	sld [smem:$0x0];
	_ =	sdelay $0x2  }
0xb7: {  	s31 =	sshll.u32 s1, $0xD;
	s1 =	sshrl.u32 s1, $0x2  }
0xb8: {  	s3 =	sand.u32 $0x4000, s31;
	s1 =	sadd.s32 s1, s30  }
0xb9: {  	s0 =	sor.u32 s3, s0;
	s1 =	sshll.u32 s1, $0x11  }
0xba: {  	s0 =	sor.u32 s1, s0  }
0xbb: {  	s0 =	sadd.s32 $0x8F2B, s0  }
0xbc: {  	[sflag:s0] =	ssyncadd.remote.s32 $0x1  }
0xbd: {  	_ =	sfence.sel $0xFFFF  }
0xbe: {  	[dreg:$0x0] =	wrdreg $0xFFFFFFFF;
	(pc) =	sbr.abs _section_cstart, $3  }
0xbf: {  	[dreg:$0x1] =	wrdreg $0xFFFFFFFF  }
0xc0: {  	_ =	task.clear_ibuf [dreg:s6], $0x2FFFF;
	_ =	strace $0x9FFFFFFF  }
0xc1: {  	(tm) =	ssettm $0x7FFFFFFF  }
tec
execute0_lowered:
.L_overlay_start_1:
0x0: {  	(tag) =	ssettag $0x1  }
0x1: {  	s0 =	rddreg [dreg:$0x0];
	s2 =	simm.s32 $0x0;
	s1 =	srdreg.scid  }
0x2: {  	s3 =	stileid.u32;
	s28 =	simm.s32 $0x3;
	s29 =	simm.s32 $0xE380  }
0x3: {  	s30 =	simm.s32 $0x5;
	s31 =	simm.s32 $0x7;
	[smem:$0x7FF] =	sst s2  }
0x4: {  	s1 =	sand.u32 $0x1, s1;
	s4 =	sshll.u32 s3, $0x1;
	s3 =	sadd.s32 $0x2C00, s0  }
0x5: {  	s7 =	sadd.s32 $0x1EB200, s0;
	s8 =	sadd.s32 $0x210400, s0;
	s5 =	sor.u32 s1, s4  }
0x6: {  	_ =	strace $0x8000004A;
	s1 =	ssub.s32 $0x2, s1;
	s6 =	smul.u32 $0x1A00, s5  }
0x7: {  	s4 =	sadd.s32 $0x1F1A00, s0;
	s9 =	sshrl.u32 s1, $0x1;
	s5 =	smul.u32 $0x3400, s5  }
0x8: {  	s0 =	sadd.s32 $0x278400, s0;
	s1 =	ssub.s32 s1, s9;
	s18 =	sadd.s32 $0x680, s6  }
0x9: {  	s10 =	sshrl.u32 s6, $0x3;
	s20 =	sadd.s32 $0xD00, s6;
	s5 =	sadd.s32 s8, s5  }
0xa: {  	s6 =	sadd.s32 $0x1380, s6;
	s17 =	smax.u32 s1, $0x1;
	s1 =	simm.s32 $0x4  }
0xb: {  	s11 =	sshrl.u32 s18, $0x3;
	s12 =	sadd.s32 s7, s10;
	[dreg:$0x4] =	wrdreg s5  }
0xc: {  	s21 =	sadd.s32 s0, s10;
	s22 =	sshrl.u32 s20, $0x3;
	s9 =	sshll.u32 s18, $0x1  }
0xd: {  	s25 =	sshrl.u32 s6, $0x3;
	s26 =	sshll.u32 s20, $0x1;
	s6 =	sshll.u32 s6, $0x1  }
0xe: {  	s18 =	simm.s32 $0x9;
	s20 =	simm.s32 $0x6E80;
	[dreg:$0x2] =	wrdreg s12  }
0xf: {  	s5 =	simm.s32 $0x1CD80;
	s19 =	sadd.s32 s7, s11;
	[dreg:$0x5] =	wrdreg s21  }
0x10: {  	s23 =	sadd.s32 s7, s22;
	s9 =	sadd.s32 s8, s9;
	s24 =	sadd.s32 s0, s11  }
0x11: {  	s7 =	sadd.s32 s7, s25;
	s13 =	sadd.s32 s8, s26;
	s14 =	sadd.s32 s0, s22  }
0x12: {  	s15 =	sadd.s32 s8, s6;
	s16 =	sadd.s32 s0, s25;
	[dreg:$0x3] =	wrdreg s19  }
0x13: {  	s21 =	simm.s32 $0x7B80;
	s22 =	simm.s32 $0xEA00;
	[dreg:$0x6] =	wrdreg s23  }
0x14: {  	s25 =	simm.s32 $0x16580;
	s26 =	simm.s32 $0x1;
	[dreg:$0x7] =	wrdreg s9  }
0x15: {  	s0 =	simm.s32 $0x2;
	s6 =	simm.s32 $0x6;
	[dreg:$0x8] =	wrdreg s24  }
0x16: {  	v0 =	vlaneseq.u32;
	s8 =	simm.s32 $0x0;
	[dreg:$0x9] =	wrdreg s7;
	s19 =	simm.s32 $0x680  }
0x17: {  	v0 =	vmul.u32 $0x10, v0;
	s23 =	simm.s32 $0xF080;
	s24 =	simm.s32 $0x15880;
	s7 =	simm.s32 $0x8  }
.LBB2_1:
0x18: {  	s9 =	rddreg [dreg:$0x2]  }
0x19: {  	[tilespmem:s2], [sflag:$0x9] =	stream.linear.gather [hbm4b:s9+s2], $0x680, $0x38;
	[tilespmem:$0x1D400] =	vst v63  }
0x1a: {  	_ =	swait.ge [sflag:s18], $0x680  }
0x1b: {  	[sflag:s18] =	ssyncset.done $0x0  }
0x1c: {  	s9 =	simm.s32 $0x0;
	[sflag:s18] =	ssyncadd.s32 $0xFFFFF980  }
0x1d: {  	v1 =	vld [tilespmem:s9+$0x0]  }
0x1e: {  	s10 =	simm.s32 $0x40  }
.LBB2_2:
0x1f: {  	p0 =	sne.s32 s10, $0x19C0  }
.Ltmp0:
0x20: {  	_ = 	snop;
	(pc) =	sbr.rel @p0 .LBB2_2-.Ltmp0, $4  }
0x21: {  	_ = 	snop  }
0x22: {  	s11 =	sshra.s32 s10, $0x2;
	s10 =	sadd.s32 $0x40, s10;
	v2 =	vshra.s32 v1, $0x4;
	v3 =	vand.u32 $0xF, v1  }
0x23: {  	v1 =	vld [tilespmem:s11+$0x0];
	[tilespmem:s9+$0x7500] =	vst v3  }
0x24: {  	[tilespmem:s9+$0x6E80] =	vst v2;
	s9 =	smov.u32 s11  }
0x25: {  	_ =	sdelay $0x2  }
0x26: {  	v2 =	vand.u32 $0xF, v1  }
0x27: {  	v1 =	vshra.s32 v1, $0x4;
	[tilespmem:s9+$0x7500] =	vst v2  }
0x28: {  	s12 =	simm.s32 $0x0;
	[tilespmem:s9+$0x6E80] =	vst v1  }
0x29: {  	[tilespmem:s19], [sflag:$0x1] =	stream.indirect.gather [hbm4b:s3+s19], $0x10, s12, s19, $0xb8;
	[tilespmem:$0x1D400] =	vst v63  }
0x2a: {  	_ = 	snop  }
0x2b: {  	[tilespmem:s21], [sflag:$0x3] =	stream.indirect.gather [hbm4b:s4+s19], $0x10, s20, s19, $0xb8;
	[tilespmem:$0x1D400] =	vst v63  }
0x2c: {  	s10 =	rddreg [dreg:$0x3]  }
0x2d: {  	[tilespmem:s22], [sflag:$0x9] =	stream.linear.gather [hbm4b:s10+s12], $0x680, $0x38;
	[tilespmem:$0x1D400] =	vst v63  }
0x2e: {  	_ =	swait.ge [sflag:s18], $0x680  }
0x2f: {  	[sflag:s18] =	ssyncset.done $0x0  }
0x30: {  	s9 =	simm.s32 $0x0;
	[sflag:s18] =	ssyncadd.s32 $0xFFFFF980  }
0x31: {  	v1 =	vld [tilespmem:s9+$0xEA00]  }
0x32: {  	s10 =	simm.s32 $0x40  }
.LBB2_4:
0x33: {  	p0 =	sne.s32 s10, $0x19C0  }
.Ltmp1:
0x34: {  	_ = 	snop;
	(pc) =	sbr.rel @p0 .LBB2_4-.Ltmp1, $4  }
0x35: {  	_ = 	snop  }
0x36: {  	s11 =	sshra.s32 s10, $0x2;
	s10 =	sadd.s32 $0x40, s10;
	v2 =	vshra.s32 v1, $0x4;
	v3 =	vand.u32 $0xF, v1  }
0x37: {  	v1 =	vld [tilespmem:s11+$0xEA00];
	[tilespmem:s9+$0x15F00] =	vst v3  }
0x38: {  	[tilespmem:s9+$0x15880] =	vst v2;
	s9 =	smov.u32 s11  }
0x39: {  	_ =	sdelay $0x2  }
0x3a: {  	v2 =	vand.u32 $0xF, v1  }
0x3b: {  	v1 =	vshra.s32 v1, $0x4;
	[tilespmem:s9+$0x15F00] =	vst v2  }
0x3c: {  	[tilespmem:s9+$0x15880] =	vst v1  }
0x3d: {  	[tilespmem:s23], [sflag:$0x2] =	stream.indirect.gather [hbm4b:s3+s19], $0x10, s22, s19, $0xb8;
	[tilespmem:$0x1D400] =	vst v63  }
0x3e: {  	_ = 	snop  }
0x3f: {  	[tilespmem:s25], [sflag:$0x4] =	stream.indirect.gather [hbm4b:s4+s19], $0x10, s24, s19, $0xb8;
	[tilespmem:$0x1D400] =	vst v63  }
0x40: {  	_ =	swait.ge [sflag:s26], $0x6800  }
0x41: {  	[sflag:s26] =	ssyncset.done $0x0  }
0x42: {  	[sflag:s26] =	ssyncadd.s32 $0xFFFF9800  }
0x43: {  	_ =	swait.ge [sflag:s28], $0x6800  }
0x44: {  	[sflag:s28] =	ssyncset.done $0x0  }
0x45: {  	s11 =	simm.s32 $0x7500;
	[sflag:s28] =	ssyncadd.s32 $0xFFFF9800  }
0x46: {  	v1 =	vld [tilespmem:s11+$0x0];
	_ =	sdelay $0x1  }
0x47: {  	s12 =	simm.s32 $0x0  }
0x48: {  	v2 =	vmov s12  }
0x49: {  	v2 =	vshll.u32 v2, $0x4  }
0x4a: {  	v2 =	vor.u32 v0, v2;
	v3 =	vand.u32 $0xFFFFFFF8, v1  }
0x4b: {  	v1 =	vand.u32 $0x7, v1;
	v2 =	vadd.s32 v2, v3  }
0x4c: {  	v1 =	vor.u32 v1, v2;
	_ =	sdelay $0x4  }
0x4d: {  	v1 =	vld.idx.msk [tilespmem:v1+s21+$0x0], $0xffff;
	_ =	sdelay $0x3  }
0x4e: {  	s9 =	simm.s32 $0xE380  }
0x4f: {  	s10 =	simm.s32 $0x7510;
	[tilespmem:s9+$0x0] =	vst v1  }
0x50: {  	s12 =	simm.s32 $0x20;
	s11 =	simm.s32 $0x10;
	v1 =	vld [tilespmem:s10+$0x0]  }
.LBB2_6:
0x51: {  	p0 =	sne.s32 s12, $0x670;
	_ =	sdelay $0x1  }
0x52: {  	v2 =	vmov s11;
	s11 =	smov.u32 s12  }
0x53: {  	v2 =	vshll.u32 v2, $0x4  }
0x54: {  	v2 =	vor.u32 v0, v2;
	v3 =	vand.u32 $0xFFFFFFF8, v1  }
0x55: {  	v1 =	vand.u32 $0x7, v1;
	v2 =	vadd.s32 v2, v3  }
0x56: {  	v1 =	vor.u32 v1, v2;
	_ =	sdelay $0x4  }
0x57: {  	v1 =	vld.idx.msk [tilespmem:v1+s21+$0x0], $0xffff;
	_ =	sdelay $0x2  }
.Ltmp2:
0x58: {  	(pc) =	sbr.rel @p0 .LBB2_6-.Ltmp2, $4  }
0x59: {  	_ = 	snop  }
0x5a: {  	s9 =	sadd.s32 $0x10, s9  }
0x5b: {  	s10 =	sadd.s32 $0x10, s10;
	[tilespmem:s9+$0x0] =	vst v1  }
0x5c: {  	s12 =	sadd.s32 $0x10, s12;
	v1 =	vld [tilespmem:s10+$0x0]  }
0x5d: {  	_ =	sdelay $0x1  }
0x5e: {  	v2 =	vmov s11  }
0x5f: {  	v2 =	vshll.u32 v2, $0x4  }
0x60: {  	v2 =	vor.u32 v0, v2;
	v3 =	vand.u32 $0xFFFFFFF8, v1  }
0x61: {  	v1 =	vand.u32 $0x7, v1;
	v2 =	vadd.s32 v2, v3  }
0x62: {  	v1 =	vor.u32 v1, v2;
	_ =	sdelay $0x4  }
0x63: {  	v1 =	vld.idx.msk [tilespmem:v1+s21+$0x0], $0xffff;
	_ =	sdelay $0x3  }
0x64: {  	s9 =	sadd.s32 $0x10, s9  }
0x65: {  	s10 =	rddreg [dreg:$0x4];
	[tilespmem:s9+$0x0] =	vst v1;
	s9 =	simm.s32 $0x0  }
0x66: {  	[hbm4b:s10+s9] =	stream.linear.scatter [tilespmem:s19], [sflag:$0x5], $0x6800, $0x38;
	[tilespmem:$0x1D400] =	vst v63  }
0x67: {  	s11 =	rddreg [dreg:$0x5]  }
0x68: {  	[hbm4b:s11+s9] =	stream.linear.scatter [tilespmem:s29], [sflag:$0x7], $0x680, $0x38;
	[tilespmem:$0x1D400] =	vst v63  }
0x69: {  	_ =	swait.ge [sflag:s30], $0x6800  }
0x6a: {  	[sflag:s30] =	ssyncset.done $0x0  }
0x6b: {  	[sflag:s30] =	ssyncadd.s32 $0xFFFF9800  }
0x6c: {  	_ =	swait.ge [sflag:s31], $0x680  }
0x6d: {  	[sflag:s31] =	ssyncset.done $0x0  }
0x6e: {  	s12 =	rddreg [dreg:$0x6];
	[sflag:s31] =	ssyncadd.s32 $0xFFFFF980  }
0x6f: {  	[tilespmem:s9], [sflag:$0x9] =	stream.linear.gather [hbm4b:s12+s9], $0x680, $0x38;
	[tilespmem:$0x1D400] =	vst v63  }
0x70: {  	_ =	swait.ge [sflag:s18], $0x680  }
0x71: {  	[sflag:s18] =	ssyncset.done $0x0  }
0x72: {  	s9 =	simm.s32 $0x0;
	[sflag:s18] =	ssyncadd.s32 $0xFFFFF980  }
0x73: {  	v1 =	vld [tilespmem:s9+$0x0]  }
0x74: {  	s10 =	simm.s32 $0x40  }
.LBB2_8:
0x75: {  	p0 =	sne.s32 s10, $0x19C0  }
.Ltmp3:
0x76: {  	_ = 	snop;
	(pc) =	sbr.rel @p0 .LBB2_8-.Ltmp3, $4  }
0x77: {  	_ = 	snop  }
0x78: {  	s11 =	sshra.s32 s10, $0x2;
	s10 =	sadd.s32 $0x40, s10;
	v2 =	vshra.s32 v1, $0x4;
	v3 =	vand.u32 $0xF, v1  }
0x79: {  	v1 =	vld [tilespmem:s11+$0x0];
	[tilespmem:s9+$0x7500] =	vst v3  }
0x7a: {  	[tilespmem:s9+$0x6E80] =	vst v2;
	s9 =	smov.u32 s11  }
0x7b: {  	_ =	sdelay $0x2  }
0x7c: {  	v2 =	vand.u32 $0xF, v1  }
0x7d: {  	v1 =	vshra.s32 v1, $0x4;
	[tilespmem:s9+$0x7500] =	vst v2  }
0x7e: {  	s12 =	simm.s32 $0x0;
	[tilespmem:s9+$0x6E80] =	vst v1  }
0x7f: {  	[tilespmem:s19], [sflag:$0x1] =	stream.indirect.gather [hbm4b:s3+s19], $0x10, s12, s19, $0xb8;
	[tilespmem:$0x1D400] =	vst v63  }
0x80: {  	_ = 	snop  }
0x81: {  	[tilespmem:s21], [sflag:$0x3] =	stream.indirect.gather [hbm4b:s4+s19], $0x10, s20, s19, $0xb8;
	[tilespmem:$0x1D400] =	vst v63  }
0x82: {  	_ =	swait.ge [sflag:s0], $0x6800  }
0x83: {  	[sflag:s0] =	ssyncset.done $0x0  }
0x84: {  	[sflag:s0] =	ssyncadd.s32 $0xFFFF9800  }
0x85: {  	_ =	swait.ge [sflag:s1], $0x6800  }
0x86: {  	[sflag:s1] =	ssyncset.done $0x0  }
0x87: {  	s10 =	simm.s32 $0x15F00;
	[sflag:s1] =	ssyncadd.s32 $0xFFFF9800  }
0x88: {  	v1 =	vld [tilespmem:s10+$0x0];
	_ =	sdelay $0x2  }
0x89: {  	v2 =	vmov s12  }
0x8a: {  	v2 =	vshll.u32 v2, $0x4  }
0x8b: {  	v2 =	vor.u32 v0, v2;
	v3 =	vand.u32 $0xFFFFFFF8, v1  }
0x8c: {  	v1 =	vand.u32 $0x7, v1;
	v2 =	vadd.s32 v2, v3  }
0x8d: {  	v1 =	vor.u32 v1, v2;
	_ =	sdelay $0x4  }
0x8e: {  	v1 =	vld.idx.msk [tilespmem:v1+s25+$0x0], $0xffff;
	_ =	sdelay $0x3  }
0x8f: {  	s9 =	simm.s32 $0x1CD80  }
0x90: {  	s10 =	simm.s32 $0x15F10;
	[tilespmem:s9+$0x0] =	vst v1  }
0x91: {  	s11 =	simm.s32 $0x10;
	s12 =	simm.s32 $0x20;
	v1 =	vld [tilespmem:s10+$0x0]  }
.LBB2_10:
0x92: {  	p0 =	sne.s32 s12, $0x670;
	_ =	sdelay $0x1  }
0x93: {  	v2 =	vmov s11;
	s11 =	smov.u32 s12  }
0x94: {  	v2 =	vshll.u32 v2, $0x4  }
0x95: {  	v2 =	vor.u32 v0, v2;
	v3 =	vand.u32 $0xFFFFFFF8, v1  }
0x96: {  	v1 =	vand.u32 $0x7, v1;
	v2 =	vadd.s32 v2, v3  }
0x97: {  	v1 =	vor.u32 v1, v2;
	_ =	sdelay $0x4  }
0x98: {  	v1 =	vld.idx.msk [tilespmem:v1+s25+$0x0], $0xffff;
	_ =	sdelay $0x2  }
.Ltmp4:
0x99: {  	(pc) =	sbr.rel @p0 .LBB2_10-.Ltmp4, $4  }
0x9a: {  	_ = 	snop  }
0x9b: {  	s9 =	sadd.s32 $0x10, s9  }
0x9c: {  	s10 =	sadd.s32 $0x10, s10;
	[tilespmem:s9+$0x0] =	vst v1  }
0x9d: {  	s12 =	sadd.s32 $0x10, s12;
	v1 =	vld [tilespmem:s10+$0x0]  }
0x9e: {  	_ =	sdelay $0x1  }
0x9f: {  	v2 =	vmov s11  }
0xa0: {  	v2 =	vshll.u32 v2, $0x4  }
0xa1: {  	v2 =	vor.u32 v0, v2;
	v3 =	vand.u32 $0xFFFFFFF8, v1  }
0xa2: {  	v1 =	vand.u32 $0x7, v1;
	v2 =	vadd.s32 v2, v3  }
0xa3: {  	v1 =	vor.u32 v1, v2;
	_ =	sdelay $0x4  }
0xa4: {  	v1 =	vld.idx.msk [tilespmem:v1+s25+$0x0], $0xffff;
	_ =	sdelay $0x3  }
0xa5: {  	s9 =	sadd.s32 $0x10, s9  }
0xa6: {  	s10 =	rddreg [dreg:$0x7];
	[tilespmem:s9+$0x0] =	vst v1;
	s9 =	simm.s32 $0x0  }
0xa7: {  	[hbm4b:s10+s9] =	stream.linear.scatter [tilespmem:s23], [sflag:$0x6], $0x6800, $0x38;
	[tilespmem:$0x1D400] =	vst v63  }
0xa8: {  	s11 =	rddreg [dreg:$0x8]  }
0xa9: {  	[hbm4b:s11+s9] =	stream.linear.scatter [tilespmem:s5], [sflag:$0x8], $0x680, $0x38;
	[tilespmem:$0x1D400] =	vst v63  }
0xaa: {  	_ =	swait.ge [sflag:s6], $0x6800  }
0xab: {  	[sflag:s6] =	ssyncset.done $0x0  }
0xac: {  	[sflag:s6] =	ssyncadd.s32 $0xFFFF9800  }
0xad: {  	_ =	swait.ge [sflag:s7], $0x680  }
0xae: {  	[sflag:s7] =	ssyncset.done $0x0  }
0xaf: {  	s12 =	rddreg [dreg:$0x9];
	[sflag:s7] =	ssyncadd.s32 $0xFFFFF980  }
0xb0: {  	[tilespmem:s22], [sflag:$0x9] =	stream.linear.gather [hbm4b:s12+s9], $0x680, $0x38;
	[tilespmem:$0x1D400] =	vst v63  }
0xb1: {  	_ =	swait.ge [sflag:s18], $0x680  }
0xb2: {  	[sflag:s18] =	ssyncset.done $0x0  }
0xb3: {  	s9 =	simm.s32 $0x0;
	[sflag:s18] =	ssyncadd.s32 $0xFFFFF980  }
0xb4: {  	v1 =	vld [tilespmem:s9+$0xEA00]  }
0xb5: {  	s10 =	simm.s32 $0x40  }
.LBB2_12:
0xb6: {  	p0 =	sne.s32 s10, $0x19C0  }
.Ltmp5:
0xb7: {  	_ = 	snop;
	(pc) =	sbr.rel @p0 .LBB2_12-.Ltmp5, $4  }
0xb8: {  	_ = 	snop  }
0xb9: {  	s11 =	sshra.s32 s10, $0x2;
	s10 =	sadd.s32 $0x40, s10;
	v2 =	vshra.s32 v1, $0x4;
	v3 =	vand.u32 $0xF, v1  }
0xba: {  	v1 =	vld [tilespmem:s11+$0xEA00];
	[tilespmem:s9+$0x15F00] =	vst v3  }
0xbb: {  	[tilespmem:s9+$0x15880] =	vst v2;
	s9 =	smov.u32 s11  }
0xbc: {  	_ =	sdelay $0x2  }
0xbd: {  	v2 =	vand.u32 $0xF, v1  }
0xbe: {  	v1 =	vshra.s32 v1, $0x4;
	[tilespmem:s9+$0x15F00] =	vst v2  }
0xbf: {  	[tilespmem:s9+$0x15880] =	vst v1  }
0xc0: {  	[tilespmem:s23], [sflag:$0x2] =	stream.indirect.gather [hbm4b:s3+s19], $0x10, s22, s19, $0xb8;
	[tilespmem:$0x1D400] =	vst v63  }
0xc1: {  	_ = 	snop  }
0xc2: {  	[tilespmem:s25], [sflag:$0x4] =	stream.indirect.gather [hbm4b:s4+s19], $0x10, s24, s19, $0xb8;
	[tilespmem:$0x1D400] =	vst v63  }
0xc3: {  	_ =	swait.ge [sflag:s26], $0x6800  }
0xc4: {  	[sflag:s26] =	ssyncset.done $0x0  }
0xc5: {  	[sflag:s26] =	ssyncadd.s32 $0xFFFF9800  }
0xc6: {  	_ =	swait.ge [sflag:s28], $0x6800  }
0xc7: {  	[sflag:s28] =	ssyncset.done $0x0  }
0xc8: {  	s11 =	simm.s32 $0x7500;
	[sflag:s28] =	ssyncadd.s32 $0xFFFF9800  }
0xc9: {  	v1 =	vld [tilespmem:s11+$0x0];
	_ =	sdelay $0x1  }
0xca: {  	s12 =	simm.s32 $0x0  }
0xcb: {  	v2 =	vmov s12  }
0xcc: {  	v2 =	vshll.u32 v2, $0x4  }
0xcd: {  	v2 =	vor.u32 v0, v2;
	v3 =	vand.u32 $0xFFFFFFF8, v1  }
0xce: {  	v1 =	vand.u32 $0x7, v1;
	v2 =	vadd.s32 v2, v3  }
0xcf: {  	v1 =	vor.u32 v1, v2;
	_ =	sdelay $0x4  }
0xd0: {  	v1 =	vld.idx.msk [tilespmem:v1+s21+$0x0], $0xffff;
	_ =	sdelay $0x3  }
0xd1: {  	s9 =	simm.s32 $0xE380  }
0xd2: {  	s10 =	simm.s32 $0x7510;
	[tilespmem:s9+$0x0] =	vst v1  }
0xd3: {  	s12 =	simm.s32 $0x20;
	s11 =	simm.s32 $0x10;
	v1 =	vld [tilespmem:s10+$0x0]  }
.LBB2_14:
0xd4: {  	p0 =	sne.s32 s12, $0x670;
	_ =	sdelay $0x1  }
0xd5: {  	v2 =	vmov s11;
	s11 =	smov.u32 s12  }
0xd6: {  	v2 =	vshll.u32 v2, $0x4  }
0xd7: {  	v2 =	vor.u32 v0, v2;
	v3 =	vand.u32 $0xFFFFFFF8, v1  }
0xd8: {  	v1 =	vand.u32 $0x7, v1;
	v2 =	vadd.s32 v2, v3  }
0xd9: {  	v1 =	vor.u32 v1, v2;
	_ =	sdelay $0x4  }
0xda: {  	v1 =	vld.idx.msk [tilespmem:v1+s21+$0x0], $0xffff;
	_ =	sdelay $0x2  }
.Ltmp6:
0xdb: {  	(pc) =	sbr.rel @p0 .LBB2_14-.Ltmp6, $4  }
0xdc: {  	_ = 	snop  }
0xdd: {  	s9 =	sadd.s32 $0x10, s9  }
0xde: {  	s10 =	sadd.s32 $0x10, s10;
	[tilespmem:s9+$0x0] =	vst v1  }
0xdf: {  	s12 =	sadd.s32 $0x10, s12;
	v1 =	vld [tilespmem:s10+$0x0]  }
0xe0: {  	_ =	sdelay $0x1  }
0xe1: {  	v2 =	vmov s11  }
0xe2: {  	v2 =	vshll.u32 v2, $0x4  }
0xe3: {  	v2 =	vor.u32 v0, v2;
	v3 =	vand.u32 $0xFFFFFFF8, v1  }
0xe4: {  	v1 =	vand.u32 $0x7, v1;
	v2 =	vadd.s32 v2, v3  }
0xe5: {  	v1 =	vor.u32 v1, v2;
	_ =	sdelay $0x4  }
0xe6: {  	v1 =	vld.idx.msk [tilespmem:v1+s21+$0x0], $0xffff;
	_ =	sdelay $0x3  }
0xe7: {  	s9 =	sadd.s32 $0x10, s9  }
0xe8: {  	s12 =	simm.s32 $0x0;
	[tilespmem:s9+$0x0] =	vst v1  }
0xe9: {  	[hbm4b:s13+s12] =	stream.linear.scatter [tilespmem:s19], [sflag:$0x5], $0x6800, $0x38;
	[tilespmem:$0x1D400] =	vst v63  }
0xea: {  	_ = 	snop  }
0xeb: {  	[hbm4b:s14+s12] =	stream.linear.scatter [tilespmem:s29], [sflag:$0x7], $0x680, $0x38;
	[tilespmem:$0x1D400] =	vst v63  }
0xec: {  	_ =	swait.ge [sflag:s0], $0x6800  }
0xed: {  	[sflag:s0] =	ssyncset.done $0x0  }
0xee: {  	[sflag:s0] =	ssyncadd.s32 $0xFFFF9800  }
0xef: {  	_ =	swait.ge [sflag:s1], $0x6800  }
0xf0: {  	[sflag:s1] =	ssyncset.done $0x0  }
0xf1: {  	s10 =	simm.s32 $0x15F00;
	[sflag:s1] =	ssyncadd.s32 $0xFFFF9800  }
0xf2: {  	v1 =	vld [tilespmem:s10+$0x0];
	_ =	sdelay $0x2  }
0xf3: {  	v2 =	vmov s12  }
0xf4: {  	v2 =	vshll.u32 v2, $0x4  }
0xf5: {  	v2 =	vor.u32 v0, v2;
	v3 =	vand.u32 $0xFFFFFFF8, v1  }
0xf6: {  	v1 =	vand.u32 $0x7, v1;
	v2 =	vadd.s32 v2, v3  }
0xf7: {  	v1 =	vor.u32 v1, v2;
	_ =	sdelay $0x4  }
0xf8: {  	v1 =	vld.idx.msk [tilespmem:v1+s25+$0x0], $0xffff;
	_ =	sdelay $0x3  }
0xf9: {  	s9 =	simm.s32 $0x1CD80  }
0xfa: {  	s10 =	simm.s32 $0x15F10;
	[tilespmem:s9+$0x0] =	vst v1  }
0xfb: {  	s11 =	simm.s32 $0x10;
	s12 =	simm.s32 $0x20;
	v1 =	vld [tilespmem:s10+$0x0]  }
.LBB2_16:
0xfc: {  	p0 =	sne.s32 s12, $0x670;
	_ =	sdelay $0x1  }
0xfd: {  	v2 =	vmov s11;
	s11 =	smov.u32 s12  }
0xfe: {  	v2 =	vshll.u32 v2, $0x4  }
0xff: {  	v2 =	vor.u32 v0, v2;
	v3 =	vand.u32 $0xFFFFFFF8, v1  }
0x100: {  	v1 =	vand.u32 $0x7, v1;
	v2 =	vadd.s32 v2, v3  }
0x101: {  	v1 =	vor.u32 v1, v2;
	_ =	sdelay $0x4  }
0x102: {  	v1 =	vld.idx.msk [tilespmem:v1+s25+$0x0], $0xffff;
	_ =	sdelay $0x2  }
.Ltmp7:
0x103: {  	(pc) =	sbr.rel @p0 .LBB2_16-.Ltmp7, $4  }
0x104: {  	_ = 	snop  }
0x105: {  	s9 =	sadd.s32 $0x10, s9  }
0x106: {  	s10 =	sadd.s32 $0x10, s10;
	[tilespmem:s9+$0x0] =	vst v1  }
0x107: {  	s12 =	sadd.s32 $0x10, s12;
	v1 =	vld [tilespmem:s10+$0x0]  }
0x108: {  	_ =	sdelay $0x1  }
0x109: {  	v2 =	vmov s11  }
0x10a: {  	v2 =	vshll.u32 v2, $0x4  }
0x10b: {  	v2 =	vor.u32 v0, v2;
	v3 =	vand.u32 $0xFFFFFFF8, v1  }
0x10c: {  	v1 =	vand.u32 $0x7, v1;
	v2 =	vadd.s32 v2, v3  }
0x10d: {  	v1 =	vor.u32 v1, v2;
	_ =	sdelay $0x4  }
0x10e: {  	v1 =	vld.idx.msk [tilespmem:v1+s25+$0x0], $0xffff;
	_ =	sdelay $0x3  }
0x10f: {  	s9 =	sadd.s32 $0x10, s9  }
0x110: {  	[tilespmem:s9+$0x0] =	vst v1  }
0x111: {  	[hbm4b:s15+s2] =	stream.linear.scatter [tilespmem:s23], [sflag:$0x6], $0x6800, $0x38;
	[tilespmem:$0x1D400] =	vst v63  }
0x112: {  	_ = 	snop  }
0x113: {  	[hbm4b:s16+s2] =	stream.linear.scatter [tilespmem:s5], [sflag:$0x8], $0x680, $0x38;
	[tilespmem:$0x1D400] =	vst v63  }
0x114: {  	_ =	swait.ge [sflag:s30], $0x6800  }
0x115: {  	[sflag:s30] =	ssyncset.done $0x0  }
0x116: {  	[sflag:s30] =	ssyncadd.s32 $0xFFFF9800  }
0x117: {  	_ =	swait.ge [sflag:s31], $0x680  }
0x118: {  	[sflag:s31] =	ssyncset.done $0x0  }
0x119: {  	s8 =	sadd.s32 $0x1, s8;
	[sflag:s31] =	ssyncadd.s32 $0xFFFFF980  }
0x11a: {  	p0 =	sne.s32 s8, s17;
	_ =	swait.ge [sflag:s6], $0x6800  }
.Ltmp8:
0x11b: {  	[sflag:s6] =	ssyncset.done $0x0;
	(pc) =	sbr.rel @p0 .LBB2_1-.Ltmp8, $4  }
0x11c: {  	[sflag:s6] =	ssyncadd.s32 $0xFFFF9800  }
0x11d: {  	_ =	swait.ge [sflag:s7], $0x680  }
0x11e: {  	[sflag:s7] =	ssyncset.done $0x0  }
0x11f: {  	[sflag:s7] =	ssyncadd.s32 $0xFFFFF980  }
0x120: {  	_ =	sfence.sel $0x180000  }
0x121: {  	[bflag:$0x0] =	sbarrier.arrive $0xFFFF  }
0x122: {  	_ =	strace $0x9000004A  }
0x123: {  	s0 =	stileid.u32;
	[bflag:$0x2] =	sbarrier.arrive $0xFFFF  }
0x124: {  	p0 =	sne.s32 s0, $0x0;
	s0 =	rddreg [dreg:$0x1]  }
0x125: {  	s0 =	sadd.s32 @!p0 $0x100000, s0  }
0x126: {  	[sflag:s0] =	ssyncadd.tile.s32 @!p0 $0x1;
	_ =	shalt  }
.Lfunc_end2:
_tile_overlayer_lowered:
.L_overlay_start_2:
0x127: {  	(tag) =	ssettag $0x2  }
0x128: {  	s0 =	rddreg [dreg:$0x0];
	s2 =	stileid.u32  }
0x129: {  	s1 =	rddreg [dreg:$0x1];
	p0 =	sne.s32 s2, $0x0  }
0x12a: {  	s3 =	rddreg [dreg:$0x2];
	[bflag:$0x3] =	sbarrier.arrive $0xFFFF;
	s2 =	simm.s32 @!p0 $0x1C09  }
0x12b: {  	[timem:s3], [sflag:s2] =	dma.local @!p0 [hbm:s0], s1  }
0x12c: {  	s0 =	simm.s32 @!p0 $0x9  }
0x12d: {  	_ =	swait.ge @!p0 [sflag:s0], s1  }
0x12e: {  	s1 =	ssub.s32 @!p0 $0x0, s1;
	[sflag:s0] =	ssyncset.done @!p0 $0x0  }
0x12f: {  	[sflag:s0] =	ssyncadd.s32 @!p0 s1  }
0x130: {  	[bflag:$0x3] =	sbarrier.arrive $0xFFFF  }
0x131: {  	_ =	shalt  }

// kernel: kernel.13.cloned.1.call-start
scs
__scs_entry_jumppad:
0x0: {  	(pc) =	sbr.rel $0x88, $3  }
0x1: {  	(tag) =	ssettag $0x0;
	lr =	simm.s32 $0x1  }
0x2: {  	[smem:$0x3F94] =	sst lr;
	_ =	strace $0xD0000000  }
0x3: {  	_ = 	snop  }
0x4: {  	_ = 	snop  }
0x5: {  	_ = 	snop  }
0x6: {  	_ = 	snop  }
0x7: {  	_ = 	snop  }
__scs_overlays_trampoline_lowered:
0x8: {  	[smem:$0x3FA3] =	sst s0  }
0x9: {  	[smem:$0x3FA4] =	sst s1  }
0xa: {  	[smem:$0x3FA5] =	sst s2  }
0xb: {  	[smem:$0x3FA6] =	sst s3  }
0xc: {  	[smem:$0x3FA7] =	sst s4  }
0xd: {  	[smem:$0x3FA8] =	sst s5  }
0xe: {  	[smem:$0x3FA9] =	sst s6  }
0xf: {  	[smem:$0x3FAA] =	sst s7  }
0x10: {  	[smem:$0x3FAB] =	sst s8  }
0x11: {  	[smem:$0x3FAC] =	sst s9;
	s0 =	simm.s32 @!p0 $0x0  }
0x12: {  	s1 =	sld [smem:$0x3F92];
	s0 =	simm.s32 @p0 $0x1  }
0x13: {  	[smem:$0x3FAD] =	sst s0;
	s0 =	simm.s32 @!p1 $0x0  }
0x14: {  	s2 =	sld [smem:$0x3F91];
	s0 =	simm.s32 @p1 $0x1  }
0x15: {  	[smem:$0x3FAE] =	sst s0;
	s0 =	simm.s32 @!p2 $0x0  }
0x16: {  	s3 =	sld [smem:$0x3FDB];
	s0 =	simm.s32 @p2 $0x1  }
0x17: {  	s4 =	simm.s32 $0x1BF5;
	[smem:$0x3FB0] =	sst s0  }
0x18: {  	s0 =	sld [smem:$0x3F93];
	_ =	swait.ge [sflag:s4], $0x0  }
0x19: {  	s7 =	sld [smem:$0x3F94]  }
0x1a: {  	s8 =	sadd.s32 $0xFFFFE003, lr  }
0x1b: {  	s9 =	sadd.s32 $0xFFFFFEF7, lr;
	s5 =	simm.s32 $0xFFFFFFFF;
	p2 =	slt.u32 s8, $0xFFFFF086  }
0x1c: {  	p1 =	slt.u32 s9, $0xF7A;
	s5 =	simm.s32 @!p2 $0x0  }
0x1d: {  	s5 =	simm.s32 @p1 $0x1;
	p0 =	seq.s32 s7, s2  }
0x1e: {  	s7 =	smul.u32 @!p0 $0xF7A, s2;
	p2 =	seq.s32 @!p0 s5, $0x0  }
0x1f: {  	s9 =	smul.u32 $0xF7A, s1;
	s8 =	simm.s32 @!p0 $0x1BF5;
	p2 =	por !p2, p0  }
0x20: {  	[sflag:s8] =	ssyncset.s32 @!p0 $0xFFFFF086;
	s6 =	sadd.s32 @!p0 s3, s7;
	s7 =	simm.s32 @!p0 $0x108  }
0x21: {  	s3 =	sadd.s32 s3, s9;
	s6 =	sadd.s32 @!p0 $0x88, s6;
	s7 =	simm.s32 @p2 $0x1082  }
0x22: {  	[simem:s7], [sflag:s8] =	dma.local @!p0 [hbm:s6], $0xF7A  }
0x23: {  	s9 =	sor.u32 $0xD0000000, s2;
	s6 =	simm.s32 $0x108;
	_ =	swait.ge @!p0 [sflag:s8], $0x0  }
0x24: {  	s3 =	sadd.s32 $0x88, s3;
	s6 =	simm.s32 @!p1 $0x1082;
	[sflag:s4] =	ssyncset.s32 $0xFFFFF086  }
0x25: {  	[simem:s6], [sflag:s4] =	dma.local [hbm:s3], $0xF7A  }
0x26: {  	[smem:$0x3F94] =	sst s1;
	(tag) =	ssettag s2;
	_ =	strace s9  }
0x27: {  	s1 =	sld [smem:$0x3FA4]  }
0x28: {  	s2 =	sld [smem:$0x3FA5]  }
0x29: {  	s4 =	sld [smem:$0x3FA7]  }
0x2a: {  	p0 =	seq.s32 s5, $0x0;
	s5 =	sld [smem:$0x3FA8]  }
0x2b: {  	s6 =	sld [smem:$0x3FA9]  }
0x2c: {  	s7 =	sld [smem:$0x3FAA]  }
0x2d: {  	s3 =	simm.s32 $0x108;
	s8 =	sld [smem:$0x3FAB]  }
0x2e: {  	s3 =	simm.s32 @!p0 $0x1082;
	s9 =	sld [smem:$0x3FAC]  }
0x2f: {  	lr =	sadd.s32 s0, s3;
	s0 =	sld [smem:$0x3FA3]  }
0x30: {  	s3 =	sld [smem:$0x3FA6]  }
0x31: {  	[smem:$0x3FAF] =	sst s10  }
0x32: {  	s10 =	sld [smem:$0x3FAD];
	_ =	sdelay $0x3  }
0x33: {  	p0 =	seq.s32 s10, $0x1;
	s10 =	sld [smem:$0x3FAF];
	_ =	sdelay $0x3  }
0x34: {  	[smem:$0x3FAF] =	sst s10  }
0x35: {  	s10 =	sld [smem:$0x3FAE];
	_ =	sdelay $0x3  }
0x36: {  	p1 =	seq.s32 s10, $0x1;
	s10 =	sld [smem:$0x3FAF];
	_ =	sdelay $0x3  }
0x37: {  	[smem:$0x3FAF] =	sst s10  }
0x38: {  	s10 =	sld [smem:$0x3FB0]  }
0x39: {  	_ = 	snop;
	(pc) =	sbr.ind lr, $3  }
0x3a: {  	_ = 	snop  }
0x3b: {  	_ = 	snop  }
0x3c: {  	p2 =	seq.s32 s10, $0x1;
	s10 =	sld [smem:$0x3FAF]  }
0x3d: {  	_ =	shalt  }
0x3e: {  	_ =	shalt  }
0x3f: {  	_ =	shalt  }
0x40: {  	_ =	shalt  }
0x41: {  	_ =	shalt  }
0x42: {  	_ =	shalt  }
0x43: {  	_ =	shalt  }
0x44: {  	_ =	shalt  }
0x45: {  	_ =	shalt  }
0x46: {  	_ =	shalt  }
0x47: {  	_ =	shalt  }
0x48: {  	_ =	shalt  }
0x49: {  	_ =	shalt  }
0x4a: {  	_ =	shalt  }
0x4b: {  	_ =	shalt  }
0x4c: {  	_ =	shalt  }
0x4d: {  	_ =	shalt  }
0x4e: {  	_ =	shalt  }
0x4f: {  	_ =	shalt  }
0x50: {  	_ =	shalt  }
0x51: {  	_ =	shalt  }
0x52: {  	_ =	shalt  }
0x53: {  	_ =	shalt  }
0x54: {  	_ =	shalt  }
0x55: {  	_ =	shalt  }
0x56: {  	_ =	shalt  }
0x57: {  	_ =	shalt  }
0x58: {  	_ =	shalt  }
0x59: {  	_ =	shalt  }
0x5a: {  	_ =	shalt  }
0x5b: {  	_ =	shalt  }
0x5c: {  	_ =	shalt  }
0x5d: {  	_ =	shalt  }
0x5e: {  	_ =	shalt  }
0x5f: {  	_ =	shalt  }
0x60: {  	_ =	shalt  }
0x61: {  	_ =	shalt  }
0x62: {  	_ =	shalt  }
0x63: {  	_ =	shalt  }
0x64: {  	_ =	shalt  }
0x65: {  	_ =	shalt  }
0x66: {  	_ =	shalt  }
0x67: {  	_ =	shalt  }
0x68: {  	_ =	shalt  }
0x69: {  	_ =	shalt  }
0x6a: {  	_ =	shalt  }
0x6b: {  	_ =	shalt  }
0x6c: {  	_ =	shalt  }
0x6d: {  	_ =	shalt  }
0x6e: {  	_ =	shalt  }
0x6f: {  	_ =	shalt  }
0x70: {  	_ =	shalt  }
0x71: {  	_ =	shalt  }
0x72: {  	_ =	shalt  }
0x73: {  	_ =	shalt  }
0x74: {  	_ =	shalt  }
0x75: {  	_ =	shalt  }
0x76: {  	_ =	shalt  }
0x77: {  	_ =	shalt  }
0x78: {  	_ =	shalt  }
0x79: {  	_ =	shalt  }
0x7a: {  	_ =	shalt  }
0x7b: {  	_ =	shalt  }
0x7c: {  	_ =	shalt  }
0x7d: {  	_ =	shalt  }
0x7e: {  	_ =	shalt  }
0x7f: {  	_ =	shalt  }
0x80: {  	_ =	shalt  }
0x81: {  	_ =	shalt  }
0x82: {  	_ =	shalt  }
0x83: {  	_ =	shalt  }
0x84: {  	_ =	shalt  }
0x85: {  	_ =	shalt  }
0x86: {  	_ =	shalt  }
0x87: {  	_ =	shalt  }
.Lfunc_end0:
.L_simem_size_0:
called_computation.2_lowered:
.L_overlay_start_0:
0x88: {  	s2 =	sld [smem:$0x3FD9]  }
0x89: {  	s3 =	sld [smem:$0x3FFE];
	_ =	sdelay $0x1  }
0x8a: {  	s1 =	srdreg.scid  }
0x8b: {  	s0 =	sand.u32 $0x1, s1  }
0x8c: {  	s17 =	sshll.u32 s0, $0xA;
	s2 =	sadd.s32 s3, s2  }
0x8d: {  	s2 =	sadd.s32 s2, s17  }
0x8e: {  	[smem:$0x3FBB] =	sst s2  }
0x8f: {  	_ = 	snop  }
0x90: {  	(tm) =	ssettm $0x1  }
0x91: {  	s18 =	sld [smem:$0x3FFB];
	_ =	sdelay $0x3  }
0x92: {  	_ =	strace s18  }
0x93: {  	s2 =	sld [smem:$0x3FFC];
	_ =	sdelay $0x3  }
0x94: {  	_ =	strace s2  }
0x95: {  	s2 =	sld [smem:$0x3FFD];
	_ =	sdelay $0x3  }
0x96: {  	_ =	strace s2  }
0x97: {  	_ =	strace $0x8FFFFFFF  }
0x98: {  	s19 =	sld [smem:$0x3FDB];
	_ =	sdelay $0x1  }
0x99: {  	s20 =	simm.s32 $_scs_section_size  }
0x9a: {  	s4 =	simm.s32 $_size__tile_overlayer_lowered;
	s5 =	simm.s32 $_tile_overlayer_lowered  }
0x9b: {  	s6 =	simm.s32 $0x1BFF;
	s21 =	sshll.u32 s5, $0x1;
	s3 =	sadd.s32 s20, s19  }
0x9c: {  	s22 =	simm.s32 $0x0;
	s4 =	sshll.u32 s4, $0x1;
	s5 =	sadd.s32 s21, s3  }
0x9d: {  	[timem:s22], [sflag:s6] =	dma.local [hbm:s5], s4  }
0x9e: {  	_ =	swait.ge [sflag:s6], s4  }
0x9f: {  	s4 =	ssub.s32 $0x0, s4;
	[sflag:s6] =	ssyncset.done $0x0  }
0xa0: {  	[sflag:s6] =	ssyncadd.s32 s4;
	_ =	sdelay $0x1  }
0xa1: {  	s23 =	simm.s32 $0x1B8B  }
0xa2: {  	_ =	swait.ge [sflag:s23], $0x1  }
0xa3: {  	[sflag:s23] =	ssyncset.done $0x0  }
0xa4: {  	[sflag:s23] =	ssyncadd.s32 $0xFFFFFFFF  }
0xa5: {  	s4 =	sld [smem:$0x0]  }
0xa6: {  	s5 =	sand.u32 $0xFFFFFFFE, s1  }
0xa7: {  	p0 =	sne.s32 s1, s5  }
0xa8: {  	s5 =	sshll.u32 @p0 s5, $0xE  }
0xa9: {  	s5 =	sadd.s32 @p0 $0x11B8D, s5;
	s6 =	sshll.u32 @p0 s4, $0x11  }
0xaa: {  	s5 =	sor.u32 @p0 s6, s5  }
0xab: {  	[sflag:s5] =	ssyncadd.remote.s32 @p0 $0x1;
	_ =	sdelay $0x1  }
0xac: {  	s5 =	simm.s32 @p0 $0x1B8D  }
0xad: {  	_ =	swait.eq @p0 [sflag:s5], $0x1  }
0xae: {  	[sflag:s5] =	ssyncadd.s32 @p0 $0xFFFFFFFF  }
0xaf: {  	s6 =	sshll.u32 @!p0 s1, $0xE  }
0xb0: {  	s6 =	sor.u32 @!p0 $0x4000, s6;
	s5 =	simm.s32 @!p0 $0x1B8D  }
0xb1: {  	s4 =	sshll.u32 @!p0 s4, $0x11;
	s6 =	sadd.s32 @!p0 $0x11B8D, s6;
	_ =	swait.eq @!p0 [sflag:s5], $0x1  }
0xb2: {  	s4 =	sor.u32 @!p0 s4, s6;
	[sflag:s5] =	ssyncadd.s32 @!p0 $0xFFFFFFFF  }
0xb3: {  	s25 =	simm.s32 $0x1B8E;
	s24 =	sld [smem:$0x3FFE];
	[sflag:s4] =	ssyncadd.remote.s32 @!p0 $0x1  }
0xb4: {  	s26 =	simm.s32 $execute0_lowered;
	[smem:$0x3FD2] =	sst s25  }
0xb5: {  	s5 =	sshll.u32 s26, $0x1;
	_ =	strace $0x8000004C;
	[dreg:$0x1] =	wrdreg $0xFFFFFFFF  }
0xb6: {  	s28 =	simm.s32 $_size_execute0_lowered;
	s3 =	sadd.s32 s3, s5;
	[dreg:$0x0] =	wrdreg $0x0  }
0xb7: {  	s5 =	sshll.u32 s28, $0x1;
	[dreg:$0x2] =	wrdreg s3  }
0xb8: {  	[dreg:$0x3] =	wrdreg s5  }
0xb9: {  	[dreg:$0x4] =	wrdreg $0xC0  }
0xba: {  	_ =	task [dreg:s22], $0x5FFFF  }
0xbb: {  	[dreg:$0x1] =	wrdreg $0xFFFFFFFF  }
0xbc: {  	[dreg:$0x0] =	wrdreg $0x60  }
0xbd: {  	[dreg:$0x2] =	wrdreg s24  }
0xbe: {  	[dreg:$0x3] =	wrdreg $0xA  }
0xbf: {  	_ =	task.clear_ibuf [dreg:s22], $0x4FFFF;
	_ =	strace $0x9000004C  }
0xc0: {  	s29 =	simm.s32 $0xA;
	_ =	strace $0x8000004E  }
0xc1: {  	_ =	swait.ge [sflag:s29], $0x1  }
0xc2: {  	[sflag:s29] =	ssyncadd.s32 $0xFFFFFFFF  }
0xc3: {  	_ =	strace $0x9000004E  }
0xc4: {  	_ =	sfence  }
0xc5: {  	s30 =	sld [smem:$0x0];
	_ =	sdelay $0x2  }
0xc6: {  	s31 =	sshll.u32 s1, $0xD;
	s1 =	sshrl.u32 s1, $0x2  }
0xc7: {  	s4 =	sand.u32 $0x4000, s31;
	s1 =	sadd.s32 s1, s30  }
0xc8: {  	s0 =	sor.u32 s4, s0;
	s1 =	sshll.u32 s1, $0x11  }
0xc9: {  	s0 =	sor.u32 s1, s0  }
0xca: {  	s0 =	sadd.s32 $0x8F2B, s0  }
0xcb: {  	[sflag:s0] =	ssyncadd.remote.s32 $0x1  }
0xcc: {  	_ =	sfence.sel $0xFFFF  }
0xcd: {  	[dreg:$0x0] =	wrdreg $0xFFFFFFFF;
	(pc) =	sbr.abs _section_cstart, $3  }
0xce: {  	[dreg:$0x1] =	wrdreg $0xFFFFFFFF  }
0xcf: {  	_ =	task.clear_ibuf [dreg:s22], $0x2FFFF;
	_ =	strace $0x9FFFFFFF  }
0xd0: {  	(tm) =	ssettm $0x7FFFFFFF  }
0xd1: {  	_ =	shalt  }
tec
execute0_lowered:
.L_overlay_start_1:
0x0: {  	(tag) =	ssettag $0x1  }
0x1: {  	s0 =	rddreg [dreg:$0x0];
	s2 =	simm.s32 $0x0;
	s1 =	srdreg.scid  }
0x2: {  	s3 =	stileid.u32;
	s28 =	simm.s32 $0x3;
	s29 =	simm.s32 $0xE380  }
0x3: {  	s30 =	simm.s32 $0x5;
	s31 =	simm.s32 $0x7;
	[smem:$0x7FF] =	sst s2  }
0x4: {  	s1 =	sand.u32 $0x1, s1;
	s4 =	sshll.u32 s3, $0x1;
	s3 =	sadd.s32 $0x2C00, s0  }
0x5: {  	s7 =	sadd.s32 $0x27EC00, s0;
	s8 =	sadd.s32 $0x285400, s0;
	s5 =	sor.u32 s1, s4  }
0x6: {  	_ =	strace $0x8000004D;
	s1 =	ssub.s32 $0x2, s1;
	s6 =	smul.u32 $0x1A00, s5  }
0x7: {  	s4 =	sadd.s32 $0x1F1A00, s0;
	s9 =	sshrl.u32 s1, $0x1;
	s5 =	smul.u32 $0x3400, s5  }
0x8: {  	s0 =	sadd.s32 $0x2ED400, s0;
	s1 =	ssub.s32 s1, s9;
	s18 =	sadd.s32 $0x680, s6  }
0x9: {  	s10 =	sshrl.u32 s6, $0x3;
	s20 =	sadd.s32 $0xD00, s6;
	s5 =	sadd.s32 s8, s5  }
0xa: {  	s6 =	sadd.s32 $0x1380, s6;
	s17 =	smax.u32 s1, $0x1;
	s1 =	simm.s32 $0x4  }
0xb: {  	s11 =	sshrl.u32 s18, $0x3;
	s12 =	sadd.s32 s7, s10;
	[dreg:$0x4] =	wrdreg s5  }
0xc: {  	s21 =	sadd.s32 s0, s10;
	s22 =	sshrl.u32 s20, $0x3;
	s9 =	sshll.u32 s18, $0x1  }
0xd: {  	s25 =	sshrl.u32 s6, $0x3;
	s26 =	sshll.u32 s20, $0x1;
	s6 =	sshll.u32 s6, $0x1  }
0xe: {  	s18 =	simm.s32 $0x9;
	s20 =	simm.s32 $0x6E80;
	[dreg:$0x2] =	wrdreg s12  }
0xf: {  	s5 =	simm.s32 $0x1CD80;
	s19 =	sadd.s32 s7, s11;
	[dreg:$0x5] =	wrdreg s21  }
0x10: {  	s23 =	sadd.s32 s7, s22;
	s9 =	sadd.s32 s8, s9;
	s24 =	sadd.s32 s0, s11  }
0x11: {  	s7 =	sadd.s32 s7, s25;
	s13 =	sadd.s32 s8, s26;
	s14 =	sadd.s32 s0, s22  }
0x12: {  	s15 =	sadd.s32 s8, s6;
	s16 =	sadd.s32 s0, s25;
	[dreg:$0x3] =	wrdreg s19  }
0x13: {  	s21 =	simm.s32 $0x7B80;
	s22 =	simm.s32 $0xEA00;
	[dreg:$0x6] =	wrdreg s23  }
0x14: {  	s25 =	simm.s32 $0x16580;
	s26 =	simm.s32 $0x1;
	[dreg:$0x7] =	wrdreg s9  }
0x15: {  	s0 =	simm.s32 $0x2;
	s6 =	simm.s32 $0x6;
	[dreg:$0x8] =	wrdreg s24  }
0x16: {  	v0 =	vlaneseq.u32;
	s8 =	simm.s32 $0x0;
	[dreg:$0x9] =	wrdreg s7;
	s19 =	simm.s32 $0x680  }
0x17: {  	v0 =	vmul.u32 $0x10, v0;
	s23 =	simm.s32 $0xF080;
	s24 =	simm.s32 $0x15880;
	s7 =	simm.s32 $0x8  }
.LBB2_1:
0x18: {  	s9 =	rddreg [dreg:$0x2]  }
0x19: {  	[tilespmem:s2], [sflag:$0x9] =	stream.linear.gather [hbm4b:s9+s2], $0x680, $0x38;
	[tilespmem:$0x1D400] =	vst v63  }
0x1a: {  	_ =	swait.ge [sflag:s18], $0x680  }
0x1b: {  	[sflag:s18] =	ssyncset.done $0x0  }
0x1c: {  	s9 =	simm.s32 $0x0;
	[sflag:s18] =	ssyncadd.s32 $0xFFFFF980  }
0x1d: {  	v1 =	vld [tilespmem:s9+$0x0]  }
0x1e: {  	s10 =	simm.s32 $0x40  }
.LBB2_2:
0x1f: {  	p0 =	sne.s32 s10, $0x19C0  }
.Ltmp0:
0x20: {  	_ = 	snop;
	(pc) =	sbr.rel @p0 .LBB2_2-.Ltmp0, $4  }
0x21: {  	_ = 	snop  }
0x22: {  	s11 =	sshra.s32 s10, $0x2;
	s10 =	sadd.s32 $0x40, s10;
	v2 =	vshra.s32 v1, $0x4;
	v3 =	vand.u32 $0xF, v1  }
0x23: {  	v1 =	vld [tilespmem:s11+$0x0];
	[tilespmem:s9+$0x7500] =	vst v3  }
0x24: {  	[tilespmem:s9+$0x6E80] =	vst v2;
	s9 =	smov.u32 s11  }
0x25: {  	_ =	sdelay $0x2  }
0x26: {  	v2 =	vand.u32 $0xF, v1  }
0x27: {  	v1 =	vshra.s32 v1, $0x4;
	[tilespmem:s9+$0x7500] =	vst v2  }
0x28: {  	s12 =	simm.s32 $0x0;
	[tilespmem:s9+$0x6E80] =	vst v1  }
0x29: {  	[tilespmem:s19], [sflag:$0x1] =	stream.indirect.gather [hbm4b:s3+s19], $0x10, s12, s19, $0xb8;
	[tilespmem:$0x1D400] =	vst v63  }
0x2a: {  	_ = 	snop  }
0x2b: {  	[tilespmem:s21], [sflag:$0x3] =	stream.indirect.gather [hbm4b:s4+s19], $0x10, s20, s19, $0xb8;
	[tilespmem:$0x1D400] =	vst v63  }
0x2c: {  	s10 =	rddreg [dreg:$0x3]  }
0x2d: {  	[tilespmem:s22], [sflag:$0x9] =	stream.linear.gather [hbm4b:s10+s12], $0x680, $0x38;
	[tilespmem:$0x1D400] =	vst v63  }
0x2e: {  	_ =	swait.ge [sflag:s18], $0x680  }
0x2f: {  	[sflag:s18] =	ssyncset.done $0x0  }
0x30: {  	s9 =	simm.s32 $0x0;
	[sflag:s18] =	ssyncadd.s32 $0xFFFFF980  }
0x31: {  	v1 =	vld [tilespmem:s9+$0xEA00]  }
0x32: {  	s10 =	simm.s32 $0x40  }
.LBB2_4:
0x33: {  	p0 =	sne.s32 s10, $0x19C0  }
.Ltmp1:
0x34: {  	_ = 	snop;
	(pc) =	sbr.rel @p0 .LBB2_4-.Ltmp1, $4  }
0x35: {  	_ = 	snop  }
0x36: {  	s11 =	sshra.s32 s10, $0x2;
	s10 =	sadd.s32 $0x40, s10;
	v2 =	vshra.s32 v1, $0x4;
	v3 =	vand.u32 $0xF, v1  }
0x37: {  	v1 =	vld [tilespmem:s11+$0xEA00];
	[tilespmem:s9+$0x15F00] =	vst v3  }
0x38: {  	[tilespmem:s9+$0x15880] =	vst v2;
	s9 =	smov.u32 s11  }
0x39: {  	_ =	sdelay $0x2  }
0x3a: {  	v2 =	vand.u32 $0xF, v1  }
0x3b: {  	v1 =	vshra.s32 v1, $0x4;
	[tilespmem:s9+$0x15F00] =	vst v2  }
0x3c: {  	[tilespmem:s9+$0x15880] =	vst v1  }
0x3d: {  	[tilespmem:s23], [sflag:$0x2] =	stream.indirect.gather [hbm4b:s3+s19], $0x10, s22, s19, $0xb8;
	[tilespmem:$0x1D400] =	vst v63  }
0x3e: {  	_ = 	snop  }
0x3f: {  	[tilespmem:s25], [sflag:$0x4] =	stream.indirect.gather [hbm4b:s4+s19], $0x10, s24, s19, $0xb8;
	[tilespmem:$0x1D400] =	vst v63  }
0x40: {  	_ =	swait.ge [sflag:s26], $0x6800  }
0x41: {  	[sflag:s26] =	ssyncset.done $0x0  }
0x42: {  	[sflag:s26] =	ssyncadd.s32 $0xFFFF9800  }
0x43: {  	_ =	swait.ge [sflag:s28], $0x6800  }
0x44: {  	[sflag:s28] =	ssyncset.done $0x0  }
0x45: {  	s11 =	simm.s32 $0x7500;
	[sflag:s28] =	ssyncadd.s32 $0xFFFF9800  }
0x46: {  	v1 =	vld [tilespmem:s11+$0x0];
	_ =	sdelay $0x1  }
0x47: {  	s12 =	simm.s32 $0x0  }
0x48: {  	v2 =	vmov s12  }
0x49: {  	v2 =	vshll.u32 v2, $0x4  }
0x4a: {  	v2 =	vor.u32 v0, v2;
	v3 =	vand.u32 $0xFFFFFFF8, v1  }
0x4b: {  	v1 =	vand.u32 $0x7, v1;
	v2 =	vadd.s32 v2, v3  }
0x4c: {  	v1 =	vor.u32 v1, v2;
	_ =	sdelay $0x4  }
0x4d: {  	v1 =	vld.idx.msk [tilespmem:v1+s21+$0x0], $0xffff;
	_ =	sdelay $0x3  }
0x4e: {  	s9 =	simm.s32 $0xE380  }
0x4f: {  	s10 =	simm.s32 $0x7510;
	[tilespmem:s9+$0x0] =	vst v1  }
0x50: {  	s12 =	simm.s32 $0x20;
	s11 =	simm.s32 $0x10;
	v1 =	vld [tilespmem:s10+$0x0]  }
.LBB2_6:
0x51: {  	p0 =	sne.s32 s12, $0x670;
	_ =	sdelay $0x1  }
0x52: {  	v2 =	vmov s11;
	s11 =	smov.u32 s12  }
0x53: {  	v2 =	vshll.u32 v2, $0x4  }
0x54: {  	v2 =	vor.u32 v0, v2;
	v3 =	vand.u32 $0xFFFFFFF8, v1  }
0x55: {  	v1 =	vand.u32 $0x7, v1;
	v2 =	vadd.s32 v2, v3  }
0x56: {  	v1 =	vor.u32 v1, v2;
	_ =	sdelay $0x4  }
0x57: {  	v1 =	vld.idx.msk [tilespmem:v1+s21+$0x0], $0xffff;
	_ =	sdelay $0x2  }
.Ltmp2:
0x58: {  	(pc) =	sbr.rel @p0 .LBB2_6-.Ltmp2, $4  }
0x59: {  	_ = 	snop  }
0x5a: {  	s9 =	sadd.s32 $0x10, s9  }
0x5b: {  	s10 =	sadd.s32 $0x10, s10;
	[tilespmem:s9+$0x0] =	vst v1  }
0x5c: {  	s12 =	sadd.s32 $0x10, s12;
	v1 =	vld [tilespmem:s10+$0x0]  }
0x5d: {  	_ =	sdelay $0x1  }
0x5e: {  	v2 =	vmov s11  }
0x5f: {  	v2 =	vshll.u32 v2, $0x4  }
0x60: {  	v2 =	vor.u32 v0, v2;
	v3 =	vand.u32 $0xFFFFFFF8, v1  }
0x61: {  	v1 =	vand.u32 $0x7, v1;
	v2 =	vadd.s32 v2, v3  }
0x62: {  	v1 =	vor.u32 v1, v2;
	_ =	sdelay $0x4  }
0x63: {  	v1 =	vld.idx.msk [tilespmem:v1+s21+$0x0], $0xffff;
	_ =	sdelay $0x3  }
0x64: {  	s9 =	sadd.s32 $0x10, s9  }
0x65: {  	s10 =	rddreg [dreg:$0x4];
	[tilespmem:s9+$0x0] =	vst v1;
	s9 =	simm.s32 $0x0  }
0x66: {  	[hbm4b:s10+s9] =	stream.linear.scatter [tilespmem:s19], [sflag:$0x5], $0x6800, $0x38;
	[tilespmem:$0x1D400] =	vst v63  }
0x67: {  	s11 =	rddreg [dreg:$0x5]  }
0x68: {  	[hbm4b:s11+s9] =	stream.linear.scatter [tilespmem:s29], [sflag:$0x7], $0x680, $0x38;
	[tilespmem:$0x1D400] =	vst v63  }
0x69: {  	_ =	swait.ge [sflag:s30], $0x6800  }
0x6a: {  	[sflag:s30] =	ssyncset.done $0x0  }
0x6b: {  	[sflag:s30] =	ssyncadd.s32 $0xFFFF9800  }
0x6c: {  	_ =	swait.ge [sflag:s31], $0x680  }
0x6d: {  	[sflag:s31] =	ssyncset.done $0x0  }
0x6e: {  	s12 =	rddreg [dreg:$0x6];
	[sflag:s31] =	ssyncadd.s32 $0xFFFFF980  }
0x6f: {  	[tilespmem:s9], [sflag:$0x9] =	stream.linear.gather [hbm4b:s12+s9], $0x680, $0x38;
	[tilespmem:$0x1D400] =	vst v63  }
0x70: {  	_ =	swait.ge [sflag:s18], $0x680  }
0x71: {  	[sflag:s18] =	ssyncset.done $0x0  }
0x72: {  	s9 =	simm.s32 $0x0;
	[sflag:s18] =	ssyncadd.s32 $0xFFFFF980  }
0x73: {  	v1 =	vld [tilespmem:s9+$0x0]  }
0x74: {  	s10 =	simm.s32 $0x40  }
.LBB2_8:
0x75: {  	p0 =	sne.s32 s10, $0x19C0  }
.Ltmp3:
0x76: {  	_ = 	snop;
	(pc) =	sbr.rel @p0 .LBB2_8-.Ltmp3, $4  }
0x77: {  	_ = 	snop  }
0x78: {  	s11 =	sshra.s32 s10, $0x2;
	s10 =	sadd.s32 $0x40, s10;
	v2 =	vshra.s32 v1, $0x4;
	v3 =	vand.u32 $0xF, v1  }
0x79: {  	v1 =	vld [tilespmem:s11+$0x0];
	[tilespmem:s9+$0x7500] =	vst v3  }
0x7a: {  	[tilespmem:s9+$0x6E80] =	vst v2;
	s9 =	smov.u32 s11  }
0x7b: {  	_ =	sdelay $0x2  }
0x7c: {  	v2 =	vand.u32 $0xF, v1  }
0x7d: {  	v1 =	vshra.s32 v1, $0x4;
	[tilespmem:s9+$0x7500] =	vst v2  }
0x7e: {  	s12 =	simm.s32 $0x0;
	[tilespmem:s9+$0x6E80] =	vst v1  }
0x7f: {  	[tilespmem:s19], [sflag:$0x1] =	stream.indirect.gather [hbm4b:s3+s19], $0x10, s12, s19, $0xb8;
	[tilespmem:$0x1D400] =	vst v63  }
0x80: {  	_ = 	snop  }
0x81: {  	[tilespmem:s21], [sflag:$0x3] =	stream.indirect.gather [hbm4b:s4+s19], $0x10, s20, s19, $0xb8;
	[tilespmem:$0x1D400] =	vst v63  }
0x82: {  	_ =	swait.ge [sflag:s0], $0x6800  }
0x83: {  	[sflag:s0] =	ssyncset.done $0x0  }
0x84: {  	[sflag:s0] =	ssyncadd.s32 $0xFFFF9800  }
0x85: {  	_ =	swait.ge [sflag:s1], $0x6800  }
0x86: {  	[sflag:s1] =	ssyncset.done $0x0  }
0x87: {  	s10 =	simm.s32 $0x15F00;
	[sflag:s1] =	ssyncadd.s32 $0xFFFF9800  }
0x88: {  	v1 =	vld [tilespmem:s10+$0x0];
	_ =	sdelay $0x2  }
0x89: {  	v2 =	vmov s12  }
0x8a: {  	v2 =	vshll.u32 v2, $0x4  }
0x8b: {  	v2 =	vor.u32 v0, v2;
	v3 =	vand.u32 $0xFFFFFFF8, v1  }
0x8c: {  	v1 =	vand.u32 $0x7, v1;
	v2 =	vadd.s32 v2, v3  }
0x8d: {  	v1 =	vor.u32 v1, v2;
	_ =	sdelay $0x4  }
0x8e: {  	v1 =	vld.idx.msk [tilespmem:v1+s25+$0x0], $0xffff;
	_ =	sdelay $0x3  }
0x8f: {  	s9 =	simm.s32 $0x1CD80  }
0x90: {  	s10 =	simm.s32 $0x15F10;
	[tilespmem:s9+$0x0] =	vst v1  }
0x91: {  	s11 =	simm.s32 $0x10;
	s12 =	simm.s32 $0x20;
	v1 =	vld [tilespmem:s10+$0x0]  }
.LBB2_10:
0x92: {  	p0 =	sne.s32 s12, $0x670;
	_ =	sdelay $0x1  }
0x93: {  	v2 =	vmov s11;
	s11 =	smov.u32 s12  }
0x94: {  	v2 =	vshll.u32 v2, $0x4  }
0x95: {  	v2 =	vor.u32 v0, v2;
	v3 =	vand.u32 $0xFFFFFFF8, v1  }
0x96: {  	v1 =	vand.u32 $0x7, v1;
	v2 =	vadd.s32 v2, v3  }
0x97: {  	v1 =	vor.u32 v1, v2;
	_ =	sdelay $0x4  }
0x98: {  	v1 =	vld.idx.msk [tilespmem:v1+s25+$0x0], $0xffff;
	_ =	sdelay $0x2  }
.Ltmp4:
0x99: {  	(pc) =	sbr.rel @p0 .LBB2_10-.Ltmp4, $4  }
0x9a: {  	_ = 	snop  }
0x9b: {  	s9 =	sadd.s32 $0x10, s9  }
0x9c: {  	s10 =	sadd.s32 $0x10, s10;
	[tilespmem:s9+$0x0] =	vst v1  }
0x9d: {  	s12 =	sadd.s32 $0x10, s12;
	v1 =	vld [tilespmem:s10+$0x0]  }
0x9e: {  	_ =	sdelay $0x1  }
0x9f: {  	v2 =	vmov s11  }
0xa0: {  	v2 =	vshll.u32 v2, $0x4  }
0xa1: {  	v2 =	vor.u32 v0, v2;
	v3 =	vand.u32 $0xFFFFFFF8, v1  }
0xa2: {  	v1 =	vand.u32 $0x7, v1;
	v2 =	vadd.s32 v2, v3  }
0xa3: {  	v1 =	vor.u32 v1, v2;
	_ =	sdelay $0x4  }
0xa4: {  	v1 =	vld.idx.msk [tilespmem:v1+s25+$0x0], $0xffff;
	_ =	sdelay $0x3  }
0xa5: {  	s9 =	sadd.s32 $0x10, s9  }
0xa6: {  	s10 =	rddreg [dreg:$0x7];
	[tilespmem:s9+$0x0] =	vst v1;
	s9 =	simm.s32 $0x0  }
0xa7: {  	[hbm4b:s10+s9] =	stream.linear.scatter [tilespmem:s23], [sflag:$0x6], $0x6800, $0x38;
	[tilespmem:$0x1D400] =	vst v63  }
0xa8: {  	s11 =	rddreg [dreg:$0x8]  }
0xa9: {  	[hbm4b:s11+s9] =	stream.linear.scatter [tilespmem:s5], [sflag:$0x8], $0x680, $0x38;
	[tilespmem:$0x1D400] =	vst v63  }
0xaa: {  	_ =	swait.ge [sflag:s6], $0x6800  }
0xab: {  	[sflag:s6] =	ssyncset.done $0x0  }
0xac: {  	[sflag:s6] =	ssyncadd.s32 $0xFFFF9800  }
0xad: {  	_ =	swait.ge [sflag:s7], $0x680  }
0xae: {  	[sflag:s7] =	ssyncset.done $0x0  }
0xaf: {  	s12 =	rddreg [dreg:$0x9];
	[sflag:s7] =	ssyncadd.s32 $0xFFFFF980  }
0xb0: {  	[tilespmem:s22], [sflag:$0x9] =	stream.linear.gather [hbm4b:s12+s9], $0x680, $0x38;
	[tilespmem:$0x1D400] =	vst v63  }
0xb1: {  	_ =	swait.ge [sflag:s18], $0x680  }
0xb2: {  	[sflag:s18] =	ssyncset.done $0x0  }
0xb3: {  	s9 =	simm.s32 $0x0;
	[sflag:s18] =	ssyncadd.s32 $0xFFFFF980  }
0xb4: {  	v1 =	vld [tilespmem:s9+$0xEA00]  }
0xb5: {  	s10 =	simm.s32 $0x40  }
.LBB2_12:
0xb6: {  	p0 =	sne.s32 s10, $0x19C0  }
.Ltmp5:
0xb7: {  	_ = 	snop;
	(pc) =	sbr.rel @p0 .LBB2_12-.Ltmp5, $4  }
0xb8: {  	_ = 	snop  }
0xb9: {  	s11 =	sshra.s32 s10, $0x2;
	s10 =	sadd.s32 $0x40, s10;
	v2 =	vshra.s32 v1, $0x4;
	v3 =	vand.u32 $0xF, v1  }
0xba: {  	v1 =	vld [tilespmem:s11+$0xEA00];
	[tilespmem:s9+$0x15F00] =	vst v3  }
0xbb: {  	[tilespmem:s9+$0x15880] =	vst v2;
	s9 =	smov.u32 s11  }
0xbc: {  	_ =	sdelay $0x2  }
0xbd: {  	v2 =	vand.u32 $0xF, v1  }
0xbe: {  	v1 =	vshra.s32 v1, $0x4;
	[tilespmem:s9+$0x15F00] =	vst v2  }
0xbf: {  	[tilespmem:s9+$0x15880] =	vst v1  }
0xc0: {  	[tilespmem:s23], [sflag:$0x2] =	stream.indirect.gather [hbm4b:s3+s19], $0x10, s22, s19, $0xb8;
	[tilespmem:$0x1D400] =	vst v63  }
0xc1: {  	_ = 	snop  }
0xc2: {  	[tilespmem:s25], [sflag:$0x4] =	stream.indirect.gather [hbm4b:s4+s19], $0x10, s24, s19, $0xb8;
	[tilespmem:$0x1D400] =	vst v63  }
0xc3: {  	_ =	swait.ge [sflag:s26], $0x6800  }
0xc4: {  	[sflag:s26] =	ssyncset.done $0x0  }
0xc5: {  	[sflag:s26] =	ssyncadd.s32 $0xFFFF9800  }
0xc6: {  	_ =	swait.ge [sflag:s28], $0x6800  }
0xc7: {  	[sflag:s28] =	ssyncset.done $0x0  }
0xc8: {  	s11 =	simm.s32 $0x7500;
	[sflag:s28] =	ssyncadd.s32 $0xFFFF9800  }
0xc9: {  	v1 =	vld [tilespmem:s11+$0x0];
	_ =	sdelay $0x1  }
0xca: {  	s12 =	simm.s32 $0x0  }
0xcb: {  	v2 =	vmov s12  }
0xcc: {  	v2 =	vshll.u32 v2, $0x4  }
0xcd: {  	v2 =	vor.u32 v0, v2;
	v3 =	vand.u32 $0xFFFFFFF8, v1  }
0xce: {  	v1 =	vand.u32 $0x7, v1;
	v2 =	vadd.s32 v2, v3  }
0xcf: {  	v1 =	vor.u32 v1, v2;
	_ =	sdelay $0x4  }
0xd0: {  	v1 =	vld.idx.msk [tilespmem:v1+s21+$0x0], $0xffff;
	_ =	sdelay $0x3  }
0xd1: {  	s9 =	simm.s32 $0xE380  }
0xd2: {  	s10 =	simm.s32 $0x7510;
	[tilespmem:s9+$0x0] =	vst v1  }
0xd3: {  	s12 =	simm.s32 $0x20;
	s11 =	simm.s32 $0x10;
	v1 =	vld [tilespmem:s10+$0x0]  }
.LBB2_14:
0xd4: {  	p0 =	sne.s32 s12, $0x670;
	_ =	sdelay $0x1  }
0xd5: {  	v2 =	vmov s11;
	s11 =	smov.u32 s12  }
0xd6: {  	v2 =	vshll.u32 v2, $0x4  }
0xd7: {  	v2 =	vor.u32 v0, v2;
	v3 =	vand.u32 $0xFFFFFFF8, v1  }
0xd8: {  	v1 =	vand.u32 $0x7, v1;
	v2 =	vadd.s32 v2, v3  }
0xd9: {  	v1 =	vor.u32 v1, v2;
	_ =	sdelay $0x4  }
0xda: {  	v1 =	vld.idx.msk [tilespmem:v1+s21+$0x0], $0xffff;
	_ =	sdelay $0x2  }
.Ltmp6:
0xdb: {  	(pc) =	sbr.rel @p0 .LBB2_14-.Ltmp6, $4  }
0xdc: {  	_ = 	snop  }
0xdd: {  	s9 =	sadd.s32 $0x10, s9  }
0xde: {  	s10 =	sadd.s32 $0x10, s10;
	[tilespmem:s9+$0x0] =	vst v1  }
0xdf: {  	s12 =	sadd.s32 $0x10, s12;
	v1 =	vld [tilespmem:s10+$0x0]  }
0xe0: {  	_ =	sdelay $0x1  }
0xe1: {  	v2 =	vmov s11  }
0xe2: {  	v2 =	vshll.u32 v2, $0x4  }
0xe3: {  	v2 =	vor.u32 v0, v2;
	v3 =	vand.u32 $0xFFFFFFF8, v1  }
0xe4: {  	v1 =	vand.u32 $0x7, v1;
	v2 =	vadd.s32 v2, v3  }
0xe5: {  	v1 =	vor.u32 v1, v2;
	_ =	sdelay $0x4  }
0xe6: {  	v1 =	vld.idx.msk [tilespmem:v1+s21+$0x0], $0xffff;
	_ =	sdelay $0x3  }
0xe7: {  	s9 =	sadd.s32 $0x10, s9  }
0xe8: {  	s12 =	simm.s32 $0x0;
	[tilespmem:s9+$0x0] =	vst v1  }
0xe9: {  	[hbm4b:s13+s12] =	stream.linear.scatter [tilespmem:s19], [sflag:$0x5], $0x6800, $0x38;
	[tilespmem:$0x1D400] =	vst v63  }
0xea: {  	_ = 	snop  }
0xeb: {  	[hbm4b:s14+s12] =	stream.linear.scatter [tilespmem:s29], [sflag:$0x7], $0x680, $0x38;
	[tilespmem:$0x1D400] =	vst v63  }
0xec: {  	_ =	swait.ge [sflag:s0], $0x6800  }
0xed: {  	[sflag:s0] =	ssyncset.done $0x0  }
0xee: {  	[sflag:s0] =	ssyncadd.s32 $0xFFFF9800  }
0xef: {  	_ =	swait.ge [sflag:s1], $0x6800  }
0xf0: {  	[sflag:s1] =	ssyncset.done $0x0  }
0xf1: {  	s10 =	simm.s32 $0x15F00;
	[sflag:s1] =	ssyncadd.s32 $0xFFFF9800  }
0xf2: {  	v1 =	vld [tilespmem:s10+$0x0];
	_ =	sdelay $0x2  }
0xf3: {  	v2 =	vmov s12  }
0xf4: {  	v2 =	vshll.u32 v2, $0x4  }
0xf5: {  	v2 =	vor.u32 v0, v2;
	v3 =	vand.u32 $0xFFFFFFF8, v1  }
0xf6: {  	v1 =	vand.u32 $0x7, v1;
	v2 =	vadd.s32 v2, v3  }
0xf7: {  	v1 =	vor.u32 v1, v2;
	_ =	sdelay $0x4  }
0xf8: {  	v1 =	vld.idx.msk [tilespmem:v1+s25+$0x0], $0xffff;
	_ =	sdelay $0x3  }
0xf9: {  	s9 =	simm.s32 $0x1CD80  }
0xfa: {  	s10 =	simm.s32 $0x15F10;
	[tilespmem:s9+$0x0] =	vst v1  }
0xfb: {  	s11 =	simm.s32 $0x10;
	s12 =	simm.s32 $0x20;
	v1 =	vld [tilespmem:s10+$0x0]  }
.LBB2_16:
0xfc: {  	p0 =	sne.s32 s12, $0x670;
	_ =	sdelay $0x1  }
0xfd: {  	v2 =	vmov s11;
	s11 =	smov.u32 s12  }
0xfe: {  	v2 =	vshll.u32 v2, $0x4  }
0xff: {  	v2 =	vor.u32 v0, v2;
	v3 =	vand.u32 $0xFFFFFFF8, v1  }
0x100: {  	v1 =	vand.u32 $0x7, v1;
	v2 =	vadd.s32 v2, v3  }
0x101: {  	v1 =	vor.u32 v1, v2;
	_ =	sdelay $0x4  }
0x102: {  	v1 =	vld.idx.msk [tilespmem:v1+s25+$0x0], $0xffff;
	_ =	sdelay $0x2  }
.Ltmp7:
0x103: {  	(pc) =	sbr.rel @p0 .LBB2_16-.Ltmp7, $4  }
0x104: {  	_ = 	snop  }
0x105: {  	s9 =	sadd.s32 $0x10, s9  }
0x106: {  	s10 =	sadd.s32 $0x10, s10;
	[tilespmem:s9+$0x0] =	vst v1  }
0x107: {  	s12 =	sadd.s32 $0x10, s12;
	v1 =	vld [tilespmem:s10+$0x0]  }
0x108: {  	_ =	sdelay $0x1  }
0x109: {  	v2 =	vmov s11  }
0x10a: {  	v2 =	vshll.u32 v2, $0x4  }
0x10b: {  	v2 =	vor.u32 v0, v2;
	v3 =	vand.u32 $0xFFFFFFF8, v1  }
0x10c: {  	v1 =	vand.u32 $0x7, v1;
	v2 =	vadd.s32 v2, v3  }
0x10d: {  	v1 =	vor.u32 v1, v2;
	_ =	sdelay $0x4  }
0x10e: {  	v1 =	vld.idx.msk [tilespmem:v1+s25+$0x0], $0xffff;
	_ =	sdelay $0x3  }
0x10f: {  	s9 =	sadd.s32 $0x10, s9  }
0x110: {  	[tilespmem:s9+$0x0] =	vst v1  }
0x111: {  	[hbm4b:s15+s2] =	stream.linear.scatter [tilespmem:s23], [sflag:$0x6], $0x6800, $0x38;
	[tilespmem:$0x1D400] =	vst v63  }
0x112: {  	_ = 	snop  }
0x113: {  	[hbm4b:s16+s2] =	stream.linear.scatter [tilespmem:s5], [sflag:$0x8], $0x680, $0x38;
	[tilespmem:$0x1D400] =	vst v63  }
0x114: {  	_ =	swait.ge [sflag:s30], $0x6800  }
0x115: {  	[sflag:s30] =	ssyncset.done $0x0  }
0x116: {  	[sflag:s30] =	ssyncadd.s32 $0xFFFF9800  }
0x117: {  	_ =	swait.ge [sflag:s31], $0x680  }
0x118: {  	[sflag:s31] =	ssyncset.done $0x0  }
0x119: {  	s8 =	sadd.s32 $0x1, s8;
	[sflag:s31] =	ssyncadd.s32 $0xFFFFF980  }
0x11a: {  	p0 =	sne.s32 s8, s17;
	_ =	swait.ge [sflag:s6], $0x6800  }
.Ltmp8:
0x11b: {  	[sflag:s6] =	ssyncset.done $0x0;
	(pc) =	sbr.rel @p0 .LBB2_1-.Ltmp8, $4  }
0x11c: {  	[sflag:s6] =	ssyncadd.s32 $0xFFFF9800  }
0x11d: {  	_ =	swait.ge [sflag:s7], $0x680  }
0x11e: {  	[sflag:s7] =	ssyncset.done $0x0  }
0x11f: {  	[sflag:s7] =	ssyncadd.s32 $0xFFFFF980  }
0x120: {  	_ =	sfence.sel $0x180000  }
0x121: {  	[bflag:$0x0] =	sbarrier.arrive $0xFFFF  }
0x122: {  	_ =	strace $0x9000004D  }
0x123: {  	s0 =	stileid.u32;
	[bflag:$0x2] =	sbarrier.arrive $0xFFFF  }
0x124: {  	p0 =	sne.s32 s0, $0x0;
	s0 =	rddreg [dreg:$0x1]  }
0x125: {  	s0 =	sadd.s32 @!p0 $0x100000, s0  }
0x126: {  	[sflag:s0] =	ssyncadd.tile.s32 @!p0 $0x1;
	_ =	shalt  }
.Lfunc_end2:
_tile_overlayer_lowered:
.L_overlay_start_2:
0x127: {  	(tag) =	ssettag $0x2  }
0x128: {  	s0 =	rddreg [dreg:$0x0];
	s2 =	stileid.u32  }
0x129: {  	s1 =	rddreg [dreg:$0x1];
	p0 =	sne.s32 s2, $0x0  }
0x12a: {  	s3 =	rddreg [dreg:$0x2];
	[bflag:$0x3] =	sbarrier.arrive $0xFFFF;
	s2 =	simm.s32 @!p0 $0x1C09  }
0x12b: {  	[timem:s3], [sflag:s2] =	dma.local @!p0 [hbm:s0], s1  }
0x12c: {  	s0 =	simm.s32 @!p0 $0x9  }
0x12d: {  	_ =	swait.ge @!p0 [sflag:s0], s1  }
0x12e: {  	s1 =	ssub.s32 @!p0 $0x0, s1;
	[sflag:s0] =	ssyncset.done @!p0 $0x0  }
0x12f: {  	[sflag:s0] =	ssyncadd.s32 @!p0 s1  }
0x130: {  	[bflag:$0x3] =	sbarrier.arrive $0xFFFF  }
0x131: {  	_ =	shalt  }

// kernel: kernel.7.cloned.1.call-start
scs
__scs_entry_jumppad:
0x0: {  	(pc) =	sbr.rel $0x88, $3  }
0x1: {  	(tag) =	ssettag $0x0;
	lr =	simm.s32 $0x1  }
0x2: {  	[smem:$0x3F94] =	sst lr;
	_ =	strace $0xD0000000  }
0x3: {  	_ = 	snop  }
0x4: {  	_ = 	snop  }
0x5: {  	_ = 	snop  }
0x6: {  	_ = 	snop  }
0x7: {  	_ = 	snop  }
__scs_overlays_trampoline_lowered:
0x8: {  	[smem:$0x3FA3] =	sst s0  }
0x9: {  	[smem:$0x3FA4] =	sst s1  }
0xa: {  	[smem:$0x3FA5] =	sst s2  }
0xb: {  	[smem:$0x3FA6] =	sst s3  }
0xc: {  	[smem:$0x3FA7] =	sst s4  }
0xd: {  	[smem:$0x3FA8] =	sst s5  }
0xe: {  	[smem:$0x3FA9] =	sst s6  }
0xf: {  	[smem:$0x3FAA] =	sst s7  }
0x10: {  	[smem:$0x3FAB] =	sst s8  }
0x11: {  	[smem:$0x3FAC] =	sst s9;
	s0 =	simm.s32 @!p0 $0x0  }
0x12: {  	s1 =	sld [smem:$0x3F92];
	s0 =	simm.s32 @p0 $0x1  }
0x13: {  	[smem:$0x3FAD] =	sst s0;
	s0 =	simm.s32 @!p1 $0x0  }
0x14: {  	s2 =	sld [smem:$0x3F91];
	s0 =	simm.s32 @p1 $0x1  }
0x15: {  	[smem:$0x3FAE] =	sst s0;
	s0 =	simm.s32 @!p2 $0x0  }
0x16: {  	s3 =	sld [smem:$0x3FDB];
	s0 =	simm.s32 @p2 $0x1  }
0x17: {  	s4 =	simm.s32 $0x1BF5;
	[smem:$0x3FB0] =	sst s0  }
0x18: {  	s0 =	sld [smem:$0x3F93];
	_ =	swait.ge [sflag:s4], $0x0  }
0x19: {  	s7 =	sld [smem:$0x3F94]  }
0x1a: {  	s8 =	sadd.s32 $0xFFFFE003, lr  }
0x1b: {  	s9 =	sadd.s32 $0xFFFFFEF7, lr;
	s5 =	simm.s32 $0xFFFFFFFF;
	p2 =	slt.u32 s8, $0xFFFFF086  }
0x1c: {  	p1 =	slt.u32 s9, $0xF7A;
	s5 =	simm.s32 @!p2 $0x0  }
0x1d: {  	s5 =	simm.s32 @p1 $0x1;
	p0 =	seq.s32 s7, s2  }
0x1e: {  	s7 =	smul.u32 @!p0 $0xF7A, s2;
	p2 =	seq.s32 @!p0 s5, $0x0  }
0x1f: {  	s9 =	smul.u32 $0xF7A, s1;
	s8 =	simm.s32 @!p0 $0x1BF5;
	p2 =	por !p2, p0  }
0x20: {  	[sflag:s8] =	ssyncset.s32 @!p0 $0xFFFFF086;
	s6 =	sadd.s32 @!p0 s3, s7;
	s7 =	simm.s32 @!p0 $0x108  }
0x21: {  	s3 =	sadd.s32 s3, s9;
	s6 =	sadd.s32 @!p0 $0x88, s6;
	s7 =	simm.s32 @p2 $0x1082  }
0x22: {  	[simem:s7], [sflag:s8] =	dma.local @!p0 [hbm:s6], $0xF7A  }
0x23: {  	s9 =	sor.u32 $0xD0000000, s2;
	s6 =	simm.s32 $0x108;
	_ =	swait.ge @!p0 [sflag:s8], $0x0  }
0x24: {  	s3 =	sadd.s32 $0x88, s3;
	s6 =	simm.s32 @!p1 $0x1082;
	[sflag:s4] =	ssyncset.s32 $0xFFFFF086  }
0x25: {  	[simem:s6], [sflag:s4] =	dma.local [hbm:s3], $0xF7A  }
0x26: {  	[smem:$0x3F94] =	sst s1;
	(tag) =	ssettag s2;
	_ =	strace s9  }
0x27: {  	s1 =	sld [smem:$0x3FA4]  }
0x28: {  	s2 =	sld [smem:$0x3FA5]  }
0x29: {  	s4 =	sld [smem:$0x3FA7]  }
0x2a: {  	p0 =	seq.s32 s5, $0x0;
	s5 =	sld [smem:$0x3FA8]  }
0x2b: {  	s6 =	sld [smem:$0x3FA9]  }
0x2c: {  	s7 =	sld [smem:$0x3FAA]  }
0x2d: {  	s3 =	simm.s32 $0x108;
	s8 =	sld [smem:$0x3FAB]  }
0x2e: {  	s3 =	simm.s32 @!p0 $0x1082;
	s9 =	sld [smem:$0x3FAC]  }
0x2f: {  	lr =	sadd.s32 s0, s3;
	s0 =	sld [smem:$0x3FA3]  }
0x30: {  	s3 =	sld [smem:$0x3FA6]  }
0x31: {  	[smem:$0x3FAF] =	sst s10  }
0x32: {  	s10 =	sld [smem:$0x3FAD];
	_ =	sdelay $0x3  }
0x33: {  	p0 =	seq.s32 s10, $0x1;
	s10 =	sld [smem:$0x3FAF];
	_ =	sdelay $0x3  }
0x34: {  	[smem:$0x3FAF] =	sst s10  }
0x35: {  	s10 =	sld [smem:$0x3FAE];
	_ =	sdelay $0x3  }
0x36: {  	p1 =	seq.s32 s10, $0x1;
	s10 =	sld [smem:$0x3FAF];
	_ =	sdelay $0x3  }
0x37: {  	[smem:$0x3FAF] =	sst s10  }
0x38: {  	s10 =	sld [smem:$0x3FB0]  }
0x39: {  	_ = 	snop;
	(pc) =	sbr.ind lr, $3  }
0x3a: {  	_ = 	snop  }
0x3b: {  	_ = 	snop  }
0x3c: {  	p2 =	seq.s32 s10, $0x1;
	s10 =	sld [smem:$0x3FAF]  }
0x3d: {  	_ =	shalt  }
0x3e: {  	_ =	shalt  }
0x3f: {  	_ =	shalt  }
0x40: {  	_ =	shalt  }
0x41: {  	_ =	shalt  }
0x42: {  	_ =	shalt  }
0x43: {  	_ =	shalt  }
0x44: {  	_ =	shalt  }
0x45: {  	_ =	shalt  }
0x46: {  	_ =	shalt  }
0x47: {  	_ =	shalt  }
0x48: {  	_ =	shalt  }
0x49: {  	_ =	shalt  }
0x4a: {  	_ =	shalt  }
0x4b: {  	_ =	shalt  }
0x4c: {  	_ =	shalt  }
0x4d: {  	_ =	shalt  }
0x4e: {  	_ =	shalt  }
0x4f: {  	_ =	shalt  }
0x50: {  	_ =	shalt  }
0x51: {  	_ =	shalt  }
0x52: {  	_ =	shalt  }
0x53: {  	_ =	shalt  }
0x54: {  	_ =	shalt  }
0x55: {  	_ =	shalt  }
0x56: {  	_ =	shalt  }
0x57: {  	_ =	shalt  }
0x58: {  	_ =	shalt  }
0x59: {  	_ =	shalt  }
0x5a: {  	_ =	shalt  }
0x5b: {  	_ =	shalt  }
0x5c: {  	_ =	shalt  }
0x5d: {  	_ =	shalt  }
0x5e: {  	_ =	shalt  }
0x5f: {  	_ =	shalt  }
0x60: {  	_ =	shalt  }
0x61: {  	_ =	shalt  }
0x62: {  	_ =	shalt  }
0x63: {  	_ =	shalt  }
0x64: {  	_ =	shalt  }
0x65: {  	_ =	shalt  }
0x66: {  	_ =	shalt  }
0x67: {  	_ =	shalt  }
0x68: {  	_ =	shalt  }
0x69: {  	_ =	shalt  }
0x6a: {  	_ =	shalt  }
0x6b: {  	_ =	shalt  }
0x6c: {  	_ =	shalt  }
0x6d: {  	_ =	shalt  }
0x6e: {  	_ =	shalt  }
0x6f: {  	_ =	shalt  }
0x70: {  	_ =	shalt  }
0x71: {  	_ =	shalt  }
0x72: {  	_ =	shalt  }
0x73: {  	_ =	shalt  }
0x74: {  	_ =	shalt  }
0x75: {  	_ =	shalt  }
0x76: {  	_ =	shalt  }
0x77: {  	_ =	shalt  }
0x78: {  	_ =	shalt  }
0x79: {  	_ =	shalt  }
0x7a: {  	_ =	shalt  }
0x7b: {  	_ =	shalt  }
0x7c: {  	_ =	shalt  }
0x7d: {  	_ =	shalt  }
0x7e: {  	_ =	shalt  }
0x7f: {  	_ =	shalt  }
0x80: {  	_ =	shalt  }
0x81: {  	_ =	shalt  }
0x82: {  	_ =	shalt  }
0x83: {  	_ =	shalt  }
0x84: {  	_ =	shalt  }
0x85: {  	_ =	shalt  }
0x86: {  	_ =	shalt  }
0x87: {  	_ =	shalt  }
.Lfunc_end0:
.L_simem_size_0:
called_computation_lowered:
.L_overlay_start_0:
0x88: {  	s2 =	sld [smem:$0x3FD9]  }
0x89: {  	s3 =	sld [smem:$0x3FFE];
	_ =	sdelay $0x1  }
0x8a: {  	s1 =	srdreg.scid  }
0x8b: {  	s0 =	sand.u32 $0x1, s1  }
0x8c: {  	s17 =	sshll.u32 s0, $0xA;
	s2 =	sadd.s32 s3, s2  }
0x8d: {  	s2 =	sadd.s32 s2, s17  }
0x8e: {  	[smem:$0x3FBB] =	sst s2  }
0x8f: {  	_ = 	snop  }
0x90: {  	s2 =	sld [smem:$0x3FC4]  }
0x91: {  	s18 =	sld [smem:$0x3FD0];
	(tm) =	ssettm $0x1  }
0x92: {  	s4 =	sld [smem:$0x3FFB];
	_ =	sdelay $0x3  }
0x93: {  	_ =	strace s4  }
0x94: {  	s4 =	sld [smem:$0x3FFC];
	_ =	sdelay $0x3  }
0x95: {  	_ =	strace s4  }
0x96: {  	s4 =	sld [smem:$0x3FFD];
	_ =	sdelay $0x3  }
0x97: {  	_ =	strace s4  }
0x98: {  	_ =	strace $0x8FFFFFFF  }
0x99: {  	s19 =	sld [smem:$0x3FDB];
	_ =	sdelay $0x1  }
0x9a: {  	s5 =	simm.s32 $_scs_section_size  }
0x9b: {  	s6 =	simm.s32 $_size__tile_overlayer_lowered;
	s7 =	simm.s32 $_tile_overlayer_lowered  }
0x9c: {  	s22 =	simm.s32 $0x1BFF;
	s21 =	sshll.u32 s7, $0x1;
	s4 =	sadd.s32 s5, s19  }
0x9d: {  	s8 =	simm.s32 $0x0;
	s20 =	sshll.u32 s6, $0x1;
	s6 =	sadd.s32 s21, s4  }
0x9e: {  	[timem:s8], [sflag:s22] =	dma.local [hbm:s6], s20  }
0x9f: {  	_ =	swait.ge [sflag:s22], s20  }
0xa0: {  	s5 =	ssub.s32 $0x0, s20;
	[sflag:s22] =	ssyncset.done $0x0  }
0xa1: {  	[sflag:s22] =	ssyncadd.s32 s5;
	_ =	sdelay $0x1  }
0xa2: {  	s23 =	simm.s32 $0x1B8B  }
0xa3: {  	_ =	swait.ge [sflag:s23], $0x1  }
0xa4: {  	[sflag:s23] =	ssyncset.done $0x0  }
0xa5: {  	s25 =	simm.s32 $0x1B8E;
	s24 =	sld [smem:$0x3FFE];
	[sflag:s23] =	ssyncadd.s32 $0xFFFFFFFF  }
0xa6: {  	s26 =	simm.s32 $execute0_lowered;
	[smem:$0x3FD2] =	sst s25  }
0xa7: {  	s6 =	sshll.u32 s26, $0x1;
	_ =	strace $0x80000046;
	[dreg:$0x1] =	wrdreg $0xFFFFFFFF  }
0xa8: {  	s28 =	simm.s32 $_size_execute0_lowered;
	s4 =	sadd.s32 s4, s6;
	[dreg:$0x0] =	wrdreg $0x0  }
0xa9: {  	s6 =	sshll.u32 s28, $0x1;
	[dreg:$0x2] =	wrdreg s4  }
0xaa: {  	[dreg:$0x3] =	wrdreg s6  }
0xab: {  	[dreg:$0x4] =	wrdreg $0xC0  }
0xac: {  	_ =	task [dreg:s8], $0x5FFFF  }
0xad: {  	[dreg:$0x1] =	wrdreg $0xFFFFFFFF  }
0xae: {  	[dreg:$0x0] =	wrdreg $0x60  }
0xaf: {  	[dreg:$0x2] =	wrdreg s2  }
0xb0: {  	[dreg:$0x3] =	wrdreg s18  }
0xb1: {  	[dreg:$0x4] =	wrdreg s24  }
0xb2: {  	[dreg:$0x5] =	wrdreg $0x9  }
0xb3: {  	_ =	task.clear_ibuf [dreg:s8], $0x6FFFF;
	_ =	strace $0x90000046  }
0xb4: {  	s29 =	simm.s32 $0x9;
	_ =	strace $0x80000048  }
0xb5: {  	_ =	swait.ge [sflag:s29], $0x1  }
0xb6: {  	[sflag:s29] =	ssyncadd.s32 $0xFFFFFFFF  }
0xb7: {  	_ =	strace $0x90000048  }
0xb8: {  	_ =	sfence  }
0xb9: {  	s30 =	sld [smem:$0x0];
	_ =	sdelay $0x2  }
0xba: {  	s31 =	sshll.u32 s1, $0xD;
	s1 =	sshrl.u32 s1, $0x2  }
0xbb: {  	s3 =	sand.u32 $0x4000, s31;
	s1 =	sadd.s32 s1, s30  }
0xbc: {  	s0 =	sor.u32 s3, s0;
	s1 =	sshll.u32 s1, $0x11  }
0xbd: {  	s0 =	sor.u32 s1, s0  }
0xbe: {  	s0 =	sadd.s32 $0x8F2B, s0  }
0xbf: {  	[sflag:s0] =	ssyncadd.remote.s32 $0x1  }
0xc0: {  	_ =	sfence.sel $0xFFFF  }
0xc1: {  	[dreg:$0x0] =	wrdreg $0xFFFFFFFF;
	(pc) =	sbr.abs _section_cstart, $3  }
0xc2: {  	[dreg:$0x1] =	wrdreg $0xFFFFFFFF  }
0xc3: {  	_ =	task.clear_ibuf [dreg:s8], $0x2FFFF;
	_ =	strace $0x9FFFFFFF  }
0xc4: {  	(tm) =	ssettm $0x7FFFFFFF  }
0xc5: {  	_ =	shalt  }
tec
execute0_lowered:
.L_overlay_start_1:
0x0: {  	(tag) =	ssettag $0x1  }
0x1: {  	s1 =	rddreg [dreg:$0x0]  }
0x2: {  	s0 =	rddreg [dreg:$0x2];
	s4 =	simm.s32 $0x0  }
0x3: {  	s3 =	srdreg.scid;
	s2 =	stileid.u32;
	s14 =	simm.s32 $0x1000  }
0x4: {  	s15 =	simm.s32 $0x7A1400;
	s16 =	simm.s32 $0x2000;
	s17 =	simm.s32 $0x1  }
0x5: {  	s18 =	simm.s32 $0x4000;
	s19 =	simm.s32 $0x3;
	s20 =	simm.s32 $0x2  }
0x6: {  	s21 =	simm.s32 $0x6000;
	s3 =	sand.u32 $0x1, s3;
	s5 =	sshll.u32 s2, $0x1  }
0x7: {  	v0 =	vlaneseq.u32;
	s22 =	simm.s32 $0x4;
	s6 =	ssub.s32 $0x2, s3;
	s3 =	sor.u32 s3, s5  }
0x8: {  	[smem:$0x7FF] =	sst s4;
	v1 =	vand.u32 $0x7, v0;
	s12 =	sadd.s32 $0x1EAC00, s0;
	s8 =	smul.u32 $0x3D000, s3  }
0x9: {  	s23 =	simm.s32 $0x0;
	v2 =	vshrl.u32 v0, $0x3;
	_ =	strace $0x80000047;
	v0 =	vmul.u32 $0x10, v1;
	s9 =	smul.u32 $0x7A00, s3  }
0xa: {  	s5 =	sadd.s32 $0x2C00, s0;
	v1 =	vmul.u32 $0x80, v2;
	s7 =	sshrl.u32 s6, $0x1;
	s11 =	smul.u32 $0xF400, s3  }
.Ltmp0:
0xb: {  	p0 =	seq.s32 s3, $0x1F;
	p1 =	sne.s32 s3, $0x1F;
	v2 =	vor.u32 $0x1, v0;
	v3 =	vor.u32 $0x2, v0;
	v4 =	vor.u32 $0x3, v0;
	(pc) =	sbr.rel .LBB2_1-.Ltmp0, $4  }
0xc: {  	s13 =	ssub.s32 s6, s7;
	s6 =	sadd.s32 $0x1EB000, s0;
	s7 =	smul.u32 $0x3D, s3;
	v5 =	vor.u32 $0x4, v0;
	v6 =	vor.u32 $0x5, v0;
	v7 =	vor.u32 $0x6, v0  }
0xd: {  	v8 =	vor.u32 $0x7, v0;
	v9 =	vor.u32 $0x8, v0;
	v10 =	vor.u32 $0x9, v0;
	s10 =	sshrl.u32 s8, $0x3;
	s8 =	simm.s32 $0x3E;
	s9 =	sadd.s32 s1, s9  }
0xe: {  	v11 =	vor.u32 $0xA, v0;
	v12 =	vor.u32 $0xB, v0;
	v13 =	vor.u32 $0xC, v0;
	s11 =	sadd.s32 s5, s11;
	s13 =	smax.u32 s13, $0x1;
	s10 =	sadd.s32 s1, s10  }
0xf: {  	v14 =	vor.u32 $0xD, v0;
	v15 =	vor.u32 $0xE, v0;
	v16 =	vor.u32 $0xF, v0;
	s8 =	simm.s32 @!p0 $0x3D;
	p0 =	sne.s32 s3, $0x0;
	s10 =	sadd.s32 $0x200, s10  }
.LBB2_15:
0x10: {  	s23 =	sadd.s32 $0x1, s23  }
0x11: {  	p2 =	sne.s32 s23, s13  }
.Ltmp1:
0x12: {  	_ = 	snop;
	(pc) =	sbr.rel @!p2 .LBB2_16-.Ltmp1, $4  }
0x13: {  	_ = 	snop  }
0x14: {  	_ =	swait.ge [sflag:s0], $0x2000  }
0x15: {  	[sflag:s0] =	ssyncset.done $0x0  }
0x16: {  	[sflag:s0] =	ssyncadd.s32 $0xFFFFE000  }
.LBB2_1:
0x17: {  	s0 =	simm.s32 @!p0 $0x0  }
0x18: {  	s3 =	simm.s32 @!p0 $0x4000;
	s2 =	rddreg [dreg:$0x1];
	s24 =	simm.s32 @!p0 $0x1  }
0x19: {  	[tilespmem:s3], [sflag:$0x1] =	stream.linear.gather @!p0 [hbm4b:s2+s0], $0x400, $0x38;
	[tilespmem:$0x8000] =	vst v63  }
0x1a: {  	_ =	swait.ge @!p0 [sflag:s24], $0x400  }
0x1b: {  	[sflag:s24] =	ssyncset.done @!p0 $0x0  }
0x1c: {  	[sflag:s24] =	ssyncadd.s32 @!p0 $0xFFFFFC00  }
0x1d: {  	[hbm4b:s6+s0] =	stream.linear.scatter @!p0 [tilespmem:s3], [sflag:$0x5], $0x400, $0x38;
	[tilespmem:$0x8000] =	vst v63  }
0x1e: {  	s0 =	simm.s32 @!p0 $0x5  }
0x1f: {  	_ =	swait.ge @!p0 [sflag:s0], $0x400  }
0x20: {  	[sflag:s0] =	ssyncset.done @!p0 $0x0  }
0x21: {  	[sflag:s0] =	ssyncadd.s32 @!p0 $0xFFFFFC00  }
0x22: {  	[tilespmem:s4], [sflag:$0x1] =	stream.strided.gather [hbm4b:s9+s14], $0x2000, s15, s14, $0x38;
	[tilespmem:$0x8000] =	vst v63  }
0x23: {  	_ = 	snop  }
0x24: {  	[tilespmem:s16], [sflag:$0x2] =	stream.strided.gather [hbm4b:s10+s14], $0x2000, s15, s14, $0x38;
	[tilespmem:$0x8000] =	vst v63  }
0x25: {  	v17 =	vmov s4;
	_ =	swait.ge [sflag:s17], $0x2000  }
0x26: {  	s28 =	sand.u32 $0x70, s4;
	s29 =	sand.u32 $0xC00, s4;
	v17 =	vshll.u32 v17, $0x7;
	[sflag:s17] =	ssyncset.done $0x0  }
0x27: {  	v17 =	vor.u32 v1, v17;
	s0 =	sor.u32 s28, s29;
	[sflag:s17] =	ssyncadd.s32 $0xFFFFE000  }
0x28: {  	v19 =	vor.u32 v0, v17;
	v18 =	vld [tilespmem:s0+$0x0];
	_ =	sdelay $0x4  }
0x29: {  	[tilespmem:v19+s18+$0x0] =	vst.idx.msk $0xffff, v18  }
0x2a: {  	v19 =	vor.u32 v2, v17;
	v18 =	vld [tilespmem:s0+$0x80];
	_ =	sdelay $0x4  }
0x2b: {  	[tilespmem:v19+s18+$0x0] =	vst.idx.msk $0xffff, v18  }
0x2c: {  	v19 =	vor.u32 v3, v17;
	v18 =	vld [tilespmem:s0+$0x100];
	_ =	sdelay $0x4  }
0x2d: {  	[tilespmem:v19+s18+$0x0] =	vst.idx.msk $0xffff, v18  }
0x2e: {  	v19 =	vor.u32 v4, v17;
	v18 =	vld [tilespmem:s0+$0x180];
	_ =	sdelay $0x4  }
0x2f: {  	[tilespmem:v19+s18+$0x0] =	vst.idx.msk $0xffff, v18  }
0x30: {  	v19 =	vor.u32 v5, v17;
	v18 =	vld [tilespmem:s0+$0x200];
	_ =	sdelay $0x4  }
0x31: {  	[tilespmem:v19+s18+$0x0] =	vst.idx.msk $0xffff, v18  }
0x32: {  	v19 =	vor.u32 v6, v17;
	v18 =	vld [tilespmem:s0+$0x280];
	_ =	sdelay $0x4  }
0x33: {  	[tilespmem:v19+s18+$0x0] =	vst.idx.msk $0xffff, v18  }
0x34: {  	v19 =	vor.u32 v7, v17;
	v18 =	vld [tilespmem:s0+$0x300];
	_ =	sdelay $0x3  }
0x35: {  	s30 =	sor.u32 s4, s4  }
0x36: {  	s3 =	sor.u32 $0x380, s30;
	[tilespmem:v19+s18+$0x0] =	vst.idx.msk $0xffff, v18  }
0x37: {  	v19 =	vor.u32 v8, v17;
	v18 =	vld [tilespmem:s3+$0x0];
	_ =	sdelay $0x4  }
0x38: {  	[tilespmem:v19+s18+$0x0] =	vst.idx.msk $0xffff, v18  }
0x39: {  	v19 =	vor.u32 v9, v17;
	v18 =	vld [tilespmem:s0+$0x1000];
	_ =	sdelay $0x4  }
0x3a: {  	[tilespmem:v19+s18+$0x0] =	vst.idx.msk $0xffff, v18  }
0x3b: {  	v19 =	vor.u32 v10, v17;
	v18 =	vld [tilespmem:s0+$0x1080];
	_ =	sdelay $0x4  }
0x3c: {  	[tilespmem:v19+s18+$0x0] =	vst.idx.msk $0xffff, v18  }
0x3d: {  	v19 =	vor.u32 v11, v17;
	v18 =	vld [tilespmem:s0+$0x1100];
	_ =	sdelay $0x4  }
0x3e: {  	[tilespmem:v19+s18+$0x0] =	vst.idx.msk $0xffff, v18  }
0x3f: {  	v19 =	vor.u32 v12, v17;
	v18 =	vld [tilespmem:s0+$0x1180];
	_ =	sdelay $0x4  }
0x40: {  	[tilespmem:v19+s18+$0x0] =	vst.idx.msk $0xffff, v18  }
0x41: {  	v19 =	vor.u32 v13, v17;
	v18 =	vld [tilespmem:s0+$0x1200];
	_ =	sdelay $0x4  }
0x42: {  	[tilespmem:v19+s18+$0x0] =	vst.idx.msk $0xffff, v18  }
0x43: {  	v19 =	vor.u32 v14, v17;
	v18 =	vld [tilespmem:s0+$0x1280];
	_ =	sdelay $0x4  }
0x44: {  	[tilespmem:v19+s18+$0x0] =	vst.idx.msk $0xffff, v18  }
0x45: {  	v19 =	vor.u32 v15, v17;
	v18 =	vld [tilespmem:s0+$0x1300];
	_ =	sdelay $0x4  }
0x46: {  	[tilespmem:v19+s18+$0x0] =	vst.idx.msk $0xffff, v18  }
0x47: {  	v19 =	vor.u32 v16, v17;
	v18 =	vld [tilespmem:s0+$0x1380];
	_ =	sdelay $0x1  }
0x48: {  	s31 =	simm.s32 $0x2  }
0x49: {  	s26 =	simm.s32 $0x4;
	s25 =	simm.s32 $0x10;
	s24 =	simm.s32 $0x80;
	v17 =	vmov s31  }
.LBB2_2:
0x4a: {  	p2 =	sne.s32 s26, $0x3E;
	v17 =	vshll.u32 v17, $0x7;
	s0 =	sand.u32 $0x70, s25;
	s3 =	sand.u32 $0xC00, s24  }
0x4b: {  	s0 =	sor.u32 s0, s3;
	v17 =	vor.u32 v1, v17;
	[tilespmem:v19+s18+$0x0] =	vst.idx.msk $0xffff, v18  }
0x4c: {  	v18 =	vld [tilespmem:s0+$0x0];
	v19 =	vor.u32 v0, v17;
	_ =	sdelay $0x4  }
0x4d: {  	[tilespmem:v19+s18+$0x0] =	vst.idx.msk $0xffff, v18  }
0x4e: {  	v19 =	vor.u32 v2, v17;
	v18 =	vld [tilespmem:s0+$0x80];
	_ =	sdelay $0x4  }
0x4f: {  	[tilespmem:v19+s18+$0x0] =	vst.idx.msk $0xffff, v18  }
0x50: {  	v19 =	vor.u32 v3, v17;
	v18 =	vld [tilespmem:s0+$0x100];
	_ =	sdelay $0x4  }
0x51: {  	[tilespmem:v19+s18+$0x0] =	vst.idx.msk $0xffff, v18  }
0x52: {  	v19 =	vor.u32 v4, v17;
	v18 =	vld [tilespmem:s0+$0x180];
	_ =	sdelay $0x4  }
0x53: {  	[tilespmem:v19+s18+$0x0] =	vst.idx.msk $0xffff, v18  }
0x54: {  	v19 =	vor.u32 v5, v17;
	v18 =	vld [tilespmem:s0+$0x200];
	_ =	sdelay $0x4  }
0x55: {  	[tilespmem:v19+s18+$0x0] =	vst.idx.msk $0xffff, v18  }
0x56: {  	v19 =	vor.u32 v6, v17;
	v18 =	vld [tilespmem:s0+$0x280];
	_ =	sdelay $0x4  }
0x57: {  	[tilespmem:v19+s18+$0x0] =	vst.idx.msk $0xffff, v18  }
0x58: {  	v19 =	vor.u32 v7, v17;
	v18 =	vld [tilespmem:s0+$0x300];
	_ =	sdelay $0x3  }
0x59: {  	s3 =	sor.u32 s24, s25  }
0x5a: {  	s3 =	sor.u32 $0x380, s3;
	[tilespmem:v19+s18+$0x0] =	vst.idx.msk $0xffff, v18  }
0x5b: {  	v19 =	vor.u32 v8, v17;
	v18 =	vld [tilespmem:s3+$0x0];
	_ =	sdelay $0x4  }
0x5c: {  	[tilespmem:v19+s18+$0x0] =	vst.idx.msk $0xffff, v18  }
0x5d: {  	v19 =	vor.u32 v9, v17;
	v18 =	vld [tilespmem:s0+$0x1000];
	_ =	sdelay $0x4  }
0x5e: {  	[tilespmem:v19+s18+$0x0] =	vst.idx.msk $0xffff, v18  }
0x5f: {  	v19 =	vor.u32 v10, v17;
	v18 =	vld [tilespmem:s0+$0x1080];
	_ =	sdelay $0x4  }
0x60: {  	[tilespmem:v19+s18+$0x0] =	vst.idx.msk $0xffff, v18  }
0x61: {  	v19 =	vor.u32 v11, v17;
	v18 =	vld [tilespmem:s0+$0x1100];
	_ =	sdelay $0x4  }
0x62: {  	[tilespmem:v19+s18+$0x0] =	vst.idx.msk $0xffff, v18  }
0x63: {  	v19 =	vor.u32 v12, v17;
	v18 =	vld [tilespmem:s0+$0x1180];
	_ =	sdelay $0x4  }
0x64: {  	[tilespmem:v19+s18+$0x0] =	vst.idx.msk $0xffff, v18  }
0x65: {  	v19 =	vor.u32 v13, v17;
	v18 =	vld [tilespmem:s0+$0x1200];
	_ =	sdelay $0x4  }
0x66: {  	[tilespmem:v19+s18+$0x0] =	vst.idx.msk $0xffff, v18  }
0x67: {  	v19 =	vor.u32 v14, v17;
	v18 =	vld [tilespmem:s0+$0x1280];
	_ =	sdelay $0x4  }
0x68: {  	[tilespmem:v19+s18+$0x0] =	vst.idx.msk $0xffff, v18  }
0x69: {  	v19 =	vor.u32 v15, v17;
	v18 =	vld [tilespmem:s0+$0x1300];
	_ =	sdelay $0x4  }
.Ltmp2:
0x6a: {  	[tilespmem:v19+s18+$0x0] =	vst.idx.msk $0xffff, v18;
	(pc) =	sbr.rel @p2 .LBB2_2-.Ltmp2, $2  }
0x6b: {  	v19 =	vor.u32 v16, v17;
	v18 =	vld [tilespmem:s0+$0x1380];
	_ =	sdelay $0x2  }
0x6c: {  	s24 =	sadd.s32 $0x80, s24;
	s25 =	sadd.s32 $0x10, s25;
	v17 =	vmov s26;
	s26 =	sadd.s32 $0x2, s26  }
0x6d: {  	_ =	sdelay $0x2  }
0x6e: {  	v17 =	vshll.u32 v17, $0x7;
	s0 =	sand.u32 $0x70, s25;
	s3 =	sand.u32 $0xC00, s24  }
0x6f: {  	s0 =	sor.u32 s0, s3;
	v17 =	vor.u32 v1, v17;
	[tilespmem:v19+s18+$0x0] =	vst.idx.msk $0xffff, v18  }
0x70: {  	v18 =	vld [tilespmem:s0+$0x0];
	v19 =	vor.u32 v0, v17;
	_ =	sdelay $0x4  }
0x71: {  	[tilespmem:v19+s18+$0x0] =	vst.idx.msk $0xffff, v18  }
0x72: {  	v19 =	vor.u32 v2, v17;
	v18 =	vld [tilespmem:s0+$0x80];
	_ =	sdelay $0x4  }
0x73: {  	[tilespmem:v19+s18+$0x0] =	vst.idx.msk $0xffff, v18  }
0x74: {  	v19 =	vor.u32 v3, v17;
	v18 =	vld [tilespmem:s0+$0x100];
	_ =	sdelay $0x4  }
0x75: {  	[tilespmem:v19+s18+$0x0] =	vst.idx.msk $0xffff, v18  }
0x76: {  	v19 =	vor.u32 v4, v17;
	v18 =	vld [tilespmem:s0+$0x180];
	_ =	sdelay $0x4  }
0x77: {  	[tilespmem:v19+s18+$0x0] =	vst.idx.msk $0xffff, v18  }
0x78: {  	v19 =	vor.u32 v5, v17;
	v18 =	vld [tilespmem:s0+$0x200];
	_ =	sdelay $0x4  }
0x79: {  	[tilespmem:v19+s18+$0x0] =	vst.idx.msk $0xffff, v18  }
0x7a: {  	v19 =	vor.u32 v6, v17;
	v18 =	vld [tilespmem:s0+$0x280];
	_ =	sdelay $0x4  }
0x7b: {  	[tilespmem:v19+s18+$0x0] =	vst.idx.msk $0xffff, v18  }
0x7c: {  	v19 =	vor.u32 v7, v17;
	v18 =	vld [tilespmem:s0+$0x300];
	_ =	sdelay $0x3  }
0x7d: {  	s31 =	sor.u32 s24, s25  }
0x7e: {  	s3 =	sor.u32 $0x380, s31;
	[tilespmem:v19+s18+$0x0] =	vst.idx.msk $0xffff, v18  }
0x7f: {  	v19 =	vor.u32 v8, v17;
	v18 =	vld [tilespmem:s3+$0x0];
	_ =	sdelay $0x4  }
0x80: {  	[tilespmem:v19+s18+$0x0] =	vst.idx.msk $0xffff, v18  }
0x81: {  	v19 =	vor.u32 v9, v17;
	v18 =	vld [tilespmem:s0+$0x1000];
	_ =	sdelay $0x4  }
0x82: {  	[tilespmem:v19+s18+$0x0] =	vst.idx.msk $0xffff, v18  }
0x83: {  	v19 =	vor.u32 v10, v17;
	v18 =	vld [tilespmem:s0+$0x1080];
	_ =	sdelay $0x4  }
0x84: {  	[tilespmem:v19+s18+$0x0] =	vst.idx.msk $0xffff, v18  }
0x85: {  	v19 =	vor.u32 v11, v17;
	v18 =	vld [tilespmem:s0+$0x1100];
	_ =	sdelay $0x4  }
0x86: {  	[tilespmem:v19+s18+$0x0] =	vst.idx.msk $0xffff, v18  }
0x87: {  	v19 =	vor.u32 v12, v17;
	v18 =	vld [tilespmem:s0+$0x1180];
	_ =	sdelay $0x4  }
0x88: {  	[tilespmem:v19+s18+$0x0] =	vst.idx.msk $0xffff, v18  }
0x89: {  	v19 =	vor.u32 v13, v17;
	v18 =	vld [tilespmem:s0+$0x1200];
	_ =	sdelay $0x4  }
0x8a: {  	[tilespmem:v19+s18+$0x0] =	vst.idx.msk $0xffff, v18  }
0x8b: {  	v19 =	vor.u32 v14, v17;
	v18 =	vld [tilespmem:s0+$0x1280];
	_ =	sdelay $0x4  }
0x8c: {  	[tilespmem:v19+s18+$0x0] =	vst.idx.msk $0xffff, v18  }
0x8d: {  	v19 =	vor.u32 v15, v17;
	v18 =	vld [tilespmem:s0+$0x1300];
	_ =	sdelay $0x4  }
0x8e: {  	[tilespmem:v19+s18+$0x0] =	vst.idx.msk $0xffff, v18  }
0x8f: {  	v17 =	vor.u32 v16, v17;
	v18 =	vld [tilespmem:s0+$0x1380];
	_ =	sdelay $0x1  }
.Ltmp3:
0x90: {  	_ = 	snop;
	(pc) =	sbr.rel .LBB2_4-.Ltmp3, $3  }
0x91: {  	_ =	sdelay $0x1  }
0x92: {  	s24 =	simm.s32 $0x0;
	s25 =	simm.s32 $0x0;
	[tilespmem:v17+s18+$0x0] =	vst.idx.msk $0xffff, v18  }
0x93: {  	[hbm4b:s11+s24] =	stream.linear.scatter [tilespmem:s18], [sflag:$0x3], $0x2000, $0x38;
	[tilespmem:$0x8000] =	vst v63  }
.LBB2_10:
0x94: {  	s25 =	sadd.s32 $0x1, s25  }
0x95: {  	p2 =	sne.s32 s25, $0x1E  }
.Ltmp4:
0x96: {  	_ = 	snop;
	(pc) =	sbr.rel @!p2 .LBB2_11-.Ltmp4, $1  }
0x97: {  	_ =	sdelay $0x3  }
.LBB2_4:
0x98: {  	s28 =	sshll.u32 s25, $0x1  }
0x99: {  	s26 =	sadd.s32 $0x2, s28  }
0x9a: {  	p2 =	sge.u32 s26, s8  }
0x9b: {  	_ =	swait.ge [sflag:s19], $0x2000;
	s0 =	sadd.s32 @!p2 s7, s26  }
0x9c: {  	[sflag:s19] =	ssyncset.done $0x0;
	s0 =	sshll.u32 @!p2 s0, $0x9  }
0x9d: {  	[sflag:s19] =	ssyncadd.s32 $0xFFFFE000;
	s3 =	simm.s32 @!p2 $0x1000;
	s0 =	sand.u32 @!p2 $0x1FFFFE00, s0  }
0x9e: {  	s29 =	simm.s32 @!p2 $0x7A1400;
	s30 =	simm.s32 @!p2 $0x0;
	s0 =	sadd.s32 @!p2 s1, s0  }
0x9f: {  	[tilespmem:s30], [sflag:$0x1] =	stream.strided.gather @!p2 [hbm4b:s0+s3], $0x2000, s29, s3, $0x38;
	[tilespmem:$0x8000] =	vst v63  }
0xa0: {  	v17 =	vmov s24;
	_ =	swait.ge [sflag:s20], $0x2000  }
0xa1: {  	s2 =	sand.u32 $0xC00, s24;
	v17 =	vshll.u32 v17, $0x7;
	s3 =	sand.u32 $0x70, s24;
	[sflag:s20] =	ssyncset.done $0x0  }
0xa2: {  	v17 =	vor.u32 v1, v17;
	s0 =	sor.u32 s3, s2;
	[sflag:s20] =	ssyncadd.s32 $0xFFFFE000  }
0xa3: {  	v19 =	vor.u32 v0, v17;
	v18 =	vld [tilespmem:s0+$0x2000];
	_ =	sdelay $0x4  }
0xa4: {  	[tilespmem:v19+s21+$0x0] =	vst.idx.msk $0xffff, v18  }
0xa5: {  	v19 =	vor.u32 v2, v17;
	v18 =	vld [tilespmem:s0+$0x2080];
	_ =	sdelay $0x4  }
0xa6: {  	[tilespmem:v19+s21+$0x0] =	vst.idx.msk $0xffff, v18  }
0xa7: {  	v19 =	vor.u32 v3, v17;
	v18 =	vld [tilespmem:s0+$0x2100];
	_ =	sdelay $0x4  }
0xa8: {  	[tilespmem:v19+s21+$0x0] =	vst.idx.msk $0xffff, v18  }
0xa9: {  	v19 =	vor.u32 v4, v17;
	v18 =	vld [tilespmem:s0+$0x2180];
	_ =	sdelay $0x4  }
0xaa: {  	[tilespmem:v19+s21+$0x0] =	vst.idx.msk $0xffff, v18  }
0xab: {  	v19 =	vor.u32 v5, v17;
	v18 =	vld [tilespmem:s0+$0x2200];
	_ =	sdelay $0x4  }
0xac: {  	[tilespmem:v19+s21+$0x0] =	vst.idx.msk $0xffff, v18  }
0xad: {  	v19 =	vor.u32 v6, v17;
	v18 =	vld [tilespmem:s0+$0x2280];
	_ =	sdelay $0x4  }
0xae: {  	[tilespmem:v19+s21+$0x0] =	vst.idx.msk $0xffff, v18  }
0xaf: {  	v19 =	vor.u32 v7, v17;
	v18 =	vld [tilespmem:s0+$0x2300];
	_ =	sdelay $0x3  }
0xb0: {  	s2 =	sor.u32 s24, s24  }
0xb1: {  	s3 =	sor.u32 $0x380, s2;
	[tilespmem:v19+s21+$0x0] =	vst.idx.msk $0xffff, v18  }
0xb2: {  	v19 =	vor.u32 v8, v17;
	v18 =	vld [tilespmem:s3+$0x2000];
	_ =	sdelay $0x4  }
0xb3: {  	[tilespmem:v19+s21+$0x0] =	vst.idx.msk $0xffff, v18  }
0xb4: {  	v19 =	vor.u32 v9, v17;
	v18 =	vld [tilespmem:s0+$0x3000];
	_ =	sdelay $0x4  }
0xb5: {  	[tilespmem:v19+s21+$0x0] =	vst.idx.msk $0xffff, v18  }
0xb6: {  	v19 =	vor.u32 v10, v17;
	v18 =	vld [tilespmem:s0+$0x3080];
	_ =	sdelay $0x4  }
0xb7: {  	[tilespmem:v19+s21+$0x0] =	vst.idx.msk $0xffff, v18  }
0xb8: {  	v19 =	vor.u32 v11, v17;
	v18 =	vld [tilespmem:s0+$0x3100];
	_ =	sdelay $0x4  }
0xb9: {  	[tilespmem:v19+s21+$0x0] =	vst.idx.msk $0xffff, v18  }
0xba: {  	v19 =	vor.u32 v12, v17;
	v18 =	vld [tilespmem:s0+$0x3180];
	_ =	sdelay $0x4  }
0xbb: {  	[tilespmem:v19+s21+$0x0] =	vst.idx.msk $0xffff, v18  }
0xbc: {  	v19 =	vor.u32 v13, v17;
	v18 =	vld [tilespmem:s0+$0x3200];
	_ =	sdelay $0x4  }
0xbd: {  	[tilespmem:v19+s21+$0x0] =	vst.idx.msk $0xffff, v18  }
0xbe: {  	v19 =	vor.u32 v14, v17;
	v18 =	vld [tilespmem:s0+$0x3280];
	_ =	sdelay $0x4  }
0xbf: {  	[tilespmem:v19+s21+$0x0] =	vst.idx.msk $0xffff, v18  }
0xc0: {  	v19 =	vor.u32 v15, v17;
	v18 =	vld [tilespmem:s0+$0x3300];
	_ =	sdelay $0x4  }
0xc1: {  	[tilespmem:v19+s21+$0x0] =	vst.idx.msk $0xffff, v18  }
0xc2: {  	v19 =	vor.u32 v16, v17;
	v18 =	vld [tilespmem:s0+$0x3380];
	_ =	sdelay $0x1  }
0xc3: {  	s31 =	simm.s32 $0x10;
	s2 =	simm.s32 $0x2  }
0xc4: {  	s29 =	sor.u32 $0x1, s28;
	s30 =	simm.s32 $0x80;
	v17 =	vmov s2;
	s0 =	simm.s32 $0x4  }
.LBB2_5:
0xc5: {  	p3 =	sne.s32 s0, $0x3E;
	v17 =	vshll.u32 v17, $0x7;
	s3 =	sand.u32 $0x70, s31;
	s2 =	sand.u32 $0xC00, s30  }
0xc6: {  	s3 =	sor.u32 s3, s2;
	v17 =	vor.u32 v1, v17;
	[tilespmem:v19+s21+$0x0] =	vst.idx.msk $0xffff, v18  }
0xc7: {  	v18 =	vld [tilespmem:s3+$0x2000];
	v19 =	vor.u32 v0, v17;
	_ =	sdelay $0x4  }
0xc8: {  	[tilespmem:v19+s21+$0x0] =	vst.idx.msk $0xffff, v18  }
0xc9: {  	v19 =	vor.u32 v2, v17;
	v18 =	vld [tilespmem:s3+$0x2080];
	_ =	sdelay $0x4  }
0xca: {  	[tilespmem:v19+s21+$0x0] =	vst.idx.msk $0xffff, v18  }
0xcb: {  	v19 =	vor.u32 v3, v17;
	v18 =	vld [tilespmem:s3+$0x2100];
	_ =	sdelay $0x4  }
0xcc: {  	[tilespmem:v19+s21+$0x0] =	vst.idx.msk $0xffff, v18  }
0xcd: {  	v19 =	vor.u32 v4, v17;
	v18 =	vld [tilespmem:s3+$0x2180];
	_ =	sdelay $0x4  }
0xce: {  	[tilespmem:v19+s21+$0x0] =	vst.idx.msk $0xffff, v18  }
0xcf: {  	v19 =	vor.u32 v5, v17;
	v18 =	vld [tilespmem:s3+$0x2200];
	_ =	sdelay $0x4  }
0xd0: {  	[tilespmem:v19+s21+$0x0] =	vst.idx.msk $0xffff, v18  }
0xd1: {  	v19 =	vor.u32 v6, v17;
	v18 =	vld [tilespmem:s3+$0x2280];
	_ =	sdelay $0x4  }
0xd2: {  	[tilespmem:v19+s21+$0x0] =	vst.idx.msk $0xffff, v18  }
0xd3: {  	v19 =	vor.u32 v7, v17;
	v18 =	vld [tilespmem:s3+$0x2300];
	_ =	sdelay $0x3  }
0xd4: {  	s2 =	sor.u32 s30, s31  }
0xd5: {  	s2 =	sor.u32 $0x380, s2;
	[tilespmem:v19+s21+$0x0] =	vst.idx.msk $0xffff, v18  }
0xd6: {  	v19 =	vor.u32 v8, v17;
	v18 =	vld [tilespmem:s2+$0x2000];
	_ =	sdelay $0x4  }
0xd7: {  	[tilespmem:v19+s21+$0x0] =	vst.idx.msk $0xffff, v18  }
0xd8: {  	v19 =	vor.u32 v9, v17;
	v18 =	vld [tilespmem:s3+$0x3000];
	_ =	sdelay $0x4  }
0xd9: {  	[tilespmem:v19+s21+$0x0] =	vst.idx.msk $0xffff, v18  }
0xda: {  	v19 =	vor.u32 v10, v17;
	v18 =	vld [tilespmem:s3+$0x3080];
	_ =	sdelay $0x4  }
0xdb: {  	[tilespmem:v19+s21+$0x0] =	vst.idx.msk $0xffff, v18  }
0xdc: {  	v19 =	vor.u32 v11, v17;
	v18 =	vld [tilespmem:s3+$0x3100];
	_ =	sdelay $0x4  }
0xdd: {  	[tilespmem:v19+s21+$0x0] =	vst.idx.msk $0xffff, v18  }
0xde: {  	v19 =	vor.u32 v12, v17;
	v18 =	vld [tilespmem:s3+$0x3180];
	_ =	sdelay $0x4  }
0xdf: {  	[tilespmem:v19+s21+$0x0] =	vst.idx.msk $0xffff, v18  }
0xe0: {  	v19 =	vor.u32 v13, v17;
	v18 =	vld [tilespmem:s3+$0x3200];
	_ =	sdelay $0x4  }
0xe1: {  	[tilespmem:v19+s21+$0x0] =	vst.idx.msk $0xffff, v18  }
0xe2: {  	v19 =	vor.u32 v14, v17;
	v18 =	vld [tilespmem:s3+$0x3280];
	_ =	sdelay $0x4  }
0xe3: {  	[tilespmem:v19+s21+$0x0] =	vst.idx.msk $0xffff, v18  }
0xe4: {  	v19 =	vor.u32 v15, v17;
	v18 =	vld [tilespmem:s3+$0x3300];
	_ =	sdelay $0x4  }
.Ltmp5:
0xe5: {  	[tilespmem:v19+s21+$0x0] =	vst.idx.msk $0xffff, v18;
	(pc) =	sbr.rel @p3 .LBB2_5-.Ltmp5, $2  }
0xe6: {  	v19 =	vor.u32 v16, v17;
	v18 =	vld [tilespmem:s3+$0x3380];
	_ =	sdelay $0x2  }
0xe7: {  	s30 =	sadd.s32 $0x80, s30;
	s31 =	sadd.s32 $0x10, s31;
	v17 =	vmov s0;
	s0 =	sadd.s32 $0x2, s0  }
0xe8: {  	_ =	sdelay $0x2  }
0xe9: {  	v17 =	vshll.u32 v17, $0x7;
	s0 =	sand.u32 $0x70, s31;
	s2 =	sand.u32 $0xC00, s30  }
0xea: {  	s0 =	sor.u32 s0, s2;
	v17 =	vor.u32 v1, v17;
	[tilespmem:v19+s21+$0x0] =	vst.idx.msk $0xffff, v18  }
0xeb: {  	v18 =	vld [tilespmem:s0+$0x2000];
	v19 =	vor.u32 v0, v17;
	_ =	sdelay $0x4  }
0xec: {  	[tilespmem:v19+s21+$0x0] =	vst.idx.msk $0xffff, v18  }
0xed: {  	v19 =	vor.u32 v2, v17;
	v18 =	vld [tilespmem:s0+$0x2080];
	_ =	sdelay $0x4  }
0xee: {  	[tilespmem:v19+s21+$0x0] =	vst.idx.msk $0xffff, v18  }
0xef: {  	v19 =	vor.u32 v3, v17;
	v18 =	vld [tilespmem:s0+$0x2100];
	_ =	sdelay $0x4  }
0xf0: {  	[tilespmem:v19+s21+$0x0] =	vst.idx.msk $0xffff, v18  }
0xf1: {  	v19 =	vor.u32 v4, v17;
	v18 =	vld [tilespmem:s0+$0x2180];
	_ =	sdelay $0x4  }
0xf2: {  	[tilespmem:v19+s21+$0x0] =	vst.idx.msk $0xffff, v18  }
0xf3: {  	v19 =	vor.u32 v5, v17;
	v18 =	vld [tilespmem:s0+$0x2200];
	_ =	sdelay $0x4  }
0xf4: {  	[tilespmem:v19+s21+$0x0] =	vst.idx.msk $0xffff, v18  }
0xf5: {  	v19 =	vor.u32 v6, v17;
	v18 =	vld [tilespmem:s0+$0x2280];
	_ =	sdelay $0x4  }
0xf6: {  	[tilespmem:v19+s21+$0x0] =	vst.idx.msk $0xffff, v18  }
0xf7: {  	v19 =	vor.u32 v7, v17;
	v18 =	vld [tilespmem:s0+$0x2300];
	_ =	sdelay $0x3  }
0xf8: {  	s30 =	sor.u32 s30, s31  }
0xf9: {  	s2 =	sor.u32 $0x380, s30;
	[tilespmem:v19+s21+$0x0] =	vst.idx.msk $0xffff, v18  }
0xfa: {  	v19 =	vor.u32 v8, v17;
	v18 =	vld [tilespmem:s2+$0x2000];
	_ =	sdelay $0x4  }
0xfb: {  	[tilespmem:v19+s21+$0x0] =	vst.idx.msk $0xffff, v18  }
0xfc: {  	v19 =	vor.u32 v9, v17;
	v18 =	vld [tilespmem:s0+$0x3000];
	_ =	sdelay $0x4  }
0xfd: {  	[tilespmem:v19+s21+$0x0] =	vst.idx.msk $0xffff, v18  }
0xfe: {  	v19 =	vor.u32 v10, v17;
	v18 =	vld [tilespmem:s0+$0x3080];
	_ =	sdelay $0x4  }
0xff: {  	[tilespmem:v19+s21+$0x0] =	vst.idx.msk $0xffff, v18  }
0x100: {  	v19 =	vor.u32 v11, v17;
	v18 =	vld [tilespmem:s0+$0x3100];
	_ =	sdelay $0x4  }
0x101: {  	[tilespmem:v19+s21+$0x0] =	vst.idx.msk $0xffff, v18  }
0x102: {  	v19 =	vor.u32 v12, v17;
	v18 =	vld [tilespmem:s0+$0x3180];
	_ =	sdelay $0x4  }
0x103: {  	[tilespmem:v19+s21+$0x0] =	vst.idx.msk $0xffff, v18  }
0x104: {  	v19 =	vor.u32 v13, v17;
	v18 =	vld [tilespmem:s0+$0x3200];
	_ =	sdelay $0x4  }
0x105: {  	[tilespmem:v19+s21+$0x0] =	vst.idx.msk $0xffff, v18  }
0x106: {  	v19 =	vor.u32 v14, v17;
	v18 =	vld [tilespmem:s0+$0x3280];
	_ =	sdelay $0x4  }
0x107: {  	[tilespmem:v19+s21+$0x0] =	vst.idx.msk $0xffff, v18  }
0x108: {  	v19 =	vor.u32 v15, v17;
	v18 =	vld [tilespmem:s0+$0x3300];
	_ =	sdelay $0x4  }
0x109: {  	[tilespmem:v19+s21+$0x0] =	vst.idx.msk $0xffff, v18  }
0x10a: {  	v17 =	vor.u32 v16, v17;
	v18 =	vld [tilespmem:s0+$0x3380];
	_ =	sdelay $0x1  }
0x10b: {  	s31 =	sadd.s32 s7, s29  }
0x10c: {  	s0 =	sshll.u32 s31, $0xA  }
0x10d: {  	s0 =	sand.u32 $0x1FFFFC00, s0  }
0x10e: {  	s0 =	sadd.s32 s5, s0;
	[tilespmem:v17+s21+$0x0] =	vst.idx.msk $0xffff, v18  }
0x10f: {  	[hbm4b:s0+s4] =	stream.linear.scatter [tilespmem:s21], [sflag:$0x4], $0x2000, $0x38;
	[tilespmem:$0x8000] =	vst v63  }
0x110: {  	s0 =	sadd.s32 $0x3, s28  }
0x111: {  	p3 =	sge.u32 s0, s8  }
.Ltmp6:
0x112: {  	s0 =	sadd.s32 @!p3 s7, s0;
	(pc) =	sbr.rel @p2 .LBB2_10-.Ltmp6, $4  }
0x113: {  	_ =	swait.ge [sflag:s22], $0x2000;
	s2 =	simm.s32 @!p3 $0x1000;
	s0 =	sshll.u32 @!p3 s0, $0x9  }
0x114: {  	[sflag:s22] =	ssyncset.done $0x0;
	s3 =	simm.s32 @!p3 $0x7A1400;
	s0 =	sand.u32 @!p3 $0x1FFFFE00, s0  }
0x115: {  	s28 =	simm.s32 @!p3 $0x2000;
	[sflag:s22] =	ssyncadd.s32 $0xFFFFE000;
	s0 =	sadd.s32 @!p3 s1, s0  }
0x116: {  	[tilespmem:s28], [sflag:$0x2] =	stream.strided.gather @!p3 [hbm4b:s0+s2], $0x2000, s3, s2, $0x38;
	[tilespmem:$0x8000] =	vst v63  }
0x117: {  	s0 =	simm.s32 $0x0  }
0x118: {  	_ =	swait.ge [sflag:s17], $0x2000;
	v17 =	vmov s0  }
0x119: {  	[sflag:s17] =	ssyncset.done $0x0;
	s2 =	sand.u32 $0x70, s0;
	s3 =	sand.u32 $0xC00, s0;
	v17 =	vshll.u32 v17, $0x7  }
0x11a: {  	[sflag:s17] =	ssyncadd.s32 $0xFFFFE000;
	s2 =	sor.u32 s2, s3;
	v17 =	vor.u32 v1, v17  }
0x11b: {  	v18 =	vld [tilespmem:s2+$0x0];
	v19 =	vor.u32 v0, v17;
	_ =	sdelay $0x4  }
0x11c: {  	[tilespmem:v19+s18+$0x0] =	vst.idx.msk $0xffff, v18  }
0x11d: {  	v19 =	vor.u32 v2, v17;
	v18 =	vld [tilespmem:s2+$0x80];
	_ =	sdelay $0x4  }
0x11e: {  	[tilespmem:v19+s18+$0x0] =	vst.idx.msk $0xffff, v18  }
0x11f: {  	v19 =	vor.u32 v3, v17;
	v18 =	vld [tilespmem:s2+$0x100];
	_ =	sdelay $0x4  }
0x120: {  	[tilespmem:v19+s18+$0x0] =	vst.idx.msk $0xffff, v18  }
0x121: {  	v19 =	vor.u32 v4, v17;
	v18 =	vld [tilespmem:s2+$0x180];
	_ =	sdelay $0x4  }
0x122: {  	[tilespmem:v19+s18+$0x0] =	vst.idx.msk $0xffff, v18  }
0x123: {  	v19 =	vor.u32 v5, v17;
	v18 =	vld [tilespmem:s2+$0x200];
	_ =	sdelay $0x4  }
0x124: {  	[tilespmem:v19+s18+$0x0] =	vst.idx.msk $0xffff, v18  }
0x125: {  	v19 =	vor.u32 v6, v17;
	v18 =	vld [tilespmem:s2+$0x280];
	_ =	sdelay $0x4  }
0x126: {  	[tilespmem:v19+s18+$0x0] =	vst.idx.msk $0xffff, v18  }
0x127: {  	v19 =	vor.u32 v7, v17;
	v18 =	vld [tilespmem:s2+$0x300];
	_ =	sdelay $0x3  }
0x128: {  	s0 =	sor.u32 s0, s0  }
0x129: {  	s0 =	sor.u32 $0x380, s0;
	[tilespmem:v19+s18+$0x0] =	vst.idx.msk $0xffff, v18  }
0x12a: {  	v19 =	vor.u32 v8, v17;
	v18 =	vld [tilespmem:s0+$0x0];
	_ =	sdelay $0x4  }
0x12b: {  	[tilespmem:v19+s18+$0x0] =	vst.idx.msk $0xffff, v18  }
0x12c: {  	v19 =	vor.u32 v9, v17;
	v18 =	vld [tilespmem:s2+$0x1000];
	_ =	sdelay $0x4  }
0x12d: {  	[tilespmem:v19+s18+$0x0] =	vst.idx.msk $0xffff, v18  }
0x12e: {  	v19 =	vor.u32 v10, v17;
	v18 =	vld [tilespmem:s2+$0x1080];
	_ =	sdelay $0x4  }
0x12f: {  	[tilespmem:v19+s18+$0x0] =	vst.idx.msk $0xffff, v18  }
0x130: {  	v19 =	vor.u32 v11, v17;
	v18 =	vld [tilespmem:s2+$0x1100];
	_ =	sdelay $0x4  }
0x131: {  	[tilespmem:v19+s18+$0x0] =	vst.idx.msk $0xffff, v18  }
0x132: {  	v19 =	vor.u32 v12, v17;
	v18 =	vld [tilespmem:s2+$0x1180];
	_ =	sdelay $0x4  }
0x133: {  	[tilespmem:v19+s18+$0x0] =	vst.idx.msk $0xffff, v18  }
0x134: {  	v19 =	vor.u32 v13, v17;
	v18 =	vld [tilespmem:s2+$0x1200];
	_ =	sdelay $0x4  }
0x135: {  	[tilespmem:v19+s18+$0x0] =	vst.idx.msk $0xffff, v18  }
0x136: {  	v19 =	vor.u32 v14, v17;
	v18 =	vld [tilespmem:s2+$0x1280];
	_ =	sdelay $0x4  }
0x137: {  	[tilespmem:v19+s18+$0x0] =	vst.idx.msk $0xffff, v18  }
0x138: {  	v19 =	vor.u32 v15, v17;
	v18 =	vld [tilespmem:s2+$0x1300];
	_ =	sdelay $0x4  }
0x139: {  	[tilespmem:v19+s18+$0x0] =	vst.idx.msk $0xffff, v18  }
0x13a: {  	v19 =	vor.u32 v16, v17;
	v18 =	vld [tilespmem:s2+$0x1380];
	_ =	sdelay $0x1  }
0x13b: {  	s31 =	simm.s32 $0x2  }
0x13c: {  	s28 =	simm.s32 $0x80;
	s29 =	simm.s32 $0x10;
	s0 =	simm.s32 $0x4;
	v17 =	vmov s31  }
.LBB2_8:
0x13d: {  	p2 =	sne.s32 s0, $0x3E;
	v17 =	vshll.u32 v17, $0x7;
	s2 =	sand.u32 $0x70, s29;
	s3 =	sand.u32 $0xC00, s28  }
0x13e: {  	s3 =	sor.u32 s2, s3;
	v17 =	vor.u32 v1, v17;
	[tilespmem:v19+s18+$0x0] =	vst.idx.msk $0xffff, v18  }
0x13f: {  	v18 =	vld [tilespmem:s3+$0x0];
	v19 =	vor.u32 v0, v17;
	_ =	sdelay $0x4  }
0x140: {  	[tilespmem:v19+s18+$0x0] =	vst.idx.msk $0xffff, v18  }
0x141: {  	v19 =	vor.u32 v2, v17;
	v18 =	vld [tilespmem:s3+$0x80];
	_ =	sdelay $0x4  }
0x142: {  	[tilespmem:v19+s18+$0x0] =	vst.idx.msk $0xffff, v18  }
0x143: {  	v19 =	vor.u32 v3, v17;
	v18 =	vld [tilespmem:s3+$0x100];
	_ =	sdelay $0x4  }
0x144: {  	[tilespmem:v19+s18+$0x0] =	vst.idx.msk $0xffff, v18  }
0x145: {  	v19 =	vor.u32 v4, v17;
	v18 =	vld [tilespmem:s3+$0x180];
	_ =	sdelay $0x4  }
0x146: {  	[tilespmem:v19+s18+$0x0] =	vst.idx.msk $0xffff, v18  }
0x147: {  	v19 =	vor.u32 v5, v17;
	v18 =	vld [tilespmem:s3+$0x200];
	_ =	sdelay $0x4  }
0x148: {  	[tilespmem:v19+s18+$0x0] =	vst.idx.msk $0xffff, v18  }
0x149: {  	v19 =	vor.u32 v6, v17;
	v18 =	vld [tilespmem:s3+$0x280];
	_ =	sdelay $0x4  }
0x14a: {  	[tilespmem:v19+s18+$0x0] =	vst.idx.msk $0xffff, v18  }
0x14b: {  	v19 =	vor.u32 v7, v17;
	v18 =	vld [tilespmem:s3+$0x300];
	_ =	sdelay $0x3  }
0x14c: {  	s2 =	sor.u32 s28, s29  }
0x14d: {  	s2 =	sor.u32 $0x380, s2;
	[tilespmem:v19+s18+$0x0] =	vst.idx.msk $0xffff, v18  }
0x14e: {  	v19 =	vor.u32 v8, v17;
	v18 =	vld [tilespmem:s2+$0x0];
	_ =	sdelay $0x4  }
0x14f: {  	[tilespmem:v19+s18+$0x0] =	vst.idx.msk $0xffff, v18  }
0x150: {  	v19 =	vor.u32 v9, v17;
	v18 =	vld [tilespmem:s3+$0x1000];
	_ =	sdelay $0x4  }
0x151: {  	[tilespmem:v19+s18+$0x0] =	vst.idx.msk $0xffff, v18  }
0x152: {  	v19 =	vor.u32 v10, v17;
	v18 =	vld [tilespmem:s3+$0x1080];
	_ =	sdelay $0x4  }
0x153: {  	[tilespmem:v19+s18+$0x0] =	vst.idx.msk $0xffff, v18  }
0x154: {  	v19 =	vor.u32 v11, v17;
	v18 =	vld [tilespmem:s3+$0x1100];
	_ =	sdelay $0x4  }
0x155: {  	[tilespmem:v19+s18+$0x0] =	vst.idx.msk $0xffff, v18  }
0x156: {  	v19 =	vor.u32 v12, v17;
	v18 =	vld [tilespmem:s3+$0x1180];
	_ =	sdelay $0x4  }
0x157: {  	[tilespmem:v19+s18+$0x0] =	vst.idx.msk $0xffff, v18  }
0x158: {  	v19 =	vor.u32 v13, v17;
	v18 =	vld [tilespmem:s3+$0x1200];
	_ =	sdelay $0x4  }
0x159: {  	[tilespmem:v19+s18+$0x0] =	vst.idx.msk $0xffff, v18  }
0x15a: {  	v19 =	vor.u32 v14, v17;
	v18 =	vld [tilespmem:s3+$0x1280];
	_ =	sdelay $0x4  }
0x15b: {  	[tilespmem:v19+s18+$0x0] =	vst.idx.msk $0xffff, v18  }
0x15c: {  	v19 =	vor.u32 v15, v17;
	v18 =	vld [tilespmem:s3+$0x1300];
	_ =	sdelay $0x4  }
.Ltmp7:
0x15d: {  	[tilespmem:v19+s18+$0x0] =	vst.idx.msk $0xffff, v18;
	(pc) =	sbr.rel @p2 .LBB2_8-.Ltmp7, $2  }
0x15e: {  	v19 =	vor.u32 v16, v17;
	v18 =	vld [tilespmem:s3+$0x1380];
	_ =	sdelay $0x2  }
0x15f: {  	s28 =	sadd.s32 $0x80, s28;
	s29 =	sadd.s32 $0x10, s29;
	v17 =	vmov s0;
	s0 =	sadd.s32 $0x2, s0  }
0x160: {  	_ =	sdelay $0x2  }
0x161: {  	v17 =	vshll.u32 v17, $0x7;
	s0 =	sand.u32 $0x70, s29;
	s2 =	sand.u32 $0xC00, s28  }
0x162: {  	s0 =	sor.u32 s0, s2;
	v17 =	vor.u32 v1, v17;
	[tilespmem:v19+s18+$0x0] =	vst.idx.msk $0xffff, v18  }
0x163: {  	v18 =	vld [tilespmem:s0+$0x0];
	v19 =	vor.u32 v0, v17;
	_ =	sdelay $0x4  }
0x164: {  	[tilespmem:v19+s18+$0x0] =	vst.idx.msk $0xffff, v18  }
0x165: {  	v19 =	vor.u32 v2, v17;
	v18 =	vld [tilespmem:s0+$0x80];
	_ =	sdelay $0x4  }
0x166: {  	[tilespmem:v19+s18+$0x0] =	vst.idx.msk $0xffff, v18  }
0x167: {  	v19 =	vor.u32 v3, v17;
	v18 =	vld [tilespmem:s0+$0x100];
	_ =	sdelay $0x4  }
0x168: {  	[tilespmem:v19+s18+$0x0] =	vst.idx.msk $0xffff, v18  }
0x169: {  	v19 =	vor.u32 v4, v17;
	v18 =	vld [tilespmem:s0+$0x180];
	_ =	sdelay $0x4  }
0x16a: {  	[tilespmem:v19+s18+$0x0] =	vst.idx.msk $0xffff, v18  }
0x16b: {  	v19 =	vor.u32 v5, v17;
	v18 =	vld [tilespmem:s0+$0x200];
	_ =	sdelay $0x4  }
0x16c: {  	[tilespmem:v19+s18+$0x0] =	vst.idx.msk $0xffff, v18  }
0x16d: {  	v19 =	vor.u32 v6, v17;
	v18 =	vld [tilespmem:s0+$0x280];
	_ =	sdelay $0x4  }
0x16e: {  	[tilespmem:v19+s18+$0x0] =	vst.idx.msk $0xffff, v18  }
0x16f: {  	v19 =	vor.u32 v7, v17;
	v18 =	vld [tilespmem:s0+$0x300];
	_ =	sdelay $0x3  }
0x170: {  	s30 =	sor.u32 s28, s29  }
0x171: {  	s2 =	sor.u32 $0x380, s30;
	[tilespmem:v19+s18+$0x0] =	vst.idx.msk $0xffff, v18  }
0x172: {  	v19 =	vor.u32 v8, v17;
	v18 =	vld [tilespmem:s2+$0x0];
	_ =	sdelay $0x4  }
0x173: {  	[tilespmem:v19+s18+$0x0] =	vst.idx.msk $0xffff, v18  }
0x174: {  	v19 =	vor.u32 v9, v17;
	v18 =	vld [tilespmem:s0+$0x1000];
	_ =	sdelay $0x4  }
0x175: {  	[tilespmem:v19+s18+$0x0] =	vst.idx.msk $0xffff, v18  }
0x176: {  	v19 =	vor.u32 v10, v17;
	v18 =	vld [tilespmem:s0+$0x1080];
	_ =	sdelay $0x4  }
0x177: {  	[tilespmem:v19+s18+$0x0] =	vst.idx.msk $0xffff, v18  }
0x178: {  	v19 =	vor.u32 v11, v17;
	v18 =	vld [tilespmem:s0+$0x1100];
	_ =	sdelay $0x4  }
0x179: {  	[tilespmem:v19+s18+$0x0] =	vst.idx.msk $0xffff, v18  }
0x17a: {  	v19 =	vor.u32 v12, v17;
	v18 =	vld [tilespmem:s0+$0x1180];
	_ =	sdelay $0x4  }
0x17b: {  	[tilespmem:v19+s18+$0x0] =	vst.idx.msk $0xffff, v18  }
0x17c: {  	v19 =	vor.u32 v13, v17;
	v18 =	vld [tilespmem:s0+$0x1200];
	_ =	sdelay $0x4  }
0x17d: {  	[tilespmem:v19+s18+$0x0] =	vst.idx.msk $0xffff, v18  }
0x17e: {  	v19 =	vor.u32 v14, v17;
	v18 =	vld [tilespmem:s0+$0x1280];
	_ =	sdelay $0x4  }
0x17f: {  	[tilespmem:v19+s18+$0x0] =	vst.idx.msk $0xffff, v18  }
0x180: {  	v19 =	vor.u32 v15, v17;
	v18 =	vld [tilespmem:s0+$0x1300];
	_ =	sdelay $0x4  }
0x181: {  	[tilespmem:v19+s18+$0x0] =	vst.idx.msk $0xffff, v18  }
0x182: {  	v17 =	vor.u32 v16, v17;
	v18 =	vld [tilespmem:s0+$0x1380];
	_ =	sdelay $0x1  }
.Ltmp8:
0x183: {  	s31 =	sadd.s32 s7, s26;
	(pc) =	sbr.rel .LBB2_10-.Ltmp8, $4  }
0x184: {  	s0 =	sshll.u32 s31, $0xA  }
0x185: {  	s0 =	sand.u32 $0x1FFFFC00, s0  }
0x186: {  	s0 =	sadd.s32 s5, s0;
	[tilespmem:v17+s18+$0x0] =	vst.idx.msk $0xffff, v18  }
0x187: {  	[hbm4b:s0+s4] =	stream.linear.scatter [tilespmem:s18], [sflag:$0x3], $0x2000, $0x38;
	[tilespmem:$0x8000] =	vst v63  }
.LBB2_11:
.Ltmp9:
0x188: {  	(pc) =	sbr.rel @p1 .LBB2_15-.Ltmp9, $2  }
0x189: {  	_ =	sdelay $0x2  }
0x18a: {  	s0 =	simm.s32 $0x3  }
0x18b: {  	s0 =	simm.s32 $0x0  }
0x18c: {  	_ =	swait.ge [sflag:s20], $0x2000;
	v17 =	vmov s0  }
0x18d: {  	[sflag:s20] =	ssyncset.done $0x0;
	s2 =	sand.u32 $0x70, s0;
	s3 =	sand.u32 $0xC00, s0;
	v17 =	vshll.u32 v17, $0x7  }
0x18e: {  	[sflag:s20] =	ssyncadd.s32 $0xFFFFE000;
	s2 =	sor.u32 s2, s3;
	v17 =	vor.u32 v1, v17  }
0x18f: {  	v18 =	vld [tilespmem:s2+$0x2000];
	v19 =	vor.u32 v0, v17;
	_ =	sdelay $0x4  }
0x190: {  	[tilespmem:v19+s21+$0x0] =	vst.idx.msk $0xffff, v18  }
0x191: {  	v19 =	vor.u32 v2, v17;
	v18 =	vld [tilespmem:s2+$0x2080];
	_ =	sdelay $0x4  }
0x192: {  	[tilespmem:v19+s21+$0x0] =	vst.idx.msk $0xffff, v18  }
0x193: {  	v19 =	vor.u32 v3, v17;
	v18 =	vld [tilespmem:s2+$0x2100];
	_ =	sdelay $0x4  }
0x194: {  	[tilespmem:v19+s21+$0x0] =	vst.idx.msk $0xffff, v18  }
0x195: {  	v19 =	vor.u32 v4, v17;
	v18 =	vld [tilespmem:s2+$0x2180];
	_ =	sdelay $0x4  }
0x196: {  	[tilespmem:v19+s21+$0x0] =	vst.idx.msk $0xffff, v18  }
0x197: {  	v19 =	vor.u32 v5, v17;
	v18 =	vld [tilespmem:s2+$0x2200];
	_ =	sdelay $0x4  }
0x198: {  	[tilespmem:v19+s21+$0x0] =	vst.idx.msk $0xffff, v18  }
0x199: {  	v19 =	vor.u32 v6, v17;
	v18 =	vld [tilespmem:s2+$0x2280];
	_ =	sdelay $0x4  }
0x19a: {  	[tilespmem:v19+s21+$0x0] =	vst.idx.msk $0xffff, v18  }
0x19b: {  	v19 =	vor.u32 v7, v17;
	v18 =	vld [tilespmem:s2+$0x2300];
	_ =	sdelay $0x3  }
0x19c: {  	s0 =	sor.u32 s0, s0  }
0x19d: {  	s0 =	sor.u32 $0x380, s0;
	[tilespmem:v19+s21+$0x0] =	vst.idx.msk $0xffff, v18  }
0x19e: {  	v19 =	vor.u32 v8, v17;
	v18 =	vld [tilespmem:s0+$0x2000];
	_ =	sdelay $0x4  }
0x19f: {  	[tilespmem:v19+s21+$0x0] =	vst.idx.msk $0xffff, v18  }
0x1a0: {  	v19 =	vor.u32 v9, v17;
	v18 =	vld [tilespmem:s2+$0x3000];
	_ =	sdelay $0x4  }
0x1a1: {  	[tilespmem:v19+s21+$0x0] =	vst.idx.msk $0xffff, v18  }
0x1a2: {  	v19 =	vor.u32 v10, v17;
	v18 =	vld [tilespmem:s2+$0x3080];
	_ =	sdelay $0x4  }
0x1a3: {  	[tilespmem:v19+s21+$0x0] =	vst.idx.msk $0xffff, v18  }
0x1a4: {  	v19 =	vor.u32 v11, v17;
	v18 =	vld [tilespmem:s2+$0x3100];
	_ =	sdelay $0x4  }
0x1a5: {  	[tilespmem:v19+s21+$0x0] =	vst.idx.msk $0xffff, v18  }
0x1a6: {  	v19 =	vor.u32 v12, v17;
	v18 =	vld [tilespmem:s2+$0x3180];
	_ =	sdelay $0x4  }
0x1a7: {  	[tilespmem:v19+s21+$0x0] =	vst.idx.msk $0xffff, v18  }
0x1a8: {  	v19 =	vor.u32 v13, v17;
	v18 =	vld [tilespmem:s2+$0x3200];
	_ =	sdelay $0x4  }
0x1a9: {  	[tilespmem:v19+s21+$0x0] =	vst.idx.msk $0xffff, v18  }
0x1aa: {  	v19 =	vor.u32 v14, v17;
	v18 =	vld [tilespmem:s2+$0x3280];
	_ =	sdelay $0x4  }
0x1ab: {  	[tilespmem:v19+s21+$0x0] =	vst.idx.msk $0xffff, v18  }
0x1ac: {  	v19 =	vor.u32 v15, v17;
	v18 =	vld [tilespmem:s2+$0x3300];
	_ =	sdelay $0x4  }
0x1ad: {  	[tilespmem:v19+s21+$0x0] =	vst.idx.msk $0xffff, v18  }
0x1ae: {  	v19 =	vor.u32 v16, v17;
	v18 =	vld [tilespmem:s2+$0x3380];
	_ =	sdelay $0x1  }
0x1af: {  	s31 =	simm.s32 $0x2  }
0x1b0: {  	s24 =	simm.s32 $0x80;
	s25 =	simm.s32 $0x10;
	s0 =	simm.s32 $0x4;
	v17 =	vmov s31  }
.LBB2_13:
0x1b1: {  	p2 =	sne.s32 s0, $0x3E;
	v17 =	vshll.u32 v17, $0x7;
	s2 =	sand.u32 $0x70, s25;
	s3 =	sand.u32 $0xC00, s24  }
0x1b2: {  	s3 =	sor.u32 s2, s3;
	v17 =	vor.u32 v1, v17;
	[tilespmem:v19+s21+$0x0] =	vst.idx.msk $0xffff, v18  }
0x1b3: {  	v18 =	vld [tilespmem:s3+$0x2000];
	v19 =	vor.u32 v0, v17;
	_ =	sdelay $0x4  }
0x1b4: {  	[tilespmem:v19+s21+$0x0] =	vst.idx.msk $0xffff, v18  }
0x1b5: {  	v19 =	vor.u32 v2, v17;
	v18 =	vld [tilespmem:s3+$0x2080];
	_ =	sdelay $0x4  }
0x1b6: {  	[tilespmem:v19+s21+$0x0] =	vst.idx.msk $0xffff, v18  }
0x1b7: {  	v19 =	vor.u32 v3, v17;
	v18 =	vld [tilespmem:s3+$0x2100];
	_ =	sdelay $0x4  }
0x1b8: {  	[tilespmem:v19+s21+$0x0] =	vst.idx.msk $0xffff, v18  }
0x1b9: {  	v19 =	vor.u32 v4, v17;
	v18 =	vld [tilespmem:s3+$0x2180];
	_ =	sdelay $0x4  }
0x1ba: {  	[tilespmem:v19+s21+$0x0] =	vst.idx.msk $0xffff, v18  }
0x1bb: {  	v19 =	vor.u32 v5, v17;
	v18 =	vld [tilespmem:s3+$0x2200];
	_ =	sdelay $0x4  }
0x1bc: {  	[tilespmem:v19+s21+$0x0] =	vst.idx.msk $0xffff, v18  }
0x1bd: {  	v19 =	vor.u32 v6, v17;
	v18 =	vld [tilespmem:s3+$0x2280];
	_ =	sdelay $0x4  }
0x1be: {  	[tilespmem:v19+s21+$0x0] =	vst.idx.msk $0xffff, v18  }
0x1bf: {  	v19 =	vor.u32 v7, v17;
	v18 =	vld [tilespmem:s3+$0x2300];
	_ =	sdelay $0x3  }
0x1c0: {  	s2 =	sor.u32 s24, s25  }
0x1c1: {  	s2 =	sor.u32 $0x380, s2;
	[tilespmem:v19+s21+$0x0] =	vst.idx.msk $0xffff, v18  }
0x1c2: {  	v19 =	vor.u32 v8, v17;
	v18 =	vld [tilespmem:s2+$0x2000];
	_ =	sdelay $0x4  }
0x1c3: {  	[tilespmem:v19+s21+$0x0] =	vst.idx.msk $0xffff, v18  }
0x1c4: {  	v19 =	vor.u32 v9, v17;
	v18 =	vld [tilespmem:s3+$0x3000];
	_ =	sdelay $0x4  }
0x1c5: {  	[tilespmem:v19+s21+$0x0] =	vst.idx.msk $0xffff, v18  }
0x1c6: {  	v19 =	vor.u32 v10, v17;
	v18 =	vld [tilespmem:s3+$0x3080];
	_ =	sdelay $0x4  }
0x1c7: {  	[tilespmem:v19+s21+$0x0] =	vst.idx.msk $0xffff, v18  }
0x1c8: {  	v19 =	vor.u32 v11, v17;
	v18 =	vld [tilespmem:s3+$0x3100];
	_ =	sdelay $0x4  }
0x1c9: {  	[tilespmem:v19+s21+$0x0] =	vst.idx.msk $0xffff, v18  }
0x1ca: {  	v19 =	vor.u32 v12, v17;
	v18 =	vld [tilespmem:s3+$0x3180];
	_ =	sdelay $0x4  }
0x1cb: {  	[tilespmem:v19+s21+$0x0] =	vst.idx.msk $0xffff, v18  }
0x1cc: {  	v19 =	vor.u32 v13, v17;
	v18 =	vld [tilespmem:s3+$0x3200];
	_ =	sdelay $0x4  }
0x1cd: {  	[tilespmem:v19+s21+$0x0] =	vst.idx.msk $0xffff, v18  }
0x1ce: {  	v19 =	vor.u32 v14, v17;
	v18 =	vld [tilespmem:s3+$0x3280];
	_ =	sdelay $0x4  }
0x1cf: {  	[tilespmem:v19+s21+$0x0] =	vst.idx.msk $0xffff, v18  }
0x1d0: {  	v19 =	vor.u32 v15, v17;
	v18 =	vld [tilespmem:s3+$0x3300];
	_ =	sdelay $0x4  }
.Ltmp10:
0x1d1: {  	[tilespmem:v19+s21+$0x0] =	vst.idx.msk $0xffff, v18;
	(pc) =	sbr.rel @p2 .LBB2_13-.Ltmp10, $2  }
0x1d2: {  	v19 =	vor.u32 v16, v17;
	v18 =	vld [tilespmem:s3+$0x3380];
	_ =	sdelay $0x2  }
0x1d3: {  	s24 =	sadd.s32 $0x80, s24;
	s25 =	sadd.s32 $0x10, s25;
	v17 =	vmov s0;
	s0 =	sadd.s32 $0x2, s0  }
0x1d4: {  	_ =	sdelay $0x2  }
0x1d5: {  	v17 =	vshll.u32 v17, $0x7;
	s0 =	sand.u32 $0x70, s25;
	s2 =	sand.u32 $0xC00, s24  }
0x1d6: {  	s0 =	sor.u32 s0, s2;
	v17 =	vor.u32 v1, v17;
	[tilespmem:v19+s21+$0x0] =	vst.idx.msk $0xffff, v18  }
0x1d7: {  	v18 =	vld [tilespmem:s0+$0x2000];
	v19 =	vor.u32 v0, v17;
	_ =	sdelay $0x4  }
0x1d8: {  	[tilespmem:v19+s21+$0x0] =	vst.idx.msk $0xffff, v18  }
0x1d9: {  	v19 =	vor.u32 v2, v17;
	v18 =	vld [tilespmem:s0+$0x2080];
	_ =	sdelay $0x4  }
0x1da: {  	[tilespmem:v19+s21+$0x0] =	vst.idx.msk $0xffff, v18  }
0x1db: {  	v19 =	vor.u32 v3, v17;
	v18 =	vld [tilespmem:s0+$0x2100];
	_ =	sdelay $0x4  }
0x1dc: {  	[tilespmem:v19+s21+$0x0] =	vst.idx.msk $0xffff, v18  }
0x1dd: {  	v19 =	vor.u32 v4, v17;
	v18 =	vld [tilespmem:s0+$0x2180];
	_ =	sdelay $0x4  }
0x1de: {  	[tilespmem:v19+s21+$0x0] =	vst.idx.msk $0xffff, v18  }
0x1df: {  	v19 =	vor.u32 v5, v17;
	v18 =	vld [tilespmem:s0+$0x2200];
	_ =	sdelay $0x4  }
0x1e0: {  	[tilespmem:v19+s21+$0x0] =	vst.idx.msk $0xffff, v18  }
0x1e1: {  	v19 =	vor.u32 v6, v17;
	v18 =	vld [tilespmem:s0+$0x2280];
	_ =	sdelay $0x4  }
0x1e2: {  	[tilespmem:v19+s21+$0x0] =	vst.idx.msk $0xffff, v18  }
0x1e3: {  	v19 =	vor.u32 v7, v17;
	v18 =	vld [tilespmem:s0+$0x2300];
	_ =	sdelay $0x3  }
0x1e4: {  	s31 =	sor.u32 s24, s25  }
0x1e5: {  	s2 =	sor.u32 $0x380, s31;
	[tilespmem:v19+s21+$0x0] =	vst.idx.msk $0xffff, v18  }
0x1e6: {  	v19 =	vor.u32 v8, v17;
	v18 =	vld [tilespmem:s2+$0x2000];
	_ =	sdelay $0x4  }
0x1e7: {  	[tilespmem:v19+s21+$0x0] =	vst.idx.msk $0xffff, v18  }
0x1e8: {  	v19 =	vor.u32 v9, v17;
	v18 =	vld [tilespmem:s0+$0x3000];
	_ =	sdelay $0x4  }
0x1e9: {  	[tilespmem:v19+s21+$0x0] =	vst.idx.msk $0xffff, v18  }
0x1ea: {  	v19 =	vor.u32 v10, v17;
	v18 =	vld [tilespmem:s0+$0x3080];
	_ =	sdelay $0x4  }
0x1eb: {  	[tilespmem:v19+s21+$0x0] =	vst.idx.msk $0xffff, v18  }
0x1ec: {  	v19 =	vor.u32 v11, v17;
	v18 =	vld [tilespmem:s0+$0x3100];
	_ =	sdelay $0x4  }
0x1ed: {  	[tilespmem:v19+s21+$0x0] =	vst.idx.msk $0xffff, v18  }
0x1ee: {  	v19 =	vor.u32 v12, v17;
	v18 =	vld [tilespmem:s0+$0x3180];
	_ =	sdelay $0x4  }
0x1ef: {  	[tilespmem:v19+s21+$0x0] =	vst.idx.msk $0xffff, v18  }
0x1f0: {  	v19 =	vor.u32 v13, v17;
	v18 =	vld [tilespmem:s0+$0x3200];
	_ =	sdelay $0x4  }
0x1f1: {  	[tilespmem:v19+s21+$0x0] =	vst.idx.msk $0xffff, v18  }
0x1f2: {  	v19 =	vor.u32 v14, v17;
	v18 =	vld [tilespmem:s0+$0x3280];
	_ =	sdelay $0x4  }
0x1f3: {  	[tilespmem:v19+s21+$0x0] =	vst.idx.msk $0xffff, v18  }
0x1f4: {  	v19 =	vor.u32 v15, v17;
	v18 =	vld [tilespmem:s0+$0x3300];
	_ =	sdelay $0x4  }
0x1f5: {  	[tilespmem:v19+s21+$0x0] =	vst.idx.msk $0xffff, v18  }
0x1f6: {  	v17 =	vor.u32 v16, v17;
	v18 =	vld [tilespmem:s0+$0x3380];
	_ =	sdelay $0x4  }
.Ltmp11:
0x1f7: {  	[tilespmem:v17+s21+$0x0] =	vst.idx.msk $0xffff, v18;
	(pc) =	sbr.rel .LBB2_15-.Ltmp11, $4  }
0x1f8: {  	[hbm4b:s12+s4] =	stream.linear.scatter [tilespmem:s21], [sflag:$0x4], $0x2000, $0x38;
	[tilespmem:$0x8000] =	vst v63  }
0x1f9: {  	_ =	swait.ge [sflag:s19], $0x2000  }
0x1fa: {  	[sflag:s19] =	ssyncset.done $0x0  }
0x1fb: {  	s0 =	simm.s32 $0x4;
	[sflag:s19] =	ssyncadd.s32 $0xFFFFE000  }
.LBB2_16:
0x1fc: {  	_ =	sfence.sel $0x180000  }
0x1fd: {  	[bflag:$0x0] =	sbarrier.arrive $0xFFFF  }
0x1fe: {  	_ =	strace $0x90000047  }
0x1ff: {  	s0 =	stileid.u32;
	[bflag:$0x2] =	sbarrier.arrive $0xFFFF  }
0x200: {  	p0 =	sne.s32 s0, $0x0;
	s0 =	rddreg [dreg:$0x3]  }
0x201: {  	s0 =	sadd.s32 @!p0 $0x100000, s0  }
0x202: {  	[sflag:s0] =	ssyncadd.tile.s32 @!p0 $0x1;
	_ =	shalt  }
.Lfunc_end2:
_tile_overlayer_lowered:
.L_overlay_start_2:
0x203: {  	(tag) =	ssettag $0x2  }
0x204: {  	s0 =	rddreg [dreg:$0x0];
	s2 =	stileid.u32  }
0x205: {  	s1 =	rddreg [dreg:$0x1];
	p0 =	sne.s32 s2, $0x0  }
0x206: {  	s3 =	rddreg [dreg:$0x2];
	[bflag:$0x3] =	sbarrier.arrive $0xFFFF;
	s2 =	simm.s32 @!p0 $0x1C05  }
0x207: {  	[timem:s3], [sflag:s2] =	dma.local @!p0 [hbm:s0], s1  }
0x208: {  	s0 =	simm.s32 @!p0 $0x5  }
0x209: {  	_ =	swait.ge @!p0 [sflag:s0], s1  }
0x20a: {  	s1 =	ssub.s32 @!p0 $0x0, s1;
	[sflag:s0] =	ssyncset.done @!p0 $0x0  }
0x20b: {  	[sflag:s0] =	ssyncadd.s32 @!p0 s1  }
0x20c: {  	[bflag:$0x3] =	sbarrier.arrive $0xFFFF  }
0x20d: {  	_ =	shalt  }

</sc_bundles>
